<compile_context>
chip_gen: v7x
topology: tpu7x:2x2x1
jax: 0.10.2.dev20260603
libtpu: 0.0.44.dev20260713+nightly
codegen_flags: <defaults>
</compile_context>

<pallas_src>
import functools

import jax
import jax.numpy as jnp
from jax import lax
from jax.experimental import pallas as pl
from jax.experimental.pallas import tpu as pltpu
from jax.experimental.pallas import tpu_sc as plsc

BATCH = 16384
CODE = 64
NW = 32
EPW = BATCH // NW
RING = 32

_mesh = plsc.VectorSubcoreMesh(core_axis_name="c", subcore_axis_name="s")
_params = pltpu.CompilerParams(needs_layout_passes=False)


def _bcast(x):
    return jnp.full((16,), 0, jnp.int32) + x


def _vread(ref, i):
    return plsc.load_gather(ref, [_bcast(i)])[0]


@functools.partial(
    pl.kernel,
    mesh=_mesh,
    out_type=(
        jax.ShapeDtypeStruct((BATCH * CODE,), jnp.float32),
        jax.ShapeDtypeStruct((BATCH * CODE,), jnp.float32),
    ),
    scratch_types=[
        pltpu.VMEM((EPW,), jnp.int32),
        pltpu.VMEM((EPW,), jnp.int32),
        pltpu.VMEM((EPW + 32,), jnp.int32),
        pltpu.VMEM((EPW + 32,), jnp.int32),
        pltpu.VMEM((2 * CODE, 128), jnp.float32),
        pltpu.VMEM((2 * CODE, 128), jnp.float32),
        pltpu.VMEM((RING * CODE,), jnp.float32),
        pltpu.VMEM((RING * CODE,), jnp.float32),
        pltpu.SemaphoreType.DMA,
        pltpu.SemaphoreType.DMA,
        pltpu.SemaphoreType.DMA,
    ],
    compiler_params=_params,
)
def _k1(sidx_hbm, pos_hbm, ws_hbm, wa_hbm, stage_s, stage_a,
        sidx, pos, blk_m1, dstart, slab_s, slab_a, col_s, col_a,
        sem_f0, sem_f1, sem_w):
    wid = lax.axis_index("s") * 2 + lax.axis_index("c")
    base = wid * EPW
    pltpu.sync_copy(sidx_hbm.at[pl.ds(base, EPW)], sidx)
    pltpu.sync_copy(pos_hbm.at[pl.ds(base, EPW)], pos)

    blk_m1[pl.ds(0, 16)] = _bcast(-1)

    def blocks_body(c, carry):
        v = sidx[pl.ds(c * 16, 16)]
        blk_m1[pl.ds(1 + c * 16, 16)] = lax.shift_right_logical(v, 7)
        return carry

    lax.fori_loop(0, EPW // 16, blocks_body, 0)

    def dstart_body(i, wptr):
        is_new = _vread(blk_m1, 1 + i) != _vread(blk_m1, i)

        def write():
            dstart[pl.ds(wptr, 16)] = _bcast(i)
            return wptr + 1

        return lax.cond(is_new, write, lambda: wptr)

    cnt = lax.fori_loop(0, EPW, dstart_body, 0)
    dstart[pl.ds(cnt, 16)] = _bcast(EPW)

    def fetch(d, slot, sem):
        i0 = _vread(dstart, d)
        b = lax.shift_right_logical(_vread(sidx, i0), 7)
        off = pl.multiple_of(b * 128, 128)
        pltpu.async_copy(ws_hbm.at[:, pl.ds(off, 128)],
                         slab_s.at[pl.ds(slot * CODE, CODE)], sem)
        pltpu.async_copy(wa_hbm.at[:, pl.ds(off, 128)],
                         slab_a.at[pl.ds(slot * CODE, CODE)], sem)

    def wait_pair(sem):
        pltpu.make_async_copy(ws_hbm.at[:, pl.ds(0, 128)],
                              slab_s.at[pl.ds(0, CODE)], sem).wait()
        pltpu.make_async_copy(wa_hbm.at[:, pl.ds(0, 128)],
                              slab_a.at[pl.ds(0, CODE)], sem).wait()

    def extract_block(d, slot, e0):
        rs = _vread(dstart, d)
        re = _vread(dstart, d + 1)

        def entry_body(i, e):
            lane = _bcast(_vread(sidx, i) & 127)
            p = _vread(pos, i)
            ring = (e % RING) * CODE
            for cc in range(CODE // 16):
                rows = lax.iota(jnp.int32, 16) + (slot * CODE + cc * 16)
                col_s[pl.ds(ring + cc * 16, 16)] = plsc.load_gather(
                    slab_s, [rows, lane])
                col_a[pl.ds(ring + cc * 16, 16)] = plsc.load_gather(
                    slab_a, [rows, lane])

            @pl.when(e >= RING)
            def _():
                pltpu.make_async_copy(col_s.at[pl.ds(0, CODE)],
                                      stage_s.at[pl.ds(0, CODE)], sem_w).wait()
                pltpu.make_async_copy(col_a.at[pl.ds(0, CODE)],
                                      stage_a.at[pl.ds(0, CODE)], sem_w).wait()

            pltpu.async_copy(col_s.at[pl.ds(ring, CODE)],
                             stage_s.at[pl.ds(p * CODE, CODE)], sem_w)
            pltpu.async_copy(col_a.at[pl.ds(ring, CODE)],
                             stage_a.at[pl.ds(p * CODE, CODE)], sem_w)
            return e + 1

        return lax.fori_loop(rs, re, entry_body, e0)

    fetch(0, 0, sem_f0)

    def pingpong(dd, e):
        d0 = 2 * dd

        @pl.when(d0 + 1 < cnt)
        def _():
            fetch(d0 + 1, 1, sem_f1)

        def half0(e):
            wait_pair(sem_f0)
            return extract_block(d0, 0, e)

        e = lax.cond(d0 < cnt, half0, lambda v: v, e)

        @pl.when(d0 + 2 < cnt)
        def _():
            fetch(d0 + 2, 0, sem_f0)

        def half1(e):
            wait_pair(sem_f1)
            return extract_block(d0 + 1, 1, e)

        return lax.cond(d0 + 1 < cnt, half1, lambda v: v, e)

    lax.fori_loop(0, EPW // 2, pingpong, 0)

    pltpu.make_async_copy(col_s.at[pl.ds(0, RING * CODE)],
                          stage_s.at[pl.ds(0, RING * CODE)], sem_w).wait()
    pltpu.make_async_copy(col_a.at[pl.ds(0, RING * CODE)],
                          stage_a.at[pl.ds(0, RING * CODE)], sem_w).wait()


@functools.partial(
    pl.kernel,
    mesh=_mesh,
    out_type=(
        jax.ShapeDtypeStruct((CODE, BATCH), jnp.float32),
        jax.ShapeDtypeStruct((CODE, BATCH), jnp.float32),
    ),
    scratch_types=[
        pltpu.VMEM((EPW * CODE,), jnp.float32),
        pltpu.VMEM((EPW * CODE,), jnp.float32),
        pltpu.VMEM((CODE, EPW), jnp.float32),
        pltpu.SemaphoreType.DMA,
        pltpu.SemaphoreType.DMA,
    ],
    compiler_params=_params,
)
def _k2(stage_s, stage_a, out_s, out_a, lin_s, lin_a, blk, sem_s, sem_a):
    wid = lax.axis_index("s") * 2 + lax.axis_index("c")
    base = wid * EPW
    pltpu.async_copy(stage_s.at[pl.ds(base * CODE, EPW * CODE)], lin_s, sem_s)
    pltpu.async_copy(stage_a.at[pl.ds(base * CODE, EPW * CODE)], lin_a, sem_a)

    for stage, lin, sem, out in ((stage_s, lin_s, sem_s, out_s),
                                 (stage_a, lin_a, sem_a, out_a)):
        pltpu.make_async_copy(
            stage.at[pl.ds(0, EPW * CODE)], lin, sem).wait()

        def jc_body(jc, carry, lin=lin):
            jbase = jc * 16
            for c in range(CODE):
                idxv = (lax.iota(jnp.int32, 16) + jbase) * CODE + c
                blk[c, pl.ds(jbase, 16)] = plsc.load_gather(lin, [idxv])
            return carry

        lax.fori_loop(0, EPW // 16, jc_body, 0)
        pltpu.sync_copy(blk, out.at[:, pl.ds(base, EPW)])


def kernel(instance_ids, W_shape, W_appearance):
    idx = instance_ids.astype(jnp.int32)
    sidx, order = lax.sort(
        (idx, lax.iota(jnp.int32, BATCH)), num_keys=1)
    stage_s, stage_a = _k1(sidx, order, W_shape.T, W_appearance.T)
    out_s_t, out_a_t = _k2(stage_s, stage_a)
    return out_s_t.T, out_a_t.T

# --- scband reference (transcript-rebuilt; emitter-appended) ---
"""Pipeline reference for scband-code-library-ref-ne-rf-11269994185180 (READ-ONLY COPY).

The authoritative reference and input builder live on the scoring server;
editing this copy changes nothing except your own understanding.
"""

import jax, jax.numpy as jnp
import numpy as np
import math

N_MAX_OBJS = 1000000
CODE_LEN = 64
BATCH = 16384


def _xavier_uniform(key, shape):
    fan_in, fan_out = shape[0], shape[1]
    bound = math.sqrt(6.0 / (fan_in + fan_out))
    return jax.random.uniform(key, shape, minval=-bound, maxval=bound, dtype=jnp.float32)


def setup_inputs(seed: int = 0) -> dict:
    key = jax.random.key(seed)
    k1, k2, k3 = jax.random.split(key, 3)
    instance_ids = jax.random.randint(k1, (BATCH,), 0, N_MAX_OBJS, dtype=jnp.int64 if jax.config.jax_enable_x64 else jnp.int32)
    W_shape = _xavier_uniform(k2, (N_MAX_OBJS, CODE_LEN))
    W_appearance = _xavier_uniform(k3, (N_MAX_OBJS, CODE_LEN))
    return {"instance_ids": instance_ids, "W_shape": W_shape, "W_appearance": W_appearance}


def reference(instance_ids, W_shape, W_appearance):
    # CodeLibraryRefNeRF.forward: two independent embedding lookups on the same ids
    embedding_instance_shape = jnp.take(W_shape, instance_ids, axis=0)
    embedding_instance_appearance = jnp.take(W_appearance, instance_ids, axis=0)
    return (embedding_instance_shape, embedding_instance_appearance)

if __name__ == "__main__":
    import jax
    _d = setup_inputs()
    print(jax.jit(kernel)(*tuple(_d.values())))

</pallas_src>

<mosaic_0001>
#map = affine_map<(d0, d1) -> (0)>
#map1 = affine_map<(d0, d1) -> (0, 0)>
module attributes {stable_mosaic.version = 14 : i64} {
  func.func @_k1(%arg0: i32, %arg1: i32, %arg2: memref<16384xi32, #tpu.memory_space<hbm>>, %arg3: memref<16384xi32, #tpu.memory_space<hbm>>, %arg4: memref<64x1000000xf32, #tpu.memory_space<hbm>>, %arg5: memref<64x1000000xf32, #tpu.memory_space<hbm>>, %arg6: memref<1048576xf32, #tpu.memory_space<hbm>>, %arg7: memref<1048576xf32, #tpu.memory_space<hbm>>, %arg8: memref<512xi32, #tpu.memory_space<vmem>>, %arg9: memref<512xi32, #tpu.memory_space<vmem>>, %arg10: memref<544xi32, #tpu.memory_space<vmem>>, %arg11: memref<544xi32, #tpu.memory_space<vmem>>, %arg12: memref<128x128xf32, #tpu.memory_space<vmem>>, %arg13: memref<128x128xf32, #tpu.memory_space<vmem>>, %arg14: memref<2048xf32, #tpu.memory_space<vmem>>, %arg15: memref<2048xf32, #tpu.memory_space<vmem>>, %arg16: memref<!tpu.dma_semaphore, #tpu.memory_space<semaphore_mem>>, %arg17: memref<!tpu.dma_semaphore, #tpu.memory_space<semaphore_mem>>, %arg18: memref<!tpu.dma_semaphore, #tpu.memory_space<semaphore_mem>>) attributes {dimension_semantics = [#tpu.dimension_semantics<core_parallel>, #tpu.dimension_semantics<subcore_parallel>], iteration_bounds = array<i64: 2, 16>, scalar_prefetch = 0 : i64, scratch_operands = 11 : i64, tpu.core_type = #tpu.core_type<sc_vector_subcore>, window_params = [{transform_indices = #map}, {transform_indices = #map}, {transform_indices = #map1}, {transform_indices = #map1}, {transform_indices = #map}, {transform_indices = #map}]} {
    %mul3A = arith.constant 2 : i32
    %mul3A_0 = arith.muli %arg1, %mul3A : i32
    %add3A = arith.addi %mul3A_0, %arg0 : i32
    %mul3A_1 = arith.constant 512 : i32
    %mul3A_2 = arith.muli %add3A, %mul3A_1 : i32
    "tpu.region"() ({
      %run_scoped3A = tpu.sem_alloc : memref<!tpu.dma_semaphore, #tpu.memory_space<semaphore_mem>>
      %dma_start3A_83 = tpu.memref_slice %arg2[%mul3A_2] : memref<16384xi32, #tpu.memory_space<hbm>> -> memref<512xi32, #tpu.memory_space<hbm>>
      %dma_start3A_84 = tpu.memref_slice %arg2[%mul3A_2] : memref<16384xi32, #tpu.memory_space<hbm>> -> memref<512xi32, #tpu.memory_space<hbm>>
      tpu.enqueue_dma source(%dma_start3A_84 : memref<512xi32, #tpu.memory_space<hbm>>) target(%arg8 : memref<512xi32, #tpu.memory_space<vmem>>) target_semaphore(%run_scoped3A : memref<!tpu.dma_semaphore, #tpu.memory_space<semaphore_mem>>)
      %dma_wait3A_85 = tpu.memref_slice %arg2[%mul3A_2] : memref<16384xi32, #tpu.memory_space<hbm>> -> memref<512xi32, #tpu.memory_space<hbm>>
      %dma_wait3A_86 = tpu.memref_slice %arg2[%mul3A_2] : memref<16384xi32, #tpu.memory_space<hbm>> -> memref<512xi32, #tpu.memory_space<hbm>>
      tpu.wait_dma2 semaphore(%run_scoped3A : memref<!tpu.dma_semaphore, #tpu.memory_space<semaphore_mem>>) src(%dma_wait3A_86 : memref<512xi32, #tpu.memory_space<hbm>>) dst(%arg8 : memref<512xi32, #tpu.memory_space<vmem>>)
      tpu.yield
    }) : () -> ()
    "tpu.region"() ({
      %run_scoped3A = tpu.sem_alloc : memref<!tpu.dma_semaphore, #tpu.memory_space<semaphore_mem>>
      %dma_start3A_83 = tpu.memref_slice %arg3[%mul3A_2] : memref<16384xi32, #tpu.memory_space<hbm>> -> memref<512xi32, #tpu.memory_space<hbm>>
      %dma_start3A_84 = tpu.memref_slice %arg3[%mul3A_2] : memref<16384xi32, #tpu.memory_space<hbm>> -> memref<512xi32, #tpu.memory_space<hbm>>
      tpu.enqueue_dma source(%dma_start3A_84 : memref<512xi32, #tpu.memory_space<hbm>>) target(%arg9 : memref<512xi32, #tpu.memory_space<vmem>>) target_semaphore(%run_scoped3A : memref<!tpu.dma_semaphore, #tpu.memory_space<semaphore_mem>>)
      %dma_wait3A_85 = tpu.memref_slice %arg3[%mul3A_2] : memref<16384xi32, #tpu.memory_space<hbm>> -> memref<512xi32, #tpu.memory_space<hbm>>
      %dma_wait3A_86 = tpu.memref_slice %arg3[%mul3A_2] : memref<16384xi32, #tpu.memory_space<hbm>> -> memref<512xi32, #tpu.memory_space<hbm>>
      tpu.wait_dma2 semaphore(%run_scoped3A : memref<!tpu.dma_semaphore, #tpu.memory_space<semaphore_mem>>) src(%dma_wait3A_86 : memref<512xi32, #tpu.memory_space<hbm>>) dst(%arg9 : memref<512xi32, #tpu.memory_space<vmem>>)
      tpu.yield
    }) : () -> ()
    %broadcast_in_dim3A = arith.constant 0 : i32
    %broadcast_in_dim3A_3 = vector.broadcast %broadcast_in_dim3A : i32 to vector<16xi32>
    %add3A_4 = arith.constant -1 : i32
    %add3A_5 = vector.broadcast %add3A_4 : i32 to vector<16xi32>
    %add3A_6 = arith.addi %broadcast_in_dim3A_3, %add3A_5 : vector<16xi32>
    %swap3A = arith.constant 0 : index
    %swap3A_7 = tpu.vector_load %arg10[%swap3A] {strides = array<i32>} : memref<544xi32, #tpu.memory_space<vmem>>, vector<16xi32>,
    tpu.vector_store %arg10[%swap3A], %add3A_6 {strides = array<i32>} : memref<544xi32, #tpu.memory_space<vmem>>, vector<16xi32>,
    %scan3A = arith.constant 0 : i32
    %scan3A_8 = arith.constant 0 : i32
    %scan3A_9 = arith.constant 32 : i32
    %scan3A_10 = arith.addi %scan3A_8, %scan3A_9 : i32
    %scan3A_11 = arith.constant 1 : i32
    scf.for %scan3A_83 = %scan3A_8 to %scan3A_10 step %scan3A_11  : i32 {
      %mul3A_84 = arith.constant 16 : i32
      %mul3A_85 = arith.muli %scan3A_83, %mul3A_84 : i32
      %get3A = arith.index_cast %mul3A_85 : i32 to index
      %get3A_86 = tpu.vector_load %arg8[%get3A] {strides = array<i32>} : memref<512xi32, #tpu.memory_space<vmem>>, vector<16xi32>,
      %shift_right_logical3A_87 = arith.constant 7 : i32
      %shift_right_logical3A_88 = vector.broadcast %shift_right_logical3A_87 : i32 to vector<16xi32>
      %shift_right_logical3A_89 = arith.shrui %get3A_86, %shift_right_logical3A_88 : vector<16xi32>
      %mul3A_90 = arith.constant 16 : i32
      %mul3A_91 = arith.muli %scan3A_83, %mul3A_90 : i32
      %add3A_92 = arith.constant 1 : i32
      %add3A_93 = arith.addi %add3A_92, %mul3A_91 : i32
      %swap3A_94 = arith.index_cast %add3A_93 : i32 to index
      %swap3A_95 = tpu.vector_load %arg10[%swap3A_94] {strides = array<i32>} : memref<544xi32, #tpu.memory_space<vmem>>, vector<16xi32>,
      tpu.vector_store %arg10[%swap3A_94], %shift_right_logical3A_89 {strides = array<i32>} : memref<544xi32, #tpu.memory_space<vmem>>, vector<16xi32>,
    }
    %scan3A_12 = arith.constant 32 : i32
    %scan3A_13 = arith.constant 0 : i32
    %scan3A_14 = arith.constant 0 : i32
    %scan3A_15 = arith.constant 512 : i32
    %scan3A_16 = arith.addi %scan3A_14, %scan3A_15 : i32
    %scan3A_17 = arith.constant 1 : i32
    %scan3A_18 = scf.for %scan3A_83 = %scan3A_14 to %scan3A_16 step %scan3A_17 iter_args(%scan3A_84 = %scan3A_13) -> (i32)  : i32 {
      %add3A_85 = arith.constant 1 : i32
      %add3A_86 = arith.addi %add3A_85, %scan3A_83 : i32
      %broadcast_in_dim3A_87 = arith.constant 0 : i32
      %broadcast_in_dim3A_88 = vector.broadcast %broadcast_in_dim3A_87 : i32 to vector<16xi32>
      %add3A_89 = vector.broadcast %add3A_86 : i32 to vector<16xi32>
      %add3A_90 = arith.addi %broadcast_in_dim3A_88, %add3A_89 : vector<16xi32>
      %gather3A_91 = tpu.vector_load_idx %arg10[%add3A_90] : memref<544xi32, #tpu.memory_space<vmem>>[vector<16xi32>], vector<16xi32>,
      %slice3A_92 = vector.extract_strided_slice %gather3A_91 {offsets = [0], sizes = [1], strides = [1]} : vector<16xi32> to vector<1xi32>
      %squeeze3A_93 = vector.extract %slice3A_92[0] : i32 from vector<1xi32>
      %broadcast_in_dim3A_94 = arith.constant 0 : i32
      %broadcast_in_dim3A_95 = vector.broadcast %broadcast_in_dim3A_94 : i32 to vector<16xi32>
      %add3A_96 = vector.broadcast %scan3A_83 : i32 to vector<16xi32>
      %add3A_97 = arith.addi %broadcast_in_dim3A_95, %add3A_96 : vector<16xi32>
      %gather3A_98 = tpu.vector_load_idx %arg10[%add3A_97] : memref<544xi32, #tpu.memory_space<vmem>>[vector<16xi32>], vector<16xi32>,
      %slice3A_99 = vector.extract_strided_slice %gather3A_98 {offsets = [0], sizes = [1], strides = [1]} : vector<16xi32> to vector<1xi32>
      %squeeze3A_100 = vector.extract %slice3A_99[0] : i32 from vector<1xi32>
      %ne3A = arith.cmpi ne, %squeeze3A_93, %squeeze3A_100 : i32
      %convert_element_type3A = arith.extui %ne3A : i1 to i32
      %cond3A = arith.constant 0 : i32
      %cond3A_101 = arith.cmpi ne, %convert_element_type3A, %cond3A : i32
      %cond3A_102 = scf.if %cond3A_101 -> (i32) {
        %broadcast_in_dim3A_103 = arith.constant 0 : i32
        %broadcast_in_dim3A_104 = vector.broadcast %broadcast_in_dim3A_103 : i32 to vector<16xi32>
        %add3A_105 = vector.broadcast %scan3A_83 : i32 to vector<16xi32>
        %add3A_106 = arith.addi %broadcast_in_dim3A_104, %add3A_105 : vector<16xi32>
        %swap3A_107 = arith.index_cast %scan3A_84 : i32 to index
        %swap3A_108 = tpu.vector_load %arg11[%swap3A_107] {strides = array<i32>} : memref<544xi32, #tpu.memory_space<vmem>>, vector<16xi32>,
        tpu.vector_store %arg11[%swap3A_107], %add3A_106 {strides = array<i32>} : memref<544xi32, #tpu.memory_space<vmem>>, vector<16xi32>,
        %add3A_109 = arith.constant 1 : i32
        %add3A_110 = arith.addi %scan3A_84, %add3A_109 : i32
        scf.yield %add3A_110 : i32
      } else {
        scf.yield %scan3A_84 : i32
      }
      scf.yield %cond3A_102 : i32
    }
    %scan3A_19 = arith.constant 512 : i32
    %broadcast_in_dim3A_20 = arith.constant 0 : i32
    %broadcast_in_dim3A_21 = vector.broadcast %broadcast_in_dim3A_20 : i32 to vector<16xi32>
    %add3A_22 = arith.constant 512 : i32
    %add3A_23 = vector.broadcast %add3A_22 : i32 to vector<16xi32>
    %add3A_24 = arith.addi %broadcast_in_dim3A_21, %add3A_23 : vector<16xi32>
    %swap3A_25 = arith.index_cast %scan3A_18 : i32 to index
    %swap3A_26 = tpu.vector_load %arg11[%swap3A_25] {strides = array<i32>} : memref<544xi32, #tpu.memory_space<vmem>>, vector<16xi32>,
    tpu.vector_store %arg11[%swap3A_25], %add3A_24 {strides = array<i32>} : memref<544xi32, #tpu.memory_space<vmem>>, vector<16xi32>,
    %broadcast_in_dim3A_27 = arith.constant 0 : i32
    %broadcast_in_dim3A_28 = vector.broadcast %broadcast_in_dim3A_27 : i32 to vector<16xi32>
    %add3A_29 = arith.constant 0 : i32
    %add3A_30 = vector.broadcast %add3A_29 : i32 to vector<16xi32>
    %add3A_31 = arith.addi %broadcast_in_dim3A_28, %add3A_30 : vector<16xi32>
    %gather3A = tpu.vector_load_idx %arg11[%add3A_31] : memref<544xi32, #tpu.memory_space<vmem>>[vector<16xi32>], vector<16xi32>,
    %slice3A = vector.extract_strided_slice %gather3A {offsets = [0], sizes = [1], strides = [1]} : vector<16xi32> to vector<1xi32>
    %squeeze3A = vector.extract %slice3A[0] : i32 from vector<1xi32>
    %broadcast_in_dim3A_32 = arith.constant 0 : i32
    %broadcast_in_dim3A_33 = vector.broadcast %broadcast_in_dim3A_32 : i32 to vector<16xi32>
    %add3A_34 = vector.broadcast %squeeze3A : i32 to vector<16xi32>
    %add3A_35 = arith.addi %broadcast_in_dim3A_33, %add3A_34 : vector<16xi32>
    %gather3A_36 = tpu.vector_load_idx %arg8[%add3A_35] : memref<512xi32, #tpu.memory_space<vmem>>[vector<16xi32>], vector<16xi32>,
    %slice3A_37 = vector.extract_strided_slice %gather3A_36 {offsets = [0], sizes = [1], strides = [1]} : vector<16xi32> to vector<1xi32>
    %squeeze3A_38 = vector.extract %slice3A_37[0] : i32 from vector<1xi32>
    %shift_right_logical3A = arith.constant 7 : i32
    %shift_right_logical3A_39 = arith.shrui %squeeze3A_38, %shift_right_logical3A : i32
    %mul3A_40 = arith.constant 128 : i32
    %mul3A_41 = arith.muli %shift_right_logical3A_39, %mul3A_40 : i32
    %multiple_of3A = tpu.assume_multiple %mul3A_41, 128 : i32
    %dma_start3A = arith.constant 0 : i32
    %dma_start3A_42 = arith.constant 0 : i32
    %dma_start3A_43 = tpu.memref_slice %arg12[%dma_start3A, %dma_start3A_42] : memref<128x128xf32, #tpu.memory_space<vmem>> -> memref<64x128xf32, #tpu.memory_space<vmem>>
    %dma_start3A_44 = arith.constant 0 : i32
    %dma_start3A_45 = tpu.memref_slice %arg4[%dma_start3A_44, %multiple_of3A] : memref<64x1000000xf32, #tpu.memory_space<hbm>> -> memref<64x128xf32, #tpu.memory_space<hbm>>
    %dma_start3A_46 = arith.constant 0 : i32
    %dma_start3A_47 = arith.constant 0 : i32
    %dma_start3A_48 = tpu.memref_slice %arg12[%dma_start3A_46, %dma_start3A_47] : memref<128x128xf32, #tpu.memory_space<vmem>> -> memref<64x128xf32, #tpu.memory_space<vmem>>
    %dma_start3A_49 = arith.constant 0 : i32
    %dma_start3A_50 = tpu.memref_slice %arg4[%dma_start3A_49, %multiple_of3A] : memref<64x1000000xf32, #tpu.memory_space<hbm>> -> memref<64x128xf32, #tpu.memory_space<hbm>>
    tpu.enqueue_dma source(%dma_start3A_50 : memref<64x128xf32, #tpu.memory_space<hbm>>) target(%dma_start3A_48 : memref<64x128xf32, #tpu.memory_space<vmem>>) target_semaphore(%arg16 : memref<!tpu.dma_semaphore, #tpu.memory_space<semaphore_mem>>)
    %dma_start3A_51 = arith.constant 0 : i32
    %dma_start3A_52 = arith.constant 0 : i32
    %dma_start3A_53 = tpu.memref_slice %arg13[%dma_start3A_51, %dma_start3A_52] : memref<128x128xf32, #tpu.memory_space<vmem>> -> memref<64x128xf32, #tpu.memory_space<vmem>>
    %dma_start3A_54 = arith.constant 0 : i32
    %dma_start3A_55 = tpu.memref_slice %arg5[%dma_start3A_54, %multiple_of3A] : memref<64x1000000xf32, #tpu.memory_space<hbm>> -> memref<64x128xf32, #tpu.memory_space<hbm>>
    %dma_start3A_56 = arith.constant 0 : i32
    %dma_start3A_57 = arith.constant 0 : i32
    %dma_start3A_58 = tpu.memref_slice %arg13[%dma_start3A_56, %dma_start3A_57] : memref<128x128xf32, #tpu.memory_space<vmem>> -> memref<64x128xf32, #tpu.memory_space<vmem>>
    %dma_start3A_59 = arith.constant 0 : i32
    %dma_start3A_60 = tpu.memref_slice %arg5[%dma_start3A_59, %multiple_of3A] : memref<64x1000000xf32, #tpu.memory_space<hbm>> -> memref<64x128xf32, #tpu.memory_space<hbm>>
    tpu.enqueue_dma source(%dma_start3A_60 : memref<64x128xf32, #tpu.memory_space<hbm>>) target(%dma_start3A_58 : memref<64x128xf32, #tpu.memory_space<vmem>>) target_semaphore(%arg16 : memref<!tpu.dma_semaphore, #tpu.memory_space<semaphore_mem>>)
    %scan3A_61 = arith.constant 0 : i32
    %scan3A_62 = arith.constant 0 : i32
    %scan3A_63 = arith.constant 256 : i32
    %scan3A_64 = arith.addi %scan3A_62, %scan3A_63 : i32
    %scan3A_65 = arith.constant 1 : i32
    %scan3A_66 = scf.for %scan3A_83 = %scan3A_62 to %scan3A_64 step %scan3A_65 iter_args(%scan3A_84 = %scan3A_61) -> (i32)  : i32 {
      %mul3A_85 = arith.constant 2 : i32
      %mul3A_86 = arith.muli %mul3A_85, %scan3A_83 : i32
      %add3A_87 = arith.constant 1 : i32
      %add3A_88 = arith.addi %mul3A_86, %add3A_87 : i32
      %lt3A = arith.cmpi slt, %add3A_88, %scan3A_18 : i32
      %convert_element_type3A = arith.extui %lt3A : i1 to i32
      %cond3A = arith.constant 0 : i32
      %cond3A_89 = arith.cmpi ne, %convert_element_type3A, %cond3A : i32
      scf.if %cond3A_89 {
        %add3A_108 = arith.constant 1 : i32
        %add3A_109 = arith.addi %mul3A_86, %add3A_108 : i32
        %broadcast_in_dim3A_110 = arith.constant 0 : i32
        %broadcast_in_dim3A_111 = vector.broadcast %broadcast_in_dim3A_110 : i32 to vector<16xi32>
        %add3A_112 = vector.broadcast %add3A_109 : i32 to vector<16xi32>
        %add3A_113 = arith.addi %broadcast_in_dim3A_111, %add3A_112 : vector<16xi32>
        %gather3A_114 = tpu.vector_load_idx %arg11[%add3A_113] : memref<544xi32, #tpu.memory_space<vmem>>[vector<16xi32>], vector<16xi32>,
        %slice3A_115 = vector.extract_strided_slice %gather3A_114 {offsets = [0], sizes = [1], strides = [1]} : vector<16xi32> to vector<1xi32>
        %squeeze3A_116 = vector.extract %slice3A_115[0] : i32 from vector<1xi32>
        %broadcast_in_dim3A_117 = arith.constant 0 : i32
        %broadcast_in_dim3A_118 = vector.broadcast %broadcast_in_dim3A_117 : i32 to vector<16xi32>
        %add3A_119 = vector.broadcast %squeeze3A_116 : i32 to vector<16xi32>
        %add3A_120 = arith.addi %broadcast_in_dim3A_118, %add3A_119 : vector<16xi32>
        %gather3A_121 = tpu.vector_load_idx %arg8[%add3A_120] : memref<512xi32, #tpu.memory_space<vmem>>[vector<16xi32>], vector<16xi32>,
        %slice3A_122 = vector.extract_strided_slice %gather3A_121 {offsets = [0], sizes = [1], strides = [1]} : vector<16xi32> to vector<1xi32>
        %squeeze3A_123 = vector.extract %slice3A_122[0] : i32 from vector<1xi32>
        %shift_right_logical3A_124 = arith.constant 7 : i32
        %shift_right_logical3A_125 = arith.shrui %squeeze3A_123, %shift_right_logical3A_124 : i32
        %mul3A_126 = arith.constant 128 : i32
        %mul3A_127 = arith.muli %shift_right_logical3A_125, %mul3A_126 : i32
        %multiple_of3A_128 = tpu.assume_multiple %mul3A_127, 128 : i32
        %dma_start3A_129 = arith.constant 64 : i32
        %dma_start3A_130 = arith.constant 0 : i32
        %dma_start3A_131 = tpu.memref_slice %arg12[%dma_start3A_129, %dma_start3A_130] : memref<128x128xf32, #tpu.memory_space<vmem>> -> memref<64x128xf32, #tpu.memory_space<vmem>>
        %dma_start3A_132 = arith.constant 0 : i32
        %dma_start3A_133 = tpu.memref_slice %arg4[%dma_start3A_132, %multiple_of3A_128] : memref<64x1000000xf32, #tpu.memory_space<hbm>> -> memref<64x128xf32, #tpu.memory_space<hbm>>
        %dma_start3A_134 = arith.constant 64 : i32
        %dma_start3A_135 = arith.constant 0 : i32
        %dma_start3A_136 = tpu.memref_slice %arg12[%dma_start3A_134, %dma_start3A_135] : memref<128x128xf32, #tpu.memory_space<vmem>> -> memref<64x128xf32, #tpu.memory_space<vmem>>
        %dma_start3A_137 = arith.constant 0 : i32
        %dma_start3A_138 = tpu.memref_slice %arg4[%dma_start3A_137, %multiple_of3A_128] : memref<64x1000000xf32, #tpu.memory_space<hbm>> -> memref<64x128xf32, #tpu.memory_space<hbm>>
        tpu.enqueue_dma source(%dma_start3A_138 : memref<64x128xf32, #tpu.memory_space<hbm>>) target(%dma_start3A_136 : memref<64x128xf32, #tpu.memory_space<vmem>>) target_semaphore(%arg17 : memref<!tpu.dma_semaphore, #tpu.memory_space<semaphore_mem>>)
        %dma_start3A_139 = arith.constant 64 : i32
        %dma_start3A_140 = arith.constant 0 : i32
        %dma_start3A_141 = tpu.memref_slice %arg13[%dma_start3A_139, %dma_start3A_140] : memref<128x128xf32, #tpu.memory_space<vmem>> -> memref<64x128xf32, #tpu.memory_space<vmem>>
        %dma_start3A_142 = arith.constant 0 : i32
        %dma_start3A_143 = tpu.memref_slice %arg5[%dma_start3A_142, %multiple_of3A_128] : memref<64x1000000xf32, #tpu.memory_space<hbm>> -> memref<64x128xf32, #tpu.memory_space<hbm>>
        %dma_start3A_144 = arith.constant 64 : i32
        %dma_start3A_145 = arith.constant 0 : i32
        %dma_start3A_146 = tpu.memref_slice %arg13[%dma_start3A_144, %dma_start3A_145] : memref<128x128xf32, #tpu.memory_space<vmem>> -> memref<64x128xf32, #tpu.memory_space<vmem>>
        %dma_start3A_147 = arith.constant 0 : i32
        %dma_start3A_148 = tpu.memref_slice %arg5[%dma_start3A_147, %multiple_of3A_128] : memref<64x1000000xf32, #tpu.memory_space<hbm>> -> memref<64x128xf32, #tpu.memory_space<hbm>>
        tpu.enqueue_dma source(%dma_start3A_148 : memref<64x128xf32, #tpu.memory_space<hbm>>) target(%dma_start3A_146 : memref<64x128xf32, #tpu.memory_space<vmem>>) target_semaphore(%arg17 : memref<!tpu.dma_semaphore, #tpu.memory_space<semaphore_mem>>)
      } else {
      }
      %lt3A_90 = arith.cmpi slt, %mul3A_86, %scan3A_18 : i32
      %convert_element_type3A_91 = arith.extui %lt3A_90 : i1 to i32
      %cond3A_92 = arith.constant 0 : i32
      %cond3A_93 = arith.cmpi ne, %convert_element_type3A_91, %cond3A_92 : i32
      %cond3A_94 = scf.if %cond3A_93 -> (i32) {
        %dma_wait3A_108 = arith.constant 0 : i32
        %dma_wait3A_109 = arith.constant 0 : i32
        %dma_wait3A_110 = tpu.memref_slice %arg12[%dma_wait3A_108, %dma_wait3A_109] : memref<128x128xf32, #tpu.memory_space<vmem>> -> memref<64x128xf32, #tpu.memory_space<vmem>>
        %dma_wait3A_111 = arith.constant 0 : i32
        %dma_wait3A_112 = arith.constant 0 : i32
        %dma_wait3A_113 = tpu.memref_slice %arg4[%dma_wait3A_111, %dma_wait3A_112] : memref<64x1000000xf32, #tpu.memory_space<hbm>> -> memref<64x128xf32, #tpu.memory_space<hbm>>
        %dma_wait3A_114 = arith.constant 0 : i32
        %dma_wait3A_115 = arith.constant 0 : i32
        %dma_wait3A_116 = tpu.memref_slice %arg12[%dma_wait3A_114, %dma_wait3A_115] : memref<128x128xf32, #tpu.memory_space<vmem>> -> memref<64x128xf32, #tpu.memory_space<vmem>>
        %dma_wait3A_117 = arith.constant 0 : i32
        %dma_wait3A_118 = arith.constant 0 : i32
        %dma_wait3A_119 = tpu.memref_slice %arg4[%dma_wait3A_117, %dma_wait3A_118] : memref<64x1000000xf32, #tpu.memory_space<hbm>> -> memref<64x128xf32, #tpu.memory_space<hbm>>
        tpu.wait_dma2 semaphore(%arg16 : memref<!tpu.dma_semaphore, #tpu.memory_space<semaphore_mem>>) src(%dma_wait3A_119 : memref<64x128xf32, #tpu.memory_space<hbm>>) dst(%dma_wait3A_116 : memref<64x128xf32, #tpu.memory_space<vmem>>)
        %dma_wait3A_120 = arith.constant 0 : i32
        %dma_wait3A_121 = arith.constant 0 : i32
        %dma_wait3A_122 = tpu.memref_slice %arg13[%dma_wait3A_120, %dma_wait3A_121] : memref<128x128xf32, #tpu.memory_space<vmem>> -> memref<64x128xf32, #tpu.memory_space<vmem>>
        %dma_wait3A_123 = arith.constant 0 : i32
        %dma_wait3A_124 = arith.constant 0 : i32
        %dma_wait3A_125 = tpu.memref_slice %arg5[%dma_wait3A_123, %dma_wait3A_124] : memref<64x1000000xf32, #tpu.memory_space<hbm>> -> memref<64x128xf32, #tpu.memory_space<hbm>>
        %dma_wait3A_126 = arith.constant 0 : i32
        %dma_wait3A_127 = arith.constant 0 : i32
        %dma_wait3A_128 = tpu.memref_slice %arg13[%dma_wait3A_126, %dma_wait3A_127] : memref<128x128xf32, #tpu.memory_space<vmem>> -> memref<64x128xf32, #tpu.memory_space<vmem>>
        %dma_wait3A_129 = arith.constant 0 : i32
        %dma_wait3A_130 = arith.constant 0 : i32
        %dma_wait3A_131 = tpu.memref_slice %arg5[%dma_wait3A_129, %dma_wait3A_130] : memref<64x1000000xf32, #tpu.memory_space<hbm>> -> memref<64x128xf32, #tpu.memory_space<hbm>>
        tpu.wait_dma2 semaphore(%arg16 : memref<!tpu.dma_semaphore, #tpu.memory_space<semaphore_mem>>) src(%dma_wait3A_131 : memref<64x128xf32, #tpu.memory_space<hbm>>) dst(%dma_wait3A_128 : memref<64x128xf32, #tpu.memory_space<vmem>>)
        %broadcast_in_dim3A_132 = arith.constant 0 : i32
        %broadcast_in_dim3A_133 = vector.broadcast %broadcast_in_dim3A_132 : i32 to vector<16xi32>
        %add3A_134 = vector.broadcast %mul3A_86 : i32 to vector<16xi32>
        %add3A_135 = arith.addi %broadcast_in_dim3A_133, %add3A_134 : vector<16xi32>
        %gather3A_136 = tpu.vector_load_idx %arg11[%add3A_135] : memref<544xi32, #tpu.memory_space<vmem>>[vector<16xi32>], vector<16xi32>,
        %slice3A_137 = vector.extract_strided_slice %gather3A_136 {offsets = [0], sizes = [1], strides = [1]} : vector<16xi32> to vector<1xi32>
        %squeeze3A_138 = vector.extract %slice3A_137[0] : i32 from vector<1xi32>
        %add3A_139 = arith.constant 1 : i32
        %add3A_140 = arith.addi %mul3A_86, %add3A_139 : i32
        %broadcast_in_dim3A_141 = arith.constant 0 : i32
        %broadcast_in_dim3A_142 = vector.broadcast %broadcast_in_dim3A_141 : i32 to vector<16xi32>
        %add3A_143 = vector.broadcast %add3A_140 : i32 to vector<16xi32>
        %add3A_144 = arith.addi %broadcast_in_dim3A_142, %add3A_143 : vector<16xi32>
        %gather3A_145 = tpu.vector_load_idx %arg11[%add3A_144] : memref<544xi32, #tpu.memory_space<vmem>>[vector<16xi32>], vector<16xi32>,
        %slice3A_146 = vector.extract_strided_slice %gather3A_145 {offsets = [0], sizes = [1], strides = [1]} : vector<16xi32> to vector<1xi32>
        %squeeze3A_147 = vector.extract %slice3A_146[0] : i32 from vector<1xi32>
        %while3A = arith.subi %squeeze3A_147, %squeeze3A_138 : i32
        %while3A_148 = arith.addi %squeeze3A_138, %while3A : i32
        %while3A_149 = arith.constant 1 : i32
        %while3A_150 = arith.divsi %while3A, %while3A_149 : i32
        %while3A_151 = arith.muli %while3A_150, %while3A_149 : i32
        %while3A_152 = arith.addi %squeeze3A_138, %while3A_151 : i32
        %while3A_153 = arith.constant 1 : i32
        %while3A_154 = scf.for %while3A_157 = %squeeze3A_138 to %while3A_152 step %while3A_153 iter_args(%while3A_158 = %scan3A_84) -> (i32)  : i32 {
          %broadcast_in_dim3A_159 = arith.constant 0 : i32
          %broadcast_in_dim3A_160 = vector.broadcast %broadcast_in_dim3A_159 : i32 to vector<16xi32>
          %add3A_161 = vector.broadcast %while3A_157 : i32 to vector<16xi32>
          %add3A_162 = arith.addi %broadcast_in_dim3A_160, %add3A_161 : vector<16xi32>
          %gather3A_163 = tpu.vector_load_idx %arg8[%add3A_162] : memref<512xi32, #tpu.memory_space<vmem>>[vector<16xi32>], vector<16xi32>,
          %slice3A_164 = vector.extract_strided_slice %gather3A_163 {offsets = [0], sizes = [1], strides = [1]} : vector<16xi32> to vector<1xi32>
          %squeeze3A_165 = vector.extract %slice3A_164[0] : i32 from vector<1xi32>
          %and3A = arith.constant 127 : i32
          %and3A_166 = arith.andi %squeeze3A_165, %and3A : i32
          %broadcast_in_dim3A_167 = arith.constant 0 : i32
          %broadcast_in_dim3A_168 = vector.broadcast %broadcast_in_dim3A_167 : i32 to vector<16xi32>
          %add3A_169 = vector.broadcast %and3A_166 : i32 to vector<16xi32>
          %add3A_170 = arith.addi %broadcast_in_dim3A_168, %add3A_169 : vector<16xi32>
          %broadcast_in_dim3A_171 = arith.constant 0 : i32
          %broadcast_in_dim3A_172 = vector.broadcast %broadcast_in_dim3A_171 : i32 to vector<16xi32>
          %add3A_173 = vector.broadcast %while3A_157 : i32 to vector<16xi32>
          %add3A_174 = arith.addi %broadcast_in_dim3A_172, %add3A_173 : vector<16xi32>
          %gather3A_175 = tpu.vector_load_idx %arg9[%add3A_174] : memref<512xi32, #tpu.memory_space<vmem>>[vector<16xi32>], vector<16xi32>,
          %slice3A_176 = vector.extract_strided_slice %gather3A_175 {offsets = [0], sizes = [1], strides = [1]} : vector<16xi32> to vector<1xi32>
          %squeeze3A_177 = vector.extract %slice3A_176[0] : i32 from vector<1xi32>
          %jit3A = arith.constant 32 : i32
          %eq3A = arith.constant 0 : i32
          %eq3A_178 = arith.cmpi eq, %jit3A, %eq3A : i32
          %jit3A_179 = arith.constant 1 : i32
          %select_n3A = arith.select %eq3A_178, %jit3A_179, %jit3A : i32
          %rem3A = arith.remsi %while3A_158, %select_n3A : i32
          %ne3A = arith.constant 0 : i32
          %ne3A_180 = arith.cmpi ne, %rem3A, %ne3A : i32
          %lt3A_181 = arith.constant 0 : i32
          %lt3A_182 = arith.cmpi slt, %rem3A, %lt3A_181 : i32
          %lt3A_183 = arith.constant 0 : i32
          %lt3A_184 = arith.cmpi slt, %select_n3A, %lt3A_183 : i32
          %ne3A_185 = arith.xori %lt3A_182, %lt3A_184 : i1
          %and3A_186 = arith.andi %ne3A_185, %ne3A_180 : i1
          %add3A_187 = arith.addi %rem3A, %select_n3A : i32
          %select_n3A_188 = arith.select %and3A_186, %add3A_187, %rem3A : i32
          %mul3A_189 = arith.constant 64 : i32
          %mul3A_190 = arith.muli %select_n3A_188, %mul3A_189 : i32
          %iota3A = tpu.iota {dimensions = array<i32: 0>} : vector<16xi32>
          %add3A_191 = arith.constant 0 : i32
          %add3A_192 = vector.broadcast %add3A_191 : i32 to vector<16xi32>
          %add3A_193 = arith.addi %iota3A, %add3A_192 : vector<16xi32>
          %gather3A_194 = tpu.vector_load_idx %arg12[%add3A_193, %add3A_170] : memref<128x128xf32, #tpu.memory_space<vmem>>[vector<16xi32>, vector<16xi32>], vector<16xf32>,
          %add3A_195 = arith.constant 0 : i32
          %add3A_196 = arith.addi %mul3A_190, %add3A_195 : i32
          %swap3A_197 = arith.index_cast %add3A_196 : i32 to index
          %swap3A_198 = tpu.vector_load %arg14[%swap3A_197] {strides = array<i32>} : memref<2048xf32, #tpu.memory_space<vmem>>, vector<16xf32>,
          tpu.vector_store %arg14[%swap3A_197], %gather3A_194 {strides = array<i32>} : memref<2048xf32, #tpu.memory_space<vmem>>, vector<16xf32>,
          %gather3A_199 = tpu.vector_load_idx %arg13[%add3A_193, %add3A_170] : memref<128x128xf32, #tpu.memory_space<vmem>>[vector<16xi32>, vector<16xi32>], vector<16xf32>,
          %add3A_200 = arith.constant 0 : i32
          %add3A_201 = arith.addi %mul3A_190, %add3A_200 : i32
          %swap3A_202 = arith.index_cast %add3A_201 : i32 to index
          %swap3A_203 = tpu.vector_load %arg15[%swap3A_202] {strides = array<i32>} : memref<2048xf32, #tpu.memory_space<vmem>>, vector<16xf32>,
          tpu.vector_store %arg15[%swap3A_202], %gather3A_199 {strides = array<i32>} : memref<2048xf32, #tpu.memory_space<vmem>>, vector<16xf32>,
          %iota3A_204 = tpu.iota {dimensions = array<i32: 0>} : vector<16xi32>
          %add3A_205 = arith.constant 16 : i32
          %add3A_206 = vector.broadcast %add3A_205 : i32 to vector<16xi32>
          %add3A_207 = arith.addi %iota3A_204, %add3A_206 : vector<16xi32>
          %gather3A_208 = tpu.vector_load_idx %arg12[%add3A_207, %add3A_170] : memref<128x128xf32, #tpu.memory_space<vmem>>[vector<16xi32>, vector<16xi32>], vector<16xf32>,
          %add3A_209 = arith.constant 16 : i32
          %add3A_210 = arith.addi %mul3A_190, %add3A_209 : i32
          %swap3A_211 = arith.index_cast %add3A_210 : i32 to index
          %swap3A_212 = tpu.vector_load %arg14[%swap3A_211] {strides = array<i32>} : memref<2048xf32, #tpu.memory_space<vmem>>, vector<16xf32>,
          tpu.vector_store %arg14[%swap3A_211], %gather3A_208 {strides = array<i32>} : memref<2048xf32, #tpu.memory_space<vmem>>, vector<16xf32>,
          %gather3A_213 = tpu.vector_load_idx %arg13[%add3A_207, %add3A_170] : memref<128x128xf32, #tpu.memory_space<vmem>>[vector<16xi32>, vector<16xi32>], vector<16xf32>,
          %add3A_214 = arith.constant 16 : i32
          %add3A_215 = arith.addi %mul3A_190, %add3A_214 : i32
          %swap3A_216 = arith.index_cast %add3A_215 : i32 to index
          %swap3A_217 = tpu.vector_load %arg15[%swap3A_216] {strides = array<i32>} : memref<2048xf32, #tpu.memory_space<vmem>>, vector<16xf32>,
          tpu.vector_store %arg15[%swap3A_216], %gather3A_213 {strides = array<i32>} : memref<2048xf32, #tpu.memory_space<vmem>>, vector<16xf32>,
          %iota3A_218 = tpu.iota {dimensions = array<i32: 0>} : vector<16xi32>
          %add3A_219 = arith.constant 32 : i32
          %add3A_220 = vector.broadcast %add3A_219 : i32 to vector<16xi32>
          %add3A_221 = arith.addi %iota3A_218, %add3A_220 : vector<16xi32>
          %gather3A_222 = tpu.vector_load_idx %arg12[%add3A_221, %add3A_170] : memref<128x128xf32, #tpu.memory_space<vmem>>[vector<16xi32>, vector<16xi32>], vector<16xf32>,
          %add3A_223 = arith.constant 32 : i32
          %add3A_224 = arith.addi %mul3A_190, %add3A_223 : i32
          %swap3A_225 = arith.index_cast %add3A_224 : i32 to index
          %swap3A_226 = tpu.vector_load %arg14[%swap3A_225] {strides = array<i32>} : memref<2048xf32, #tpu.memory_space<vmem>>, vector<16xf32>,
          tpu.vector_store %arg14[%swap3A_225], %gather3A_222 {strides = array<i32>} : memref<2048xf32, #tpu.memory_space<vmem>>, vector<16xf32>,
          %gather3A_227 = tpu.vector_load_idx %arg13[%add3A_221, %add3A_170] : memref<128x128xf32, #tpu.memory_space<vmem>>[vector<16xi32>, vector<16xi32>], vector<16xf32>,
          %add3A_228 = arith.constant 32 : i32
          %add3A_229 = arith.addi %mul3A_190, %add3A_228 : i32
          %swap3A_230 = arith.index_cast %add3A_229 : i32 to index
          %swap3A_231 = tpu.vector_load %arg15[%swap3A_230] {strides = array<i32>} : memref<2048xf32, #tpu.memory_space<vmem>>, vector<16xf32>,
          tpu.vector_store %arg15[%swap3A_230], %gather3A_227 {strides = array<i32>} : memref<2048xf32, #tpu.memory_space<vmem>>, vector<16xf32>,
          %iota3A_232 = tpu.iota {dimensions = array<i32: 0>} : vector<16xi32>
          %add3A_233 = arith.constant 48 : i32
          %add3A_234 = vector.broadcast %add3A_233 : i32 to vector<16xi32>
          %add3A_235 = arith.addi %iota3A_232, %add3A_234 : vector<16xi32>
          %gather3A_236 = tpu.vector_load_idx %arg12[%add3A_235, %add3A_170] : memref<128x128xf32, #tpu.memory_space<vmem>>[vector<16xi32>, vector<16xi32>], vector<16xf32>,
          %add3A_237 = arith.constant 48 : i32
          %add3A_238 = arith.addi %mul3A_190, %add3A_237 : i32
          %swap3A_239 = arith.index_cast %add3A_238 : i32 to index
          %swap3A_240 = tpu.vector_load %arg14[%swap3A_239] {strides = array<i32>} : memref<2048xf32, #tpu.memory_space<vmem>>, vector<16xf32>,
          tpu.vector_store %arg14[%swap3A_239], %gather3A_236 {strides = array<i32>} : memref<2048xf32, #tpu.memory_space<vmem>>, vector<16xf32>,
          %gather3A_241 = tpu.vector_load_idx %arg13[%add3A_235, %add3A_170] : memref<128x128xf32, #tpu.memory_space<vmem>>[vector<16xi32>, vector<16xi32>], vector<16xf32>,
          %add3A_242 = arith.constant 48 : i32
          %add3A_243 = arith.addi %mul3A_190, %add3A_242 : i32
          %swap3A_244 = arith.index_cast %add3A_243 : i32 to index
          %swap3A_245 = tpu.vector_load %arg15[%swap3A_244] {strides = array<i32>} : memref<2048xf32, #tpu.memory_space<vmem>>, vector<16xf32>,
          tpu.vector_store %arg15[%swap3A_244], %gather3A_241 {strides = array<i32>} : memref<2048xf32, #tpu.memory_space<vmem>>, vector<16xf32>,
          %ge3A = arith.constant 32 : i32
          %ge3A_246 = arith.cmpi sge, %while3A_158, %ge3A : i32
          %convert_element_type3A_247 = arith.extui %ge3A_246 : i1 to i32
          %cond3A_248 = arith.constant 0 : i32
          %cond3A_249 = arith.cmpi ne, %convert_element_type3A_247, %cond3A_248 : i32
          scf.if %cond3A_249 {
            %dma_wait3A_264 = arith.constant 0 : i32
            %dma_wait3A_265 = tpu.memref_slice %arg14[%dma_wait3A_264] : memref<2048xf32, #tpu.memory_space<vmem>> -> memref<64xf32, #tpu.memory_space<vmem>>
            %dma_wait3A_266 = arith.constant 0 : i32
            %dma_wait3A_267 = tpu.memref_slice %arg6[%dma_wait3A_266] : memref<1048576xf32, #tpu.memory_space<hbm>> -> memref<64xf32, #tpu.memory_space<hbm>>
            %dma_wait3A_268 = arith.constant 0 : i32
            %dma_wait3A_269 = tpu.memref_slice %arg6[%dma_wait3A_268] : memref<1048576xf32, #tpu.memory_space<hbm>> -> memref<64xf32, #tpu.memory_space<hbm>>
            %dma_wait3A_270 = arith.constant 0 : i32
            %dma_wait3A_271 = tpu.memref_slice %arg14[%dma_wait3A_270] : memref<2048xf32, #tpu.memory_space<vmem>> -> memref<64xf32, #tpu.memory_space<vmem>>
            tpu.wait_dma2 semaphore(%arg18 : memref<!tpu.dma_semaphore, #tpu.memory_space<semaphore_mem>>) src(%dma_wait3A_271 : memref<64xf32, #tpu.memory_space<vmem>>) dst(%dma_wait3A_269 : memref<64xf32, #tpu.memory_space<hbm>>)
            %dma_wait3A_272 = arith.constant 0 : i32
            %dma_wait3A_273 = tpu.memref_slice %arg15[%dma_wait3A_272] : memref<2048xf32, #tpu.memory_space<vmem>> -> memref<64xf32, #tpu.memory_space<vmem>>
            %dma_wait3A_274 = arith.constant 0 : i32
            %dma_wait3A_275 = tpu.memref_slice %arg7[%dma_wait3A_274] : memref<1048576xf32, #tpu.memory_space<hbm>> -> memref<64xf32, #tpu.memory_space<hbm>>
            %dma_wait3A_276 = arith.constant 0 : i32
            %dma_wait3A_277 = tpu.memref_slice %arg7[%dma_wait3A_276] : memref<1048576xf32, #tpu.memory_space<hbm>> -> memref<64xf32, #tpu.memory_space<hbm>>
            %dma_wait3A_278 = arith.constant 0 : i32
            %dma_wait3A_279 = tpu.memref_slice %arg15[%dma_wait3A_278] : memref<2048xf32, #tpu.memory_space<vmem>> -> memref<64xf32, #tpu.memory_space<vmem>>
            tpu.wait_dma2 semaphore(%arg18 : memref<!tpu.dma_semaphore, #tpu.memory_space<semaphore_mem>>) src(%dma_wait3A_279 : memref<64xf32, #tpu.memory_space<vmem>>) dst(%dma_wait3A_277 : memref<64xf32, #tpu.memory_space<hbm>>)
          } else {
          }
          %mul3A_250 = arith.constant 64 : i32
          %mul3A_251 = arith.muli %squeeze3A_177, %mul3A_250 : i32
          %dma_start3A_252 = tpu.memref_slice %arg14[%mul3A_190] : memref<2048xf32, #tpu.memory_space<vmem>> -> memref<64xf32, #tpu.memory_space<vmem>>
          %dma_start3A_253 = tpu.memref_slice %arg6[%mul3A_251] : memref<1048576xf32, #tpu.memory_space<hbm>> -> memref<64xf32, #tpu.memory_space<hbm>>
          %dma_start3A_254 = tpu.memref_slice %arg6[%mul3A_251] : memref<1048576xf32, #tpu.memory_space<hbm>> -> memref<64xf32, #tpu.memory_space<hbm>>
          %dma_start3A_255 = tpu.memref_slice %arg14[%mul3A_190] : memref<2048xf32, #tpu.memory_space<vmem>> -> memref<64xf32, #tpu.memory_space<vmem>>
          tpu.enqueue_dma source(%dma_start3A_255 : memref<64xf32, #tpu.memory_space<vmem>>) target(%dma_start3A_254 : memref<64xf32, #tpu.memory_space<hbm>>) target_semaphore(%arg18 : memref<!tpu.dma_semaphore, #tpu.memory_space<semaphore_mem>>)
          %mul3A_256 = arith.constant 64 : i32
          %mul3A_257 = arith.muli %squeeze3A_177, %mul3A_256 : i32
          %dma_start3A_258 = tpu.memref_slice %arg15[%mul3A_190] : memref<2048xf32, #tpu.memory_space<vmem>> -> memref<64xf32, #tpu.memory_space<vmem>>
          %dma_start3A_259 = tpu.memref_slice %arg7[%mul3A_257] : memref<1048576xf32, #tpu.memory_space<hbm>> -> memref<64xf32, #tpu.memory_space<hbm>>
          %dma_start3A_260 = tpu.memref_slice %arg7[%mul3A_257] : memref<1048576xf32, #tpu.memory_space<hbm>> -> memref<64xf32, #tpu.memory_space<hbm>>
          %dma_start3A_261 = tpu.memref_slice %arg15[%mul3A_190] : memref<2048xf32, #tpu.memory_space<vmem>> -> memref<64xf32, #tpu.memory_space<vmem>>
          tpu.enqueue_dma source(%dma_start3A_261 : memref<64xf32, #tpu.memory_space<vmem>>) target(%dma_start3A_260 : memref<64xf32, #tpu.memory_space<hbm>>) target_semaphore(%arg18 : memref<!tpu.dma_semaphore, #tpu.memory_space<semaphore_mem>>)
          %add3A_262 = arith.constant 1 : i32
          %add3A_263 = arith.addi %while3A_158, %add3A_262 : i32
          scf.yield %add3A_263 : i32
        }
        %while3A_155 = arith.constant 1 : i32
        %while3A_156 = scf.for %while3A_157 = %while3A_152 to %while3A_148 step %while3A_155 iter_args(%while3A_158 = %while3A_154) -> (i32)  : i32 {
          %broadcast_in_dim3A_159 = arith.constant 0 : i32
          %broadcast_in_dim3A_160 = vector.broadcast %broadcast_in_dim3A_159 : i32 to vector<16xi32>
          %add3A_161 = vector.broadcast %while3A_157 : i32 to vector<16xi32>
          %add3A_162 = arith.addi %broadcast_in_dim3A_160, %add3A_161 : vector<16xi32>
          %gather3A_163 = tpu.vector_load_idx %arg8[%add3A_162] : memref<512xi32, #tpu.memory_space<vmem>>[vector<16xi32>], vector<16xi32>,
          %slice3A_164 = vector.extract_strided_slice %gather3A_163 {offsets = [0], sizes = [1], strides = [1]} : vector<16xi32> to vector<1xi32>
          %squeeze3A_165 = vector.extract %slice3A_164[0] : i32 from vector<1xi32>
          %and3A = arith.constant 127 : i32
          %and3A_166 = arith.andi %squeeze3A_165, %and3A : i32
          %broadcast_in_dim3A_167 = arith.constant 0 : i32
          %broadcast_in_dim3A_168 = vector.broadcast %broadcast_in_dim3A_167 : i32 to vector<16xi32>
          %add3A_169 = vector.broadcast %and3A_166 : i32 to vector<16xi32>
          %add3A_170 = arith.addi %broadcast_in_dim3A_168, %add3A_169 : vector<16xi32>
          %broadcast_in_dim3A_171 = arith.constant 0 : i32
          %broadcast_in_dim3A_172 = vector.broadcast %broadcast_in_dim3A_171 : i32 to vector<16xi32>
          %add3A_173 = vector.broadcast %while3A_157 : i32 to vector<16xi32>
          %add3A_174 = arith.addi %broadcast_in_dim3A_172, %add3A_173 : vector<16xi32>
          %gather3A_175 = tpu.vector_load_idx %arg9[%add3A_174] : memref<512xi32, #tpu.memory_space<vmem>>[vector<16xi32>], vector<16xi32>,
          %slice3A_176 = vector.extract_strided_slice %gather3A_175 {offsets = [0], sizes = [1], strides = [1]} : vector<16xi32> to vector<1xi32>
          %squeeze3A_177 = vector.extract %slice3A_176[0] : i32 from vector<1xi32>
          %jit3A = arith.constant 32 : i32
          %eq3A = arith.constant 0 : i32
          %eq3A_178 = arith.cmpi eq, %jit3A, %eq3A : i32
          %jit3A_179 = arith.constant 1 : i32
          %select_n3A = arith.select %eq3A_178, %jit3A_179, %jit3A : i32
          %rem3A = arith.remsi %while3A_158, %select_n3A : i32
          %ne3A = arith.constant 0 : i32
          %ne3A_180 = arith.cmpi ne, %rem3A, %ne3A : i32
          %lt3A_181 = arith.constant 0 : i32
          %lt3A_182 = arith.cmpi slt, %rem3A, %lt3A_181 : i32
          %lt3A_183 = arith.constant 0 : i32
          %lt3A_184 = arith.cmpi slt, %select_n3A, %lt3A_183 : i32
          %ne3A_185 = arith.xori %lt3A_182, %lt3A_184 : i1
          %and3A_186 = arith.andi %ne3A_185, %ne3A_180 : i1
          %add3A_187 = arith.addi %rem3A, %select_n3A : i32
          %select_n3A_188 = arith.select %and3A_186, %add3A_187, %rem3A : i32
          %mul3A_189 = arith.constant 64 : i32
          %mul3A_190 = arith.muli %select_n3A_188, %mul3A_189 : i32
          %iota3A = tpu.iota {dimensions = array<i32: 0>} : vector<16xi32>
          %add3A_191 = arith.constant 0 : i32
          %add3A_192 = vector.broadcast %add3A_191 : i32 to vector<16xi32>
          %add3A_193 = arith.addi %iota3A, %add3A_192 : vector<16xi32>
          %gather3A_194 = tpu.vector_load_idx %arg12[%add3A_193, %add3A_170] : memref<128x128xf32, #tpu.memory_space<vmem>>[vector<16xi32>, vector<16xi32>], vector<16xf32>,
          %add3A_195 = arith.constant 0 : i32
          %add3A_196 = arith.addi %mul3A_190, %add3A_195 : i32
          %swap3A_197 = arith.index_cast %add3A_196 : i32 to index
          %swap3A_198 = tpu.vector_load %arg14[%swap3A_197] {strides = array<i32>} : memref<2048xf32, #tpu.memory_space<vmem>>, vector<16xf32>,
          tpu.vector_store %arg14[%swap3A_197], %gather3A_194 {strides = array<i32>} : memref<2048xf32, #tpu.memory_space<vmem>>, vector<16xf32>,
          %gather3A_199 = tpu.vector_load_idx %arg13[%add3A_193, %add3A_170] : memref<128x128xf32, #tpu.memory_space<vmem>>[vector<16xi32>, vector<16xi32>], vector<16xf32>,
          %add3A_200 = arith.constant 0 : i32
          %add3A_201 = arith.addi %mul3A_190, %add3A_200 : i32
          %swap3A_202 = arith.index_cast %add3A_201 : i32 to index
          %swap3A_203 = tpu.vector_load %arg15[%swap3A_202] {strides = array<i32>} : memref<2048xf32, #tpu.memory_space<vmem>>, vector<16xf32>,
          tpu.vector_store %arg15[%swap3A_202], %gather3A_199 {strides = array<i32>} : memref<2048xf32, #tpu.memory_space<vmem>>, vector<16xf32>,
          %iota3A_204 = tpu.iota {dimensions = array<i32: 0>} : vector<16xi32>
          %add3A_205 = arith.constant 16 : i32
          %add3A_206 = vector.broadcast %add3A_205 : i32 to vector<16xi32>
          %add3A_207 = arith.addi %iota3A_204, %add3A_206 : vector<16xi32>
          %gather3A_208 = tpu.vector_load_idx %arg12[%add3A_207, %add3A_170] : memref<128x128xf32, #tpu.memory_space<vmem>>[vector<16xi32>, vector<16xi32>], vector<16xf32>,
          %add3A_209 = arith.constant 16 : i32
          %add3A_210 = arith.addi %mul3A_190, %add3A_209 : i32
          %swap3A_211 = arith.index_cast %add3A_210 : i32 to index
          %swap3A_212 = tpu.vector_load %arg14[%swap3A_211] {strides = array<i32>} : memref<2048xf32, #tpu.memory_space<vmem>>, vector<16xf32>,
          tpu.vector_store %arg14[%swap3A_211], %gather3A_208 {strides = array<i32>} : memref<2048xf32, #tpu.memory_space<vmem>>, vector<16xf32>,
          %gather3A_213 = tpu.vector_load_idx %arg13[%add3A_207, %add3A_170] : memref<128x128xf32, #tpu.memory_space<vmem>>[vector<16xi32>, vector<16xi32>], vector<16xf32>,
          %add3A_214 = arith.constant 16 : i32
          %add3A_215 = arith.addi %mul3A_190, %add3A_214 : i32
          %swap3A_216 = arith.index_cast %add3A_215 : i32 to index
          %swap3A_217 = tpu.vector_load %arg15[%swap3A_216] {strides = array<i32>} : memref<2048xf32, #tpu.memory_space<vmem>>, vector<16xf32>,
          tpu.vector_store %arg15[%swap3A_216], %gather3A_213 {strides = array<i32>} : memref<2048xf32, #tpu.memory_space<vmem>>, vector<16xf32>,
          %iota3A_218 = tpu.iota {dimensions = array<i32: 0>} : vector<16xi32>
          %add3A_219 = arith.constant 32 : i32
          %add3A_220 = vector.broadcast %add3A_219 : i32 to vector<16xi32>
          %add3A_221 = arith.addi %iota3A_218, %add3A_220 : vector<16xi32>
          %gather3A_222 = tpu.vector_load_idx %arg12[%add3A_221, %add3A_170] : memref<128x128xf32, #tpu.memory_space<vmem>>[vector<16xi32>, vector<16xi32>], vector<16xf32>,
          %add3A_223 = arith.constant 32 : i32
          %add3A_224 = arith.addi %mul3A_190, %add3A_223 : i32
          %swap3A_225 = arith.index_cast %add3A_224 : i32 to index
          %swap3A_226 = tpu.vector_load %arg14[%swap3A_225] {strides = array<i32>} : memref<2048xf32, #tpu.memory_space<vmem>>, vector<16xf32>,
          tpu.vector_store %arg14[%swap3A_225], %gather3A_222 {strides = array<i32>} : memref<2048xf32, #tpu.memory_space<vmem>>, vector<16xf32>,
          %gather3A_227 = tpu.vector_load_idx %arg13[%add3A_221, %add3A_170] : memref<128x128xf32, #tpu.memory_space<vmem>>[vector<16xi32>, vector<16xi32>], vector<16xf32>,
          %add3A_228 = arith.constant 32 : i32
          %add3A_229 = arith.addi %mul3A_190, %add3A_228 : i32
          %swap3A_230 = arith.index_cast %add3A_229 : i32 to index
          %swap3A_231 = tpu.vector_load %arg15[%swap3A_230] {strides = array<i32>} : memref<2048xf32, #tpu.memory_space<vmem>>, vector<16xf32>,
          tpu.vector_store %arg15[%swap3A_230], %gather3A_227 {strides = array<i32>} : memref<2048xf32, #tpu.memory_space<vmem>>, vector<16xf32>,
          %iota3A_232 = tpu.iota {dimensions = array<i32: 0>} : vector<16xi32>
          %add3A_233 = arith.constant 48 : i32
          %add3A_234 = vector.broadcast %add3A_233 : i32 to vector<16xi32>
          %add3A_235 = arith.addi %iota3A_232, %add3A_234 : vector<16xi32>
          %gather3A_236 = tpu.vector_load_idx %arg12[%add3A_235, %add3A_170] : memref<128x128xf32, #tpu.memory_space<vmem>>[vector<16xi32>, vector<16xi32>], vector<16xf32>,
          %add3A_237 = arith.constant 48 : i32
          %add3A_238 = arith.addi %mul3A_190, %add3A_237 : i32
          %swap3A_239 = arith.index_cast %add3A_238 : i32 to index
          %swap3A_240 = tpu.vector_load %arg14[%swap3A_239] {strides = array<i32>} : memref<2048xf32, #tpu.memory_space<vmem>>, vector<16xf32>,
          tpu.vector_store %arg14[%swap3A_239], %gather3A_236 {strides = array<i32>} : memref<2048xf32, #tpu.memory_space<vmem>>, vector<16xf32>,
          %gather3A_241 = tpu.vector_load_idx %arg13[%add3A_235, %add3A_170] : memref<128x128xf32, #tpu.memory_space<vmem>>[vector<16xi32>, vector<16xi32>], vector<16xf32>,
          %add3A_242 = arith.constant 48 : i32
          %add3A_243 = arith.addi %mul3A_190, %add3A_242 : i32
          %swap3A_244 = arith.index_cast %add3A_243 : i32 to index
          %swap3A_245 = tpu.vector_load %arg15[%swap3A_244] {strides = array<i32>} : memref<2048xf32, #tpu.memory_space<vmem>>, vector<16xf32>,
          tpu.vector_store %arg15[%swap3A_244], %gather3A_241 {strides = array<i32>} : memref<2048xf32, #tpu.memory_space<vmem>>, vector<16xf32>,
          %ge3A = arith.constant 32 : i32
          %ge3A_246 = arith.cmpi sge, %while3A_158, %ge3A : i32
          %convert_element_type3A_247 = arith.extui %ge3A_246 : i1 to i32
          %cond3A_248 = arith.constant 0 : i32
          %cond3A_249 = arith.cmpi ne, %convert_element_type3A_247, %cond3A_248 : i32
          scf.if %cond3A_249 {
            %dma_wait3A_264 = arith.constant 0 : i32
            %dma_wait3A_265 = tpu.memref_slice %arg14[%dma_wait3A_264] : memref<2048xf32, #tpu.memory_space<vmem>> -> memref<64xf32, #tpu.memory_space<vmem>>
            %dma_wait3A_266 = arith.constant 0 : i32
            %dma_wait3A_267 = tpu.memref_slice %arg6[%dma_wait3A_266] : memref<1048576xf32, #tpu.memory_space<hbm>> -> memref<64xf32, #tpu.memory_space<hbm>>
            %dma_wait3A_268 = arith.constant 0 : i32
            %dma_wait3A_269 = tpu.memref_slice %arg6[%dma_wait3A_268] : memref<1048576xf32, #tpu.memory_space<hbm>> -> memref<64xf32, #tpu.memory_space<hbm>>
            %dma_wait3A_270 = arith.constant 0 : i32
            %dma_wait3A_271 = tpu.memref_slice %arg14[%dma_wait3A_270] : memref<2048xf32, #tpu.memory_space<vmem>> -> memref<64xf32, #tpu.memory_space<vmem>>
            tpu.wait_dma2 semaphore(%arg18 : memref<!tpu.dma_semaphore, #tpu.memory_space<semaphore_mem>>) src(%dma_wait3A_271 : memref<64xf32, #tpu.memory_space<vmem>>) dst(%dma_wait3A_269 : memref<64xf32, #tpu.memory_space<hbm>>)
            %dma_wait3A_272 = arith.constant 0 : i32
            %dma_wait3A_273 = tpu.memref_slice %arg15[%dma_wait3A_272] : memref<2048xf32, #tpu.memory_space<vmem>> -> memref<64xf32, #tpu.memory_space<vmem>>
            %dma_wait3A_274 = arith.constant 0 : i32
            %dma_wait3A_275 = tpu.memref_slice %arg7[%dma_wait3A_274] : memref<1048576xf32, #tpu.memory_space<hbm>> -> memref<64xf32, #tpu.memory_space<hbm>>
            %dma_wait3A_276 = arith.constant 0 : i32
            %dma_wait3A_277 = tpu.memref_slice %arg7[%dma_wait3A_276] : memref<1048576xf32, #tpu.memory_space<hbm>> -> memref<64xf32, #tpu.memory_space<hbm>>
            %dma_wait3A_278 = arith.constant 0 : i32
            %dma_wait3A_279 = tpu.memref_slice %arg15[%dma_wait3A_278] : memref<2048xf32, #tpu.memory_space<vmem>> -> memref<64xf32, #tpu.memory_space<vmem>>
            tpu.wait_dma2 semaphore(%arg18 : memref<!tpu.dma_semaphore, #tpu.memory_space<semaphore_mem>>) src(%dma_wait3A_279 : memref<64xf32, #tpu.memory_space<vmem>>) dst(%dma_wait3A_277 : memref<64xf32, #tpu.memory_space<hbm>>)
          } else {
          }
          %mul3A_250 = arith.constant 64 : i32
          %mul3A_251 = arith.muli %squeeze3A_177, %mul3A_250 : i32
          %dma_start3A_252 = tpu.memref_slice %arg14[%mul3A_190] : memref<2048xf32, #tpu.memory_space<vmem>> -> memref<64xf32, #tpu.memory_space<vmem>>
          %dma_start3A_253 = tpu.memref_slice %arg6[%mul3A_251] : memref<1048576xf32, #tpu.memory_space<hbm>> -> memref<64xf32, #tpu.memory_space<hbm>>
          %dma_start3A_254 = tpu.memref_slice %arg6[%mul3A_251] : memref<1048576xf32, #tpu.memory_space<hbm>> -> memref<64xf32, #tpu.memory_space<hbm>>
          %dma_start3A_255 = tpu.memref_slice %arg14[%mul3A_190] : memref<2048xf32, #tpu.memory_space<vmem>> -> memref<64xf32, #tpu.memory_space<vmem>>
          tpu.enqueue_dma source(%dma_start3A_255 : memref<64xf32, #tpu.memory_space<vmem>>) target(%dma_start3A_254 : memref<64xf32, #tpu.memory_space<hbm>>) target_semaphore(%arg18 : memref<!tpu.dma_semaphore, #tpu.memory_space<semaphore_mem>>)
          %mul3A_256 = arith.constant 64 : i32
          %mul3A_257 = arith.muli %squeeze3A_177, %mul3A_256 : i32
          %dma_start3A_258 = tpu.memref_slice %arg15[%mul3A_190] : memref<2048xf32, #tpu.memory_space<vmem>> -> memref<64xf32, #tpu.memory_space<vmem>>
          %dma_start3A_259 = tpu.memref_slice %arg7[%mul3A_257] : memref<1048576xf32, #tpu.memory_space<hbm>> -> memref<64xf32, #tpu.memory_space<hbm>>
          %dma_start3A_260 = tpu.memref_slice %arg7[%mul3A_257] : memref<1048576xf32, #tpu.memory_space<hbm>> -> memref<64xf32, #tpu.memory_space<hbm>>
          %dma_start3A_261 = tpu.memref_slice %arg15[%mul3A_190] : memref<2048xf32, #tpu.memory_space<vmem>> -> memref<64xf32, #tpu.memory_space<vmem>>
          tpu.enqueue_dma source(%dma_start3A_261 : memref<64xf32, #tpu.memory_space<vmem>>) target(%dma_start3A_260 : memref<64xf32, #tpu.memory_space<hbm>>) target_semaphore(%arg18 : memref<!tpu.dma_semaphore, #tpu.memory_space<semaphore_mem>>)
          %add3A_262 = arith.constant 1 : i32
          %add3A_263 = arith.addi %while3A_158, %add3A_262 : i32
          scf.yield %add3A_263 : i32
        }
        scf.yield %while3A_156 : i32
      } else {
        scf.yield %scan3A_84 : i32
      }
      %add3A_95 = arith.constant 2 : i32
      %add3A_96 = arith.addi %mul3A_86, %add3A_95 : i32
      %lt3A_97 = arith.cmpi slt, %add3A_96, %scan3A_18 : i32
      %convert_element_type3A_98 = arith.extui %lt3A_97 : i1 to i32
      %cond3A_99 = arith.constant 0 : i32
      %cond3A_100 = arith.cmpi ne, %convert_element_type3A_98, %cond3A_99 : i32
      scf.if %cond3A_100 {
        %add3A_108 = arith.constant 2 : i32
        %add3A_109 = arith.addi %mul3A_86, %add3A_108 : i32
        %broadcast_in_dim3A_110 = arith.constant 0 : i32
        %broadcast_in_dim3A_111 = vector.broadcast %broadcast_in_dim3A_110 : i32 to vector<16xi32>
        %add3A_112 = vector.broadcast %add3A_109 : i32 to vector<16xi32>
        %add3A_113 = arith.addi %broadcast_in_dim3A_111, %add3A_112 : vector<16xi32>
        %gather3A_114 = tpu.vector_load_idx %arg11[%add3A_113] : memref<544xi32, #tpu.memory_space<vmem>>[vector<16xi32>], vector<16xi32>,
        %slice3A_115 = vector.extract_strided_slice %gather3A_114 {offsets = [0], sizes = [1], strides = [1]} : vector<16xi32> to vector<1xi32>
        %squeeze3A_116 = vector.extract %slice3A_115[0] : i32 from vector<1xi32>
        %broadcast_in_dim3A_117 = arith.constant 0 : i32
        %broadcast_in_dim3A_118 = vector.broadcast %broadcast_in_dim3A_117 : i32 to vector<16xi32>
        %add3A_119 = vector.broadcast %squeeze3A_116 : i32 to vector<16xi32>
        %add3A_120 = arith.addi %broadcast_in_dim3A_118, %add3A_119 : vector<16xi32>
        %gather3A_121 = tpu.vector_load_idx %arg8[%add3A_120] : memref<512xi32, #tpu.memory_space<vmem>>[vector<16xi32>], vector<16xi32>,
        %slice3A_122 = vector.extract_strided_slice %gather3A_121 {offsets = [0], sizes = [1], strides = [1]} : vector<16xi32> to vector<1xi32>
        %squeeze3A_123 = vector.extract %slice3A_122[0] : i32 from vector<1xi32>
        %shift_right_logical3A_124 = arith.constant 7 : i32
        %shift_right_logical3A_125 = arith.shrui %squeeze3A_123, %shift_right_logical3A_124 : i32
        %mul3A_126 = arith.constant 128 : i32
        %mul3A_127 = arith.muli %shift_right_logical3A_125, %mul3A_126 : i32
        %multiple_of3A_128 = tpu.assume_multiple %mul3A_127, 128 : i32
        %dma_start3A_129 = arith.constant 0 : i32
        %dma_start3A_130 = arith.constant 0 : i32
        %dma_start3A_131 = tpu.memref_slice %arg12[%dma_start3A_129, %dma_start3A_130] : memref<128x128xf32, #tpu.memory_space<vmem>> -> memref<64x128xf32, #tpu.memory_space<vmem>>
        %dma_start3A_132 = arith.constant 0 : i32
        %dma_start3A_133 = tpu.memref_slice %arg4[%dma_start3A_132, %multiple_of3A_128] : memref<64x1000000xf32, #tpu.memory_space<hbm>> -> memref<64x128xf32, #tpu.memory_space<hbm>>
        %dma_start3A_134 = arith.constant 0 : i32
        %dma_start3A_135 = arith.constant 0 : i32
        %dma_start3A_136 = tpu.memref_slice %arg12[%dma_start3A_134, %dma_start3A_135] : memref<128x128xf32, #tpu.memory_space<vmem>> -> memref<64x128xf32, #tpu.memory_space<vmem>>
        %dma_start3A_137 = arith.constant 0 : i32
        %dma_start3A_138 = tpu.memref_slice %arg4[%dma_start3A_137, %multiple_of3A_128] : memref<64x1000000xf32, #tpu.memory_space<hbm>> -> memref<64x128xf32, #tpu.memory_space<hbm>>
        tpu.enqueue_dma source(%dma_start3A_138 : memref<64x128xf32, #tpu.memory_space<hbm>>) target(%dma_start3A_136 : memref<64x128xf32, #tpu.memory_space<vmem>>) target_semaphore(%arg16 : memref<!tpu.dma_semaphore, #tpu.memory_space<semaphore_mem>>)
        %dma_start3A_139 = arith.constant 0 : i32
        %dma_start3A_140 = arith.constant 0 : i32
        %dma_start3A_141 = tpu.memref_slice %arg13[%dma_start3A_139, %dma_start3A_140] : memref<128x128xf32, #tpu.memory_space<vmem>> -> memref<64x128xf32, #tpu.memory_space<vmem>>
        %dma_start3A_142 = arith.constant 0 : i32
        %dma_start3A_143 = tpu.memref_slice %arg5[%dma_start3A_142, %multiple_of3A_128] : memref<64x1000000xf32, #tpu.memory_space<hbm>> -> memref<64x128xf32, #tpu.memory_space<hbm>>
        %dma_start3A_144 = arith.constant 0 : i32
        %dma_start3A_145 = arith.constant 0 : i32
        %dma_start3A_146 = tpu.memref_slice %arg13[%dma_start3A_144, %dma_start3A_145] : memref<128x128xf32, #tpu.memory_space<vmem>> -> memref<64x128xf32, #tpu.memory_space<vmem>>
        %dma_start3A_147 = arith.constant 0 : i32
        %dma_start3A_148 = tpu.memref_slice %arg5[%dma_start3A_147, %multiple_of3A_128] : memref<64x1000000xf32, #tpu.memory_space<hbm>> -> memref<64x128xf32, #tpu.memory_space<hbm>>
        tpu.enqueue_dma source(%dma_start3A_148 : memref<64x128xf32, #tpu.memory_space<hbm>>) target(%dma_start3A_146 : memref<64x128xf32, #tpu.memory_space<vmem>>) target_semaphore(%arg16 : memref<!tpu.dma_semaphore, #tpu.memory_space<semaphore_mem>>)
      } else {
      }
      %add3A_101 = arith.constant 1 : i32
      %add3A_102 = arith.addi %mul3A_86, %add3A_101 : i32
      %lt3A_103 = arith.cmpi slt, %add3A_102, %scan3A_18 : i32
      %convert_element_type3A_104 = arith.extui %lt3A_103 : i1 to i32
      %cond3A_105 = arith.constant 0 : i32
      %cond3A_106 = arith.cmpi ne, %convert_element_type3A_104, %cond3A_105 : i32
      %cond3A_107 = scf.if %cond3A_106 -> (i32) {
        %dma_wait3A_108 = arith.constant 0 : i32
        %dma_wait3A_109 = arith.constant 0 : i32
        %dma_wait3A_110 = tpu.memref_slice %arg12[%dma_wait3A_108, %dma_wait3A_109] : memref<128x128xf32, #tpu.memory_space<vmem>> -> memref<64x128xf32, #tpu.memory_space<vmem>>
        %dma_wait3A_111 = arith.constant 0 : i32
        %dma_wait3A_112 = arith.constant 0 : i32
        %dma_wait3A_113 = tpu.memref_slice %arg4[%dma_wait3A_111, %dma_wait3A_112] : memref<64x1000000xf32, #tpu.memory_space<hbm>> -> memref<64x128xf32, #tpu.memory_space<hbm>>
        %dma_wait3A_114 = arith.constant 0 : i32
        %dma_wait3A_115 = arith.constant 0 : i32
        %dma_wait3A_116 = tpu.memref_slice %arg12[%dma_wait3A_114, %dma_wait3A_115] : memref<128x128xf32, #tpu.memory_space<vmem>> -> memref<64x128xf32, #tpu.memory_space<vmem>>
        %dma_wait3A_117 = arith.constant 0 : i32
        %dma_wait3A_118 = arith.constant 0 : i32
        %dma_wait3A_119 = tpu.memref_slice %arg4[%dma_wait3A_117, %dma_wait3A_118] : memref<64x1000000xf32, #tpu.memory_space<hbm>> -> memref<64x128xf32, #tpu.memory_space<hbm>>
        tpu.wait_dma2 semaphore(%arg17 : memref<!tpu.dma_semaphore, #tpu.memory_space<semaphore_mem>>) src(%dma_wait3A_119 : memref<64x128xf32, #tpu.memory_space<hbm>>) dst(%dma_wait3A_116 : memref<64x128xf32, #tpu.memory_space<vmem>>)
        %dma_wait3A_120 = arith.constant 0 : i32
        %dma_wait3A_121 = arith.constant 0 : i32
        %dma_wait3A_122 = tpu.memref_slice %arg13[%dma_wait3A_120, %dma_wait3A_121] : memref<128x128xf32, #tpu.memory_space<vmem>> -> memref<64x128xf32, #tpu.memory_space<vmem>>
        %dma_wait3A_123 = arith.constant 0 : i32
        %dma_wait3A_124 = arith.constant 0 : i32
        %dma_wait3A_125 = tpu.memref_slice %arg5[%dma_wait3A_123, %dma_wait3A_124] : memref<64x1000000xf32, #tpu.memory_space<hbm>> -> memref<64x128xf32, #tpu.memory_space<hbm>>
        %dma_wait3A_126 = arith.constant 0 : i32
        %dma_wait3A_127 = arith.constant 0 : i32
        %dma_wait3A_128 = tpu.memref_slice %arg13[%dma_wait3A_126, %dma_wait3A_127] : memref<128x128xf32, #tpu.memory_space<vmem>> -> memref<64x128xf32, #tpu.memory_space<vmem>>
        %dma_wait3A_129 = arith.constant 0 : i32
        %dma_wait3A_130 = arith.constant 0 : i32
        %dma_wait3A_131 = tpu.memref_slice %arg5[%dma_wait3A_129, %dma_wait3A_130] : memref<64x1000000xf32, #tpu.memory_space<hbm>> -> memref<64x128xf32, #tpu.memory_space<hbm>>
        tpu.wait_dma2 semaphore(%arg17 : memref<!tpu.dma_semaphore, #tpu.memory_space<semaphore_mem>>) src(%dma_wait3A_131 : memref<64x128xf32, #tpu.memory_space<hbm>>) dst(%dma_wait3A_128 : memref<64x128xf32, #tpu.memory_space<vmem>>)
        %add3A_132 = arith.constant 1 : i32
        %add3A_133 = arith.addi %mul3A_86, %add3A_132 : i32
        %broadcast_in_dim3A_134 = arith.constant 0 : i32
        %broadcast_in_dim3A_135 = vector.broadcast %broadcast_in_dim3A_134 : i32 to vector<16xi32>
        %add3A_136 = vector.broadcast %add3A_133 : i32 to vector<16xi32>
        %add3A_137 = arith.addi %broadcast_in_dim3A_135, %add3A_136 : vector<16xi32>
        %gather3A_138 = tpu.vector_load_idx %arg11[%add3A_137] : memref<544xi32, #tpu.memory_space<vmem>>[vector<16xi32>], vector<16xi32>,
        %slice3A_139 = vector.extract_strided_slice %gather3A_138 {offsets = [0], sizes = [1], strides = [1]} : vector<16xi32> to vector<1xi32>
        %squeeze3A_140 = vector.extract %slice3A_139[0] : i32 from vector<1xi32>
        %add3A_141 = arith.constant 1 : i32
        %add3A_142 = arith.addi %add3A_133, %add3A_141 : i32
        %broadcast_in_dim3A_143 = arith.constant 0 : i32
        %broadcast_in_dim3A_144 = vector.broadcast %broadcast_in_dim3A_143 : i32 to vector<16xi32>
        %add3A_145 = vector.broadcast %add3A_142 : i32 to vector<16xi32>
        %add3A_146 = arith.addi %broadcast_in_dim3A_144, %add3A_145 : vector<16xi32>
        %gather3A_147 = tpu.vector_load_idx %arg11[%add3A_146] : memref<544xi32, #tpu.memory_space<vmem>>[vector<16xi32>], vector<16xi32>,
        %slice3A_148 = vector.extract_strided_slice %gather3A_147 {offsets = [0], sizes = [1], strides = [1]} : vector<16xi32> to vector<1xi32>
        %squeeze3A_149 = vector.extract %slice3A_148[0] : i32 from vector<1xi32>
        %while3A = arith.subi %squeeze3A_149, %squeeze3A_140 : i32
        %while3A_150 = arith.addi %squeeze3A_140, %while3A : i32
        %while3A_151 = arith.constant 1 : i32
        %while3A_152 = arith.divsi %while3A, %while3A_151 : i32
        %while3A_153 = arith.muli %while3A_152, %while3A_151 : i32
        %while3A_154 = arith.addi %squeeze3A_140, %while3A_153 : i32
        %while3A_155 = arith.constant 1 : i32
        %while3A_156 = scf.for %while3A_159 = %squeeze3A_140 to %while3A_154 step %while3A_155 iter_args(%while3A_160 = %cond3A_94) -> (i32)  : i32 {
          %broadcast_in_dim3A_161 = arith.constant 0 : i32
          %broadcast_in_dim3A_162 = vector.broadcast %broadcast_in_dim3A_161 : i32 to vector<16xi32>
          %add3A_163 = vector.broadcast %while3A_159 : i32 to vector<16xi32>
          %add3A_164 = arith.addi %broadcast_in_dim3A_162, %add3A_163 : vector<16xi32>
          %gather3A_165 = tpu.vector_load_idx %arg8[%add3A_164] : memref<512xi32, #tpu.memory_space<vmem>>[vector<16xi32>], vector<16xi32>,
          %slice3A_166 = vector.extract_strided_slice %gather3A_165 {offsets = [0], sizes = [1], strides = [1]} : vector<16xi32> to vector<1xi32>
          %squeeze3A_167 = vector.extract %slice3A_166[0] : i32 from vector<1xi32>
          %and3A = arith.constant 127 : i32
          %and3A_168 = arith.andi %squeeze3A_167, %and3A : i32
          %broadcast_in_dim3A_169 = arith.constant 0 : i32
          %broadcast_in_dim3A_170 = vector.broadcast %broadcast_in_dim3A_169 : i32 to vector<16xi32>
          %add3A_171 = vector.broadcast %and3A_168 : i32 to vector<16xi32>
          %add3A_172 = arith.addi %broadcast_in_dim3A_170, %add3A_171 : vector<16xi32>
          %broadcast_in_dim3A_173 = arith.constant 0 : i32
          %broadcast_in_dim3A_174 = vector.broadcast %broadcast_in_dim3A_173 : i32 to vector<16xi32>
          %add3A_175 = vector.broadcast %while3A_159 : i32 to vector<16xi32>
          %add3A_176 = arith.addi %broadcast_in_dim3A_174, %add3A_175 : vector<16xi32>
          %gather3A_177 = tpu.vector_load_idx %arg9[%add3A_176] : memref<512xi32, #tpu.memory_space<vmem>>[vector<16xi32>], vector<16xi32>,
          %slice3A_178 = vector.extract_strided_slice %gather3A_177 {offsets = [0], sizes = [1], strides = [1]} : vector<16xi32> to vector<1xi32>
          %squeeze3A_179 = vector.extract %slice3A_178[0] : i32 from vector<1xi32>
          %jit3A = arith.constant 32 : i32
          %eq3A = arith.constant 0 : i32
          %eq3A_180 = arith.cmpi eq, %jit3A, %eq3A : i32
          %jit3A_181 = arith.constant 1 : i32
          %select_n3A = arith.select %eq3A_180, %jit3A_181, %jit3A : i32
          %rem3A = arith.remsi %while3A_160, %select_n3A : i32
          %ne3A = arith.constant 0 : i32
          %ne3A_182 = arith.cmpi ne, %rem3A, %ne3A : i32
          %lt3A_183 = arith.constant 0 : i32
          %lt3A_184 = arith.cmpi slt, %rem3A, %lt3A_183 : i32
          %lt3A_185 = arith.constant 0 : i32
          %lt3A_186 = arith.cmpi slt, %select_n3A, %lt3A_185 : i32
          %ne3A_187 = arith.xori %lt3A_184, %lt3A_186 : i1
          %and3A_188 = arith.andi %ne3A_187, %ne3A_182 : i1
          %add3A_189 = arith.addi %rem3A, %select_n3A : i32
          %select_n3A_190 = arith.select %and3A_188, %add3A_189, %rem3A : i32
          %mul3A_191 = arith.constant 64 : i32
          %mul3A_192 = arith.muli %select_n3A_190, %mul3A_191 : i32
          %iota3A = tpu.iota {dimensions = array<i32: 0>} : vector<16xi32>
          %add3A_193 = arith.constant 64 : i32
          %add3A_194 = vector.broadcast %add3A_193 : i32 to vector<16xi32>
          %add3A_195 = arith.addi %iota3A, %add3A_194 : vector<16xi32>
          %gather3A_196 = tpu.vector_load_idx %arg12[%add3A_195, %add3A_172] : memref<128x128xf32, #tpu.memory_space<vmem>>[vector<16xi32>, vector<16xi32>], vector<16xf32>,
          %add3A_197 = arith.constant 0 : i32
          %add3A_198 = arith.addi %mul3A_192, %add3A_197 : i32
          %swap3A_199 = arith.index_cast %add3A_198 : i32 to index
          %swap3A_200 = tpu.vector_load %arg14[%swap3A_199] {strides = array<i32>} : memref<2048xf32, #tpu.memory_space<vmem>>, vector<16xf32>,
          tpu.vector_store %arg14[%swap3A_199], %gather3A_196 {strides = array<i32>} : memref<2048xf32, #tpu.memory_space<vmem>>, vector<16xf32>,
          %gather3A_201 = tpu.vector_load_idx %arg13[%add3A_195, %add3A_172] : memref<128x128xf32, #tpu.memory_space<vmem>>[vector<16xi32>, vector<16xi32>], vector<16xf32>,
          %add3A_202 = arith.constant 0 : i32
          %add3A_203 = arith.addi %mul3A_192, %add3A_202 : i32
          %swap3A_204 = arith.index_cast %add3A_203 : i32 to index
          %swap3A_205 = tpu.vector_load %arg15[%swap3A_204] {strides = array<i32>} : memref<2048xf32, #tpu.memory_space<vmem>>, vector<16xf32>,
          tpu.vector_store %arg15[%swap3A_204], %gather3A_201 {strides = array<i32>} : memref<2048xf32, #tpu.memory_space<vmem>>, vector<16xf32>,
          %iota3A_206 = tpu.iota {dimensions = array<i32: 0>} : vector<16xi32>
          %add3A_207 = arith.constant 80 : i32
          %add3A_208 = vector.broadcast %add3A_207 : i32 to vector<16xi32>
          %add3A_209 = arith.addi %iota3A_206, %add3A_208 : vector<16xi32>
          %gather3A_210 = tpu.vector_load_idx %arg12[%add3A_209, %add3A_172] : memref<128x128xf32, #tpu.memory_space<vmem>>[vector<16xi32>, vector<16xi32>], vector<16xf32>,
          %add3A_211 = arith.constant 16 : i32
          %add3A_212 = arith.addi %mul3A_192, %add3A_211 : i32
          %swap3A_213 = arith.index_cast %add3A_212 : i32 to index
          %swap3A_214 = tpu.vector_load %arg14[%swap3A_213] {strides = array<i32>} : memref<2048xf32, #tpu.memory_space<vmem>>, vector<16xf32>,
          tpu.vector_store %arg14[%swap3A_213], %gather3A_210 {strides = array<i32>} : memref<2048xf32, #tpu.memory_space<vmem>>, vector<16xf32>,
          %gather3A_215 = tpu.vector_load_idx %arg13[%add3A_209, %add3A_172] : memref<128x128xf32, #tpu.memory_space<vmem>>[vector<16xi32>, vector<16xi32>], vector<16xf32>,
          %add3A_216 = arith.constant 16 : i32
          %add3A_217 = arith.addi %mul3A_192, %add3A_216 : i32
          %swap3A_218 = arith.index_cast %add3A_217 : i32 to index
          %swap3A_219 = tpu.vector_load %arg15[%swap3A_218] {strides = array<i32>} : memref<2048xf32, #tpu.memory_space<vmem>>, vector<16xf32>,
          tpu.vector_store %arg15[%swap3A_218], %gather3A_215 {strides = array<i32>} : memref<2048xf32, #tpu.memory_space<vmem>>, vector<16xf32>,
          %iota3A_220 = tpu.iota {dimensions = array<i32: 0>} : vector<16xi32>
          %add3A_221 = arith.constant 96 : i32
          %add3A_222 = vector.broadcast %add3A_221 : i32 to vector<16xi32>
          %add3A_223 = arith.addi %iota3A_220, %add3A_222 : vector<16xi32>
          %gather3A_224 = tpu.vector_load_idx %arg12[%add3A_223, %add3A_172] : memref<128x128xf32, #tpu.memory_space<vmem>>[vector<16xi32>, vector<16xi32>], vector<16xf32>,
          %add3A_225 = arith.constant 32 : i32
          %add3A_226 = arith.addi %mul3A_192, %add3A_225 : i32
          %swap3A_227 = arith.index_cast %add3A_226 : i32 to index
          %swap3A_228 = tpu.vector_load %arg14[%swap3A_227] {strides = array<i32>} : memref<2048xf32, #tpu.memory_space<vmem>>, vector<16xf32>,
          tpu.vector_store %arg14[%swap3A_227], %gather3A_224 {strides = array<i32>} : memref<2048xf32, #tpu.memory_space<vmem>>, vector<16xf32>,
          %gather3A_229 = tpu.vector_load_idx %arg13[%add3A_223, %add3A_172] : memref<128x128xf32, #tpu.memory_space<vmem>>[vector<16xi32>, vector<16xi32>], vector<16xf32>,
          %add3A_230 = arith.constant 32 : i32
          %add3A_231 = arith.addi %mul3A_192, %add3A_230 : i32
          %swap3A_232 = arith.index_cast %add3A_231 : i32 to index
          %swap3A_233 = tpu.vector_load %arg15[%swap3A_232] {strides = array<i32>} : memref<2048xf32, #tpu.memory_space<vmem>>, vector<16xf32>,
          tpu.vector_store %arg15[%swap3A_232], %gather3A_229 {strides = array<i32>} : memref<2048xf32, #tpu.memory_space<vmem>>, vector<16xf32>,
          %iota3A_234 = tpu.iota {dimensions = array<i32: 0>} : vector<16xi32>
          %add3A_235 = arith.constant 112 : i32
          %add3A_236 = vector.broadcast %add3A_235 : i32 to vector<16xi32>
          %add3A_237 = arith.addi %iota3A_234, %add3A_236 : vector<16xi32>
          %gather3A_238 = tpu.vector_load_idx %arg12[%add3A_237, %add3A_172] : memref<128x128xf32, #tpu.memory_space<vmem>>[vector<16xi32>, vector<16xi32>], vector<16xf32>,
          %add3A_239 = arith.constant 48 : i32
          %add3A_240 = arith.addi %mul3A_192, %add3A_239 : i32
          %swap3A_241 = arith.index_cast %add3A_240 : i32 to index
          %swap3A_242 = tpu.vector_load %arg14[%swap3A_241] {strides = array<i32>} : memref<2048xf32, #tpu.memory_space<vmem>>, vector<16xf32>,
          tpu.vector_store %arg14[%swap3A_241], %gather3A_238 {strides = array<i32>} : memref<2048xf32, #tpu.memory_space<vmem>>, vector<16xf32>,
          %gather3A_243 = tpu.vector_load_idx %arg13[%add3A_237, %add3A_172] : memref<128x128xf32, #tpu.memory_space<vmem>>[vector<16xi32>, vector<16xi32>], vector<16xf32>,
          %add3A_244 = arith.constant 48 : i32
          %add3A_245 = arith.addi %mul3A_192, %add3A_244 : i32
          %swap3A_246 = arith.index_cast %add3A_245 : i32 to index
          %swap3A_247 = tpu.vector_load %arg15[%swap3A_246] {strides = array<i32>} : memref<2048xf32, #tpu.memory_space<vmem>>, vector<16xf32>,
          tpu.vector_store %arg15[%swap3A_246], %gather3A_243 {strides = array<i32>} : memref<2048xf32, #tpu.memory_space<vmem>>, vector<16xf32>,
          %ge3A = arith.constant 32 : i32
          %ge3A_248 = arith.cmpi sge, %while3A_160, %ge3A : i32
          %convert_element_type3A_249 = arith.extui %ge3A_248 : i1 to i32
          %cond3A_250 = arith.constant 0 : i32
          %cond3A_251 = arith.cmpi ne, %convert_element_type3A_249, %cond3A_250 : i32
          scf.if %cond3A_251 {
            %dma_wait3A_266 = arith.constant 0 : i32
            %dma_wait3A_267 = tpu.memref_slice %arg14[%dma_wait3A_266] : memref<2048xf32, #tpu.memory_space<vmem>> -> memref<64xf32, #tpu.memory_space<vmem>>
            %dma_wait3A_268 = arith.constant 0 : i32
            %dma_wait3A_269 = tpu.memref_slice %arg6[%dma_wait3A_268] : memref<1048576xf32, #tpu.memory_space<hbm>> -> memref<64xf32, #tpu.memory_space<hbm>>
            %dma_wait3A_270 = arith.constant 0 : i32
            %dma_wait3A_271 = tpu.memref_slice %arg6[%dma_wait3A_270] : memref<1048576xf32, #tpu.memory_space<hbm>> -> memref<64xf32, #tpu.memory_space<hbm>>
            %dma_wait3A_272 = arith.constant 0 : i32
            %dma_wait3A_273 = tpu.memref_slice %arg14[%dma_wait3A_272] : memref<2048xf32, #tpu.memory_space<vmem>> -> memref<64xf32, #tpu.memory_space<vmem>>
            tpu.wait_dma2 semaphore(%arg18 : memref<!tpu.dma_semaphore, #tpu.memory_space<semaphore_mem>>) src(%dma_wait3A_273 : memref<64xf32, #tpu.memory_space<vmem>>) dst(%dma_wait3A_271 : memref<64xf32, #tpu.memory_space<hbm>>)
            %dma_wait3A_274 = arith.constant 0 : i32
            %dma_wait3A_275 = tpu.memref_slice %arg15[%dma_wait3A_274] : memref<2048xf32, #tpu.memory_space<vmem>> -> memref<64xf32, #tpu.memory_space<vmem>>
            %dma_wait3A_276 = arith.constant 0 : i32
            %dma_wait3A_277 = tpu.memref_slice %arg7[%dma_wait3A_276] : memref<1048576xf32, #tpu.memory_space<hbm>> -> memref<64xf32, #tpu.memory_space<hbm>>
            %dma_wait3A_278 = arith.constant 0 : i32
            %dma_wait3A_279 = tpu.memref_slice %arg7[%dma_wait3A_278] : memref<1048576xf32, #tpu.memory_space<hbm>> -> memref<64xf32, #tpu.memory_space<hbm>>
            %dma_wait3A_280 = arith.constant 0 : i32
            %dma_wait3A_281 = tpu.memref_slice %arg15[%dma_wait3A_280] : memref<2048xf32, #tpu.memory_space<vmem>> -> memref<64xf32, #tpu.memory_space<vmem>>
            tpu.wait_dma2 semaphore(%arg18 : memref<!tpu.dma_semaphore, #tpu.memory_space<semaphore_mem>>) src(%dma_wait3A_281 : memref<64xf32, #tpu.memory_space<vmem>>) dst(%dma_wait3A_279 : memref<64xf32, #tpu.memory_space<hbm>>)
          } else {
          }
          %mul3A_252 = arith.constant 64 : i32
          %mul3A_253 = arith.muli %squeeze3A_179, %mul3A_252 : i32
          %dma_start3A_254 = tpu.memref_slice %arg14[%mul3A_192] : memref<2048xf32, #tpu.memory_space<vmem>> -> memref<64xf32, #tpu.memory_space<vmem>>
          %dma_start3A_255 = tpu.memref_slice %arg6[%mul3A_253] : memref<1048576xf32, #tpu.memory_space<hbm>> -> memref<64xf32, #tpu.memory_space<hbm>>
          %dma_start3A_256 = tpu.memref_slice %arg6[%mul3A_253] : memref<1048576xf32, #tpu.memory_space<hbm>> -> memref<64xf32, #tpu.memory_space<hbm>>
          %dma_start3A_257 = tpu.memref_slice %arg14[%mul3A_192] : memref<2048xf32, #tpu.memory_space<vmem>> -> memref<64xf32, #tpu.memory_space<vmem>>
          tpu.enqueue_dma source(%dma_start3A_257 : memref<64xf32, #tpu.memory_space<vmem>>) target(%dma_start3A_256 : memref<64xf32, #tpu.memory_space<hbm>>) target_semaphore(%arg18 : memref<!tpu.dma_semaphore, #tpu.memory_space<semaphore_mem>>)
          %mul3A_258 = arith.constant 64 : i32
          %mul3A_259 = arith.muli %squeeze3A_179, %mul3A_258 : i32
          %dma_start3A_260 = tpu.memref_slice %arg15[%mul3A_192] : memref<2048xf32, #tpu.memory_space<vmem>> -> memref<64xf32, #tpu.memory_space<vmem>>
          %dma_start3A_261 = tpu.memref_slice %arg7[%mul3A_259] : memref<1048576xf32, #tpu.memory_space<hbm>> -> memref<64xf32, #tpu.memory_space<hbm>>
          %dma_start3A_262 = tpu.memref_slice %arg7[%mul3A_259] : memref<1048576xf32, #tpu.memory_space<hbm>> -> memref<64xf32, #tpu.memory_space<hbm>>
          %dma_start3A_263 = tpu.memref_slice %arg15[%mul3A_192] : memref<2048xf32, #tpu.memory_space<vmem>> -> memref<64xf32, #tpu.memory_space<vmem>>
          tpu.enqueue_dma source(%dma_start3A_263 : memref<64xf32, #tpu.memory_space<vmem>>) target(%dma_start3A_262 : memref<64xf32, #tpu.memory_space<hbm>>) target_semaphore(%arg18 : memref<!tpu.dma_semaphore, #tpu.memory_space<semaphore_mem>>)
          %add3A_264 = arith.constant 1 : i32
          %add3A_265 = arith.addi %while3A_160, %add3A_264 : i32
          scf.yield %add3A_265 : i32
        }
        %while3A_157 = arith.constant 1 : i32
        %while3A_158 = scf.for %while3A_159 = %while3A_154 to %while3A_150 step %while3A_157 iter_args(%while3A_160 = %while3A_156) -> (i32)  : i32 {
          %broadcast_in_dim3A_161 = arith.constant 0 : i32
          %broadcast_in_dim3A_162 = vector.broadcast %broadcast_in_dim3A_161 : i32 to vector<16xi32>
          %add3A_163 = vector.broadcast %while3A_159 : i32 to vector<16xi32>
          %add3A_164 = arith.addi %broadcast_in_dim3A_162, %add3A_163 : vector<16xi32>
          %gather3A_165 = tpu.vector_load_idx %arg8[%add3A_164] : memref<512xi32, #tpu.memory_space<vmem>>[vector<16xi32>], vector<16xi32>,
          %slice3A_166 = vector.extract_strided_slice %gather3A_165 {offsets = [0], sizes = [1], strides = [1]} : vector<16xi32> to vector<1xi32>
          %squeeze3A_167 = vector.extract %slice3A_166[0] : i32 from vector<1xi32>
          %and3A = arith.constant 127 : i32
          %and3A_168 = arith.andi %squeeze3A_167, %and3A : i32
          %broadcast_in_dim3A_169 = arith.constant 0 : i32
          %broadcast_in_dim3A_170 = vector.broadcast %broadcast_in_dim3A_169 : i32 to vector<16xi32>
          %add3A_171 = vector.broadcast %and3A_168 : i32 to vector<16xi32>
          %add3A_172 = arith.addi %broadcast_in_dim3A_170, %add3A_171 : vector<16xi32>
          %broadcast_in_dim3A_173 = arith.constant 0 : i32
          %broadcast_in_dim3A_174 = vector.broadcast %broadcast_in_dim3A_173 : i32 to vector<16xi32>
          %add3A_175 = vector.broadcast %while3A_159 : i32 to vector<16xi32>
          %add3A_176 = arith.addi %broadcast_in_dim3A_174, %add3A_175 : vector<16xi32>
          %gather3A_177 = tpu.vector_load_idx %arg9[%add3A_176] : memref<512xi32, #tpu.memory_space<vmem>>[vector<16xi32>], vector<16xi32>,
          %slice3A_178 = vector.extract_strided_slice %gather3A_177 {offsets = [0], sizes = [1], strides = [1]} : vector<16xi32> to vector<1xi32>
          %squeeze3A_179 = vector.extract %slice3A_178[0] : i32 from vector<1xi32>
          %jit3A = arith.constant 32 : i32
          %eq3A = arith.constant 0 : i32
          %eq3A_180 = arith.cmpi eq, %jit3A, %eq3A : i32
          %jit3A_181 = arith.constant 1 : i32
          %select_n3A = arith.select %eq3A_180, %jit3A_181, %jit3A : i32
          %rem3A = arith.remsi %while3A_160, %select_n3A : i32
          %ne3A = arith.constant 0 : i32
          %ne3A_182 = arith.cmpi ne, %rem3A, %ne3A : i32
          %lt3A_183 = arith.constant 0 : i32
          %lt3A_184 = arith.cmpi slt, %rem3A, %lt3A_183 : i32
          %lt3A_185 = arith.constant 0 : i32
          %lt3A_186 = arith.cmpi slt, %select_n3A, %lt3A_185 : i32
          %ne3A_187 = arith.xori %lt3A_184, %lt3A_186 : i1
          %and3A_188 = arith.andi %ne3A_187, %ne3A_182 : i1
          %add3A_189 = arith.addi %rem3A, %select_n3A : i32
          %select_n3A_190 = arith.select %and3A_188, %add3A_189, %rem3A : i32
          %mul3A_191 = arith.constant 64 : i32
          %mul3A_192 = arith.muli %select_n3A_190, %mul3A_191 : i32
          %iota3A = tpu.iota {dimensions = array<i32: 0>} : vector<16xi32>
          %add3A_193 = arith.constant 64 : i32
          %add3A_194 = vector.broadcast %add3A_193 : i32 to vector<16xi32>
          %add3A_195 = arith.addi %iota3A, %add3A_194 : vector<16xi32>
          %gather3A_196 = tpu.vector_load_idx %arg12[%add3A_195, %add3A_172] : memref<128x128xf32, #tpu.memory_space<vmem>>[vector<16xi32>, vector<16xi32>], vector<16xf32>,
          %add3A_197 = arith.constant 0 : i32
          %add3A_198 = arith.addi %mul3A_192, %add3A_197 : i32
          %swap3A_199 = arith.index_cast %add3A_198 : i32 to index
          %swap3A_200 = tpu.vector_load %arg14[%swap3A_199] {strides = array<i32>} : memref<2048xf32, #tpu.memory_space<vmem>>, vector<16xf32>,
          tpu.vector_store %arg14[%swap3A_199], %gather3A_196 {strides = array<i32>} : memref<2048xf32, #tpu.memory_space<vmem>>, vector<16xf32>,
          %gather3A_201 = tpu.vector_load_idx %arg13[%add3A_195, %add3A_172] : memref<128x128xf32, #tpu.memory_space<vmem>>[vector<16xi32>, vector<16xi32>], vector<16xf32>,
          %add3A_202 = arith.constant 0 : i32
          %add3A_203 = arith.addi %mul3A_192, %add3A_202 : i32
          %swap3A_204 = arith.index_cast %add3A_203 : i32 to index
          %swap3A_205 = tpu.vector_load %arg15[%swap3A_204] {strides = array<i32>} : memref<2048xf32, #tpu.memory_space<vmem>>, vector<16xf32>,
          tpu.vector_store %arg15[%swap3A_204], %gather3A_201 {strides = array<i32>} : memref<2048xf32, #tpu.memory_space<vmem>>, vector<16xf32>,
          %iota3A_206 = tpu.iota {dimensions = array<i32: 0>} : vector<16xi32>
          %add3A_207 = arith.constant 80 : i32
          %add3A_208 = vector.broadcast %add3A_207 : i32 to vector<16xi32>
          %add3A_209 = arith.addi %iota3A_206, %add3A_208 : vector<16xi32>
          %gather3A_210 = tpu.vector_load_idx %arg12[%add3A_209, %add3A_172] : memref<128x128xf32, #tpu.memory_space<vmem>>[vector<16xi32>, vector<16xi32>], vector<16xf32>,
          %add3A_211 = arith.constant 16 : i32
          %add3A_212 = arith.addi %mul3A_192, %add3A_211 : i32
          %swap3A_213 = arith.index_cast %add3A_212 : i32 to index
          %swap3A_214 = tpu.vector_load %arg14[%swap3A_213] {strides = array<i32>} : memref<2048xf32, #tpu.memory_space<vmem>>, vector<16xf32>,
          tpu.vector_store %arg14[%swap3A_213], %gather3A_210 {strides = array<i32>} : memref<2048xf32, #tpu.memory_space<vmem>>, vector<16xf32>,
          %gather3A_215 = tpu.vector_load_idx %arg13[%add3A_209, %add3A_172] : memref<128x128xf32, #tpu.memory_space<vmem>>[vector<16xi32>, vector<16xi32>], vector<16xf32>,
          %add3A_216 = arith.constant 16 : i32
          %add3A_217 = arith.addi %mul3A_192, %add3A_216 : i32
          %swap3A_218 = arith.index_cast %add3A_217 : i32 to index
          %swap3A_219 = tpu.vector_load %arg15[%swap3A_218] {strides = array<i32>} : memref<2048xf32, #tpu.memory_space<vmem>>, vector<16xf32>,
          tpu.vector_store %arg15[%swap3A_218], %gather3A_215 {strides = array<i32>} : memref<2048xf32, #tpu.memory_space<vmem>>, vector<16xf32>,
          %iota3A_220 = tpu.iota {dimensions = array<i32: 0>} : vector<16xi32>
          %add3A_221 = arith.constant 96 : i32
          %add3A_222 = vector.broadcast %add3A_221 : i32 to vector<16xi32>
          %add3A_223 = arith.addi %iota3A_220, %add3A_222 : vector<16xi32>
          %gather3A_224 = tpu.vector_load_idx %arg12[%add3A_223, %add3A_172] : memref<128x128xf32, #tpu.memory_space<vmem>>[vector<16xi32>, vector<16xi32>], vector<16xf32>,
          %add3A_225 = arith.constant 32 : i32
          %add3A_226 = arith.addi %mul3A_192, %add3A_225 : i32
          %swap3A_227 = arith.index_cast %add3A_226 : i32 to index
          %swap3A_228 = tpu.vector_load %arg14[%swap3A_227] {strides = array<i32>} : memref<2048xf32, #tpu.memory_space<vmem>>, vector<16xf32>,
          tpu.vector_store %arg14[%swap3A_227], %gather3A_224 {strides = array<i32>} : memref<2048xf32, #tpu.memory_space<vmem>>, vector<16xf32>,
          %gather3A_229 = tpu.vector_load_idx %arg13[%add3A_223, %add3A_172] : memref<128x128xf32, #tpu.memory_space<vmem>>[vector<16xi32>, vector<16xi32>], vector<16xf32>,
          %add3A_230 = arith.constant 32 : i32
          %add3A_231 = arith.addi %mul3A_192, %add3A_230 : i32
          %swap3A_232 = arith.index_cast %add3A_231 : i32 to index
          %swap3A_233 = tpu.vector_load %arg15[%swap3A_232] {strides = array<i32>} : memref<2048xf32, #tpu.memory_space<vmem>>, vector<16xf32>,
          tpu.vector_store %arg15[%swap3A_232], %gather3A_229 {strides = array<i32>} : memref<2048xf32, #tpu.memory_space<vmem>>, vector<16xf32>,
          %iota3A_234 = tpu.iota {dimensions = array<i32: 0>} : vector<16xi32>
          %add3A_235 = arith.constant 112 : i32
          %add3A_236 = vector.broadcast %add3A_235 : i32 to vector<16xi32>
          %add3A_237 = arith.addi %iota3A_234, %add3A_236 : vector<16xi32>
          %gather3A_238 = tpu.vector_load_idx %arg12[%add3A_237, %add3A_172] : memref<128x128xf32, #tpu.memory_space<vmem>>[vector<16xi32>, vector<16xi32>], vector<16xf32>,
          %add3A_239 = arith.constant 48 : i32
          %add3A_240 = arith.addi %mul3A_192, %add3A_239 : i32
          %swap3A_241 = arith.index_cast %add3A_240 : i32 to index
          %swap3A_242 = tpu.vector_load %arg14[%swap3A_241] {strides = array<i32>} : memref<2048xf32, #tpu.memory_space<vmem>>, vector<16xf32>,
          tpu.vector_store %arg14[%swap3A_241], %gather3A_238 {strides = array<i32>} : memref<2048xf32, #tpu.memory_space<vmem>>, vector<16xf32>,
          %gather3A_243 = tpu.vector_load_idx %arg13[%add3A_237, %add3A_172] : memref<128x128xf32, #tpu.memory_space<vmem>>[vector<16xi32>, vector<16xi32>], vector<16xf32>,
          %add3A_244 = arith.constant 48 : i32
          %add3A_245 = arith.addi %mul3A_192, %add3A_244 : i32
          %swap3A_246 = arith.index_cast %add3A_245 : i32 to index
          %swap3A_247 = tpu.vector_load %arg15[%swap3A_246] {strides = array<i32>} : memref<2048xf32, #tpu.memory_space<vmem>>, vector<16xf32>,
          tpu.vector_store %arg15[%swap3A_246], %gather3A_243 {strides = array<i32>} : memref<2048xf32, #tpu.memory_space<vmem>>, vector<16xf32>,
          %ge3A = arith.constant 32 : i32
          %ge3A_248 = arith.cmpi sge, %while3A_160, %ge3A : i32
          %convert_element_type3A_249 = arith.extui %ge3A_248 : i1 to i32
          %cond3A_250 = arith.constant 0 : i32
          %cond3A_251 = arith.cmpi ne, %convert_element_type3A_249, %cond3A_250 : i32
          scf.if %cond3A_251 {
            %dma_wait3A_266 = arith.constant 0 : i32
            %dma_wait3A_267 = tpu.memref_slice %arg14[%dma_wait3A_266] : memref<2048xf32, #tpu.memory_space<vmem>> -> memref<64xf32, #tpu.memory_space<vmem>>
            %dma_wait3A_268 = arith.constant 0 : i32
            %dma_wait3A_269 = tpu.memref_slice %arg6[%dma_wait3A_268] : memref<1048576xf32, #tpu.memory_space<hbm>> -> memref<64xf32, #tpu.memory_space<hbm>>
            %dma_wait3A_270 = arith.constant 0 : i32
            %dma_wait3A_271 = tpu.memref_slice %arg6[%dma_wait3A_270] : memref<1048576xf32, #tpu.memory_space<hbm>> -> memref<64xf32, #tpu.memory_space<hbm>>
            %dma_wait3A_272 = arith.constant 0 : i32
            %dma_wait3A_273 = tpu.memref_slice %arg14[%dma_wait3A_272] : memref<2048xf32, #tpu.memory_space<vmem>> -> memref<64xf32, #tpu.memory_space<vmem>>
            tpu.wait_dma2 semaphore(%arg18 : memref<!tpu.dma_semaphore, #tpu.memory_space<semaphore_mem>>) src(%dma_wait3A_273 : memref<64xf32, #tpu.memory_space<vmem>>) dst(%dma_wait3A_271 : memref<64xf32, #tpu.memory_space<hbm>>)
            %dma_wait3A_274 = arith.constant 0 : i32
            %dma_wait3A_275 = tpu.memref_slice %arg15[%dma_wait3A_274] : memref<2048xf32, #tpu.memory_space<vmem>> -> memref<64xf32, #tpu.memory_space<vmem>>
            %dma_wait3A_276 = arith.constant 0 : i32
            %dma_wait3A_277 = tpu.memref_slice %arg7[%dma_wait3A_276] : memref<1048576xf32, #tpu.memory_space<hbm>> -> memref<64xf32, #tpu.memory_space<hbm>>
            %dma_wait3A_278 = arith.constant 0 : i32
            %dma_wait3A_279 = tpu.memref_slice %arg7[%dma_wait3A_278] : memref<1048576xf32, #tpu.memory_space<hbm>> -> memref<64xf32, #tpu.memory_space<hbm>>
            %dma_wait3A_280 = arith.constant 0 : i32
            %dma_wait3A_281 = tpu.memref_slice %arg15[%dma_wait3A_280] : memref<2048xf32, #tpu.memory_space<vmem>> -> memref<64xf32, #tpu.memory_space<vmem>>
            tpu.wait_dma2 semaphore(%arg18 : memref<!tpu.dma_semaphore, #tpu.memory_space<semaphore_mem>>) src(%dma_wait3A_281 : memref<64xf32, #tpu.memory_space<vmem>>) dst(%dma_wait3A_279 : memref<64xf32, #tpu.memory_space<hbm>>)
          } else {
          }
          %mul3A_252 = arith.constant 64 : i32
          %mul3A_253 = arith.muli %squeeze3A_179, %mul3A_252 : i32
          %dma_start3A_254 = tpu.memref_slice %arg14[%mul3A_192] : memref<2048xf32, #tpu.memory_space<vmem>> -> memref<64xf32, #tpu.memory_space<vmem>>
          %dma_start3A_255 = tpu.memref_slice %arg6[%mul3A_253] : memref<1048576xf32, #tpu.memory_space<hbm>> -> memref<64xf32, #tpu.memory_space<hbm>>
          %dma_start3A_256 = tpu.memref_slice %arg6[%mul3A_253] : memref<1048576xf32, #tpu.memory_space<hbm>> -> memref<64xf32, #tpu.memory_space<hbm>>
          %dma_start3A_257 = tpu.memref_slice %arg14[%mul3A_192] : memref<2048xf32, #tpu.memory_space<vmem>> -> memref<64xf32, #tpu.memory_space<vmem>>
          tpu.enqueue_dma source(%dma_start3A_257 : memref<64xf32, #tpu.memory_space<vmem>>) target(%dma_start3A_256 : memref<64xf32, #tpu.memory_space<hbm>>) target_semaphore(%arg18 : memref<!tpu.dma_semaphore, #tpu.memory_space<semaphore_mem>>)
          %mul3A_258 = arith.constant 64 : i32
          %mul3A_259 = arith.muli %squeeze3A_179, %mul3A_258 : i32
          %dma_start3A_260 = tpu.memref_slice %arg15[%mul3A_192] : memref<2048xf32, #tpu.memory_space<vmem>> -> memref<64xf32, #tpu.memory_space<vmem>>
          %dma_start3A_261 = tpu.memref_slice %arg7[%mul3A_259] : memref<1048576xf32, #tpu.memory_space<hbm>> -> memref<64xf32, #tpu.memory_space<hbm>>
          %dma_start3A_262 = tpu.memref_slice %arg7[%mul3A_259] : memref<1048576xf32, #tpu.memory_space<hbm>> -> memref<64xf32, #tpu.memory_space<hbm>>
          %dma_start3A_263 = tpu.memref_slice %arg15[%mul3A_192] : memref<2048xf32, #tpu.memory_space<vmem>> -> memref<64xf32, #tpu.memory_space<vmem>>
          tpu.enqueue_dma source(%dma_start3A_263 : memref<64xf32, #tpu.memory_space<vmem>>) target(%dma_start3A_262 : memref<64xf32, #tpu.memory_space<hbm>>) target_semaphore(%arg18 : memref<!tpu.dma_semaphore, #tpu.memory_space<semaphore_mem>>)
          %add3A_264 = arith.constant 1 : i32
          %add3A_265 = arith.addi %while3A_160, %add3A_264 : i32
          scf.yield %add3A_265 : i32
        }
        scf.yield %while3A_158 : i32
      } else {
        scf.yield %cond3A_94 : i32
      }
      scf.yield %cond3A_107 : i32
    }
    %scan3A_67 = arith.constant 256 : i32
    %dma_wait3A = arith.constant 0 : i32
    %dma_wait3A_68 = tpu.memref_slice %arg14[%dma_wait3A] : memref<2048xf32, #tpu.memory_space<vmem>> -> memref<2048xf32, #tpu.memory_space<vmem>>
    %dma_wait3A_69 = arith.constant 0 : i32
    %dma_wait3A_70 = tpu.memref_slice %arg6[%dma_wait3A_69] : memref<1048576xf32, #tpu.memory_space<hbm>> -> memref<2048xf32, #tpu.memory_space<hbm>>
    %dma_wait3A_71 = arith.constant 0 : i32
    %dma_wait3A_72 = tpu.memref_slice %arg6[%dma_wait3A_71] : memref<1048576xf32, #tpu.memory_space<hbm>> -> memref<2048xf32, #tpu.memory_space<hbm>>
    %dma_wait3A_73 = arith.constant 0 : i32
    %dma_wait3A_74 = tpu.memref_slice %arg14[%dma_wait3A_73] : memref<2048xf32, #tpu.memory_space<vmem>> -> memref<2048xf32, #tpu.memory_space<vmem>>
    tpu.wait_dma2 semaphore(%arg18 : memref<!tpu.dma_semaphore, #tpu.memory_space<semaphore_mem>>) src(%dma_wait3A_74 : memref<2048xf32, #tpu.memory_space<vmem>>) dst(%dma_wait3A_72 : memref<2048xf32, #tpu.memory_space<hbm>>)
    %dma_wait3A_75 = arith.constant 0 : i32
    %dma_wait3A_76 = tpu.memref_slice %arg15[%dma_wait3A_75] : memref<2048xf32, #tpu.memory_space<vmem>> -> memref<2048xf32, #tpu.memory_space<vmem>>
    %dma_wait3A_77 = arith.constant 0 : i32
    %dma_wait3A_78 = tpu.memref_slice %arg7[%dma_wait3A_77] : memref<1048576xf32, #tpu.memory_space<hbm>> -> memref<2048xf32, #tpu.memory_space<hbm>>
    %dma_wait3A_79 = arith.constant 0 : i32
    %dma_wait3A_80 = tpu.memref_slice %arg7[%dma_wait3A_79] : memref<1048576xf32, #tpu.memory_space<hbm>> -> memref<2048xf32, #tpu.memory_space<hbm>>
    %dma_wait3A_81 = arith.constant 0 : i32
    %dma_wait3A_82 = tpu.memref_slice %arg15[%dma_wait3A_81] : memref<2048xf32, #tpu.memory_space<vmem>> -> memref<2048xf32, #tpu.memory_space<vmem>>
    tpu.wait_dma2 semaphore(%arg18 : memref<!tpu.dma_semaphore, #tpu.memory_space<semaphore_mem>>) src(%dma_wait3A_82 : memref<2048xf32, #tpu.memory_space<vmem>>) dst(%dma_wait3A_80 : memref<2048xf32, #tpu.memory_space<hbm>>)
    return
  }
}

#map = affine_map<(d0, d1) -> (0)>
#map1 = affine_map<(d0, d1) -> (0, 0)>
module attributes {stable_mosaic.version = 14 : i64} {
  func.func @_k2(%arg0: i32, %arg1: i32, %arg2: memref<1048576xf32, #tpu.memory_space<hbm>>, %arg3: memref<1048576xf32, #tpu.memory_space<hbm>>, %arg4: memref<64x16384xf32, #tpu.memory_space<hbm>>, %arg5: memref<64x16384xf32, #tpu.memory_space<hbm>>, %arg6: memref<32768xf32, #tpu.memory_space<vmem>>, %arg7: memref<32768xf32, #tpu.memory_space<vmem>>, %arg8: memref<64x512xf32, #tpu.memory_space<vmem>>, %arg9: memref<!tpu.dma_semaphore, #tpu.memory_space<semaphore_mem>>, %arg10: memref<!tpu.dma_semaphore, #tpu.memory_space<semaphore_mem>>) attributes {dimension_semantics = [#tpu.dimension_semantics<core_parallel>, #tpu.dimension_semantics<subcore_parallel>], iteration_bounds = array<i64: 2, 16>, scalar_prefetch = 0 : i64, scratch_operands = 5 : i64, tpu.core_type = #tpu.core_type<sc_vector_subcore>, window_params = [{transform_indices = #map}, {transform_indices = #map}, {transform_indices = #map1}, {transform_indices = #map1}]} {
    %mul3A = arith.constant 2 : i32
    %mul3A_0 = arith.muli %arg1, %mul3A : i32
    %add3A = arith.addi %mul3A_0, %arg0 : i32
    %mul3A_1 = arith.constant 512 : i32
    %mul3A_2 = arith.muli %add3A, %mul3A_1 : i32
    %mul3A_3 = arith.constant 64 : i32
    %mul3A_4 = arith.muli %mul3A_2, %mul3A_3 : i32
    %dma_start3A = tpu.memref_slice %arg2[%mul3A_4] : memref<1048576xf32, #tpu.memory_space<hbm>> -> memref<32768xf32, #tpu.memory_space<hbm>>
    %dma_start3A_5 = tpu.memref_slice %arg2[%mul3A_4] : memref<1048576xf32, #tpu.memory_space<hbm>> -> memref<32768xf32, #tpu.memory_space<hbm>>
    tpu.enqueue_dma source(%dma_start3A_5 : memref<32768xf32, #tpu.memory_space<hbm>>) target(%arg6 : memref<32768xf32, #tpu.memory_space<vmem>>) target_semaphore(%arg9 : memref<!tpu.dma_semaphore, #tpu.memory_space<semaphore_mem>>)
    %mul3A_6 = arith.constant 64 : i32
    %mul3A_7 = arith.muli %mul3A_2, %mul3A_6 : i32
    %dma_start3A_8 = tpu.memref_slice %arg3[%mul3A_7] : memref<1048576xf32, #tpu.memory_space<hbm>> -> memref<32768xf32, #tpu.memory_space<hbm>>
    %dma_start3A_9 = tpu.memref_slice %arg3[%mul3A_7] : memref<1048576xf32, #tpu.memory_space<hbm>> -> memref<32768xf32, #tpu.memory_space<hbm>>
    tpu.enqueue_dma source(%dma_start3A_9 : memref<32768xf32, #tpu.memory_space<hbm>>) target(%arg7 : memref<32768xf32, #tpu.memory_space<vmem>>) target_semaphore(%arg10 : memref<!tpu.dma_semaphore, #tpu.memory_space<semaphore_mem>>)
    %dma_wait3A = arith.constant 0 : i32
    %dma_wait3A_10 = tpu.memref_slice %arg2[%dma_wait3A] : memref<1048576xf32, #tpu.memory_space<hbm>> -> memref<32768xf32, #tpu.memory_space<hbm>>
    %dma_wait3A_11 = arith.constant 0 : i32
    %dma_wait3A_12 = tpu.memref_slice %arg2[%dma_wait3A_11] : memref<1048576xf32, #tpu.memory_space<hbm>> -> memref<32768xf32, #tpu.memory_space<hbm>>
    tpu.wait_dma2 semaphore(%arg9 : memref<!tpu.dma_semaphore, #tpu.memory_space<semaphore_mem>>) src(%dma_wait3A_12 : memref<32768xf32, #tpu.memory_space<hbm>>) dst(%arg6 : memref<32768xf32, #tpu.memory_space<vmem>>)
    %scan3A = arith.constant 0 : i32
    %scan3A_13 = arith.constant 0 : i32
    %scan3A_14 = arith.constant 32 : i32
    %scan3A_15 = arith.addi %scan3A_13, %scan3A_14 : i32
    %scan3A_16 = arith.constant 1 : i32
    scf.for %scan3A_28 = %scan3A_13 to %scan3A_15 step %scan3A_16  : i32 {
      %mul3A_29 = arith.constant 16 : i32
      %mul3A_30 = arith.muli %scan3A_28, %mul3A_29 : i32
      %iota3A = tpu.iota {dimensions = array<i32: 0>} : vector<16xi32>
      %add3A_31 = vector.broadcast %mul3A_30 : i32 to vector<16xi32>
      %add3A_32 = arith.addi %iota3A, %add3A_31 : vector<16xi32>
      %mul3A_33 = arith.constant 64 : i32
      %mul3A_34 = vector.broadcast %mul3A_33 : i32 to vector<16xi32>
      %mul3A_35 = arith.muli %add3A_32, %mul3A_34 : vector<16xi32>
      %add3A_36 = arith.constant 0 : i32
      %add3A_37 = vector.broadcast %add3A_36 : i32 to vector<16xi32>
      %add3A_38 = arith.addi %mul3A_35, %add3A_37 : vector<16xi32>
      %gather3A = tpu.vector_load_idx %arg6[%add3A_38] : memref<32768xf32, #tpu.memory_space<vmem>>[vector<16xi32>], vector<16xf32>,
      %swap3A = arith.constant 0 : i32
      %swap3A_39 = arith.index_cast %swap3A : i32 to index
      %swap3A_40 = arith.index_cast %mul3A_30 : i32 to index
      %swap3A_41 = tpu.vector_load %arg8[%swap3A_39, %swap3A_40] {strides = array<i32>} : memref<64x512xf32, #tpu.memory_space<vmem>>, vector<16xf32>,
      tpu.vector_store %arg8[%swap3A_39, %swap3A_40], %gather3A {strides = array<i32>} : memref<64x512xf32, #tpu.memory_space<vmem>>, vector<16xf32>,
      %iota3A_42 = tpu.iota {dimensions = array<i32: 0>} : vector<16xi32>
      %add3A_43 = vector.broadcast %mul3A_30 : i32 to vector<16xi32>
      %add3A_44 = arith.addi %iota3A_42, %add3A_43 : vector<16xi32>
      %mul3A_45 = arith.constant 64 : i32
      %mul3A_46 = vector.broadcast %mul3A_45 : i32 to vector<16xi32>
      %mul3A_47 = arith.muli %add3A_44, %mul3A_46 : vector<16xi32>
      %add3A_48 = arith.constant 1 : i32
      %add3A_49 = vector.broadcast %add3A_48 : i32 to vector<16xi32>
      %add3A_50 = arith.addi %mul3A_47, %add3A_49 : vector<16xi32>
      %gather3A_51 = tpu.vector_load_idx %arg6[%add3A_50] : memref<32768xf32, #tpu.memory_space<vmem>>[vector<16xi32>], vector<16xf32>,
      %swap3A_52 = arith.constant 1 : i32
      %swap3A_53 = arith.index_cast %swap3A_52 : i32 to index
      %swap3A_54 = arith.index_cast %mul3A_30 : i32 to index
      %swap3A_55 = tpu.vector_load %arg8[%swap3A_53, %swap3A_54] {strides = array<i32>} : memref<64x512xf32, #tpu.memory_space<vmem>>, vector<16xf32>,
      tpu.vector_store %arg8[%swap3A_53, %swap3A_54], %gather3A_51 {strides = array<i32>} : memref<64x512xf32, #tpu.memory_space<vmem>>, vector<16xf32>,
      %iota3A_56 = tpu.iota {dimensions = array<i32: 0>} : vector<16xi32>
      %add3A_57 = vector.broadcast %mul3A_30 : i32 to vector<16xi32>
      %add3A_58 = arith.addi %iota3A_56, %add3A_57 : vector<16xi32>
      %mul3A_59 = arith.constant 64 : i32
      %mul3A_60 = vector.broadcast %mul3A_59 : i32 to vector<16xi32>
      %mul3A_61 = arith.muli %add3A_58, %mul3A_60 : vector<16xi32>
      %add3A_62 = arith.constant 2 : i32
      %add3A_63 = vector.broadcast %add3A_62 : i32 to vector<16xi32>
      %add3A_64 = arith.addi %mul3A_61, %add3A_63 : vector<16xi32>
      %gather3A_65 = tpu.vector_load_idx %arg6[%add3A_64] : memref<32768xf32, #tpu.memory_space<vmem>>[vector<16xi32>], vector<16xf32>,
      %swap3A_66 = arith.constant 2 : i32
      %swap3A_67 = arith.index_cast %swap3A_66 : i32 to index
      %swap3A_68 = arith.index_cast %mul3A_30 : i32 to index
      %swap3A_69 = tpu.vector_load %arg8[%swap3A_67, %swap3A_68] {strides = array<i32>} : memref<64x512xf32, #tpu.memory_space<vmem>>, vector<16xf32>,
      tpu.vector_store %arg8[%swap3A_67, %swap3A_68], %gather3A_65 {strides = array<i32>} : memref<64x512xf32, #tpu.memory_space<vmem>>, vector<16xf32>,
      %iota3A_70 = tpu.iota {dimensions = array<i32: 0>} : vector<16xi32>
      %add3A_71 = vector.broadcast %mul3A_30 : i32 to vector<16xi32>
      %add3A_72 = arith.addi %iota3A_70, %add3A_71 : vector<16xi32>
      %mul3A_73 = arith.constant 64 : i32
      %mul3A_74 = vector.broadcast %mul3A_73 : i32 to vector<16xi32>
      %mul3A_75 = arith.muli %add3A_72, %mul3A_74 : vector<16xi32>
      %add3A_76 = arith.constant 3 : i32
      %add3A_77 = vector.broadcast %add3A_76 : i32 to vector<16xi32>
      %add3A_78 = arith.addi %mul3A_75, %add3A_77 : vector<16xi32>
      %gather3A_79 = tpu.vector_load_idx %arg6[%add3A_78] : memref<32768xf32, #tpu.memory_space<vmem>>[vector<16xi32>], vector<16xf32>,
      %swap3A_80 = arith.constant 3 : i32
      %swap3A_81 = arith.index_cast %swap3A_80 : i32 to index
      %swap3A_82 = arith.index_cast %mul3A_30 : i32 to index
      %swap3A_83 = tpu.vector_load %arg8[%swap3A_81, %swap3A_82] {strides = array<i32>} : memref<64x512xf32, #tpu.memory_space<vmem>>, vector<16xf32>,
      tpu.vector_store %arg8[%swap3A_81, %swap3A_82], %gather3A_79 {strides = array<i32>} : memref<64x512xf32, #tpu.memory_space<vmem>>, vector<16xf32>,
      %iota3A_84 = tpu.iota {dimensions = array<i32: 0>} : vector<16xi32>
      %add3A_85 = vector.broadcast %mul3A_30 : i32 to vector<16xi32>
      %add3A_86 = arith.addi %iota3A_84, %add3A_85 : vector<16xi32>
      %mul3A_87 = arith.constant 64 : i32
      %mul3A_88 = vector.broadcast %mul3A_87 : i32 to vector<16xi32>
      %mul3A_89 = arith.muli %add3A_86, %mul3A_88 : vector<16xi32>
      %add3A_90 = arith.constant 4 : i32
      %add3A_91 = vector.broadcast %add3A_90 : i32 to vector<16xi32>
      %add3A_92 = arith.addi %mul3A_89, %add3A_91 : vector<16xi32>
      %gather3A_93 = tpu.vector_load_idx %arg6[%add3A_92] : memref<32768xf32, #tpu.memory_space<vmem>>[vector<16xi32>], vector<16xf32>,
      %swap3A_94 = arith.constant 4 : i32
      %swap3A_95 = arith.index_cast %swap3A_94 : i32 to index
      %swap3A_96 = arith.index_cast %mul3A_30 : i32 to index
      %swap3A_97 = tpu.vector_load %arg8[%swap3A_95, %swap3A_96] {strides = array<i32>} : memref<64x512xf32, #tpu.memory_space<vmem>>, vector<16xf32>,
      tpu.vector_store %arg8[%swap3A_95, %swap3A_96], %gather3A_93 {strides = array<i32>} : memref<64x512xf32, #tpu.memory_space<vmem>>, vector<16xf32>,
      %iota3A_98 = tpu.iota {dimensions = array<i32: 0>} : vector<16xi32>
      %add3A_99 = vector.broadcast %mul3A_30 : i32 to vector<16xi32>
      %add3A_100 = arith.addi %iota3A_98, %add3A_99 : vector<16xi32>
      %mul3A_101 = arith.constant 64 : i32
      %mul3A_102 = vector.broadcast %mul3A_101 : i32 to vector<16xi32>
      %mul3A_103 = arith.muli %add3A_100, %mul3A_102 : vector<16xi32>
      %add3A_104 = arith.constant 5 : i32
      %add3A_105 = vector.broadcast %add3A_104 : i32 to vector<16xi32>
      %add3A_106 = arith.addi %mul3A_103, %add3A_105 : vector<16xi32>
      %gather3A_107 = tpu.vector_load_idx %arg6[%add3A_106] : memref<32768xf32, #tpu.memory_space<vmem>>[vector<16xi32>], vector<16xf32>,
      %swap3A_108 = arith.constant 5 : i32
      %swap3A_109 = arith.index_cast %swap3A_108 : i32 to index
      %swap3A_110 = arith.index_cast %mul3A_30 : i32 to index
      %swap3A_111 = tpu.vector_load %arg8[%swap3A_109, %swap3A_110] {strides = array<i32>} : memref<64x512xf32, #tpu.memory_space<vmem>>, vector<16xf32>,
      tpu.vector_store %arg8[%swap3A_109, %swap3A_110], %gather3A_107 {strides = array<i32>} : memref<64x512xf32, #tpu.memory_space<vmem>>, vector<16xf32>,
      %iota3A_112 = tpu.iota {dimensions = array<i32: 0>} : vector<16xi32>
      %add3A_113 = vector.broadcast %mul3A_30 : i32 to vector<16xi32>
      %add3A_114 = arith.addi %iota3A_112, %add3A_113 : vector<16xi32>
      %mul3A_115 = arith.constant 64 : i32
      %mul3A_116 = vector.broadcast %mul3A_115 : i32 to vector<16xi32>
      %mul3A_117 = arith.muli %add3A_114, %mul3A_116 : vector<16xi32>
      %add3A_118 = arith.constant 6 : i32
      %add3A_119 = vector.broadcast %add3A_118 : i32 to vector<16xi32>
      %add3A_120 = arith.addi %mul3A_117, %add3A_119 : vector<16xi32>
      %gather3A_121 = tpu.vector_load_idx %arg6[%add3A_120] : memref<32768xf32, #tpu.memory_space<vmem>>[vector<16xi32>], vector<16xf32>,
      %swap3A_122 = arith.constant 6 : i32
      %swap3A_123 = arith.index_cast %swap3A_122 : i32 to index
      %swap3A_124 = arith.index_cast %mul3A_30 : i32 to index
      %swap3A_125 = tpu.vector_load %arg8[%swap3A_123, %swap3A_124] {strides = array<i32>} : memref<64x512xf32, #tpu.memory_space<vmem>>, vector<16xf32>,
      tpu.vector_store %arg8[%swap3A_123, %swap3A_124], %gather3A_121 {strides = array<i32>} : memref<64x512xf32, #tpu.memory_space<vmem>>, vector<16xf32>,
      %iota3A_126 = tpu.iota {dimensions = array<i32: 0>} : vector<16xi32>
      %add3A_127 = vector.broadcast %mul3A_30 : i32 to vector<16xi32>
      %add3A_128 = arith.addi %iota3A_126, %add3A_127 : vector<16xi32>
      %mul3A_129 = arith.constant 64 : i32
      %mul3A_130 = vector.broadcast %mul3A_129 : i32 to vector<16xi32>
      %mul3A_131 = arith.muli %add3A_128, %mul3A_130 : vector<16xi32>
      %add3A_132 = arith.constant 7 : i32
      %add3A_133 = vector.broadcast %add3A_132 : i32 to vector<16xi32>
      %add3A_134 = arith.addi %mul3A_131, %add3A_133 : vector<16xi32>
      %gather3A_135 = tpu.vector_load_idx %arg6[%add3A_134] : memref<32768xf32, #tpu.memory_space<vmem>>[vector<16xi32>], vector<16xf32>,
      %swap3A_136 = arith.constant 7 : i32
      %swap3A_137 = arith.index_cast %swap3A_136 : i32 to index
      %swap3A_138 = arith.index_cast %mul3A_30 : i32 to index
      %swap3A_139 = tpu.vector_load %arg8[%swap3A_137, %swap3A_138] {strides = array<i32>} : memref<64x512xf32, #tpu.memory_space<vmem>>, vector<16xf32>,
      tpu.vector_store %arg8[%swap3A_137, %swap3A_138], %gather3A_135 {strides = array<i32>} : memref<64x512xf32, #tpu.memory_space<vmem>>, vector<16xf32>,
      %iota3A_140 = tpu.iota {dimensions = array<i32: 0>} : vector<16xi32>
      %add3A_141 = vector.broadcast %mul3A_30 : i32 to vector<16xi32>
      %add3A_142 = arith.addi %iota3A_140, %add3A_141 : vector<16xi32>
      %mul3A_143 = arith.constant 64 : i32
      %mul3A_144 = vector.broadcast %mul3A_143 : i32 to vector<16xi32>
      %mul3A_145 = arith.muli %add3A_142, %mul3A_144 : vector<16xi32>
      %add3A_146 = arith.constant 8 : i32
      %add3A_147 = vector.broadcast %add3A_146 : i32 to vector<16xi32>
      %add3A_148 = arith.addi %mul3A_145, %add3A_147 : vector<16xi32>
      %gather3A_149 = tpu.vector_load_idx %arg6[%add3A_148] : memref<32768xf32, #tpu.memory_space<vmem>>[vector<16xi32>], vector<16xf32>,
      %swap3A_150 = arith.constant 8 : i32
      %swap3A_151 = arith.index_cast %swap3A_150 : i32 to index
      %swap3A_152 = arith.index_cast %mul3A_30 : i32 to index
      %swap3A_153 = tpu.vector_load %arg8[%swap3A_151, %swap3A_152] {strides = array<i32>} : memref<64x512xf32, #tpu.memory_space<vmem>>, vector<16xf32>,
      tpu.vector_store %arg8[%swap3A_151, %swap3A_152], %gather3A_149 {strides = array<i32>} : memref<64x512xf32, #tpu.memory_space<vmem>>, vector<16xf32>,
      %iota3A_154 = tpu.iota {dimensions = array<i32: 0>} : vector<16xi32>
      %add3A_155 = vector.broadcast %mul3A_30 : i32 to vector<16xi32>
      %add3A_156 = arith.addi %iota3A_154, %add3A_155 : vector<16xi32>
      %mul3A_157 = arith.constant 64 : i32
      %mul3A_158 = vector.broadcast %mul3A_157 : i32 to vector<16xi32>
      %mul3A_159 = arith.muli %add3A_156, %mul3A_158 : vector<16xi32>
      %add3A_160 = arith.constant 9 : i32
      %add3A_161 = vector.broadcast %add3A_160 : i32 to vector<16xi32>
      %add3A_162 = arith.addi %mul3A_159, %add3A_161 : vector<16xi32>
      %gather3A_163 = tpu.vector_load_idx %arg6[%add3A_162] : memref<32768xf32, #tpu.memory_space<vmem>>[vector<16xi32>], vector<16xf32>,
      %swap3A_164 = arith.constant 9 : i32
      %swap3A_165 = arith.index_cast %swap3A_164 : i32 to index
      %swap3A_166 = arith.index_cast %mul3A_30 : i32 to index
      %swap3A_167 = tpu.vector_load %arg8[%swap3A_165, %swap3A_166] {strides = array<i32>} : memref<64x512xf32, #tpu.memory_space<vmem>>, vector<16xf32>,
      tpu.vector_store %arg8[%swap3A_165, %swap3A_166], %gather3A_163 {strides = array<i32>} : memref<64x512xf32, #tpu.memory_space<vmem>>, vector<16xf32>,
      %iota3A_168 = tpu.iota {dimensions = array<i32: 0>} : vector<16xi32>
      %add3A_169 = vector.broadcast %mul3A_30 : i32 to vector<16xi32>
      %add3A_170 = arith.addi %iota3A_168, %add3A_169 : vector<16xi32>
      %mul3A_171 = arith.constant 64 : i32
      %mul3A_172 = vector.broadcast %mul3A_171 : i32 to vector<16xi32>
      %mul3A_173 = arith.muli %add3A_170, %mul3A_172 : vector<16xi32>
      %add3A_174 = arith.constant 10 : i32
      %add3A_175 = vector.broadcast %add3A_174 : i32 to vector<16xi32>
      %add3A_176 = arith.addi %mul3A_173, %add3A_175 : vector<16xi32>
      %gather3A_177 = tpu.vector_load_idx %arg6[%add3A_176] : memref<32768xf32, #tpu.memory_space<vmem>>[vector<16xi32>], vector<16xf32>,
      %swap3A_178 = arith.constant 10 : i32
      %swap3A_179 = arith.index_cast %swap3A_178 : i32 to index
      %swap3A_180 = arith.index_cast %mul3A_30 : i32 to index
      %swap3A_181 = tpu.vector_load %arg8[%swap3A_179, %swap3A_180] {strides = array<i32>} : memref<64x512xf32, #tpu.memory_space<vmem>>, vector<16xf32>,
      tpu.vector_store %arg8[%swap3A_179, %swap3A_180], %gather3A_177 {strides = array<i32>} : memref<64x512xf32, #tpu.memory_space<vmem>>, vector<16xf32>,
      %iota3A_182 = tpu.iota {dimensions = array<i32: 0>} : vector<16xi32>
      %add3A_183 = vector.broadcast %mul3A_30 : i32 to vector<16xi32>
      %add3A_184 = arith.addi %iota3A_182, %add3A_183 : vector<16xi32>
      %mul3A_185 = arith.constant 64 : i32
      %mul3A_186 = vector.broadcast %mul3A_185 : i32 to vector<16xi32>
      %mul3A_187 = arith.muli %add3A_184, %mul3A_186 : vector<16xi32>
      %add3A_188 = arith.constant 11 : i32
      %add3A_189 = vector.broadcast %add3A_188 : i32 to vector<16xi32>
      %add3A_190 = arith.addi %mul3A_187, %add3A_189 : vector<16xi32>
      %gather3A_191 = tpu.vector_load_idx %arg6[%add3A_190] : memref<32768xf32, #tpu.memory_space<vmem>>[vector<16xi32>], vector<16xf32>,
      %swap3A_192 = arith.constant 11 : i32
      %swap3A_193 = arith.index_cast %swap3A_192 : i32 to index
      %swap3A_194 = arith.index_cast %mul3A_30 : i32 to index
      %swap3A_195 = tpu.vector_load %arg8[%swap3A_193, %swap3A_194] {strides = array<i32>} : memref<64x512xf32, #tpu.memory_space<vmem>>, vector<16xf32>,
      tpu.vector_store %arg8[%swap3A_193, %swap3A_194], %gather3A_191 {strides = array<i32>} : memref<64x512xf32, #tpu.memory_space<vmem>>, vector<16xf32>,
      %iota3A_196 = tpu.iota {dimensions = array<i32: 0>} : vector<16xi32>
      %add3A_197 = vector.broadcast %mul3A_30 : i32 to vector<16xi32>
      %add3A_198 = arith.addi %iota3A_196, %add3A_197 : vector<16xi32>
      %mul3A_199 = arith.constant 64 : i32
      %mul3A_200 = vector.broadcast %mul3A_199 : i32 to vector<16xi32>
      %mul3A_201 = arith.muli %add3A_198, %mul3A_200 : vector<16xi32>
      %add3A_202 = arith.constant 12 : i32
      %add3A_203 = vector.broadcast %add3A_202 : i32 to vector<16xi32>
      %add3A_204 = arith.addi %mul3A_201, %add3A_203 : vector<16xi32>
      %gather3A_205 = tpu.vector_load_idx %arg6[%add3A_204] : memref<32768xf32, #tpu.memory_space<vmem>>[vector<16xi32>], vector<16xf32>,
      %swap3A_206 = arith.constant 12 : i32
      %swap3A_207 = arith.index_cast %swap3A_206 : i32 to index
      %swap3A_208 = arith.index_cast %mul3A_30 : i32 to index
      %swap3A_209 = tpu.vector_load %arg8[%swap3A_207, %swap3A_208] {strides = array<i32>} : memref<64x512xf32, #tpu.memory_space<vmem>>, vector<16xf32>,
      tpu.vector_store %arg8[%swap3A_207, %swap3A_208], %gather3A_205 {strides = array<i32>} : memref<64x512xf32, #tpu.memory_space<vmem>>, vector<16xf32>,
      %iota3A_210 = tpu.iota {dimensions = array<i32: 0>} : vector<16xi32>
      %add3A_211 = vector.broadcast %mul3A_30 : i32 to vector<16xi32>
      %add3A_212 = arith.addi %iota3A_210, %add3A_211 : vector<16xi32>
      %mul3A_213 = arith.constant 64 : i32
      %mul3A_214 = vector.broadcast %mul3A_213 : i32 to vector<16xi32>
      %mul3A_215 = arith.muli %add3A_212, %mul3A_214 : vector<16xi32>
      %add3A_216 = arith.constant 13 : i32
      %add3A_217 = vector.broadcast %add3A_216 : i32 to vector<16xi32>
      %add3A_218 = arith.addi %mul3A_215, %add3A_217 : vector<16xi32>
      %gather3A_219 = tpu.vector_load_idx %arg6[%add3A_218] : memref<32768xf32, #tpu.memory_space<vmem>>[vector<16xi32>], vector<16xf32>,
      %swap3A_220 = arith.constant 13 : i32
      %swap3A_221 = arith.index_cast %swap3A_220 : i32 to index
      %swap3A_222 = arith.index_cast %mul3A_30 : i32 to index
      %swap3A_223 = tpu.vector_load %arg8[%swap3A_221, %swap3A_222] {strides = array<i32>} : memref<64x512xf32, #tpu.memory_space<vmem>>, vector<16xf32>,
      tpu.vector_store %arg8[%swap3A_221, %swap3A_222], %gather3A_219 {strides = array<i32>} : memref<64x512xf32, #tpu.memory_space<vmem>>, vector<16xf32>,
      %iota3A_224 = tpu.iota {dimensions = array<i32: 0>} : vector<16xi32>
      %add3A_225 = vector.broadcast %mul3A_30 : i32 to vector<16xi32>
      %add3A_226 = arith.addi %iota3A_224, %add3A_225 : vector<16xi32>
      %mul3A_227 = arith.constant 64 : i32
      %mul3A_228 = vector.broadcast %mul3A_227 : i32 to vector<16xi32>
      %mul3A_229 = arith.muli %add3A_226, %mul3A_228 : vector<16xi32>
      %add3A_230 = arith.constant 14 : i32
      %add3A_231 = vector.broadcast %add3A_230 : i32 to vector<16xi32>
      %add3A_232 = arith.addi %mul3A_229, %add3A_231 : vector<16xi32>
      %gather3A_233 = tpu.vector_load_idx %arg6[%add3A_232] : memref<32768xf32, #tpu.memory_space<vmem>>[vector<16xi32>], vector<16xf32>,
      %swap3A_234 = arith.constant 14 : i32
      %swap3A_235 = arith.index_cast %swap3A_234 : i32 to index
      %swap3A_236 = arith.index_cast %mul3A_30 : i32 to index
      %swap3A_237 = tpu.vector_load %arg8[%swap3A_235, %swap3A_236] {strides = array<i32>} : memref<64x512xf32, #tpu.memory_space<vmem>>, vector<16xf32>,
      tpu.vector_store %arg8[%swap3A_235, %swap3A_236], %gather3A_233 {strides = array<i32>} : memref<64x512xf32, #tpu.memory_space<vmem>>, vector<16xf32>,
      %iota3A_238 = tpu.iota {dimensions = array<i32: 0>} : vector<16xi32>
      %add3A_239 = vector.broadcast %mul3A_30 : i32 to vector<16xi32>
      %add3A_240 = arith.addi %iota3A_238, %add3A_239 : vector<16xi32>
      %mul3A_241 = arith.constant 64 : i32
      %mul3A_242 = vector.broadcast %mul3A_241 : i32 to vector<16xi32>
      %mul3A_243 = arith.muli %add3A_240, %mul3A_242 : vector<16xi32>
      %add3A_244 = arith.constant 15 : i32
      %add3A_245 = vector.broadcast %add3A_244 : i32 to vector<16xi32>
      %add3A_246 = arith.addi %mul3A_243, %add3A_245 : vector<16xi32>
      %gather3A_247 = tpu.vector_load_idx %arg6[%add3A_246] : memref<32768xf32, #tpu.memory_space<vmem>>[vector<16xi32>], vector<16xf32>,
      %swap3A_248 = arith.constant 15 : i32
      %swap3A_249 = arith.index_cast %swap3A_248 : i32 to index
      %swap3A_250 = arith.index_cast %mul3A_30 : i32 to index
      %swap3A_251 = tpu.vector_load %arg8[%swap3A_249, %swap3A_250] {strides = array<i32>} : memref<64x512xf32, #tpu.memory_space<vmem>>, vector<16xf32>,
      tpu.vector_store %arg8[%swap3A_249, %swap3A_250], %gather3A_247 {strides = array<i32>} : memref<64x512xf32, #tpu.memory_space<vmem>>, vector<16xf32>,
      %iota3A_252 = tpu.iota {dimensions = array<i32: 0>} : vector<16xi32>
      %add3A_253 = vector.broadcast %mul3A_30 : i32 to vector<16xi32>
      %add3A_254 = arith.addi %iota3A_252, %add3A_253 : vector<16xi32>
      %mul3A_255 = arith.constant 64 : i32
      %mul3A_256 = vector.broadcast %mul3A_255 : i32 to vector<16xi32>
      %mul3A_257 = arith.muli %add3A_254, %mul3A_256 : vector<16xi32>
      %add3A_258 = arith.constant 16 : i32
      %add3A_259 = vector.broadcast %add3A_258 : i32 to vector<16xi32>
      %add3A_260 = arith.addi %mul3A_257, %add3A_259 : vector<16xi32>
      %gather3A_261 = tpu.vector_load_idx %arg6[%add3A_260] : memref<32768xf32, #tpu.memory_space<vmem>>[vector<16xi32>], vector<16xf32>,
      %swap3A_262 = arith.constant 16 : i32
      %swap3A_263 = arith.index_cast %swap3A_262 : i32 to index
      %swap3A_264 = arith.index_cast %mul3A_30 : i32 to index
      %swap3A_265 = tpu.vector_load %arg8[%swap3A_263, %swap3A_264] {strides = array<i32>} : memref<64x512xf32, #tpu.memory_space<vmem>>, vector<16xf32>,
      tpu.vector_store %arg8[%swap3A_263, %swap3A_264], %gather3A_261 {strides = array<i32>} : memref<64x512xf32, #tpu.memory_space<vmem>>, vector<16xf32>,
      %iota3A_266 = tpu.iota {dimensions = array<i32: 0>} : vector<16xi32>
      %add3A_267 = vector.broadcast %mul3A_30 : i32 to vector<16xi32>
      %add3A_268 = arith.addi %iota3A_266, %add3A_267 : vector<16xi32>
      %mul3A_269 = arith.constant 64 : i32
      %mul3A_270 = vector.broadcast %mul3A_269 : i32 to vector<16xi32>
      %mul3A_271 = arith.muli %add3A_268, %mul3A_270 : vector<16xi32>
      %add3A_272 = arith.constant 17 : i32
      %add3A_273 = vector.broadcast %add3A_272 : i32 to vector<16xi32>
      %add3A_274 = arith.addi %mul3A_271, %add3A_273 : vector<16xi32>
      %gather3A_275 = tpu.vector_load_idx %arg6[%add3A_274] : memref<32768xf32, #tpu.memory_space<vmem>>[vector<16xi32>], vector<16xf32>,
      %swap3A_276 = arith.constant 17 : i32
      %swap3A_277 = arith.index_cast %swap3A_276 : i32 to index
      %swap3A_278 = arith.index_cast %mul3A_30 : i32 to index
      %swap3A_279 = tpu.vector_load %arg8[%swap3A_277, %swap3A_278] {strides = array<i32>} : memref<64x512xf32, #tpu.memory_space<vmem>>, vector<16xf32>,
      tpu.vector_store %arg8[%swap3A_277, %swap3A_278], %gather3A_275 {strides = array<i32>} : memref<64x512xf32, #tpu.memory_space<vmem>>, vector<16xf32>,
      %iota3A_280 = tpu.iota {dimensions = array<i32: 0>} : vector<16xi32>
      %add3A_281 = vector.broadcast %mul3A_30 : i32 to vector<16xi32>
      %add3A_282 = arith.addi %iota3A_280, %add3A_281 : vector<16xi32>
      %mul3A_283 = arith.constant 64 : i32
      %mul3A_284 = vector.broadcast %mul3A_283 : i32 to vector<16xi32>
      %mul3A_285 = arith.muli %add3A_282, %mul3A_284 : vector<16xi32>
      %add3A_286 = arith.constant 18 : i32
      %add3A_287 = vector.broadcast %add3A_286 : i32 to vector<16xi32>
      %add3A_288 = arith.addi %mul3A_285, %add3A_287 : vector<16xi32>
      %gather3A_289 = tpu.vector_load_idx %arg6[%add3A_288] : memref<32768xf32, #tpu.memory_space<vmem>>[vector<16xi32>], vector<16xf32>,
      %swap3A_290 = arith.constant 18 : i32
      %swap3A_291 = arith.index_cast %swap3A_290 : i32 to index
      %swap3A_292 = arith.index_cast %mul3A_30 : i32 to index
      %swap3A_293 = tpu.vector_load %arg8[%swap3A_291, %swap3A_292] {strides = array<i32>} : memref<64x512xf32, #tpu.memory_space<vmem>>, vector<16xf32>,
      tpu.vector_store %arg8[%swap3A_291, %swap3A_292], %gather3A_289 {strides = array<i32>} : memref<64x512xf32, #tpu.memory_space<vmem>>, vector<16xf32>,
      %iota3A_294 = tpu.iota {dimensions = array<i32: 0>} : vector<16xi32>
      %add3A_295 = vector.broadcast %mul3A_30 : i32 to vector<16xi32>
      %add3A_296 = arith.addi %iota3A_294, %add3A_295 : vector<16xi32>
      %mul3A_297 = arith.constant 64 : i32
      %mul3A_298 = vector.broadcast %mul3A_297 : i32 to vector<16xi32>
      %mul3A_299 = arith.muli %add3A_296, %mul3A_298 : vector<16xi32>
      %add3A_300 = arith.constant 19 : i32
      %add3A_301 = vector.broadcast %add3A_300 : i32 to vector<16xi32>
      %add3A_302 = arith.addi %mul3A_299, %add3A_301 : vector<16xi32>
      %gather3A_303 = tpu.vector_load_idx %arg6[%add3A_302] : memref<32768xf32, #tpu.memory_space<vmem>>[vector<16xi32>], vector<16xf32>,
      %swap3A_304 = arith.constant 19 : i32
      %swap3A_305 = arith.index_cast %swap3A_304 : i32 to index
      %swap3A_306 = arith.index_cast %mul3A_30 : i32 to index
      %swap3A_307 = tpu.vector_load %arg8[%swap3A_305, %swap3A_306] {strides = array<i32>} : memref<64x512xf32, #tpu.memory_space<vmem>>, vector<16xf32>,
      tpu.vector_store %arg8[%swap3A_305, %swap3A_306], %gather3A_303 {strides = array<i32>} : memref<64x512xf32, #tpu.memory_space<vmem>>, vector<16xf32>,
      %iota3A_308 = tpu.iota {dimensions = array<i32: 0>} : vector<16xi32>
      %add3A_309 = vector.broadcast %mul3A_30 : i32 to vector<16xi32>
      %add3A_310 = arith.addi %iota3A_308, %add3A_309 : vector<16xi32>
      %mul3A_311 = arith.constant 64 : i32
      %mul3A_312 = vector.broadcast %mul3A_311 : i32 to vector<16xi32>
      %mul3A_313 = arith.muli %add3A_310, %mul3A_312 : vector<16xi32>
      %add3A_314 = arith.constant 20 : i32
      %add3A_315 = vector.broadcast %add3A_314 : i32 to vector<16xi32>
      %add3A_316 = arith.addi %mul3A_313, %add3A_315 : vector<16xi32>
      %gather3A_317 = tpu.vector_load_idx %arg6[%add3A_316] : memref<32768xf32, #tpu.memory_space<vmem>>[vector<16xi32>], vector<16xf32>,
      %swap3A_318 = arith.constant 20 : i32
      %swap3A_319 = arith.index_cast %swap3A_318 : i32 to index
      %swap3A_320 = arith.index_cast %mul3A_30 : i32 to index
      %swap3A_321 = tpu.vector_load %arg8[%swap3A_319, %swap3A_320] {strides = array<i32>} : memref<64x512xf32, #tpu.memory_space<vmem>>, vector<16xf32>,
      tpu.vector_store %arg8[%swap3A_319, %swap3A_320], %gather3A_317 {strides = array<i32>} : memref<64x512xf32, #tpu.memory_space<vmem>>, vector<16xf32>,
      %iota3A_322 = tpu.iota {dimensions = array<i32: 0>} : vector<16xi32>
      %add3A_323 = vector.broadcast %mul3A_30 : i32 to vector<16xi32>
      %add3A_324 = arith.addi %iota3A_322, %add3A_323 : vector<16xi32>
      %mul3A_325 = arith.constant 64 : i32
      %mul3A_326 = vector.broadcast %mul3A_325 : i32 to vector<16xi32>
      %mul3A_327 = arith.muli %add3A_324, %mul3A_326 : vector<16xi32>
      %add3A_328 = arith.constant 21 : i32
      %add3A_329 = vector.broadcast %add3A_328 : i32 to vector<16xi32>
      %add3A_330 = arith.addi %mul3A_327, %add3A_329 : vector<16xi32>
      %gather3A_331 = tpu.vector_load_idx %arg6[%add3A_330] : memref<32768xf32, #tpu.memory_space<vmem>>[vector<16xi32>], vector<16xf32>,
      %swap3A_332 = arith.constant 21 : i32
      %swap3A_333 = arith.index_cast %swap3A_332 : i32 to index
      %swap3A_334 = arith.index_cast %mul3A_30 : i32 to index
      %swap3A_335 = tpu.vector_load %arg8[%swap3A_333, %swap3A_334] {strides = array<i32>} : memref<64x512xf32, #tpu.memory_space<vmem>>, vector<16xf32>,
      tpu.vector_store %arg8[%swap3A_333, %swap3A_334], %gather3A_331 {strides = array<i32>} : memref<64x512xf32, #tpu.memory_space<vmem>>, vector<16xf32>,
      %iota3A_336 = tpu.iota {dimensions = array<i32: 0>} : vector<16xi32>
      %add3A_337 = vector.broadcast %mul3A_30 : i32 to vector<16xi32>
      %add3A_338 = arith.addi %iota3A_336, %add3A_337 : vector<16xi32>
      %mul3A_339 = arith.constant 64 : i32
      %mul3A_340 = vector.broadcast %mul3A_339 : i32 to vector<16xi32>
      %mul3A_341 = arith.muli %add3A_338, %mul3A_340 : vector<16xi32>
      %add3A_342 = arith.constant 22 : i32
      %add3A_343 = vector.broadcast %add3A_342 : i32 to vector<16xi32>
      %add3A_344 = arith.addi %mul3A_341, %add3A_343 : vector<16xi32>
      %gather3A_345 = tpu.vector_load_idx %arg6[%add3A_344] : memref<32768xf32, #tpu.memory_space<vmem>>[vector<16xi32>], vector<16xf32>,
      %swap3A_346 = arith.constant 22 : i32
      %swap3A_347 = arith.index_cast %swap3A_346 : i32 to index
      %swap3A_348 = arith.index_cast %mul3A_30 : i32 to index
      %swap3A_349 = tpu.vector_load %arg8[%swap3A_347, %swap3A_348] {strides = array<i32>} : memref<64x512xf32, #tpu.memory_space<vmem>>, vector<16xf32>,
      tpu.vector_store %arg8[%swap3A_347, %swap3A_348], %gather3A_345 {strides = array<i32>} : memref<64x512xf32, #tpu.memory_space<vmem>>, vector<16xf32>,
      %iota3A_350 = tpu.iota {dimensions = array<i32: 0>} : vector<16xi32>
      %add3A_351 = vector.broadcast %mul3A_30 : i32 to vector<16xi32>
      %add3A_352 = arith.addi %iota3A_350, %add3A_351 : vector<16xi32>
      %mul3A_353 = arith.constant 64 : i32
      %mul3A_354 = vector.broadcast %mul3A_353 : i32 to vector<16xi32>
      %mul3A_355 = arith.muli %add3A_352, %mul3A_354 : vector<16xi32>
      %add3A_356 = arith.constant 23 : i32
      %add3A_357 = vector.broadcast %add3A_356 : i32 to vector<16xi32>
      %add3A_358 = arith.addi %mul3A_355, %add3A_357 : vector<16xi32>
      %gather3A_359 = tpu.vector_load_idx %arg6[%add3A_358] : memref<32768xf32, #tpu.memory_space<vmem>>[vector<16xi32>], vector<16xf32>,
      %swap3A_360 = arith.constant 23 : i32
      %swap3A_361 = arith.index_cast %swap3A_360 : i32 to index
      %swap3A_362 = arith.index_cast %mul3A_30 : i32 to index
      %swap3A_363 = tpu.vector_load %arg8[%swap3A_361, %swap3A_362] {strides = array<i32>} : memref<64x512xf32, #tpu.memory_space<vmem>>, vector<16xf32>,
      tpu.vector_store %arg8[%swap3A_361, %swap3A_362], %gather3A_359 {strides = array<i32>} : memref<64x512xf32, #tpu.memory_space<vmem>>, vector<16xf32>,
      %iota3A_364 = tpu.iota {dimensions = array<i32: 0>} : vector<16xi32>
      %add3A_365 = vector.broadcast %mul3A_30 : i32 to vector<16xi32>
      %add3A_366 = arith.addi %iota3A_364, %add3A_365 : vector<16xi32>
      %mul3A_367 = arith.constant 64 : i32
      %mul3A_368 = vector.broadcast %mul3A_367 : i32 to vector<16xi32>
      %mul3A_369 = arith.muli %add3A_366, %mul3A_368 : vector<16xi32>
      %add3A_370 = arith.constant 24 : i32
      %add3A_371 = vector.broadcast %add3A_370 : i32 to vector<16xi32>
      %add3A_372 = arith.addi %mul3A_369, %add3A_371 : vector<16xi32>
      %gather3A_373 = tpu.vector_load_idx %arg6[%add3A_372] : memref<32768xf32, #tpu.memory_space<vmem>>[vector<16xi32>], vector<16xf32>,
      %swap3A_374 = arith.constant 24 : i32
      %swap3A_375 = arith.index_cast %swap3A_374 : i32 to index
      %swap3A_376 = arith.index_cast %mul3A_30 : i32 to index
      %swap3A_377 = tpu.vector_load %arg8[%swap3A_375, %swap3A_376] {strides = array<i32>} : memref<64x512xf32, #tpu.memory_space<vmem>>, vector<16xf32>,
      tpu.vector_store %arg8[%swap3A_375, %swap3A_376], %gather3A_373 {strides = array<i32>} : memref<64x512xf32, #tpu.memory_space<vmem>>, vector<16xf32>,
      %iota3A_378 = tpu.iota {dimensions = array<i32: 0>} : vector<16xi32>
      %add3A_379 = vector.broadcast %mul3A_30 : i32 to vector<16xi32>
      %add3A_380 = arith.addi %iota3A_378, %add3A_379 : vector<16xi32>
      %mul3A_381 = arith.constant 64 : i32
      %mul3A_382 = vector.broadcast %mul3A_381 : i32 to vector<16xi32>
      %mul3A_383 = arith.muli %add3A_380, %mul3A_382 : vector<16xi32>
      %add3A_384 = arith.constant 25 : i32
      %add3A_385 = vector.broadcast %add3A_384 : i32 to vector<16xi32>
      %add3A_386 = arith.addi %mul3A_383, %add3A_385 : vector<16xi32>
      %gather3A_387 = tpu.vector_load_idx %arg6[%add3A_386] : memref<32768xf32, #tpu.memory_space<vmem>>[vector<16xi32>], vector<16xf32>,
      %swap3A_388 = arith.constant 25 : i32
      %swap3A_389 = arith.index_cast %swap3A_388 : i32 to index
      %swap3A_390 = arith.index_cast %mul3A_30 : i32 to index
      %swap3A_391 = tpu.vector_load %arg8[%swap3A_389, %swap3A_390] {strides = array<i32>} : memref<64x512xf32, #tpu.memory_space<vmem>>, vector<16xf32>,
      tpu.vector_store %arg8[%swap3A_389, %swap3A_390], %gather3A_387 {strides = array<i32>} : memref<64x512xf32, #tpu.memory_space<vmem>>, vector<16xf32>,
      %iota3A_392 = tpu.iota {dimensions = array<i32: 0>} : vector<16xi32>
      %add3A_393 = vector.broadcast %mul3A_30 : i32 to vector<16xi32>
      %add3A_394 = arith.addi %iota3A_392, %add3A_393 : vector<16xi32>
      %mul3A_395 = arith.constant 64 : i32
      %mul3A_396 = vector.broadcast %mul3A_395 : i32 to vector<16xi32>
      %mul3A_397 = arith.muli %add3A_394, %mul3A_396 : vector<16xi32>
      %add3A_398 = arith.constant 26 : i32
      %add3A_399 = vector.broadcast %add3A_398 : i32 to vector<16xi32>
      %add3A_400 = arith.addi %mul3A_397, %add3A_399 : vector<16xi32>
      %gather3A_401 = tpu.vector_load_idx %arg6[%add3A_400] : memref<32768xf32, #tpu.memory_space<vmem>>[vector<16xi32>], vector<16xf32>,
      %swap3A_402 = arith.constant 26 : i32
      %swap3A_403 = arith.index_cast %swap3A_402 : i32 to index
      %swap3A_404 = arith.index_cast %mul3A_30 : i32 to index
      %swap3A_405 = tpu.vector_load %arg8[%swap3A_403, %swap3A_404] {strides = array<i32>} : memref<64x512xf32, #tpu.memory_space<vmem>>, vector<16xf32>,
      tpu.vector_store %arg8[%swap3A_403, %swap3A_404], %gather3A_401 {strides = array<i32>} : memref<64x512xf32, #tpu.memory_space<vmem>>, vector<16xf32>,
      %iota3A_406 = tpu.iota {dimensions = array<i32: 0>} : vector<16xi32>
      %add3A_407 = vector.broadcast %mul3A_30 : i32 to vector<16xi32>
      %add3A_408 = arith.addi %iota3A_406, %add3A_407 : vector<16xi32>
      %mul3A_409 = arith.constant 64 : i32
      %mul3A_410 = vector.broadcast %mul3A_409 : i32 to vector<16xi32>
      %mul3A_411 = arith.muli %add3A_408, %mul3A_410 : vector<16xi32>
      %add3A_412 = arith.constant 27 : i32
      %add3A_413 = vector.broadcast %add3A_412 : i32 to vector<16xi32>
      %add3A_414 = arith.addi %mul3A_411, %add3A_413 : vector<16xi32>
      %gather3A_415 = tpu.vector_load_idx %arg6[%add3A_414] : memref<32768xf32, #tpu.memory_space<vmem>>[vector<16xi32>], vector<16xf32>,
      %swap3A_416 = arith.constant 27 : i32
      %swap3A_417 = arith.index_cast %swap3A_416 : i32 to index
      %swap3A_418 = arith.index_cast %mul3A_30 : i32 to index
      %swap3A_419 = tpu.vector_load %arg8[%swap3A_417, %swap3A_418] {strides = array<i32>} : memref<64x512xf32, #tpu.memory_space<vmem>>, vector<16xf32>,
      tpu.vector_store %arg8[%swap3A_417, %swap3A_418], %gather3A_415 {strides = array<i32>} : memref<64x512xf32, #tpu.memory_space<vmem>>, vector<16xf32>,
      %iota3A_420 = tpu.iota {dimensions = array<i32: 0>} : vector<16xi32>
      %add3A_421 = vector.broadcast %mul3A_30 : i32 to vector<16xi32>
      %add3A_422 = arith.addi %iota3A_420, %add3A_421 : vector<16xi32>
      %mul3A_423 = arith.constant 64 : i32
      %mul3A_424 = vector.broadcast %mul3A_423 : i32 to vector<16xi32>
      %mul3A_425 = arith.muli %add3A_422, %mul3A_424 : vector<16xi32>
      %add3A_426 = arith.constant 28 : i32
      %add3A_427 = vector.broadcast %add3A_426 : i32 to vector<16xi32>
      %add3A_428 = arith.addi %mul3A_425, %add3A_427 : vector<16xi32>
      %gather3A_429 = tpu.vector_load_idx %arg6[%add3A_428] : memref<32768xf32, #tpu.memory_space<vmem>>[vector<16xi32>], vector<16xf32>,
      %swap3A_430 = arith.constant 28 : i32
      %swap3A_431 = arith.index_cast %swap3A_430 : i32 to index
      %swap3A_432 = arith.index_cast %mul3A_30 : i32 to index
      %swap3A_433 = tpu.vector_load %arg8[%swap3A_431, %swap3A_432] {strides = array<i32>} : memref<64x512xf32, #tpu.memory_space<vmem>>, vector<16xf32>,
      tpu.vector_store %arg8[%swap3A_431, %swap3A_432], %gather3A_429 {strides = array<i32>} : memref<64x512xf32, #tpu.memory_space<vmem>>, vector<16xf32>,
      %iota3A_434 = tpu.iota {dimensions = array<i32: 0>} : vector<16xi32>
      %add3A_435 = vector.broadcast %mul3A_30 : i32 to vector<16xi32>
      %add3A_436 = arith.addi %iota3A_434, %add3A_435 : vector<16xi32>
      %mul3A_437 = arith.constant 64 : i32
      %mul3A_438 = vector.broadcast %mul3A_437 : i32 to vector<16xi32>
      %mul3A_439 = arith.muli %add3A_436, %mul3A_438 : vector<16xi32>
      %add3A_440 = arith.constant 29 : i32
      %add3A_441 = vector.broadcast %add3A_440 : i32 to vector<16xi32>
      %add3A_442 = arith.addi %mul3A_439, %add3A_441 : vector<16xi32>
      %gather3A_443 = tpu.vector_load_idx %arg6[%add3A_442] : memref<32768xf32, #tpu.memory_space<vmem>>[vector<16xi32>], vector<16xf32>,
      %swap3A_444 = arith.constant 29 : i32
      %swap3A_445 = arith.index_cast %swap3A_444 : i32 to index
      %swap3A_446 = arith.index_cast %mul3A_30 : i32 to index
      %swap3A_447 = tpu.vector_load %arg8[%swap3A_445, %swap3A_446] {strides = array<i32>} : memref<64x512xf32, #tpu.memory_space<vmem>>, vector<16xf32>,
      tpu.vector_store %arg8[%swap3A_445, %swap3A_446], %gather3A_443 {strides = array<i32>} : memref<64x512xf32, #tpu.memory_space<vmem>>, vector<16xf32>,
      %iota3A_448 = tpu.iota {dimensions = array<i32: 0>} : vector<16xi32>
      %add3A_449 = vector.broadcast %mul3A_30 : i32 to vector<16xi32>
      %add3A_450 = arith.addi %iota3A_448, %add3A_449 : vector<16xi32>
      %mul3A_451 = arith.constant 64 : i32
      %mul3A_452 = vector.broadcast %mul3A_451 : i32 to vector<16xi32>
      %mul3A_453 = arith.muli %add3A_450, %mul3A_452 : vector<16xi32>
      %add3A_454 = arith.constant 30 : i32
      %add3A_455 = vector.broadcast %add3A_454 : i32 to vector<16xi32>
      %add3A_456 = arith.addi %mul3A_453, %add3A_455 : vector<16xi32>
      %gather3A_457 = tpu.vector_load_idx %arg6[%add3A_456] : memref<32768xf32, #tpu.memory_space<vmem>>[vector<16xi32>], vector<16xf32>,
      %swap3A_458 = arith.constant 30 : i32
      %swap3A_459 = arith.index_cast %swap3A_458 : i32 to index
      %swap3A_460 = arith.index_cast %mul3A_30 : i32 to index
      %swap3A_461 = tpu.vector_load %arg8[%swap3A_459, %swap3A_460] {strides = array<i32>} : memref<64x512xf32, #tpu.memory_space<vmem>>, vector<16xf32>,
      tpu.vector_store %arg8[%swap3A_459, %swap3A_460], %gather3A_457 {strides = array<i32>} : memref<64x512xf32, #tpu.memory_space<vmem>>, vector<16xf32>,
      %iota3A_462 = tpu.iota {dimensions = array<i32: 0>} : vector<16xi32>
      %add3A_463 = vector.broadcast %mul3A_30 : i32 to vector<16xi32>
      %add3A_464 = arith.addi %iota3A_462, %add3A_463 : vector<16xi32>
      %mul3A_465 = arith.constant 64 : i32
      %mul3A_466 = vector.broadcast %mul3A_465 : i32 to vector<16xi32>
      %mul3A_467 = arith.muli %add3A_464, %mul3A_466 : vector<16xi32>
      %add3A_468 = arith.constant 31 : i32
      %add3A_469 = vector.broadcast %add3A_468 : i32 to vector<16xi32>
      %add3A_470 = arith.addi %mul3A_467, %add3A_469 : vector<16xi32>
      %gather3A_471 = tpu.vector_load_idx %arg6[%add3A_470] : memref<32768xf32, #tpu.memory_space<vmem>>[vector<16xi32>], vector<16xf32>,
      %swap3A_472 = arith.constant 31 : i32
      %swap3A_473 = arith.index_cast %swap3A_472 : i32 to index
      %swap3A_474 = arith.index_cast %mul3A_30 : i32 to index
      %swap3A_475 = tpu.vector_load %arg8[%swap3A_473, %swap3A_474] {strides = array<i32>} : memref<64x512xf32, #tpu.memory_space<vmem>>, vector<16xf32>,
      tpu.vector_store %arg8[%swap3A_473, %swap3A_474], %gather3A_471 {strides = array<i32>} : memref<64x512xf32, #tpu.memory_space<vmem>>, vector<16xf32>,
      %iota3A_476 = tpu.iota {dimensions = array<i32: 0>} : vector<16xi32>
      %add3A_477 = vector.broadcast %mul3A_30 : i32 to vector<16xi32>
      %add3A_478 = arith.addi %iota3A_476, %add3A_477 : vector<16xi32>
      %mul3A_479 = arith.constant 64 : i32
      %mul3A_480 = vector.broadcast %mul3A_479 : i32 to vector<16xi32>
      %mul3A_481 = arith.muli %add3A_478, %mul3A_480 : vector<16xi32>
      %add3A_482 = arith.constant 32 : i32
      %add3A_483 = vector.broadcast %add3A_482 : i32 to vector<16xi32>
      %add3A_484 = arith.addi %mul3A_481, %add3A_483 : vector<16xi32>
      %gather3A_485 = tpu.vector_load_idx %arg6[%add3A_484] : memref<32768xf32, #tpu.memory_space<vmem>>[vector<16xi32>], vector<16xf32>,
      %swap3A_486 = arith.constant 32 : i32
      %swap3A_487 = arith.index_cast %swap3A_486 : i32 to index
      %swap3A_488 = arith.index_cast %mul3A_30 : i32 to index
      %swap3A_489 = tpu.vector_load %arg8[%swap3A_487, %swap3A_488] {strides = array<i32>} : memref<64x512xf32, #tpu.memory_space<vmem>>, vector<16xf32>,
      tpu.vector_store %arg8[%swap3A_487, %swap3A_488], %gather3A_485 {strides = array<i32>} : memref<64x512xf32, #tpu.memory_space<vmem>>, vector<16xf32>,
      %iota3A_490 = tpu.iota {dimensions = array<i32: 0>} : vector<16xi32>
      %add3A_491 = vector.broadcast %mul3A_30 : i32 to vector<16xi32>
      %add3A_492 = arith.addi %iota3A_490, %add3A_491 : vector<16xi32>
      %mul3A_493 = arith.constant 64 : i32
      %mul3A_494 = vector.broadcast %mul3A_493 : i32 to vector<16xi32>
      %mul3A_495 = arith.muli %add3A_492, %mul3A_494 : vector<16xi32>
      %add3A_496 = arith.constant 33 : i32
      %add3A_497 = vector.broadcast %add3A_496 : i32 to vector<16xi32>
      %add3A_498 = arith.addi %mul3A_495, %add3A_497 : vector<16xi32>
      %gather3A_499 = tpu.vector_load_idx %arg6[%add3A_498] : memref<32768xf32, #tpu.memory_space<vmem>>[vector<16xi32>], vector<16xf32>,
      %swap3A_500 = arith.constant 33 : i32
      %swap3A_501 = arith.index_cast %swap3A_500 : i32 to index
      %swap3A_502 = arith.index_cast %mul3A_30 : i32 to index
      %swap3A_503 = tpu.vector_load %arg8[%swap3A_501, %swap3A_502] {strides = array<i32>} : memref<64x512xf32, #tpu.memory_space<vmem>>, vector<16xf32>,
      tpu.vector_store %arg8[%swap3A_501, %swap3A_502], %gather3A_499 {strides = array<i32>} : memref<64x512xf32, #tpu.memory_space<vmem>>, vector<16xf32>,
      %iota3A_504 = tpu.iota {dimensions = array<i32: 0>} : vector<16xi32>
      %add3A_505 = vector.broadcast %mul3A_30 : i32 to vector<16xi32>
      %add3A_506 = arith.addi %iota3A_504, %add3A_505 : vector<16xi32>
      %mul3A_507 = arith.constant 64 : i32
      %mul3A_508 = vector.broadcast %mul3A_507 : i32 to vector<16xi32>
      %mul3A_509 = arith.muli %add3A_506, %mul3A_508 : vector<16xi32>
      %add3A_510 = arith.constant 34 : i32
      %add3A_511 = vector.broadcast %add3A_510 : i32 to vector<16xi32>
      %add3A_512 = arith.addi %mul3A_509, %add3A_511 : vector<16xi32>
      %gather3A_513 = tpu.vector_load_idx %arg6[%add3A_512] : memref<32768xf32, #tpu.memory_space<vmem>>[vector<16xi32>], vector<16xf32>,
      %swap3A_514 = arith.constant 34 : i32
      %swap3A_515 = arith.index_cast %swap3A_514 : i32 to index
      %swap3A_516 = arith.index_cast %mul3A_30 : i32 to index
      %swap3A_517 = tpu.vector_load %arg8[%swap3A_515, %swap3A_516] {strides = array<i32>} : memref<64x512xf32, #tpu.memory_space<vmem>>, vector<16xf32>,
      tpu.vector_store %arg8[%swap3A_515, %swap3A_516], %gather3A_513 {strides = array<i32>} : memref<64x512xf32, #tpu.memory_space<vmem>>, vector<16xf32>,
      %iota3A_518 = tpu.iota {dimensions = array<i32: 0>} : vector<16xi32>
      %add3A_519 = vector.broadcast %mul3A_30 : i32 to vector<16xi32>
      %add3A_520 = arith.addi %iota3A_518, %add3A_519 : vector<16xi32>
      %mul3A_521 = arith.constant 64 : i32
      %mul3A_522 = vector.broadcast %mul3A_521 : i32 to vector<16xi32>
      %mul3A_523 = arith.muli %add3A_520, %mul3A_522 : vector<16xi32>
      %add3A_524 = arith.constant 35 : i32
      %add3A_525 = vector.broadcast %add3A_524 : i32 to vector<16xi32>
      %add3A_526 = arith.addi %mul3A_523, %add3A_525 : vector<16xi32>
      %gather3A_527 = tpu.vector_load_idx %arg6[%add3A_526] : memref<32768xf32, #tpu.memory_space<vmem>>[vector<16xi32>], vector<16xf32>,
      %swap3A_528 = arith.constant 35 : i32
      %swap3A_529 = arith.index_cast %swap3A_528 : i32 to index
      %swap3A_530 = arith.index_cast %mul3A_30 : i32 to index
      %swap3A_531 = tpu.vector_load %arg8[%swap3A_529, %swap3A_530] {strides = array<i32>} : memref<64x512xf32, #tpu.memory_space<vmem>>, vector<16xf32>,
      tpu.vector_store %arg8[%swap3A_529, %swap3A_530], %gather3A_527 {strides = array<i32>} : memref<64x512xf32, #tpu.memory_space<vmem>>, vector<16xf32>,
      %iota3A_532 = tpu.iota {dimensions = array<i32: 0>} : vector<16xi32>
      %add3A_533 = vector.broadcast %mul3A_30 : i32 to vector<16xi32>
      %add3A_534 = arith.addi %iota3A_532, %add3A_533 : vector<16xi32>
      %mul3A_535 = arith.constant 64 : i32
      %mul3A_536 = vector.broadcast %mul3A_535 : i32 to vector<16xi32>
      %mul3A_537 = arith.muli %add3A_534, %mul3A_536 : vector<16xi32>
      %add3A_538 = arith.constant 36 : i32
      %add3A_539 = vector.broadcast %add3A_538 : i32 to vector<16xi32>
      %add3A_540 = arith.addi %mul3A_537, %add3A_539 : vector<16xi32>
      %gather3A_541 = tpu.vector_load_idx %arg6[%add3A_540] : memref<32768xf32, #tpu.memory_space<vmem>>[vector<16xi32>], vector<16xf32>,
      %swap3A_542 = arith.constant 36 : i32
      %swap3A_543 = arith.index_cast %swap3A_542 : i32 to index
      %swap3A_544 = arith.index_cast %mul3A_30 : i32 to index
      %swap3A_545 = tpu.vector_load %arg8[%swap3A_543, %swap3A_544] {strides = array<i32>} : memref<64x512xf32, #tpu.memory_space<vmem>>, vector<16xf32>,
      tpu.vector_store %arg8[%swap3A_543, %swap3A_544], %gather3A_541 {strides = array<i32>} : memref<64x512xf32, #tpu.memory_space<vmem>>, vector<16xf32>,
      %iota3A_546 = tpu.iota {dimensions = array<i32: 0>} : vector<16xi32>
      %add3A_547 = vector.broadcast %mul3A_30 : i32 to vector<16xi32>
      %add3A_548 = arith.addi %iota3A_546, %add3A_547 : vector<16xi32>
      %mul3A_549 = arith.constant 64 : i32
      %mul3A_550 = vector.broadcast %mul3A_549 : i32 to vector<16xi32>
      %mul3A_551 = arith.muli %add3A_548, %mul3A_550 : vector<16xi32>
      %add3A_552 = arith.constant 37 : i32
      %add3A_553 = vector.broadcast %add3A_552 : i32 to vector<16xi32>
      %add3A_554 = arith.addi %mul3A_551, %add3A_553 : vector<16xi32>
      %gather3A_555 = tpu.vector_load_idx %arg6[%add3A_554] : memref<32768xf32, #tpu.memory_space<vmem>>[vector<16xi32>], vector<16xf32>,
      %swap3A_556 = arith.constant 37 : i32
      %swap3A_557 = arith.index_cast %swap3A_556 : i32 to index
      %swap3A_558 = arith.index_cast %mul3A_30 : i32 to index
      %swap3A_559 = tpu.vector_load %arg8[%swap3A_557, %swap3A_558] {strides = array<i32>} : memref<64x512xf32, #tpu.memory_space<vmem>>, vector<16xf32>,
      tpu.vector_store %arg8[%swap3A_557, %swap3A_558], %gather3A_555 {strides = array<i32>} : memref<64x512xf32, #tpu.memory_space<vmem>>, vector<16xf32>,
      %iota3A_560 = tpu.iota {dimensions = array<i32: 0>} : vector<16xi32>
      %add3A_561 = vector.broadcast %mul3A_30 : i32 to vector<16xi32>
      %add3A_562 = arith.addi %iota3A_560, %add3A_561 : vector<16xi32>
      %mul3A_563 = arith.constant 64 : i32
      %mul3A_564 = vector.broadcast %mul3A_563 : i32 to vector<16xi32>
      %mul3A_565 = arith.muli %add3A_562, %mul3A_564 : vector<16xi32>
      %add3A_566 = arith.constant 38 : i32
      %add3A_567 = vector.broadcast %add3A_566 : i32 to vector<16xi32>
      %add3A_568 = arith.addi %mul3A_565, %add3A_567 : vector<16xi32>
      %gather3A_569 = tpu.vector_load_idx %arg6[%add3A_568] : memref<32768xf32, #tpu.memory_space<vmem>>[vector<16xi32>], vector<16xf32>,
      %swap3A_570 = arith.constant 38 : i32
      %swap3A_571 = arith.index_cast %swap3A_570 : i32 to index
      %swap3A_572 = arith.index_cast %mul3A_30 : i32 to index
      %swap3A_573 = tpu.vector_load %arg8[%swap3A_571, %swap3A_572] {strides = array<i32>} : memref<64x512xf32, #tpu.memory_space<vmem>>, vector<16xf32>,
      tpu.vector_store %arg8[%swap3A_571, %swap3A_572], %gather3A_569 {strides = array<i32>} : memref<64x512xf32, #tpu.memory_space<vmem>>, vector<16xf32>,
      %iota3A_574 = tpu.iota {dimensions = array<i32: 0>} : vector<16xi32>
      %add3A_575 = vector.broadcast %mul3A_30 : i32 to vector<16xi32>
      %add3A_576 = arith.addi %iota3A_574, %add3A_575 : vector<16xi32>
      %mul3A_577 = arith.constant 64 : i32
      %mul3A_578 = vector.broadcast %mul3A_577 : i32 to vector<16xi32>
      %mul3A_579 = arith.muli %add3A_576, %mul3A_578 : vector<16xi32>
      %add3A_580 = arith.constant 39 : i32
      %add3A_581 = vector.broadcast %add3A_580 : i32 to vector<16xi32>
      %add3A_582 = arith.addi %mul3A_579, %add3A_581 : vector<16xi32>
      %gather3A_583 = tpu.vector_load_idx %arg6[%add3A_582] : memref<32768xf32, #tpu.memory_space<vmem>>[vector<16xi32>], vector<16xf32>,
      %swap3A_584 = arith.constant 39 : i32
      %swap3A_585 = arith.index_cast %swap3A_584 : i32 to index
      %swap3A_586 = arith.index_cast %mul3A_30 : i32 to index
      %swap3A_587 = tpu.vector_load %arg8[%swap3A_585, %swap3A_586] {strides = array<i32>} : memref<64x512xf32, #tpu.memory_space<vmem>>, vector<16xf32>,
      tpu.vector_store %arg8[%swap3A_585, %swap3A_586], %gather3A_583 {strides = array<i32>} : memref<64x512xf32, #tpu.memory_space<vmem>>, vector<16xf32>,
      %iota3A_588 = tpu.iota {dimensions = array<i32: 0>} : vector<16xi32>
      %add3A_589 = vector.broadcast %mul3A_30 : i32 to vector<16xi32>
      %add3A_590 = arith.addi %iota3A_588, %add3A_589 : vector<16xi32>
      %mul3A_591 = arith.constant 64 : i32
      %mul3A_592 = vector.broadcast %mul3A_591 : i32 to vector<16xi32>
      %mul3A_593 = arith.muli %add3A_590, %mul3A_592 : vector<16xi32>
      %add3A_594 = arith.constant 40 : i32
      %add3A_595 = vector.broadcast %add3A_594 : i32 to vector<16xi32>
      %add3A_596 = arith.addi %mul3A_593, %add3A_595 : vector<16xi32>
      %gather3A_597 = tpu.vector_load_idx %arg6[%add3A_596] : memref<32768xf32, #tpu.memory_space<vmem>>[vector<16xi32>], vector<16xf32>,
      %swap3A_598 = arith.constant 40 : i32
      %swap3A_599 = arith.index_cast %swap3A_598 : i32 to index
      %swap3A_600 = arith.index_cast %mul3A_30 : i32 to index
      %swap3A_601 = tpu.vector_load %arg8[%swap3A_599, %swap3A_600] {strides = array<i32>} : memref<64x512xf32, #tpu.memory_space<vmem>>, vector<16xf32>,
      tpu.vector_store %arg8[%swap3A_599, %swap3A_600], %gather3A_597 {strides = array<i32>} : memref<64x512xf32, #tpu.memory_space<vmem>>, vector<16xf32>,
      %iota3A_602 = tpu.iota {dimensions = array<i32: 0>} : vector<16xi32>
      %add3A_603 = vector.broadcast %mul3A_30 : i32 to vector<16xi32>
      %add3A_604 = arith.addi %iota3A_602, %add3A_603 : vector<16xi32>
      %mul3A_605 = arith.constant 64 : i32
      %mul3A_606 = vector.broadcast %mul3A_605 : i32 to vector<16xi32>
      %mul3A_607 = arith.muli %add3A_604, %mul3A_606 : vector<16xi32>
      %add3A_608 = arith.constant 41 : i32
      %add3A_609 = vector.broadcast %add3A_608 : i32 to vector<16xi32>
      %add3A_610 = arith.addi %mul3A_607, %add3A_609 : vector<16xi32>
      %gather3A_611 = tpu.vector_load_idx %arg6[%add3A_610] : memref<32768xf32, #tpu.memory_space<vmem>>[vector<16xi32>], vector<16xf32>,
      %swap3A_612 = arith.constant 41 : i32
      %swap3A_613 = arith.index_cast %swap3A_612 : i32 to index
      %swap3A_614 = arith.index_cast %mul3A_30 : i32 to index
      %swap3A_615 = tpu.vector_load %arg8[%swap3A_613, %swap3A_614] {strides = array<i32>} : memref<64x512xf32, #tpu.memory_space<vmem>>, vector<16xf32>,
      tpu.vector_store %arg8[%swap3A_613, %swap3A_614], %gather3A_611 {strides = array<i32>} : memref<64x512xf32, #tpu.memory_space<vmem>>, vector<16xf32>,
      %iota3A_616 = tpu.iota {dimensions = array<i32: 0>} : vector<16xi32>
      %add3A_617 = vector.broadcast %mul3A_30 : i32 to vector<16xi32>
      %add3A_618 = arith.addi %iota3A_616, %add3A_617 : vector<16xi32>
      %mul3A_619 = arith.constant 64 : i32
      %mul3A_620 = vector.broadcast %mul3A_619 : i32 to vector<16xi32>
      %mul3A_621 = arith.muli %add3A_618, %mul3A_620 : vector<16xi32>
      %add3A_622 = arith.constant 42 : i32
      %add3A_623 = vector.broadcast %add3A_622 : i32 to vector<16xi32>
      %add3A_624 = arith.addi %mul3A_621, %add3A_623 : vector<16xi32>
      %gather3A_625 = tpu.vector_load_idx %arg6[%add3A_624] : memref<32768xf32, #tpu.memory_space<vmem>>[vector<16xi32>], vector<16xf32>,
      %swap3A_626 = arith.constant 42 : i32
      %swap3A_627 = arith.index_cast %swap3A_626 : i32 to index
      %swap3A_628 = arith.index_cast %mul3A_30 : i32 to index
      %swap3A_629 = tpu.vector_load %arg8[%swap3A_627, %swap3A_628] {strides = array<i32>} : memref<64x512xf32, #tpu.memory_space<vmem>>, vector<16xf32>,
      tpu.vector_store %arg8[%swap3A_627, %swap3A_628], %gather3A_625 {strides = array<i32>} : memref<64x512xf32, #tpu.memory_space<vmem>>, vector<16xf32>,
      %iota3A_630 = tpu.iota {dimensions = array<i32: 0>} : vector<16xi32>
      %add3A_631 = vector.broadcast %mul3A_30 : i32 to vector<16xi32>
      %add3A_632 = arith.addi %iota3A_630, %add3A_631 : vector<16xi32>
      %mul3A_633 = arith.constant 64 : i32
      %mul3A_634 = vector.broadcast %mul3A_633 : i32 to vector<16xi32>
      %mul3A_635 = arith.muli %add3A_632, %mul3A_634 : vector<16xi32>
      %add3A_636 = arith.constant 43 : i32
      %add3A_637 = vector.broadcast %add3A_636 : i32 to vector<16xi32>
      %add3A_638 = arith.addi %mul3A_635, %add3A_637 : vector<16xi32>
      %gather3A_639 = tpu.vector_load_idx %arg6[%add3A_638] : memref<32768xf32, #tpu.memory_space<vmem>>[vector<16xi32>], vector<16xf32>,
      %swap3A_640 = arith.constant 43 : i32
      %swap3A_641 = arith.index_cast %swap3A_640 : i32 to index
      %swap3A_642 = arith.index_cast %mul3A_30 : i32 to index
      %swap3A_643 = tpu.vector_load %arg8[%swap3A_641, %swap3A_642] {strides = array<i32>} : memref<64x512xf32, #tpu.memory_space<vmem>>, vector<16xf32>,
      tpu.vector_store %arg8[%swap3A_641, %swap3A_642], %gather3A_639 {strides = array<i32>} : memref<64x512xf32, #tpu.memory_space<vmem>>, vector<16xf32>,
      %iota3A_644 = tpu.iota {dimensions = array<i32: 0>} : vector<16xi32>
      %add3A_645 = vector.broadcast %mul3A_30 : i32 to vector<16xi32>
      %add3A_646 = arith.addi %iota3A_644, %add3A_645 : vector<16xi32>
      %mul3A_647 = arith.constant 64 : i32
      %mul3A_648 = vector.broadcast %mul3A_647 : i32 to vector<16xi32>
      %mul3A_649 = arith.muli %add3A_646, %mul3A_648 : vector<16xi32>
      %add3A_650 = arith.constant 44 : i32
      %add3A_651 = vector.broadcast %add3A_650 : i32 to vector<16xi32>
      %add3A_652 = arith.addi %mul3A_649, %add3A_651 : vector<16xi32>
      %gather3A_653 = tpu.vector_load_idx %arg6[%add3A_652] : memref<32768xf32, #tpu.memory_space<vmem>>[vector<16xi32>], vector<16xf32>,
      %swap3A_654 = arith.constant 44 : i32
      %swap3A_655 = arith.index_cast %swap3A_654 : i32 to index
      %swap3A_656 = arith.index_cast %mul3A_30 : i32 to index
      %swap3A_657 = tpu.vector_load %arg8[%swap3A_655, %swap3A_656] {strides = array<i32>} : memref<64x512xf32, #tpu.memory_space<vmem>>, vector<16xf32>,
      tpu.vector_store %arg8[%swap3A_655, %swap3A_656], %gather3A_653 {strides = array<i32>} : memref<64x512xf32, #tpu.memory_space<vmem>>, vector<16xf32>,
      %iota3A_658 = tpu.iota {dimensions = array<i32: 0>} : vector<16xi32>
      %add3A_659 = vector.broadcast %mul3A_30 : i32 to vector<16xi32>
      %add3A_660 = arith.addi %iota3A_658, %add3A_659 : vector<16xi32>
      %mul3A_661 = arith.constant 64 : i32
      %mul3A_662 = vector.broadcast %mul3A_661 : i32 to vector<16xi32>
      %mul3A_663 = arith.muli %add3A_660, %mul3A_662 : vector<16xi32>
      %add3A_664 = arith.constant 45 : i32
      %add3A_665 = vector.broadcast %add3A_664 : i32 to vector<16xi32>
      %add3A_666 = arith.addi %mul3A_663, %add3A_665 : vector<16xi32>
      %gather3A_667 = tpu.vector_load_idx %arg6[%add3A_666] : memref<32768xf32, #tpu.memory_space<vmem>>[vector<16xi32>], vector<16xf32>,
      %swap3A_668 = arith.constant 45 : i32
      %swap3A_669 = arith.index_cast %swap3A_668 : i32 to index
      %swap3A_670 = arith.index_cast %mul3A_30 : i32 to index
      %swap3A_671 = tpu.vector_load %arg8[%swap3A_669, %swap3A_670] {strides = array<i32>} : memref<64x512xf32, #tpu.memory_space<vmem>>, vector<16xf32>,
      tpu.vector_store %arg8[%swap3A_669, %swap3A_670], %gather3A_667 {strides = array<i32>} : memref<64x512xf32, #tpu.memory_space<vmem>>, vector<16xf32>,
      %iota3A_672 = tpu.iota {dimensions = array<i32: 0>} : vector<16xi32>
      %add3A_673 = vector.broadcast %mul3A_30 : i32 to vector<16xi32>
      %add3A_674 = arith.addi %iota3A_672, %add3A_673 : vector<16xi32>
      %mul3A_675 = arith.constant 64 : i32
      %mul3A_676 = vector.broadcast %mul3A_675 : i32 to vector<16xi32>
      %mul3A_677 = arith.muli %add3A_674, %mul3A_676 : vector<16xi32>
      %add3A_678 = arith.constant 46 : i32
      %add3A_679 = vector.broadcast %add3A_678 : i32 to vector<16xi32>
      %add3A_680 = arith.addi %mul3A_677, %add3A_679 : vector<16xi32>
      %gather3A_681 = tpu.vector_load_idx %arg6[%add3A_680] : memref<32768xf32, #tpu.memory_space<vmem>>[vector<16xi32>], vector<16xf32>,
      %swap3A_682 = arith.constant 46 : i32
      %swap3A_683 = arith.index_cast %swap3A_682 : i32 to index
      %swap3A_684 = arith.index_cast %mul3A_30 : i32 to index
      %swap3A_685 = tpu.vector_load %arg8[%swap3A_683, %swap3A_684] {strides = array<i32>} : memref<64x512xf32, #tpu.memory_space<vmem>>, vector<16xf32>,
      tpu.vector_store %arg8[%swap3A_683, %swap3A_684], %gather3A_681 {strides = array<i32>} : memref<64x512xf32, #tpu.memory_space<vmem>>, vector<16xf32>,
      %iota3A_686 = tpu.iota {dimensions = array<i32: 0>} : vector<16xi32>
      %add3A_687 = vector.broadcast %mul3A_30 : i32 to vector<16xi32>
      %add3A_688 = arith.addi %iota3A_686, %add3A_687 : vector<16xi32>
      %mul3A_689 = arith.constant 64 : i32
      %mul3A_690 = vector.broadcast %mul3A_689 : i32 to vector<16xi32>
      %mul3A_691 = arith.muli %add3A_688, %mul3A_690 : vector<16xi32>
      %add3A_692 = arith.constant 47 : i32
      %add3A_693 = vector.broadcast %add3A_692 : i32 to vector<16xi32>
      %add3A_694 = arith.addi %mul3A_691, %add3A_693 : vector<16xi32>
      %gather3A_695 = tpu.vector_load_idx %arg6[%add3A_694] : memref<32768xf32, #tpu.memory_space<vmem>>[vector<16xi32>], vector<16xf32>,
      %swap3A_696 = arith.constant 47 : i32
      %swap3A_697 = arith.index_cast %swap3A_696 : i32 to index
      %swap3A_698 = arith.index_cast %mul3A_30 : i32 to index
      %swap3A_699 = tpu.vector_load %arg8[%swap3A_697, %swap3A_698] {strides = array<i32>} : memref<64x512xf32, #tpu.memory_space<vmem>>, vector<16xf32>,
      tpu.vector_store %arg8[%swap3A_697, %swap3A_698], %gather3A_695 {strides = array<i32>} : memref<64x512xf32, #tpu.memory_space<vmem>>, vector<16xf32>,
      %iota3A_700 = tpu.iota {dimensions = array<i32: 0>} : vector<16xi32>
      %add3A_701 = vector.broadcast %mul3A_30 : i32 to vector<16xi32>
      %add3A_702 = arith.addi %iota3A_700, %add3A_701 : vector<16xi32>
      %mul3A_703 = arith.constant 64 : i32
      %mul3A_704 = vector.broadcast %mul3A_703 : i32 to vector<16xi32>
      %mul3A_705 = arith.muli %add3A_702, %mul3A_704 : vector<16xi32>
      %add3A_706 = arith.constant 48 : i32
      %add3A_707 = vector.broadcast %add3A_706 : i32 to vector<16xi32>
      %add3A_708 = arith.addi %mul3A_705, %add3A_707 : vector<16xi32>
      %gather3A_709 = tpu.vector_load_idx %arg6[%add3A_708] : memref<32768xf32, #tpu.memory_space<vmem>>[vector<16xi32>], vector<16xf32>,
      %swap3A_710 = arith.constant 48 : i32
      %swap3A_711 = arith.index_cast %swap3A_710 : i32 to index
      %swap3A_712 = arith.index_cast %mul3A_30 : i32 to index
      %swap3A_713 = tpu.vector_load %arg8[%swap3A_711, %swap3A_712] {strides = array<i32>} : memref<64x512xf32, #tpu.memory_space<vmem>>, vector<16xf32>,
      tpu.vector_store %arg8[%swap3A_711, %swap3A_712], %gather3A_709 {strides = array<i32>} : memref<64x512xf32, #tpu.memory_space<vmem>>, vector<16xf32>,
      %iota3A_714 = tpu.iota {dimensions = array<i32: 0>} : vector<16xi32>
      %add3A_715 = vector.broadcast %mul3A_30 : i32 to vector<16xi32>
      %add3A_716 = arith.addi %iota3A_714, %add3A_715 : vector<16xi32>
      %mul3A_717 = arith.constant 64 : i32
      %mul3A_718 = vector.broadcast %mul3A_717 : i32 to vector<16xi32>
      %mul3A_719 = arith.muli %add3A_716, %mul3A_718 : vector<16xi32>
      %add3A_720 = arith.constant 49 : i32
      %add3A_721 = vector.broadcast %add3A_720 : i32 to vector<16xi32>
      %add3A_722 = arith.addi %mul3A_719, %add3A_721 : vector<16xi32>
      %gather3A_723 = tpu.vector_load_idx %arg6[%add3A_722] : memref<32768xf32, #tpu.memory_space<vmem>>[vector<16xi32>], vector<16xf32>,
      %swap3A_724 = arith.constant 49 : i32
      %swap3A_725 = arith.index_cast %swap3A_724 : i32 to index
      %swap3A_726 = arith.index_cast %mul3A_30 : i32 to index
      %swap3A_727 = tpu.vector_load %arg8[%swap3A_725, %swap3A_726] {strides = array<i32>} : memref<64x512xf32, #tpu.memory_space<vmem>>, vector<16xf32>,
      tpu.vector_store %arg8[%swap3A_725, %swap3A_726], %gather3A_723 {strides = array<i32>} : memref<64x512xf32, #tpu.memory_space<vmem>>, vector<16xf32>,
      %iota3A_728 = tpu.iota {dimensions = array<i32: 0>} : vector<16xi32>
      %add3A_729 = vector.broadcast %mul3A_30 : i32 to vector<16xi32>
      %add3A_730 = arith.addi %iota3A_728, %add3A_729 : vector<16xi32>
      %mul3A_731 = arith.constant 64 : i32
      %mul3A_732 = vector.broadcast %mul3A_731 : i32 to vector<16xi32>
      %mul3A_733 = arith.muli %add3A_730, %mul3A_732 : vector<16xi32>
      %add3A_734 = arith.constant 50 : i32
      %add3A_735 = vector.broadcast %add3A_734 : i32 to vector<16xi32>
      %add3A_736 = arith.addi %mul3A_733, %add3A_735 : vector<16xi32>
      %gather3A_737 = tpu.vector_load_idx %arg6[%add3A_736] : memref<32768xf32, #tpu.memory_space<vmem>>[vector<16xi32>], vector<16xf32>,
      %swap3A_738 = arith.constant 50 : i32
      %swap3A_739 = arith.index_cast %swap3A_738 : i32 to index
      %swap3A_740 = arith.index_cast %mul3A_30 : i32 to index
      %swap3A_741 = tpu.vector_load %arg8[%swap3A_739, %swap3A_740] {strides = array<i32>} : memref<64x512xf32, #tpu.memory_space<vmem>>, vector<16xf32>,
      tpu.vector_store %arg8[%swap3A_739, %swap3A_740], %gather3A_737 {strides = array<i32>} : memref<64x512xf32, #tpu.memory_space<vmem>>, vector<16xf32>,
      %iota3A_742 = tpu.iota {dimensions = array<i32: 0>} : vector<16xi32>
      %add3A_743 = vector.broadcast %mul3A_30 : i32 to vector<16xi32>
      %add3A_744 = arith.addi %iota3A_742, %add3A_743 : vector<16xi32>
      %mul3A_745 = arith.constant 64 : i32
      %mul3A_746 = vector.broadcast %mul3A_745 : i32 to vector<16xi32>
      %mul3A_747 = arith.muli %add3A_744, %mul3A_746 : vector<16xi32>
      %add3A_748 = arith.constant 51 : i32
      %add3A_749 = vector.broadcast %add3A_748 : i32 to vector<16xi32>
      %add3A_750 = arith.addi %mul3A_747, %add3A_749 : vector<16xi32>
      %gather3A_751 = tpu.vector_load_idx %arg6[%add3A_750] : memref<32768xf32, #tpu.memory_space<vmem>>[vector<16xi32>], vector<16xf32>,
      %swap3A_752 = arith.constant 51 : i32
      %swap3A_753 = arith.index_cast %swap3A_752 : i32 to index
      %swap3A_754 = arith.index_cast %mul3A_30 : i32 to index
      %swap3A_755 = tpu.vector_load %arg8[%swap3A_753, %swap3A_754] {strides = array<i32>} : memref<64x512xf32, #tpu.memory_space<vmem>>, vector<16xf32>,
      tpu.vector_store %arg8[%swap3A_753, %swap3A_754], %gather3A_751 {strides = array<i32>} : memref<64x512xf32, #tpu.memory_space<vmem>>, vector<16xf32>,
      %iota3A_756 = tpu.iota {dimensions = array<i32: 0>} : vector<16xi32>
      %add3A_757 = vector.broadcast %mul3A_30 : i32 to vector<16xi32>
      %add3A_758 = arith.addi %iota3A_756, %add3A_757 : vector<16xi32>
      %mul3A_759 = arith.constant 64 : i32
      %mul3A_760 = vector.broadcast %mul3A_759 : i32 to vector<16xi32>
      %mul3A_761 = arith.muli %add3A_758, %mul3A_760 : vector<16xi32>
      %add3A_762 = arith.constant 52 : i32
      %add3A_763 = vector.broadcast %add3A_762 : i32 to vector<16xi32>
      %add3A_764 = arith.addi %mul3A_761, %add3A_763 : vector<16xi32>
      %gather3A_765 = tpu.vector_load_idx %arg6[%add3A_764] : memref<32768xf32, #tpu.memory_space<vmem>>[vector<16xi32>], vector<16xf32>,
      %swap3A_766 = arith.constant 52 : i32
      %swap3A_767 = arith.index_cast %swap3A_766 : i32 to index
      %swap3A_768 = arith.index_cast %mul3A_30 : i32 to index
      %swap3A_769 = tpu.vector_load %arg8[%swap3A_767, %swap3A_768] {strides = array<i32>} : memref<64x512xf32, #tpu.memory_space<vmem>>, vector<16xf32>,
      tpu.vector_store %arg8[%swap3A_767, %swap3A_768], %gather3A_765 {strides = array<i32>} : memref<64x512xf32, #tpu.memory_space<vmem>>, vector<16xf32>,
      %iota3A_770 = tpu.iota {dimensions = array<i32: 0>} : vector<16xi32>
      %add3A_771 = vector.broadcast %mul3A_30 : i32 to vector<16xi32>
      %add3A_772 = arith.addi %iota3A_770, %add3A_771 : vector<16xi32>
      %mul3A_773 = arith.constant 64 : i32
      %mul3A_774 = vector.broadcast %mul3A_773 : i32 to vector<16xi32>
      %mul3A_775 = arith.muli %add3A_772, %mul3A_774 : vector<16xi32>
      %add3A_776 = arith.constant 53 : i32
      %add3A_777 = vector.broadcast %add3A_776 : i32 to vector<16xi32>
      %add3A_778 = arith.addi %mul3A_775, %add3A_777 : vector<16xi32>
      %gather3A_779 = tpu.vector_load_idx %arg6[%add3A_778] : memref<32768xf32, #tpu.memory_space<vmem>>[vector<16xi32>], vector<16xf32>,
      %swap3A_780 = arith.constant 53 : i32
      %swap3A_781 = arith.index_cast %swap3A_780 : i32 to index
      %swap3A_782 = arith.index_cast %mul3A_30 : i32 to index
      %swap3A_783 = tpu.vector_load %arg8[%swap3A_781, %swap3A_782] {strides = array<i32>} : memref<64x512xf32, #tpu.memory_space<vmem>>, vector<16xf32>,
      tpu.vector_store %arg8[%swap3A_781, %swap3A_782], %gather3A_779 {strides = array<i32>} : memref<64x512xf32, #tpu.memory_space<vmem>>, vector<16xf32>,
      %iota3A_784 = tpu.iota {dimensions = array<i32: 0>} : vector<16xi32>
      %add3A_785 = vector.broadcast %mul3A_30 : i32 to vector<16xi32>
      %add3A_786 = arith.addi %iota3A_784, %add3A_785 : vector<16xi32>
      %mul3A_787 = arith.constant 64 : i32
      %mul3A_788 = vector.broadcast %mul3A_787 : i32 to vector<16xi32>
      %mul3A_789 = arith.muli %add3A_786, %mul3A_788 : vector<16xi32>
      %add3A_790 = arith.constant 54 : i32
      %add3A_791 = vector.broadcast %add3A_790 : i32 to vector<16xi32>
      %add3A_792 = arith.addi %mul3A_789, %add3A_791 : vector<16xi32>
      %gather3A_793 = tpu.vector_load_idx %arg6[%add3A_792] : memref<32768xf32, #tpu.memory_space<vmem>>[vector<16xi32>], vector<16xf32>,
      %swap3A_794 = arith.constant 54 : i32
      %swap3A_795 = arith.index_cast %swap3A_794 : i32 to index
      %swap3A_796 = arith.index_cast %mul3A_30 : i32 to index
      %swap3A_797 = tpu.vector_load %arg8[%swap3A_795, %swap3A_796] {strides = array<i32>} : memref<64x512xf32, #tpu.memory_space<vmem>>, vector<16xf32>,
      tpu.vector_store %arg8[%swap3A_795, %swap3A_796], %gather3A_793 {strides = array<i32>} : memref<64x512xf32, #tpu.memory_space<vmem>>, vector<16xf32>,
      %iota3A_798 = tpu.iota {dimensions = array<i32: 0>} : vector<16xi32>
      %add3A_799 = vector.broadcast %mul3A_30 : i32 to vector<16xi32>
      %add3A_800 = arith.addi %iota3A_798, %add3A_799 : vector<16xi32>
      %mul3A_801 = arith.constant 64 : i32
      %mul3A_802 = vector.broadcast %mul3A_801 : i32 to vector<16xi32>
      %mul3A_803 = arith.muli %add3A_800, %mul3A_802 : vector<16xi32>
      %add3A_804 = arith.constant 55 : i32
      %add3A_805 = vector.broadcast %add3A_804 : i32 to vector<16xi32>
      %add3A_806 = arith.addi %mul3A_803, %add3A_805 : vector<16xi32>
      %gather3A_807 = tpu.vector_load_idx %arg6[%add3A_806] : memref<32768xf32, #tpu.memory_space<vmem>>[vector<16xi32>], vector<16xf32>,
      %swap3A_808 = arith.constant 55 : i32
      %swap3A_809 = arith.index_cast %swap3A_808 : i32 to index
      %swap3A_810 = arith.index_cast %mul3A_30 : i32 to index
      %swap3A_811 = tpu.vector_load %arg8[%swap3A_809, %swap3A_810] {strides = array<i32>} : memref<64x512xf32, #tpu.memory_space<vmem>>, vector<16xf32>,
      tpu.vector_store %arg8[%swap3A_809, %swap3A_810], %gather3A_807 {strides = array<i32>} : memref<64x512xf32, #tpu.memory_space<vmem>>, vector<16xf32>,
      %iota3A_812 = tpu.iota {dimensions = array<i32: 0>} : vector<16xi32>
      %add3A_813 = vector.broadcast %mul3A_30 : i32 to vector<16xi32>
      %add3A_814 = arith.addi %iota3A_812, %add3A_813 : vector<16xi32>
      %mul3A_815 = arith.constant 64 : i32
      %mul3A_816 = vector.broadcast %mul3A_815 : i32 to vector<16xi32>
      %mul3A_817 = arith.muli %add3A_814, %mul3A_816 : vector<16xi32>
      %add3A_818 = arith.constant 56 : i32
      %add3A_819 = vector.broadcast %add3A_818 : i32 to vector<16xi32>
      %add3A_820 = arith.addi %mul3A_817, %add3A_819 : vector<16xi32>
      %gather3A_821 = tpu.vector_load_idx %arg6[%add3A_820] : memref<32768xf32, #tpu.memory_space<vmem>>[vector<16xi32>], vector<16xf32>,
      %swap3A_822 = arith.constant 56 : i32
      %swap3A_823 = arith.index_cast %swap3A_822 : i32 to index
      %swap3A_824 = arith.index_cast %mul3A_30 : i32 to index
      %swap3A_825 = tpu.vector_load %arg8[%swap3A_823, %swap3A_824] {strides = array<i32>} : memref<64x512xf32, #tpu.memory_space<vmem>>, vector<16xf32>,
      tpu.vector_store %arg8[%swap3A_823, %swap3A_824], %gather3A_821 {strides = array<i32>} : memref<64x512xf32, #tpu.memory_space<vmem>>, vector<16xf32>,
      %iota3A_826 = tpu.iota {dimensions = array<i32: 0>} : vector<16xi32>
      %add3A_827 = vector.broadcast %mul3A_30 : i32 to vector<16xi32>
      %add3A_828 = arith.addi %iota3A_826, %add3A_827 : vector<16xi32>
      %mul3A_829 = arith.constant 64 : i32
      %mul3A_830 = vector.broadcast %mul3A_829 : i32 to vector<16xi32>
      %mul3A_831 = arith.muli %add3A_828, %mul3A_830 : vector<16xi32>
      %add3A_832 = arith.constant 57 : i32
      %add3A_833 = vector.broadcast %add3A_832 : i32 to vector<16xi32>
      %add3A_834 = arith.addi %mul3A_831, %add3A_833 : vector<16xi32>
      %gather3A_835 = tpu.vector_load_idx %arg6[%add3A_834] : memref<32768xf32, #tpu.memory_space<vmem>>[vector<16xi32>], vector<16xf32>,
      %swap3A_836 = arith.constant 57 : i32
      %swap3A_837 = arith.index_cast %swap3A_836 : i32 to index
      %swap3A_838 = arith.index_cast %mul3A_30 : i32 to index
      %swap3A_839 = tpu.vector_load %arg8[%swap3A_837, %swap3A_838] {strides = array<i32>} : memref<64x512xf32, #tpu.memory_space<vmem>>, vector<16xf32>,
      tpu.vector_store %arg8[%swap3A_837, %swap3A_838], %gather3A_835 {strides = array<i32>} : memref<64x512xf32, #tpu.memory_space<vmem>>, vector<16xf32>,
      %iota3A_840 = tpu.iota {dimensions = array<i32: 0>} : vector<16xi32>
      %add3A_841 = vector.broadcast %mul3A_30 : i32 to vector<16xi32>
      %add3A_842 = arith.addi %iota3A_840, %add3A_841 : vector<16xi32>
      %mul3A_843 = arith.constant 64 : i32
      %mul3A_844 = vector.broadcast %mul3A_843 : i32 to vector<16xi32>
      %mul3A_845 = arith.muli %add3A_842, %mul3A_844 : vector<16xi32>
      %add3A_846 = arith.constant 58 : i32
      %add3A_847 = vector.broadcast %add3A_846 : i32 to vector<16xi32>
      %add3A_848 = arith.addi %mul3A_845, %add3A_847 : vector<16xi32>
      %gather3A_849 = tpu.vector_load_idx %arg6[%add3A_848] : memref<32768xf32, #tpu.memory_space<vmem>>[vector<16xi32>], vector<16xf32>,
      %swap3A_850 = arith.constant 58 : i32
      %swap3A_851 = arith.index_cast %swap3A_850 : i32 to index
      %swap3A_852 = arith.index_cast %mul3A_30 : i32 to index
      %swap3A_853 = tpu.vector_load %arg8[%swap3A_851, %swap3A_852] {strides = array<i32>} : memref<64x512xf32, #tpu.memory_space<vmem>>, vector<16xf32>,
      tpu.vector_store %arg8[%swap3A_851, %swap3A_852], %gather3A_849 {strides = array<i32>} : memref<64x512xf32, #tpu.memory_space<vmem>>, vector<16xf32>,
      %iota3A_854 = tpu.iota {dimensions = array<i32: 0>} : vector<16xi32>
      %add3A_855 = vector.broadcast %mul3A_30 : i32 to vector<16xi32>
      %add3A_856 = arith.addi %iota3A_854, %add3A_855 : vector<16xi32>
      %mul3A_857 = arith.constant 64 : i32
      %mul3A_858 = vector.broadcast %mul3A_857 : i32 to vector<16xi32>
      %mul3A_859 = arith.muli %add3A_856, %mul3A_858 : vector<16xi32>
      %add3A_860 = arith.constant 59 : i32
      %add3A_861 = vector.broadcast %add3A_860 : i32 to vector<16xi32>
      %add3A_862 = arith.addi %mul3A_859, %add3A_861 : vector<16xi32>
      %gather3A_863 = tpu.vector_load_idx %arg6[%add3A_862] : memref<32768xf32, #tpu.memory_space<vmem>>[vector<16xi32>], vector<16xf32>,
      %swap3A_864 = arith.constant 59 : i32
      %swap3A_865 = arith.index_cast %swap3A_864 : i32 to index
      %swap3A_866 = arith.index_cast %mul3A_30 : i32 to index
      %swap3A_867 = tpu.vector_load %arg8[%swap3A_865, %swap3A_866] {strides = array<i32>} : memref<64x512xf32, #tpu.memory_space<vmem>>, vector<16xf32>,
      tpu.vector_store %arg8[%swap3A_865, %swap3A_866], %gather3A_863 {strides = array<i32>} : memref<64x512xf32, #tpu.memory_space<vmem>>, vector<16xf32>,
      %iota3A_868 = tpu.iota {dimensions = array<i32: 0>} : vector<16xi32>
      %add3A_869 = vector.broadcast %mul3A_30 : i32 to vector<16xi32>
      %add3A_870 = arith.addi %iota3A_868, %add3A_869 : vector<16xi32>
      %mul3A_871 = arith.constant 64 : i32
      %mul3A_872 = vector.broadcast %mul3A_871 : i32 to vector<16xi32>
      %mul3A_873 = arith.muli %add3A_870, %mul3A_872 : vector<16xi32>
      %add3A_874 = arith.constant 60 : i32
      %add3A_875 = vector.broadcast %add3A_874 : i32 to vector<16xi32>
      %add3A_876 = arith.addi %mul3A_873, %add3A_875 : vector<16xi32>
      %gather3A_877 = tpu.vector_load_idx %arg6[%add3A_876] : memref<32768xf32, #tpu.memory_space<vmem>>[vector<16xi32>], vector<16xf32>,
      %swap3A_878 = arith.constant 60 : i32
      %swap3A_879 = arith.index_cast %swap3A_878 : i32 to index
      %swap3A_880 = arith.index_cast %mul3A_30 : i32 to index
      %swap3A_881 = tpu.vector_load %arg8[%swap3A_879, %swap3A_880] {strides = array<i32>} : memref<64x512xf32, #tpu.memory_space<vmem>>, vector<16xf32>,
      tpu.vector_store %arg8[%swap3A_879, %swap3A_880], %gather3A_877 {strides = array<i32>} : memref<64x512xf32, #tpu.memory_space<vmem>>, vector<16xf32>,
      %iota3A_882 = tpu.iota {dimensions = array<i32: 0>} : vector<16xi32>
      %add3A_883 = vector.broadcast %mul3A_30 : i32 to vector<16xi32>
      %add3A_884 = arith.addi %iota3A_882, %add3A_883 : vector<16xi32>
      %mul3A_885 = arith.constant 64 : i32
      %mul3A_886 = vector.broadcast %mul3A_885 : i32 to vector<16xi32>
      %mul3A_887 = arith.muli %add3A_884, %mul3A_886 : vector<16xi32>
      %add3A_888 = arith.constant 61 : i32
      %add3A_889 = vector.broadcast %add3A_888 : i32 to vector<16xi32>
      %add3A_890 = arith.addi %mul3A_887, %add3A_889 : vector<16xi32>
      %gather3A_891 = tpu.vector_load_idx %arg6[%add3A_890] : memref<32768xf32, #tpu.memory_space<vmem>>[vector<16xi32>], vector<16xf32>,
      %swap3A_892 = arith.constant 61 : i32
      %swap3A_893 = arith.index_cast %swap3A_892 : i32 to index
      %swap3A_894 = arith.index_cast %mul3A_30 : i32 to index
      %swap3A_895 = tpu.vector_load %arg8[%swap3A_893, %swap3A_894] {strides = array<i32>} : memref<64x512xf32, #tpu.memory_space<vmem>>, vector<16xf32>,
      tpu.vector_store %arg8[%swap3A_893, %swap3A_894], %gather3A_891 {strides = array<i32>} : memref<64x512xf32, #tpu.memory_space<vmem>>, vector<16xf32>,
      %iota3A_896 = tpu.iota {dimensions = array<i32: 0>} : vector<16xi32>
      %add3A_897 = vector.broadcast %mul3A_30 : i32 to vector<16xi32>
      %add3A_898 = arith.addi %iota3A_896, %add3A_897 : vector<16xi32>
      %mul3A_899 = arith.constant 64 : i32
      %mul3A_900 = vector.broadcast %mul3A_899 : i32 to vector<16xi32>
      %mul3A_901 = arith.muli %add3A_898, %mul3A_900 : vector<16xi32>
      %add3A_902 = arith.constant 62 : i32
      %add3A_903 = vector.broadcast %add3A_902 : i32 to vector<16xi32>
      %add3A_904 = arith.addi %mul3A_901, %add3A_903 : vector<16xi32>
      %gather3A_905 = tpu.vector_load_idx %arg6[%add3A_904] : memref<32768xf32, #tpu.memory_space<vmem>>[vector<16xi32>], vector<16xf32>,
      %swap3A_906 = arith.constant 62 : i32
      %swap3A_907 = arith.index_cast %swap3A_906 : i32 to index
      %swap3A_908 = arith.index_cast %mul3A_30 : i32 to index
      %swap3A_909 = tpu.vector_load %arg8[%swap3A_907, %swap3A_908] {strides = array<i32>} : memref<64x512xf32, #tpu.memory_space<vmem>>, vector<16xf32>,
      tpu.vector_store %arg8[%swap3A_907, %swap3A_908], %gather3A_905 {strides = array<i32>} : memref<64x512xf32, #tpu.memory_space<vmem>>, vector<16xf32>,
      %iota3A_910 = tpu.iota {dimensions = array<i32: 0>} : vector<16xi32>
      %add3A_911 = vector.broadcast %mul3A_30 : i32 to vector<16xi32>
      %add3A_912 = arith.addi %iota3A_910, %add3A_911 : vector<16xi32>
      %mul3A_913 = arith.constant 64 : i32
      %mul3A_914 = vector.broadcast %mul3A_913 : i32 to vector<16xi32>
      %mul3A_915 = arith.muli %add3A_912, %mul3A_914 : vector<16xi32>
      %add3A_916 = arith.constant 63 : i32
      %add3A_917 = vector.broadcast %add3A_916 : i32 to vector<16xi32>
      %add3A_918 = arith.addi %mul3A_915, %add3A_917 : vector<16xi32>
      %gather3A_919 = tpu.vector_load_idx %arg6[%add3A_918] : memref<32768xf32, #tpu.memory_space<vmem>>[vector<16xi32>], vector<16xf32>,
      %swap3A_920 = arith.constant 63 : i32
      %swap3A_921 = arith.index_cast %swap3A_920 : i32 to index
      %swap3A_922 = arith.index_cast %mul3A_30 : i32 to index
      %swap3A_923 = tpu.vector_load %arg8[%swap3A_921, %swap3A_922] {strides = array<i32>} : memref<64x512xf32, #tpu.memory_space<vmem>>, vector<16xf32>,
      tpu.vector_store %arg8[%swap3A_921, %swap3A_922], %gather3A_919 {strides = array<i32>} : memref<64x512xf32, #tpu.memory_space<vmem>>, vector<16xf32>,
    }
    %scan3A_17 = arith.constant 32 : i32
    "tpu.region"() ({
      %run_scoped3A = tpu.sem_alloc : memref<!tpu.dma_semaphore, #tpu.memory_space<semaphore_mem>>
      %dma_start3A_28 = arith.constant 0 : i32
      %dma_start3A_29 = tpu.memref_slice %arg4[%dma_start3A_28, %mul3A_2] : memref<64x16384xf32, #tpu.memory_space<hbm>> -> memref<64x512xf32, #tpu.memory_space<hbm>>
      %dma_start3A_30 = arith.constant 0 : i32
      %dma_start3A_31 = tpu.memref_slice %arg4[%dma_start3A_30, %mul3A_2] : memref<64x16384xf32, #tpu.memory_space<hbm>> -> memref<64x512xf32, #tpu.memory_space<hbm>>
      tpu.enqueue_dma source(%arg8 : memref<64x512xf32, #tpu.memory_space<vmem>>) target(%dma_start3A_31 : memref<64x512xf32, #tpu.memory_space<hbm>>) target_semaphore(%run_scoped3A : memref<!tpu.dma_semaphore, #tpu.memory_space<semaphore_mem>>)
      %dma_wait3A_32 = arith.constant 0 : i32
      %dma_wait3A_33 = tpu.memref_slice %arg4[%dma_wait3A_32, %mul3A_2] : memref<64x16384xf32, #tpu.memory_space<hbm>> -> memref<64x512xf32, #tpu.memory_space<hbm>>
      %dma_wait3A_34 = arith.constant 0 : i32
      %dma_wait3A_35 = tpu.memref_slice %arg4[%dma_wait3A_34, %mul3A_2] : memref<64x16384xf32, #tpu.memory_space<hbm>> -> memref<64x512xf32, #tpu.memory_space<hbm>>
      tpu.wait_dma2 semaphore(%run_scoped3A : memref<!tpu.dma_semaphore, #tpu.memory_space<semaphore_mem>>) src(%arg8 : memref<64x512xf32, #tpu.memory_space<vmem>>) dst(%dma_wait3A_35 : memref<64x512xf32, #tpu.memory_space<hbm>>)
      tpu.yield
    }) : () -> ()
    %dma_wait3A_18 = arith.constant 0 : i32
    %dma_wait3A_19 = tpu.memref_slice %arg3[%dma_wait3A_18] : memref<1048576xf32, #tpu.memory_space<hbm>> -> memref<32768xf32, #tpu.memory_space<hbm>>
    %dma_wait3A_20 = arith.constant 0 : i32
    %dma_wait3A_21 = tpu.memref_slice %arg3[%dma_wait3A_20] : memref<1048576xf32, #tpu.memory_space<hbm>> -> memref<32768xf32, #tpu.memory_space<hbm>>
    tpu.wait_dma2 semaphore(%arg10 : memref<!tpu.dma_semaphore, #tpu.memory_space<semaphore_mem>>) src(%dma_wait3A_21 : memref<32768xf32, #tpu.memory_space<hbm>>) dst(%arg7 : memref<32768xf32, #tpu.memory_space<vmem>>)
    %scan3A_22 = arith.constant 0 : i32
    %scan3A_23 = arith.constant 0 : i32
    %scan3A_24 = arith.constant 32 : i32
    %scan3A_25 = arith.addi %scan3A_23, %scan3A_24 : i32
    %scan3A_26 = arith.constant 1 : i32
    scf.for %scan3A_28 = %scan3A_23 to %scan3A_25 step %scan3A_26  : i32 {
      %mul3A_29 = arith.constant 16 : i32
      %mul3A_30 = arith.muli %scan3A_28, %mul3A_29 : i32
      %iota3A = tpu.iota {dimensions = array<i32: 0>} : vector<16xi32>
      %add3A_31 = vector.broadcast %mul3A_30 : i32 to vector<16xi32>
      %add3A_32 = arith.addi %iota3A, %add3A_31 : vector<16xi32>
      %mul3A_33 = arith.constant 64 : i32
      %mul3A_34 = vector.broadcast %mul3A_33 : i32 to vector<16xi32>
      %mul3A_35 = arith.muli %add3A_32, %mul3A_34 : vector<16xi32>
      %add3A_36 = arith.constant 0 : i32
      %add3A_37 = vector.broadcast %add3A_36 : i32 to vector<16xi32>
      %add3A_38 = arith.addi %mul3A_35, %add3A_37 : vector<16xi32>
      %gather3A = tpu.vector_load_idx %arg7[%add3A_38] : memref<32768xf32, #tpu.memory_space<vmem>>[vector<16xi32>], vector<16xf32>,
      %swap3A = arith.constant 0 : i32
      %swap3A_39 = arith.index_cast %swap3A : i32 to index
      %swap3A_40 = arith.index_cast %mul3A_30 : i32 to index
      %swap3A_41 = tpu.vector_load %arg8[%swap3A_39, %swap3A_40] {strides = array<i32>} : memref<64x512xf32, #tpu.memory_space<vmem>>, vector<16xf32>,
      tpu.vector_store %arg8[%swap3A_39, %swap3A_40], %gather3A {strides = array<i32>} : memref<64x512xf32, #tpu.memory_space<vmem>>, vector<16xf32>,
      %iota3A_42 = tpu.iota {dimensions = array<i32: 0>} : vector<16xi32>
      %add3A_43 = vector.broadcast %mul3A_30 : i32 to vector<16xi32>
      %add3A_44 = arith.addi %iota3A_42, %add3A_43 : vector<16xi32>
      %mul3A_45 = arith.constant 64 : i32
      %mul3A_46 = vector.broadcast %mul3A_45 : i32 to vector<16xi32>
      %mul3A_47 = arith.muli %add3A_44, %mul3A_46 : vector<16xi32>
      %add3A_48 = arith.constant 1 : i32
      %add3A_49 = vector.broadcast %add3A_48 : i32 to vector<16xi32>
      %add3A_50 = arith.addi %mul3A_47, %add3A_49 : vector<16xi32>
      %gather3A_51 = tpu.vector_load_idx %arg7[%add3A_50] : memref<32768xf32, #tpu.memory_space<vmem>>[vector<16xi32>], vector<16xf32>,
      %swap3A_52 = arith.constant 1 : i32
      %swap3A_53 = arith.index_cast %swap3A_52 : i32 to index
      %swap3A_54 = arith.index_cast %mul3A_30 : i32 to index
      %swap3A_55 = tpu.vector_load %arg8[%swap3A_53, %swap3A_54] {strides = array<i32>} : memref<64x512xf32, #tpu.memory_space<vmem>>, vector<16xf32>,
      tpu.vector_store %arg8[%swap3A_53, %swap3A_54], %gather3A_51 {strides = array<i32>} : memref<64x512xf32, #tpu.memory_space<vmem>>, vector<16xf32>,
      %iota3A_56 = tpu.iota {dimensions = array<i32: 0>} : vector<16xi32>
      %add3A_57 = vector.broadcast %mul3A_30 : i32 to vector<16xi32>
      %add3A_58 = arith.addi %iota3A_56, %add3A_57 : vector<16xi32>
      %mul3A_59 = arith.constant 64 : i32
      %mul3A_60 = vector.broadcast %mul3A_59 : i32 to vector<16xi32>
      %mul3A_61 = arith.muli %add3A_58, %mul3A_60 : vector<16xi32>
      %add3A_62 = arith.constant 2 : i32
      %add3A_63 = vector.broadcast %add3A_62 : i32 to vector<16xi32>
      %add3A_64 = arith.addi %mul3A_61, %add3A_63 : vector<16xi32>
      %gather3A_65 = tpu.vector_load_idx %arg7[%add3A_64] : memref<32768xf32, #tpu.memory_space<vmem>>[vector<16xi32>], vector<16xf32>,
      %swap3A_66 = arith.constant 2 : i32
      %swap3A_67 = arith.index_cast %swap3A_66 : i32 to index
      %swap3A_68 = arith.index_cast %mul3A_30 : i32 to index
      %swap3A_69 = tpu.vector_load %arg8[%swap3A_67, %swap3A_68] {strides = array<i32>} : memref<64x512xf32, #tpu.memory_space<vmem>>, vector<16xf32>,
      tpu.vector_store %arg8[%swap3A_67, %swap3A_68], %gather3A_65 {strides = array<i32>} : memref<64x512xf32, #tpu.memory_space<vmem>>, vector<16xf32>,
      %iota3A_70 = tpu.iota {dimensions = array<i32: 0>} : vector<16xi32>
      %add3A_71 = vector.broadcast %mul3A_30 : i32 to vector<16xi32>
      %add3A_72 = arith.addi %iota3A_70, %add3A_71 : vector<16xi32>
      %mul3A_73 = arith.constant 64 : i32
      %mul3A_74 = vector.broadcast %mul3A_73 : i32 to vector<16xi32>
      %mul3A_75 = arith.muli %add3A_72, %mul3A_74 : vector<16xi32>
      %add3A_76 = arith.constant 3 : i32
      %add3A_77 = vector.broadcast %add3A_76 : i32 to vector<16xi32>
      %add3A_78 = arith.addi %mul3A_75, %add3A_77 : vector<16xi32>
      %gather3A_79 = tpu.vector_load_idx %arg7[%add3A_78] : memref<32768xf32, #tpu.memory_space<vmem>>[vector<16xi32>], vector<16xf32>,
      %swap3A_80 = arith.constant 3 : i32
      %swap3A_81 = arith.index_cast %swap3A_80 : i32 to index
      %swap3A_82 = arith.index_cast %mul3A_30 : i32 to index
      %swap3A_83 = tpu.vector_load %arg8[%swap3A_81, %swap3A_82] {strides = array<i32>} : memref<64x512xf32, #tpu.memory_space<vmem>>, vector<16xf32>,
      tpu.vector_store %arg8[%swap3A_81, %swap3A_82], %gather3A_79 {strides = array<i32>} : memref<64x512xf32, #tpu.memory_space<vmem>>, vector<16xf32>,
      %iota3A_84 = tpu.iota {dimensions = array<i32: 0>} : vector<16xi32>
      %add3A_85 = vector.broadcast %mul3A_30 : i32 to vector<16xi32>
      %add3A_86 = arith.addi %iota3A_84, %add3A_85 : vector<16xi32>
      %mul3A_87 = arith.constant 64 : i32
      %mul3A_88 = vector.broadcast %mul3A_87 : i32 to vector<16xi32>
      %mul3A_89 = arith.muli %add3A_86, %mul3A_88 : vector<16xi32>
      %add3A_90 = arith.constant 4 : i32
      %add3A_91 = vector.broadcast %add3A_90 : i32 to vector<16xi32>
      %add3A_92 = arith.addi %mul3A_89, %add3A_91 : vector<16xi32>
      %gather3A_93 = tpu.vector_load_idx %arg7[%add3A_92] : memref<32768xf32, #tpu.memory_space<vmem>>[vector<16xi32>], vector<16xf32>,
      %swap3A_94 = arith.constant 4 : i32
      %swap3A_95 = arith.index_cast %swap3A_94 : i32 to index
      %swap3A_96 = arith.index_cast %mul3A_30 : i32 to index
      %swap3A_97 = tpu.vector_load %arg8[%swap3A_95, %swap3A_96] {strides = array<i32>} : memref<64x512xf32, #tpu.memory_space<vmem>>, vector<16xf32>,
      tpu.vector_store %arg8[%swap3A_95, %swap3A_96], %gather3A_93 {strides = array<i32>} : memref<64x512xf32, #tpu.memory_space<vmem>>, vector<16xf32>,
      %iota3A_98 = tpu.iota {dimensions = array<i32: 0>} : vector<16xi32>
      %add3A_99 = vector.broadcast %mul3A_30 : i32 to vector<16xi32>
      %add3A_100 = arith.addi %iota3A_98, %add3A_99 : vector<16xi32>
      %mul3A_101 = arith.constant 64 : i32
      %mul3A_102 = vector.broadcast %mul3A_101 : i32 to vector<16xi32>
      %mul3A_103 = arith.muli %add3A_100, %mul3A_102 : vector<16xi32>
      %add3A_104 = arith.constant 5 : i32
      %add3A_105 = vector.broadcast %add3A_104 : i32 to vector<16xi32>
      %add3A_106 = arith.addi %mul3A_103, %add3A_105 : vector<16xi32>
      %gather3A_107 = tpu.vector_load_idx %arg7[%add3A_106] : memref<32768xf32, #tpu.memory_space<vmem>>[vector<16xi32>], vector<16xf32>,
      %swap3A_108 = arith.constant 5 : i32
      %swap3A_109 = arith.index_cast %swap3A_108 : i32 to index
      %swap3A_110 = arith.index_cast %mul3A_30 : i32 to index
      %swap3A_111 = tpu.vector_load %arg8[%swap3A_109, %swap3A_110] {strides = array<i32>} : memref<64x512xf32, #tpu.memory_space<vmem>>, vector<16xf32>,
      tpu.vector_store %arg8[%swap3A_109, %swap3A_110], %gather3A_107 {strides = array<i32>} : memref<64x512xf32, #tpu.memory_space<vmem>>, vector<16xf32>,
      %iota3A_112 = tpu.iota {dimensions = array<i32: 0>} : vector<16xi32>
      %add3A_113 = vector.broadcast %mul3A_30 : i32 to vector<16xi32>
      %add3A_114 = arith.addi %iota3A_112, %add3A_113 : vector<16xi32>
      %mul3A_115 = arith.constant 64 : i32
      %mul3A_116 = vector.broadcast %mul3A_115 : i32 to vector<16xi32>
      %mul3A_117 = arith.muli %add3A_114, %mul3A_116 : vector<16xi32>
      %add3A_118 = arith.constant 6 : i32
      %add3A_119 = vector.broadcast %add3A_118 : i32 to vector<16xi32>
      %add3A_120 = arith.addi %mul3A_117, %add3A_119 : vector<16xi32>
      %gather3A_121 = tpu.vector_load_idx %arg7[%add3A_120] : memref<32768xf32, #tpu.memory_space<vmem>>[vector<16xi32>], vector<16xf32>,
      %swap3A_122 = arith.constant 6 : i32
      %swap3A_123 = arith.index_cast %swap3A_122 : i32 to index
      %swap3A_124 = arith.index_cast %mul3A_30 : i32 to index
      %swap3A_125 = tpu.vector_load %arg8[%swap3A_123, %swap3A_124] {strides = array<i32>} : memref<64x512xf32, #tpu.memory_space<vmem>>, vector<16xf32>,
      tpu.vector_store %arg8[%swap3A_123, %swap3A_124], %gather3A_121 {strides = array<i32>} : memref<64x512xf32, #tpu.memory_space<vmem>>, vector<16xf32>,
      %iota3A_126 = tpu.iota {dimensions = array<i32: 0>} : vector<16xi32>
      %add3A_127 = vector.broadcast %mul3A_30 : i32 to vector<16xi32>
      %add3A_128 = arith.addi %iota3A_126, %add3A_127 : vector<16xi32>
      %mul3A_129 = arith.constant 64 : i32
      %mul3A_130 = vector.broadcast %mul3A_129 : i32 to vector<16xi32>
      %mul3A_131 = arith.muli %add3A_128, %mul3A_130 : vector<16xi32>
      %add3A_132 = arith.constant 7 : i32
      %add3A_133 = vector.broadcast %add3A_132 : i32 to vector<16xi32>
      %add3A_134 = arith.addi %mul3A_131, %add3A_133 : vector<16xi32>
      %gather3A_135 = tpu.vector_load_idx %arg7[%add3A_134] : memref<32768xf32, #tpu.memory_space<vmem>>[vector<16xi32>], vector<16xf32>,
      %swap3A_136 = arith.constant 7 : i32
      %swap3A_137 = arith.index_cast %swap3A_136 : i32 to index
      %swap3A_138 = arith.index_cast %mul3A_30 : i32 to index
      %swap3A_139 = tpu.vector_load %arg8[%swap3A_137, %swap3A_138] {strides = array<i32>} : memref<64x512xf32, #tpu.memory_space<vmem>>, vector<16xf32>,
      tpu.vector_store %arg8[%swap3A_137, %swap3A_138], %gather3A_135 {strides = array<i32>} : memref<64x512xf32, #tpu.memory_space<vmem>>, vector<16xf32>,
      %iota3A_140 = tpu.iota {dimensions = array<i32: 0>} : vector<16xi32>
      %add3A_141 = vector.broadcast %mul3A_30 : i32 to vector<16xi32>
      %add3A_142 = arith.addi %iota3A_140, %add3A_141 : vector<16xi32>
      %mul3A_143 = arith.constant 64 : i32
      %mul3A_144 = vector.broadcast %mul3A_143 : i32 to vector<16xi32>
      %mul3A_145 = arith.muli %add3A_142, %mul3A_144 : vector<16xi32>
      %add3A_146 = arith.constant 8 : i32
      %add3A_147 = vector.broadcast %add3A_146 : i32 to vector<16xi32>
      %add3A_148 = arith.addi %mul3A_145, %add3A_147 : vector<16xi32>
      %gather3A_149 = tpu.vector_load_idx %arg7[%add3A_148] : memref<32768xf32, #tpu.memory_space<vmem>>[vector<16xi32>], vector<16xf32>,
      %swap3A_150 = arith.constant 8 : i32
      %swap3A_151 = arith.index_cast %swap3A_150 : i32 to index
      %swap3A_152 = arith.index_cast %mul3A_30 : i32 to index
      %swap3A_153 = tpu.vector_load %arg8[%swap3A_151, %swap3A_152] {strides = array<i32>} : memref<64x512xf32, #tpu.memory_space<vmem>>, vector<16xf32>,
      tpu.vector_store %arg8[%swap3A_151, %swap3A_152], %gather3A_149 {strides = array<i32>} : memref<64x512xf32, #tpu.memory_space<vmem>>, vector<16xf32>,
      %iota3A_154 = tpu.iota {dimensions = array<i32: 0>} : vector<16xi32>
      %add3A_155 = vector.broadcast %mul3A_30 : i32 to vector<16xi32>
      %add3A_156 = arith.addi %iota3A_154, %add3A_155 : vector<16xi32>
      %mul3A_157 = arith.constant 64 : i32
      %mul3A_158 = vector.broadcast %mul3A_157 : i32 to vector<16xi32>
      %mul3A_159 = arith.muli %add3A_156, %mul3A_158 : vector<16xi32>
      %add3A_160 = arith.constant 9 : i32
      %add3A_161 = vector.broadcast %add3A_160 : i32 to vector<16xi32>
      %add3A_162 = arith.addi %mul3A_159, %add3A_161 : vector<16xi32>
      %gather3A_163 = tpu.vector_load_idx %arg7[%add3A_162] : memref<32768xf32, #tpu.memory_space<vmem>>[vector<16xi32>], vector<16xf32>,
      %swap3A_164 = arith.constant 9 : i32
      %swap3A_165 = arith.index_cast %swap3A_164 : i32 to index
      %swap3A_166 = arith.index_cast %mul3A_30 : i32 to index
      %swap3A_167 = tpu.vector_load %arg8[%swap3A_165, %swap3A_166] {strides = array<i32>} : memref<64x512xf32, #tpu.memory_space<vmem>>, vector<16xf32>,
      tpu.vector_store %arg8[%swap3A_165, %swap3A_166], %gather3A_163 {strides = array<i32>} : memref<64x512xf32, #tpu.memory_space<vmem>>, vector<16xf32>,
      %iota3A_168 = tpu.iota {dimensions = array<i32: 0>} : vector<16xi32>
      %add3A_169 = vector.broadcast %mul3A_30 : i32 to vector<16xi32>
      %add3A_170 = arith.addi %iota3A_168, %add3A_169 : vector<16xi32>
      %mul3A_171 = arith.constant 64 : i32
      %mul3A_172 = vector.broadcast %mul3A_171 : i32 to vector<16xi32>
      %mul3A_173 = arith.muli %add3A_170, %mul3A_172 : vector<16xi32>
      %add3A_174 = arith.constant 10 : i32
      %add3A_175 = vector.broadcast %add3A_174 : i32 to vector<16xi32>
      %add3A_176 = arith.addi %mul3A_173, %add3A_175 : vector<16xi32>
      %gather3A_177 = tpu.vector_load_idx %arg7[%add3A_176] : memref<32768xf32, #tpu.memory_space<vmem>>[vector<16xi32>], vector<16xf32>,
      %swap3A_178 = arith.constant 10 : i32
      %swap3A_179 = arith.index_cast %swap3A_178 : i32 to index
      %swap3A_180 = arith.index_cast %mul3A_30 : i32 to index
      %swap3A_181 = tpu.vector_load %arg8[%swap3A_179, %swap3A_180] {strides = array<i32>} : memref<64x512xf32, #tpu.memory_space<vmem>>, vector<16xf32>,
      tpu.vector_store %arg8[%swap3A_179, %swap3A_180], %gather3A_177 {strides = array<i32>} : memref<64x512xf32, #tpu.memory_space<vmem>>, vector<16xf32>,
      %iota3A_182 = tpu.iota {dimensions = array<i32: 0>} : vector<16xi32>
      %add3A_183 = vector.broadcast %mul3A_30 : i32 to vector<16xi32>
      %add3A_184 = arith.addi %iota3A_182, %add3A_183 : vector<16xi32>
      %mul3A_185 = arith.constant 64 : i32
      %mul3A_186 = vector.broadcast %mul3A_185 : i32 to vector<16xi32>
      %mul3A_187 = arith.muli %add3A_184, %mul3A_186 : vector<16xi32>
      %add3A_188 = arith.constant 11 : i32
      %add3A_189 = vector.broadcast %add3A_188 : i32 to vector<16xi32>
      %add3A_190 = arith.addi %mul3A_187, %add3A_189 : vector<16xi32>
      %gather3A_191 = tpu.vector_load_idx %arg7[%add3A_190] : memref<32768xf32, #tpu.memory_space<vmem>>[vector<16xi32>], vector<16xf32>,
      %swap3A_192 = arith.constant 11 : i32
      %swap3A_193 = arith.index_cast %swap3A_192 : i32 to index
      %swap3A_194 = arith.index_cast %mul3A_30 : i32 to index
      %swap3A_195 = tpu.vector_load %arg8[%swap3A_193, %swap3A_194] {strides = array<i32>} : memref<64x512xf32, #tpu.memory_space<vmem>>, vector<16xf32>,
      tpu.vector_store %arg8[%swap3A_193, %swap3A_194], %gather3A_191 {strides = array<i32>} : memref<64x512xf32, #tpu.memory_space<vmem>>, vector<16xf32>,
      %iota3A_196 = tpu.iota {dimensions = array<i32: 0>} : vector<16xi32>
      %add3A_197 = vector.broadcast %mul3A_30 : i32 to vector<16xi32>
      %add3A_198 = arith.addi %iota3A_196, %add3A_197 : vector<16xi32>
      %mul3A_199 = arith.constant 64 : i32
      %mul3A_200 = vector.broadcast %mul3A_199 : i32 to vector<16xi32>
      %mul3A_201 = arith.muli %add3A_198, %mul3A_200 : vector<16xi32>
      %add3A_202 = arith.constant 12 : i32
      %add3A_203 = vector.broadcast %add3A_202 : i32 to vector<16xi32>
      %add3A_204 = arith.addi %mul3A_201, %add3A_203 : vector<16xi32>
      %gather3A_205 = tpu.vector_load_idx %arg7[%add3A_204] : memref<32768xf32, #tpu.memory_space<vmem>>[vector<16xi32>], vector<16xf32>,
      %swap3A_206 = arith.constant 12 : i32
      %swap3A_207 = arith.index_cast %swap3A_206 : i32 to index
      %swap3A_208 = arith.index_cast %mul3A_30 : i32 to index
      %swap3A_209 = tpu.vector_load %arg8[%swap3A_207, %swap3A_208] {strides = array<i32>} : memref<64x512xf32, #tpu.memory_space<vmem>>, vector<16xf32>,
      tpu.vector_store %arg8[%swap3A_207, %swap3A_208], %gather3A_205 {strides = array<i32>} : memref<64x512xf32, #tpu.memory_space<vmem>>, vector<16xf32>,
      %iota3A_210 = tpu.iota {dimensions = array<i32: 0>} : vector<16xi32>
      %add3A_211 = vector.broadcast %mul3A_30 : i32 to vector<16xi32>
      %add3A_212 = arith.addi %iota3A_210, %add3A_211 : vector<16xi32>
      %mul3A_213 = arith.constant 64 : i32
      %mul3A_214 = vector.broadcast %mul3A_213 : i32 to vector<16xi32>
      %mul3A_215 = arith.muli %add3A_212, %mul3A_214 : vector<16xi32>
      %add3A_216 = arith.constant 13 : i32
      %add3A_217 = vector.broadcast %add3A_216 : i32 to vector<16xi32>
      %add3A_218 = arith.addi %mul3A_215, %add3A_217 : vector<16xi32>
      %gather3A_219 = tpu.vector_load_idx %arg7[%add3A_218] : memref<32768xf32, #tpu.memory_space<vmem>>[vector<16xi32>], vector<16xf32>,
      %swap3A_220 = arith.constant 13 : i32
      %swap3A_221 = arith.index_cast %swap3A_220 : i32 to index
      %swap3A_222 = arith.index_cast %mul3A_30 : i32 to index
      %swap3A_223 = tpu.vector_load %arg8[%swap3A_221, %swap3A_222] {strides = array<i32>} : memref<64x512xf32, #tpu.memory_space<vmem>>, vector<16xf32>,
      tpu.vector_store %arg8[%swap3A_221, %swap3A_222], %gather3A_219 {strides = array<i32>} : memref<64x512xf32, #tpu.memory_space<vmem>>, vector<16xf32>,
      %iota3A_224 = tpu.iota {dimensions = array<i32: 0>} : vector<16xi32>
      %add3A_225 = vector.broadcast %mul3A_30 : i32 to vector<16xi32>
      %add3A_226 = arith.addi %iota3A_224, %add3A_225 : vector<16xi32>
      %mul3A_227 = arith.constant 64 : i32
      %mul3A_228 = vector.broadcast %mul3A_227 : i32 to vector<16xi32>
      %mul3A_229 = arith.muli %add3A_226, %mul3A_228 : vector<16xi32>
      %add3A_230 = arith.constant 14 : i32
      %add3A_231 = vector.broadcast %add3A_230 : i32 to vector<16xi32>
      %add3A_232 = arith.addi %mul3A_229, %add3A_231 : vector<16xi32>
      %gather3A_233 = tpu.vector_load_idx %arg7[%add3A_232] : memref<32768xf32, #tpu.memory_space<vmem>>[vector<16xi32>], vector<16xf32>,
      %swap3A_234 = arith.constant 14 : i32
      %swap3A_235 = arith.index_cast %swap3A_234 : i32 to index
      %swap3A_236 = arith.index_cast %mul3A_30 : i32 to index
      %swap3A_237 = tpu.vector_load %arg8[%swap3A_235, %swap3A_236] {strides = array<i32>} : memref<64x512xf32, #tpu.memory_space<vmem>>, vector<16xf32>,
      tpu.vector_store %arg8[%swap3A_235, %swap3A_236], %gather3A_233 {strides = array<i32>} : memref<64x512xf32, #tpu.memory_space<vmem>>, vector<16xf32>,
      %iota3A_238 = tpu.iota {dimensions = array<i32: 0>} : vector<16xi32>
      %add3A_239 = vector.broadcast %mul3A_30 : i32 to vector<16xi32>
      %add3A_240 = arith.addi %iota3A_238, %add3A_239 : vector<16xi32>
      %mul3A_241 = arith.constant 64 : i32
      %mul3A_242 = vector.broadcast %mul3A_241 : i32 to vector<16xi32>
      %mul3A_243 = arith.muli %add3A_240, %mul3A_242 : vector<16xi32>
      %add3A_244 = arith.constant 15 : i32
      %add3A_245 = vector.broadcast %add3A_244 : i32 to vector<16xi32>
      %add3A_246 = arith.addi %mul3A_243, %add3A_245 : vector<16xi32>
      %gather3A_247 = tpu.vector_load_idx %arg7[%add3A_246] : memref<32768xf32, #tpu.memory_space<vmem>>[vector<16xi32>], vector<16xf32>,
      %swap3A_248 = arith.constant 15 : i32
      %swap3A_249 = arith.index_cast %swap3A_248 : i32 to index
      %swap3A_250 = arith.index_cast %mul3A_30 : i32 to index
      %swap3A_251 = tpu.vector_load %arg8[%swap3A_249, %swap3A_250] {strides = array<i32>} : memref<64x512xf32, #tpu.memory_space<vmem>>, vector<16xf32>,
      tpu.vector_store %arg8[%swap3A_249, %swap3A_250], %gather3A_247 {strides = array<i32>} : memref<64x512xf32, #tpu.memory_space<vmem>>, vector<16xf32>,
      %iota3A_252 = tpu.iota {dimensions = array<i32: 0>} : vector<16xi32>
      %add3A_253 = vector.broadcast %mul3A_30 : i32 to vector<16xi32>
      %add3A_254 = arith.addi %iota3A_252, %add3A_253 : vector<16xi32>
      %mul3A_255 = arith.constant 64 : i32
      %mul3A_256 = vector.broadcast %mul3A_255 : i32 to vector<16xi32>
      %mul3A_257 = arith.muli %add3A_254, %mul3A_256 : vector<16xi32>
      %add3A_258 = arith.constant 16 : i32
      %add3A_259 = vector.broadcast %add3A_258 : i32 to vector<16xi32>
      %add3A_260 = arith.addi %mul3A_257, %add3A_259 : vector<16xi32>
      %gather3A_261 = tpu.vector_load_idx %arg7[%add3A_260] : memref<32768xf32, #tpu.memory_space<vmem>>[vector<16xi32>], vector<16xf32>,
      %swap3A_262 = arith.constant 16 : i32
      %swap3A_263 = arith.index_cast %swap3A_262 : i32 to index
      %swap3A_264 = arith.index_cast %mul3A_30 : i32 to index
      %swap3A_265 = tpu.vector_load %arg8[%swap3A_263, %swap3A_264] {strides = array<i32>} : memref<64x512xf32, #tpu.memory_space<vmem>>, vector<16xf32>,
      tpu.vector_store %arg8[%swap3A_263, %swap3A_264], %gather3A_261 {strides = array<i32>} : memref<64x512xf32, #tpu.memory_space<vmem>>, vector<16xf32>,
      %iota3A_266 = tpu.iota {dimensions = array<i32: 0>} : vector<16xi32>
      %add3A_267 = vector.broadcast %mul3A_30 : i32 to vector<16xi32>
      %add3A_268 = arith.addi %iota3A_266, %add3A_267 : vector<16xi32>
      %mul3A_269 = arith.constant 64 : i32
      %mul3A_270 = vector.broadcast %mul3A_269 : i32 to vector<16xi32>
      %mul3A_271 = arith.muli %add3A_268, %mul3A_270 : vector<16xi32>
      %add3A_272 = arith.constant 17 : i32
      %add3A_273 = vector.broadcast %add3A_272 : i32 to vector<16xi32>
      %add3A_274 = arith.addi %mul3A_271, %add3A_273 : vector<16xi32>
      %gather3A_275 = tpu.vector_load_idx %arg7[%add3A_274] : memref<32768xf32, #tpu.memory_space<vmem>>[vector<16xi32>], vector<16xf32>,
      %swap3A_276 = arith.constant 17 : i32
      %swap3A_277 = arith.index_cast %swap3A_276 : i32 to index
      %swap3A_278 = arith.index_cast %mul3A_30 : i32 to index
      %swap3A_279 = tpu.vector_load %arg8[%swap3A_277, %swap3A_278] {strides = array<i32>} : memref<64x512xf32, #tpu.memory_space<vmem>>, vector<16xf32>,
      tpu.vector_store %arg8[%swap3A_277, %swap3A_278], %gather3A_275 {strides = array<i32>} : memref<64x512xf32, #tpu.memory_space<vmem>>, vector<16xf32>,
      %iota3A_280 = tpu.iota {dimensions = array<i32: 0>} : vector<16xi32>
      %add3A_281 = vector.broadcast %mul3A_30 : i32 to vector<16xi32>
      %add3A_282 = arith.addi %iota3A_280, %add3A_281 : vector<16xi32>
      %mul3A_283 = arith.constant 64 : i32
      %mul3A_284 = vector.broadcast %mul3A_283 : i32 to vector<16xi32>
      %mul3A_285 = arith.muli %add3A_282, %mul3A_284 : vector<16xi32>
      %add3A_286 = arith.constant 18 : i32
      %add3A_287 = vector.broadcast %add3A_286 : i32 to vector<16xi32>
      %add3A_288 = arith.addi %mul3A_285, %add3A_287 : vector<16xi32>
      %gather3A_289 = tpu.vector_load_idx %arg7[%add3A_288] : memref<32768xf32, #tpu.memory_space<vmem>>[vector<16xi32>], vector<16xf32>,
      %swap3A_290 = arith.constant 18 : i32
      %swap3A_291 = arith.index_cast %swap3A_290 : i32 to index
      %swap3A_292 = arith.index_cast %mul3A_30 : i32 to index
      %swap3A_293 = tpu.vector_load %arg8[%swap3A_291, %swap3A_292] {strides = array<i32>} : memref<64x512xf32, #tpu.memory_space<vmem>>, vector<16xf32>,
      tpu.vector_store %arg8[%swap3A_291, %swap3A_292], %gather3A_289 {strides = array<i32>} : memref<64x512xf32, #tpu.memory_space<vmem>>, vector<16xf32>,
      %iota3A_294 = tpu.iota {dimensions = array<i32: 0>} : vector<16xi32>
      %add3A_295 = vector.broadcast %mul3A_30 : i32 to vector<16xi32>
      %add3A_296 = arith.addi %iota3A_294, %add3A_295 : vector<16xi32>
      %mul3A_297 = arith.constant 64 : i32
      %mul3A_298 = vector.broadcast %mul3A_297 : i32 to vector<16xi32>
      %mul3A_299 = arith.muli %add3A_296, %mul3A_298 : vector<16xi32>
      %add3A_300 = arith.constant 19 : i32
      %add3A_301 = vector.broadcast %add3A_300 : i32 to vector<16xi32>
      %add3A_302 = arith.addi %mul3A_299, %add3A_301 : vector<16xi32>
      %gather3A_303 = tpu.vector_load_idx %arg7[%add3A_302] : memref<32768xf32, #tpu.memory_space<vmem>>[vector<16xi32>], vector<16xf32>,
      %swap3A_304 = arith.constant 19 : i32
      %swap3A_305 = arith.index_cast %swap3A_304 : i32 to index
      %swap3A_306 = arith.index_cast %mul3A_30 : i32 to index
      %swap3A_307 = tpu.vector_load %arg8[%swap3A_305, %swap3A_306] {strides = array<i32>} : memref<64x512xf32, #tpu.memory_space<vmem>>, vector<16xf32>,
      tpu.vector_store %arg8[%swap3A_305, %swap3A_306], %gather3A_303 {strides = array<i32>} : memref<64x512xf32, #tpu.memory_space<vmem>>, vector<16xf32>,
      %iota3A_308 = tpu.iota {dimensions = array<i32: 0>} : vector<16xi32>
      %add3A_309 = vector.broadcast %mul3A_30 : i32 to vector<16xi32>
      %add3A_310 = arith.addi %iota3A_308, %add3A_309 : vector<16xi32>
      %mul3A_311 = arith.constant 64 : i32
      %mul3A_312 = vector.broadcast %mul3A_311 : i32 to vector<16xi32>
      %mul3A_313 = arith.muli %add3A_310, %mul3A_312 : vector<16xi32>
      %add3A_314 = arith.constant 20 : i32
      %add3A_315 = vector.broadcast %add3A_314 : i32 to vector<16xi32>
      %add3A_316 = arith.addi %mul3A_313, %add3A_315 : vector<16xi32>
      %gather3A_317 = tpu.vector_load_idx %arg7[%add3A_316] : memref<32768xf32, #tpu.memory_space<vmem>>[vector<16xi32>], vector<16xf32>,
      %swap3A_318 = arith.constant 20 : i32
      %swap3A_319 = arith.index_cast %swap3A_318 : i32 to index
      %swap3A_320 = arith.index_cast %mul3A_30 : i32 to index
      %swap3A_321 = tpu.vector_load %arg8[%swap3A_319, %swap3A_320] {strides = array<i32>} : memref<64x512xf32, #tpu.memory_space<vmem>>, vector<16xf32>,
      tpu.vector_store %arg8[%swap3A_319, %swap3A_320], %gather3A_317 {strides = array<i32>} : memref<64x512xf32, #tpu.memory_space<vmem>>, vector<16xf32>,
      %iota3A_322 = tpu.iota {dimensions = array<i32: 0>} : vector<16xi32>
      %add3A_323 = vector.broadcast %mul3A_30 : i32 to vector<16xi32>
      %add3A_324 = arith.addi %iota3A_322, %add3A_323 : vector<16xi32>
      %mul3A_325 = arith.constant 64 : i32
      %mul3A_326 = vector.broadcast %mul3A_325 : i32 to vector<16xi32>
      %mul3A_327 = arith.muli %add3A_324, %mul3A_326 : vector<16xi32>
      %add3A_328 = arith.constant 21 : i32
      %add3A_329 = vector.broadcast %add3A_328 : i32 to vector<16xi32>
      %add3A_330 = arith.addi %mul3A_327, %add3A_329 : vector<16xi32>
      %gather3A_331 = tpu.vector_load_idx %arg7[%add3A_330] : memref<32768xf32, #tpu.memory_space<vmem>>[vector<16xi32>], vector<16xf32>,
      %swap3A_332 = arith.constant 21 : i32
      %swap3A_333 = arith.index_cast %swap3A_332 : i32 to index
      %swap3A_334 = arith.index_cast %mul3A_30 : i32 to index
      %swap3A_335 = tpu.vector_load %arg8[%swap3A_333, %swap3A_334] {strides = array<i32>} : memref<64x512xf32, #tpu.memory_space<vmem>>, vector<16xf32>,
      tpu.vector_store %arg8[%swap3A_333, %swap3A_334], %gather3A_331 {strides = array<i32>} : memref<64x512xf32, #tpu.memory_space<vmem>>, vector<16xf32>,
      %iota3A_336 = tpu.iota {dimensions = array<i32: 0>} : vector<16xi32>
      %add3A_337 = vector.broadcast %mul3A_30 : i32 to vector<16xi32>
      %add3A_338 = arith.addi %iota3A_336, %add3A_337 : vector<16xi32>
      %mul3A_339 = arith.constant 64 : i32
      %mul3A_340 = vector.broadcast %mul3A_339 : i32 to vector<16xi32>
      %mul3A_341 = arith.muli %add3A_338, %mul3A_340 : vector<16xi32>
      %add3A_342 = arith.constant 22 : i32
      %add3A_343 = vector.broadcast %add3A_342 : i32 to vector<16xi32>
      %add3A_344 = arith.addi %mul3A_341, %add3A_343 : vector<16xi32>
      %gather3A_345 = tpu.vector_load_idx %arg7[%add3A_344] : memref<32768xf32, #tpu.memory_space<vmem>>[vector<16xi32>], vector<16xf32>,
      %swap3A_346 = arith.constant 22 : i32
      %swap3A_347 = arith.index_cast %swap3A_346 : i32 to index
      %swap3A_348 = arith.index_cast %mul3A_30 : i32 to index
      %swap3A_349 = tpu.vector_load %arg8[%swap3A_347, %swap3A_348] {strides = array<i32>} : memref<64x512xf32, #tpu.memory_space<vmem>>, vector<16xf32>,
      tpu.vector_store %arg8[%swap3A_347, %swap3A_348], %gather3A_345 {strides = array<i32>} : memref<64x512xf32, #tpu.memory_space<vmem>>, vector<16xf32>,
      %iota3A_350 = tpu.iota {dimensions = array<i32: 0>} : vector<16xi32>
      %add3A_351 = vector.broadcast %mul3A_30 : i32 to vector<16xi32>
      %add3A_352 = arith.addi %iota3A_350, %add3A_351 : vector<16xi32>
      %mul3A_353 = arith.constant 64 : i32
      %mul3A_354 = vector.broadcast %mul3A_353 : i32 to vector<16xi32>
      %mul3A_355 = arith.muli %add3A_352, %mul3A_354 : vector<16xi32>
      %add3A_356 = arith.constant 23 : i32
      %add3A_357 = vector.broadcast %add3A_356 : i32 to vector<16xi32>
      %add3A_358 = arith.addi %mul3A_355, %add3A_357 : vector<16xi32>
      %gather3A_359 = tpu.vector_load_idx %arg7[%add3A_358] : memref<32768xf32, #tpu.memory_space<vmem>>[vector<16xi32>], vector<16xf32>,
      %swap3A_360 = arith.constant 23 : i32
      %swap3A_361 = arith.index_cast %swap3A_360 : i32 to index
      %swap3A_362 = arith.index_cast %mul3A_30 : i32 to index
      %swap3A_363 = tpu.vector_load %arg8[%swap3A_361, %swap3A_362] {strides = array<i32>} : memref<64x512xf32, #tpu.memory_space<vmem>>, vector<16xf32>,
      tpu.vector_store %arg8[%swap3A_361, %swap3A_362], %gather3A_359 {strides = array<i32>} : memref<64x512xf32, #tpu.memory_space<vmem>>, vector<16xf32>,
      %iota3A_364 = tpu.iota {dimensions = array<i32: 0>} : vector<16xi32>
      %add3A_365 = vector.broadcast %mul3A_30 : i32 to vector<16xi32>
      %add3A_366 = arith.addi %iota3A_364, %add3A_365 : vector<16xi32>
      %mul3A_367 = arith.constant 64 : i32
      %mul3A_368 = vector.broadcast %mul3A_367 : i32 to vector<16xi32>
      %mul3A_369 = arith.muli %add3A_366, %mul3A_368 : vector<16xi32>
      %add3A_370 = arith.constant 24 : i32
      %add3A_371 = vector.broadcast %add3A_370 : i32 to vector<16xi32>
      %add3A_372 = arith.addi %mul3A_369, %add3A_371 : vector<16xi32>
      %gather3A_373 = tpu.vector_load_idx %arg7[%add3A_372] : memref<32768xf32, #tpu.memory_space<vmem>>[vector<16xi32>], vector<16xf32>,
      %swap3A_374 = arith.constant 24 : i32
      %swap3A_375 = arith.index_cast %swap3A_374 : i32 to index
      %swap3A_376 = arith.index_cast %mul3A_30 : i32 to index
      %swap3A_377 = tpu.vector_load %arg8[%swap3A_375, %swap3A_376] {strides = array<i32>} : memref<64x512xf32, #tpu.memory_space<vmem>>, vector<16xf32>,
      tpu.vector_store %arg8[%swap3A_375, %swap3A_376], %gather3A_373 {strides = array<i32>} : memref<64x512xf32, #tpu.memory_space<vmem>>, vector<16xf32>,
      %iota3A_378 = tpu.iota {dimensions = array<i32: 0>} : vector<16xi32>
      %add3A_379 = vector.broadcast %mul3A_30 : i32 to vector<16xi32>
      %add3A_380 = arith.addi %iota3A_378, %add3A_379 : vector<16xi32>
      %mul3A_381 = arith.constant 64 : i32
      %mul3A_382 = vector.broadcast %mul3A_381 : i32 to vector<16xi32>
      %mul3A_383 = arith.muli %add3A_380, %mul3A_382 : vector<16xi32>
      %add3A_384 = arith.constant 25 : i32
      %add3A_385 = vector.broadcast %add3A_384 : i32 to vector<16xi32>
      %add3A_386 = arith.addi %mul3A_383, %add3A_385 : vector<16xi32>
      %gather3A_387 = tpu.vector_load_idx %arg7[%add3A_386] : memref<32768xf32, #tpu.memory_space<vmem>>[vector<16xi32>], vector<16xf32>,
      %swap3A_388 = arith.constant 25 : i32
      %swap3A_389 = arith.index_cast %swap3A_388 : i32 to index
      %swap3A_390 = arith.index_cast %mul3A_30 : i32 to index
      %swap3A_391 = tpu.vector_load %arg8[%swap3A_389, %swap3A_390] {strides = array<i32>} : memref<64x512xf32, #tpu.memory_space<vmem>>, vector<16xf32>,
      tpu.vector_store %arg8[%swap3A_389, %swap3A_390], %gather3A_387 {strides = array<i32>} : memref<64x512xf32, #tpu.memory_space<vmem>>, vector<16xf32>,
      %iota3A_392 = tpu.iota {dimensions = array<i32: 0>} : vector<16xi32>
      %add3A_393 = vector.broadcast %mul3A_30 : i32 to vector<16xi32>
      %add3A_394 = arith.addi %iota3A_392, %add3A_393 : vector<16xi32>
      %mul3A_395 = arith.constant 64 : i32
      %mul3A_396 = vector.broadcast %mul3A_395 : i32 to vector<16xi32>
      %mul3A_397 = arith.muli %add3A_394, %mul3A_396 : vector<16xi32>
      %add3A_398 = arith.constant 26 : i32
      %add3A_399 = vector.broadcast %add3A_398 : i32 to vector<16xi32>
      %add3A_400 = arith.addi %mul3A_397, %add3A_399 : vector<16xi32>
      %gather3A_401 = tpu.vector_load_idx %arg7[%add3A_400] : memref<32768xf32, #tpu.memory_space<vmem>>[vector<16xi32>], vector<16xf32>,
      %swap3A_402 = arith.constant 26 : i32
      %swap3A_403 = arith.index_cast %swap3A_402 : i32 to index
      %swap3A_404 = arith.index_cast %mul3A_30 : i32 to index
      %swap3A_405 = tpu.vector_load %arg8[%swap3A_403, %swap3A_404] {strides = array<i32>} : memref<64x512xf32, #tpu.memory_space<vmem>>, vector<16xf32>,
      tpu.vector_store %arg8[%swap3A_403, %swap3A_404], %gather3A_401 {strides = array<i32>} : memref<64x512xf32, #tpu.memory_space<vmem>>, vector<16xf32>,
      %iota3A_406 = tpu.iota {dimensions = array<i32: 0>} : vector<16xi32>
      %add3A_407 = vector.broadcast %mul3A_30 : i32 to vector<16xi32>
      %add3A_408 = arith.addi %iota3A_406, %add3A_407 : vector<16xi32>
      %mul3A_409 = arith.constant 64 : i32
      %mul3A_410 = vector.broadcast %mul3A_409 : i32 to vector<16xi32>
      %mul3A_411 = arith.muli %add3A_408, %mul3A_410 : vector<16xi32>
      %add3A_412 = arith.constant 27 : i32
      %add3A_413 = vector.broadcast %add3A_412 : i32 to vector<16xi32>
      %add3A_414 = arith.addi %mul3A_411, %add3A_413 : vector<16xi32>
      %gather3A_415 = tpu.vector_load_idx %arg7[%add3A_414] : memref<32768xf32, #tpu.memory_space<vmem>>[vector<16xi32>], vector<16xf32>,
      %swap3A_416 = arith.constant 27 : i32
      %swap3A_417 = arith.index_cast %swap3A_416 : i32 to index
      %swap3A_418 = arith.index_cast %mul3A_30 : i32 to index
      %swap3A_419 = tpu.vector_load %arg8[%swap3A_417, %swap3A_418] {strides = array<i32>} : memref<64x512xf32, #tpu.memory_space<vmem>>, vector<16xf32>,
      tpu.vector_store %arg8[%swap3A_417, %swap3A_418], %gather3A_415 {strides = array<i32>} : memref<64x512xf32, #tpu.memory_space<vmem>>, vector<16xf32>,
      %iota3A_420 = tpu.iota {dimensions = array<i32: 0>} : vector<16xi32>
      %add3A_421 = vector.broadcast %mul3A_30 : i32 to vector<16xi32>
      %add3A_422 = arith.addi %iota3A_420, %add3A_421 : vector<16xi32>
      %mul3A_423 = arith.constant 64 : i32
      %mul3A_424 = vector.broadcast %mul3A_423 : i32 to vector<16xi32>
      %mul3A_425 = arith.muli %add3A_422, %mul3A_424 : vector<16xi32>
      %add3A_426 = arith.constant 28 : i32
      %add3A_427 = vector.broadcast %add3A_426 : i32 to vector<16xi32>
      %add3A_428 = arith.addi %mul3A_425, %add3A_427 : vector<16xi32>
      %gather3A_429 = tpu.vector_load_idx %arg7[%add3A_428] : memref<32768xf32, #tpu.memory_space<vmem>>[vector<16xi32>], vector<16xf32>,
      %swap3A_430 = arith.constant 28 : i32
      %swap3A_431 = arith.index_cast %swap3A_430 : i32 to index
      %swap3A_432 = arith.index_cast %mul3A_30 : i32 to index
      %swap3A_433 = tpu.vector_load %arg8[%swap3A_431, %swap3A_432] {strides = array<i32>} : memref<64x512xf32, #tpu.memory_space<vmem>>, vector<16xf32>,
      tpu.vector_store %arg8[%swap3A_431, %swap3A_432], %gather3A_429 {strides = array<i32>} : memref<64x512xf32, #tpu.memory_space<vmem>>, vector<16xf32>,
      %iota3A_434 = tpu.iota {dimensions = array<i32: 0>} : vector<16xi32>
      %add3A_435 = vector.broadcast %mul3A_30 : i32 to vector<16xi32>
      %add3A_436 = arith.addi %iota3A_434, %add3A_435 : vector<16xi32>
      %mul3A_437 = arith.constant 64 : i32
      %mul3A_438 = vector.broadcast %mul3A_437 : i32 to vector<16xi32>
      %mul3A_439 = arith.muli %add3A_436, %mul3A_438 : vector<16xi32>
      %add3A_440 = arith.constant 29 : i32
      %add3A_441 = vector.broadcast %add3A_440 : i32 to vector<16xi32>
      %add3A_442 = arith.addi %mul3A_439, %add3A_441 : vector<16xi32>
      %gather3A_443 = tpu.vector_load_idx %arg7[%add3A_442] : memref<32768xf32, #tpu.memory_space<vmem>>[vector<16xi32>], vector<16xf32>,
      %swap3A_444 = arith.constant 29 : i32
      %swap3A_445 = arith.index_cast %swap3A_444 : i32 to index
      %swap3A_446 = arith.index_cast %mul3A_30 : i32 to index
      %swap3A_447 = tpu.vector_load %arg8[%swap3A_445, %swap3A_446] {strides = array<i32>} : memref<64x512xf32, #tpu.memory_space<vmem>>, vector<16xf32>,
      tpu.vector_store %arg8[%swap3A_445, %swap3A_446], %gather3A_443 {strides = array<i32>} : memref<64x512xf32, #tpu.memory_space<vmem>>, vector<16xf32>,
      %iota3A_448 = tpu.iota {dimensions = array<i32: 0>} : vector<16xi32>
      %add3A_449 = vector.broadcast %mul3A_30 : i32 to vector<16xi32>
      %add3A_450 = arith.addi %iota3A_448, %add3A_449 : vector<16xi32>
      %mul3A_451 = arith.constant 64 : i32
      %mul3A_452 = vector.broadcast %mul3A_451 : i32 to vector<16xi32>
      %mul3A_453 = arith.muli %add3A_450, %mul3A_452 : vector<16xi32>
      %add3A_454 = arith.constant 30 : i32
      %add3A_455 = vector.broadcast %add3A_454 : i32 to vector<16xi32>
      %add3A_456 = arith.addi %mul3A_453, %add3A_455 : vector<16xi32>
      %gather3A_457 = tpu.vector_load_idx %arg7[%add3A_456] : memref<32768xf32, #tpu.memory_space<vmem>>[vector<16xi32>], vector<16xf32>,
      %swap3A_458 = arith.constant 30 : i32
      %swap3A_459 = arith.index_cast %swap3A_458 : i32 to index
      %swap3A_460 = arith.index_cast %mul3A_30 : i32 to index
      %swap3A_461 = tpu.vector_load %arg8[%swap3A_459, %swap3A_460] {strides = array<i32>} : memref<64x512xf32, #tpu.memory_space<vmem>>, vector<16xf32>,
      tpu.vector_store %arg8[%swap3A_459, %swap3A_460], %gather3A_457 {strides = array<i32>} : memref<64x512xf32, #tpu.memory_space<vmem>>, vector<16xf32>,
      %iota3A_462 = tpu.iota {dimensions = array<i32: 0>} : vector<16xi32>
      %add3A_463 = vector.broadcast %mul3A_30 : i32 to vector<16xi32>
      %add3A_464 = arith.addi %iota3A_462, %add3A_463 : vector<16xi32>
      %mul3A_465 = arith.constant 64 : i32
      %mul3A_466 = vector.broadcast %mul3A_465 : i32 to vector<16xi32>
      %mul3A_467 = arith.muli %add3A_464, %mul3A_466 : vector<16xi32>
      %add3A_468 = arith.constant 31 : i32
      %add3A_469 = vector.broadcast %add3A_468 : i32 to vector<16xi32>
      %add3A_470 = arith.addi %mul3A_467, %add3A_469 : vector<16xi32>
      %gather3A_471 = tpu.vector_load_idx %arg7[%add3A_470] : memref<32768xf32, #tpu.memory_space<vmem>>[vector<16xi32>], vector<16xf32>,
      %swap3A_472 = arith.constant 31 : i32
      %swap3A_473 = arith.index_cast %swap3A_472 : i32 to index
      %swap3A_474 = arith.index_cast %mul3A_30 : i32 to index
      %swap3A_475 = tpu.vector_load %arg8[%swap3A_473, %swap3A_474] {strides = array<i32>} : memref<64x512xf32, #tpu.memory_space<vmem>>, vector<16xf32>,
      tpu.vector_store %arg8[%swap3A_473, %swap3A_474], %gather3A_471 {strides = array<i32>} : memref<64x512xf32, #tpu.memory_space<vmem>>, vector<16xf32>,
      %iota3A_476 = tpu.iota {dimensions = array<i32: 0>} : vector<16xi32>
      %add3A_477 = vector.broadcast %mul3A_30 : i32 to vector<16xi32>
      %add3A_478 = arith.addi %iota3A_476, %add3A_477 : vector<16xi32>
      %mul3A_479 = arith.constant 64 : i32
      %mul3A_480 = vector.broadcast %mul3A_479 : i32 to vector<16xi32>
      %mul3A_481 = arith.muli %add3A_478, %mul3A_480 : vector<16xi32>
      %add3A_482 = arith.constant 32 : i32
      %add3A_483 = vector.broadcast %add3A_482 : i32 to vector<16xi32>
      %add3A_484 = arith.addi %mul3A_481, %add3A_483 : vector<16xi32>
      %gather3A_485 = tpu.vector_load_idx %arg7[%add3A_484] : memref<32768xf32, #tpu.memory_space<vmem>>[vector<16xi32>], vector<16xf32>,
      %swap3A_486 = arith.constant 32 : i32
      %swap3A_487 = arith.index_cast %swap3A_486 : i32 to index
      %swap3A_488 = arith.index_cast %mul3A_30 : i32 to index
      %swap3A_489 = tpu.vector_load %arg8[%swap3A_487, %swap3A_488] {strides = array<i32>} : memref<64x512xf32, #tpu.memory_space<vmem>>, vector<16xf32>,
      tpu.vector_store %arg8[%swap3A_487, %swap3A_488], %gather3A_485 {strides = array<i32>} : memref<64x512xf32, #tpu.memory_space<vmem>>, vector<16xf32>,
      %iota3A_490 = tpu.iota {dimensions = array<i32: 0>} : vector<16xi32>
      %add3A_491 = vector.broadcast %mul3A_30 : i32 to vector<16xi32>
      %add3A_492 = arith.addi %iota3A_490, %add3A_491 : vector<16xi32>
      %mul3A_493 = arith.constant 64 : i32
      %mul3A_494 = vector.broadcast %mul3A_493 : i32 to vector<16xi32>
      %mul3A_495 = arith.muli %add3A_492, %mul3A_494 : vector<16xi32>
      %add3A_496 = arith.constant 33 : i32
      %add3A_497 = vector.broadcast %add3A_496 : i32 to vector<16xi32>
      %add3A_498 = arith.addi %mul3A_495, %add3A_497 : vector<16xi32>
      %gather3A_499 = tpu.vector_load_idx %arg7[%add3A_498] : memref<32768xf32, #tpu.memory_space<vmem>>[vector<16xi32>], vector<16xf32>,
      %swap3A_500 = arith.constant 33 : i32
      %swap3A_501 = arith.index_cast %swap3A_500 : i32 to index
      %swap3A_502 = arith.index_cast %mul3A_30 : i32 to index
      %swap3A_503 = tpu.vector_load %arg8[%swap3A_501, %swap3A_502] {strides = array<i32>} : memref<64x512xf32, #tpu.memory_space<vmem>>, vector<16xf32>,
      tpu.vector_store %arg8[%swap3A_501, %swap3A_502], %gather3A_499 {strides = array<i32>} : memref<64x512xf32, #tpu.memory_space<vmem>>, vector<16xf32>,
      %iota3A_504 = tpu.iota {dimensions = array<i32: 0>} : vector<16xi32>
      %add3A_505 = vector.broadcast %mul3A_30 : i32 to vector<16xi32>
      %add3A_506 = arith.addi %iota3A_504, %add3A_505 : vector<16xi32>
      %mul3A_507 = arith.constant 64 : i32
      %mul3A_508 = vector.broadcast %mul3A_507 : i32 to vector<16xi32>
      %mul3A_509 = arith.muli %add3A_506, %mul3A_508 : vector<16xi32>
      %add3A_510 = arith.constant 34 : i32
      %add3A_511 = vector.broadcast %add3A_510 : i32 to vector<16xi32>
      %add3A_512 = arith.addi %mul3A_509, %add3A_511 : vector<16xi32>
      %gather3A_513 = tpu.vector_load_idx %arg7[%add3A_512] : memref<32768xf32, #tpu.memory_space<vmem>>[vector<16xi32>], vector<16xf32>,
      %swap3A_514 = arith.constant 34 : i32
      %swap3A_515 = arith.index_cast %swap3A_514 : i32 to index
      %swap3A_516 = arith.index_cast %mul3A_30 : i32 to index
      %swap3A_517 = tpu.vector_load %arg8[%swap3A_515, %swap3A_516] {strides = array<i32>} : memref<64x512xf32, #tpu.memory_space<vmem>>, vector<16xf32>,
      tpu.vector_store %arg8[%swap3A_515, %swap3A_516], %gather3A_513 {strides = array<i32>} : memref<64x512xf32, #tpu.memory_space<vmem>>, vector<16xf32>,
      %iota3A_518 = tpu.iota {dimensions = array<i32: 0>} : vector<16xi32>
      %add3A_519 = vector.broadcast %mul3A_30 : i32 to vector<16xi32>
      %add3A_520 = arith.addi %iota3A_518, %add3A_519 : vector<16xi32>
      %mul3A_521 = arith.constant 64 : i32
      %mul3A_522 = vector.broadcast %mul3A_521 : i32 to vector<16xi32>
      %mul3A_523 = arith.muli %add3A_520, %mul3A_522 : vector<16xi32>
      %add3A_524 = arith.constant 35 : i32
      %add3A_525 = vector.broadcast %add3A_524 : i32 to vector<16xi32>
      %add3A_526 = arith.addi %mul3A_523, %add3A_525 : vector<16xi32>
      %gather3A_527 = tpu.vector_load_idx %arg7[%add3A_526] : memref<32768xf32, #tpu.memory_space<vmem>>[vector<16xi32>], vector<16xf32>,
      %swap3A_528 = arith.constant 35 : i32
      %swap3A_529 = arith.index_cast %swap3A_528 : i32 to index
      %swap3A_530 = arith.index_cast %mul3A_30 : i32 to index
      %swap3A_531 = tpu.vector_load %arg8[%swap3A_529, %swap3A_530] {strides = array<i32>} : memref<64x512xf32, #tpu.memory_space<vmem>>, vector<16xf32>,
      tpu.vector_store %arg8[%swap3A_529, %swap3A_530], %gather3A_527 {strides = array<i32>} : memref<64x512xf32, #tpu.memory_space<vmem>>, vector<16xf32>,
      %iota3A_532 = tpu.iota {dimensions = array<i32: 0>} : vector<16xi32>
      %add3A_533 = vector.broadcast %mul3A_30 : i32 to vector<16xi32>
      %add3A_534 = arith.addi %iota3A_532, %add3A_533 : vector<16xi32>
      %mul3A_535 = arith.constant 64 : i32
      %mul3A_536 = vector.broadcast %mul3A_535 : i32 to vector<16xi32>
      %mul3A_537 = arith.muli %add3A_534, %mul3A_536 : vector<16xi32>
      %add3A_538 = arith.constant 36 : i32
      %add3A_539 = vector.broadcast %add3A_538 : i32 to vector<16xi32>
      %add3A_540 = arith.addi %mul3A_537, %add3A_539 : vector<16xi32>
      %gather3A_541 = tpu.vector_load_idx %arg7[%add3A_540] : memref<32768xf32, #tpu.memory_space<vmem>>[vector<16xi32>], vector<16xf32>,
      %swap3A_542 = arith.constant 36 : i32
      %swap3A_543 = arith.index_cast %swap3A_542 : i32 to index
      %swap3A_544 = arith.index_cast %mul3A_30 : i32 to index
      %swap3A_545 = tpu.vector_load %arg8[%swap3A_543, %swap3A_544] {strides = array<i32>} : memref<64x512xf32, #tpu.memory_space<vmem>>, vector<16xf32>,
      tpu.vector_store %arg8[%swap3A_543, %swap3A_544], %gather3A_541 {strides = array<i32>} : memref<64x512xf32, #tpu.memory_space<vmem>>, vector<16xf32>,
      %iota3A_546 = tpu.iota {dimensions = array<i32: 0>} : vector<16xi32>
      %add3A_547 = vector.broadcast %mul3A_30 : i32 to vector<16xi32>
      %add3A_548 = arith.addi %iota3A_546, %add3A_547 : vector<16xi32>
      %mul3A_549 = arith.constant 64 : i32
      %mul3A_550 = vector.broadcast %mul3A_549 : i32 to vector<16xi32>
      %mul3A_551 = arith.muli %add3A_548, %mul3A_550 : vector<16xi32>
      %add3A_552 = arith.constant 37 : i32
      %add3A_553 = vector.broadcast %add3A_552 : i32 to vector<16xi32>
      %add3A_554 = arith.addi %mul3A_551, %add3A_553 : vector<16xi32>
      %gather3A_555 = tpu.vector_load_idx %arg7[%add3A_554] : memref<32768xf32, #tpu.memory_space<vmem>>[vector<16xi32>], vector<16xf32>,
      %swap3A_556 = arith.constant 37 : i32
      %swap3A_557 = arith.index_cast %swap3A_556 : i32 to index
      %swap3A_558 = arith.index_cast %mul3A_30 : i32 to index
      %swap3A_559 = tpu.vector_load %arg8[%swap3A_557, %swap3A_558] {strides = array<i32>} : memref<64x512xf32, #tpu.memory_space<vmem>>, vector<16xf32>,
      tpu.vector_store %arg8[%swap3A_557, %swap3A_558], %gather3A_555 {strides = array<i32>} : memref<64x512xf32, #tpu.memory_space<vmem>>, vector<16xf32>,
      %iota3A_560 = tpu.iota {dimensions = array<i32: 0>} : vector<16xi32>
      %add3A_561 = vector.broadcast %mul3A_30 : i32 to vector<16xi32>
      %add3A_562 = arith.addi %iota3A_560, %add3A_561 : vector<16xi32>
      %mul3A_563 = arith.constant 64 : i32
      %mul3A_564 = vector.broadcast %mul3A_563 : i32 to vector<16xi32>
      %mul3A_565 = arith.muli %add3A_562, %mul3A_564 : vector<16xi32>
      %add3A_566 = arith.constant 38 : i32
      %add3A_567 = vector.broadcast %add3A_566 : i32 to vector<16xi32>
      %add3A_568 = arith.addi %mul3A_565, %add3A_567 : vector<16xi32>
      %gather3A_569 = tpu.vector_load_idx %arg7[%add3A_568] : memref<32768xf32, #tpu.memory_space<vmem>>[vector<16xi32>], vector<16xf32>,
      %swap3A_570 = arith.constant 38 : i32
      %swap3A_571 = arith.index_cast %swap3A_570 : i32 to index
      %swap3A_572 = arith.index_cast %mul3A_30 : i32 to index
      %swap3A_573 = tpu.vector_load %arg8[%swap3A_571, %swap3A_572] {strides = array<i32>} : memref<64x512xf32, #tpu.memory_space<vmem>>, vector<16xf32>,
      tpu.vector_store %arg8[%swap3A_571, %swap3A_572], %gather3A_569 {strides = array<i32>} : memref<64x512xf32, #tpu.memory_space<vmem>>, vector<16xf32>,
      %iota3A_574 = tpu.iota {dimensions = array<i32: 0>} : vector<16xi32>
      %add3A_575 = vector.broadcast %mul3A_30 : i32 to vector<16xi32>
      %add3A_576 = arith.addi %iota3A_574, %add3A_575 : vector<16xi32>
      %mul3A_577 = arith.constant 64 : i32
      %mul3A_578 = vector.broadcast %mul3A_577 : i32 to vector<16xi32>
      %mul3A_579 = arith.muli %add3A_576, %mul3A_578 : vector<16xi32>
      %add3A_580 = arith.constant 39 : i32
      %add3A_581 = vector.broadcast %add3A_580 : i32 to vector<16xi32>
      %add3A_582 = arith.addi %mul3A_579, %add3A_581 : vector<16xi32>
      %gather3A_583 = tpu.vector_load_idx %arg7[%add3A_582] : memref<32768xf32, #tpu.memory_space<vmem>>[vector<16xi32>], vector<16xf32>,
      %swap3A_584 = arith.constant 39 : i32
      %swap3A_585 = arith.index_cast %swap3A_584 : i32 to index
      %swap3A_586 = arith.index_cast %mul3A_30 : i32 to index
      %swap3A_587 = tpu.vector_load %arg8[%swap3A_585, %swap3A_586] {strides = array<i32>} : memref<64x512xf32, #tpu.memory_space<vmem>>, vector<16xf32>,
      tpu.vector_store %arg8[%swap3A_585, %swap3A_586], %gather3A_583 {strides = array<i32>} : memref<64x512xf32, #tpu.memory_space<vmem>>, vector<16xf32>,
      %iota3A_588 = tpu.iota {dimensions = array<i32: 0>} : vector<16xi32>
      %add3A_589 = vector.broadcast %mul3A_30 : i32 to vector<16xi32>
      %add3A_590 = arith.addi %iota3A_588, %add3A_589 : vector<16xi32>
      %mul3A_591 = arith.constant 64 : i32
      %mul3A_592 = vector.broadcast %mul3A_591 : i32 to vector<16xi32>
      %mul3A_593 = arith.muli %add3A_590, %mul3A_592 : vector<16xi32>
      %add3A_594 = arith.constant 40 : i32
      %add3A_595 = vector.broadcast %add3A_594 : i32 to vector<16xi32>
      %add3A_596 = arith.addi %mul3A_593, %add3A_595 : vector<16xi32>
      %gather3A_597 = tpu.vector_load_idx %arg7[%add3A_596] : memref<32768xf32, #tpu.memory_space<vmem>>[vector<16xi32>], vector<16xf32>,
      %swap3A_598 = arith.constant 40 : i32
      %swap3A_599 = arith.index_cast %swap3A_598 : i32 to index
      %swap3A_600 = arith.index_cast %mul3A_30 : i32 to index
      %swap3A_601 = tpu.vector_load %arg8[%swap3A_599, %swap3A_600] {strides = array<i32>} : memref<64x512xf32, #tpu.memory_space<vmem>>, vector<16xf32>,
      tpu.vector_store %arg8[%swap3A_599, %swap3A_600], %gather3A_597 {strides = array<i32>} : memref<64x512xf32, #tpu.memory_space<vmem>>, vector<16xf32>,
      %iota3A_602 = tpu.iota {dimensions = array<i32: 0>} : vector<16xi32>
      %add3A_603 = vector.broadcast %mul3A_30 : i32 to vector<16xi32>
      %add3A_604 = arith.addi %iota3A_602, %add3A_603 : vector<16xi32>
      %mul3A_605 = arith.constant 64 : i32
      %mul3A_606 = vector.broadcast %mul3A_605 : i32 to vector<16xi32>
      %mul3A_607 = arith.muli %add3A_604, %mul3A_606 : vector<16xi32>
      %add3A_608 = arith.constant 41 : i32
      %add3A_609 = vector.broadcast %add3A_608 : i32 to vector<16xi32>
      %add3A_610 = arith.addi %mul3A_607, %add3A_609 : vector<16xi32>
      %gather3A_611 = tpu.vector_load_idx %arg7[%add3A_610] : memref<32768xf32, #tpu.memory_space<vmem>>[vector<16xi32>], vector<16xf32>,
      %swap3A_612 = arith.constant 41 : i32
      %swap3A_613 = arith.index_cast %swap3A_612 : i32 to index
      %swap3A_614 = arith.index_cast %mul3A_30 : i32 to index
      %swap3A_615 = tpu.vector_load %arg8[%swap3A_613, %swap3A_614] {strides = array<i32>} : memref<64x512xf32, #tpu.memory_space<vmem>>, vector<16xf32>,
      tpu.vector_store %arg8[%swap3A_613, %swap3A_614], %gather3A_611 {strides = array<i32>} : memref<64x512xf32, #tpu.memory_space<vmem>>, vector<16xf32>,
      %iota3A_616 = tpu.iota {dimensions = array<i32: 0>} : vector<16xi32>
      %add3A_617 = vector.broadcast %mul3A_30 : i32 to vector<16xi32>
      %add3A_618 = arith.addi %iota3A_616, %add3A_617 : vector<16xi32>
      %mul3A_619 = arith.constant 64 : i32
      %mul3A_620 = vector.broadcast %mul3A_619 : i32 to vector<16xi32>
      %mul3A_621 = arith.muli %add3A_618, %mul3A_620 : vector<16xi32>
      %add3A_622 = arith.constant 42 : i32
      %add3A_623 = vector.broadcast %add3A_622 : i32 to vector<16xi32>
      %add3A_624 = arith.addi %mul3A_621, %add3A_623 : vector<16xi32>
      %gather3A_625 = tpu.vector_load_idx %arg7[%add3A_624] : memref<32768xf32, #tpu.memory_space<vmem>>[vector<16xi32>], vector<16xf32>,
      %swap3A_626 = arith.constant 42 : i32
      %swap3A_627 = arith.index_cast %swap3A_626 : i32 to index
      %swap3A_628 = arith.index_cast %mul3A_30 : i32 to index
      %swap3A_629 = tpu.vector_load %arg8[%swap3A_627, %swap3A_628] {strides = array<i32>} : memref<64x512xf32, #tpu.memory_space<vmem>>, vector<16xf32>,
      tpu.vector_store %arg8[%swap3A_627, %swap3A_628], %gather3A_625 {strides = array<i32>} : memref<64x512xf32, #tpu.memory_space<vmem>>, vector<16xf32>,
      %iota3A_630 = tpu.iota {dimensions = array<i32: 0>} : vector<16xi32>
      %add3A_631 = vector.broadcast %mul3A_30 : i32 to vector<16xi32>
      %add3A_632 = arith.addi %iota3A_630, %add3A_631 : vector<16xi32>
      %mul3A_633 = arith.constant 64 : i32
      %mul3A_634 = vector.broadcast %mul3A_633 : i32 to vector<16xi32>
      %mul3A_635 = arith.muli %add3A_632, %mul3A_634 : vector<16xi32>
      %add3A_636 = arith.constant 43 : i32
      %add3A_637 = vector.broadcast %add3A_636 : i32 to vector<16xi32>
      %add3A_638 = arith.addi %mul3A_635, %add3A_637 : vector<16xi32>
      %gather3A_639 = tpu.vector_load_idx %arg7[%add3A_638] : memref<32768xf32, #tpu.memory_space<vmem>>[vector<16xi32>], vector<16xf32>,
      %swap3A_640 = arith.constant 43 : i32
      %swap3A_641 = arith.index_cast %swap3A_640 : i32 to index
      %swap3A_642 = arith.index_cast %mul3A_30 : i32 to index
      %swap3A_643 = tpu.vector_load %arg8[%swap3A_641, %swap3A_642] {strides = array<i32>} : memref<64x512xf32, #tpu.memory_space<vmem>>, vector<16xf32>,
      tpu.vector_store %arg8[%swap3A_641, %swap3A_642], %gather3A_639 {strides = array<i32>} : memref<64x512xf32, #tpu.memory_space<vmem>>, vector<16xf32>,
      %iota3A_644 = tpu.iota {dimensions = array<i32: 0>} : vector<16xi32>
      %add3A_645 = vector.broadcast %mul3A_30 : i32 to vector<16xi32>
      %add3A_646 = arith.addi %iota3A_644, %add3A_645 : vector<16xi32>
      %mul3A_647 = arith.constant 64 : i32
      %mul3A_648 = vector.broadcast %mul3A_647 : i32 to vector<16xi32>
      %mul3A_649 = arith.muli %add3A_646, %mul3A_648 : vector<16xi32>
      %add3A_650 = arith.constant 44 : i32
      %add3A_651 = vector.broadcast %add3A_650 : i32 to vector<16xi32>
      %add3A_652 = arith.addi %mul3A_649, %add3A_651 : vector<16xi32>
      %gather3A_653 = tpu.vector_load_idx %arg7[%add3A_652] : memref<32768xf32, #tpu.memory_space<vmem>>[vector<16xi32>], vector<16xf32>,
      %swap3A_654 = arith.constant 44 : i32
      %swap3A_655 = arith.index_cast %swap3A_654 : i32 to index
      %swap3A_656 = arith.index_cast %mul3A_30 : i32 to index
      %swap3A_657 = tpu.vector_load %arg8[%swap3A_655, %swap3A_656] {strides = array<i32>} : memref<64x512xf32, #tpu.memory_space<vmem>>, vector<16xf32>,
      tpu.vector_store %arg8[%swap3A_655, %swap3A_656], %gather3A_653 {strides = array<i32>} : memref<64x512xf32, #tpu.memory_space<vmem>>, vector<16xf32>,
      %iota3A_658 = tpu.iota {dimensions = array<i32: 0>} : vector<16xi32>
      %add3A_659 = vector.broadcast %mul3A_30 : i32 to vector<16xi32>
      %add3A_660 = arith.addi %iota3A_658, %add3A_659 : vector<16xi32>
      %mul3A_661 = arith.constant 64 : i32
      %mul3A_662 = vector.broadcast %mul3A_661 : i32 to vector<16xi32>
      %mul3A_663 = arith.muli %add3A_660, %mul3A_662 : vector<16xi32>
      %add3A_664 = arith.constant 45 : i32
      %add3A_665 = vector.broadcast %add3A_664 : i32 to vector<16xi32>
      %add3A_666 = arith.addi %mul3A_663, %add3A_665 : vector<16xi32>
      %gather3A_667 = tpu.vector_load_idx %arg7[%add3A_666] : memref<32768xf32, #tpu.memory_space<vmem>>[vector<16xi32>], vector<16xf32>,
      %swap3A_668 = arith.constant 45 : i32
      %swap3A_669 = arith.index_cast %swap3A_668 : i32 to index
      %swap3A_670 = arith.index_cast %mul3A_30 : i32 to index
      %swap3A_671 = tpu.vector_load %arg8[%swap3A_669, %swap3A_670] {strides = array<i32>} : memref<64x512xf32, #tpu.memory_space<vmem>>, vector<16xf32>,
      tpu.vector_store %arg8[%swap3A_669, %swap3A_670], %gather3A_667 {strides = array<i32>} : memref<64x512xf32, #tpu.memory_space<vmem>>, vector<16xf32>,
      %iota3A_672 = tpu.iota {dimensions = array<i32: 0>} : vector<16xi32>
      %add3A_673 = vector.broadcast %mul3A_30 : i32 to vector<16xi32>
      %add3A_674 = arith.addi %iota3A_672, %add3A_673 : vector<16xi32>
      %mul3A_675 = arith.constant 64 : i32
      %mul3A_676 = vector.broadcast %mul3A_675 : i32 to vector<16xi32>
      %mul3A_677 = arith.muli %add3A_674, %mul3A_676 : vector<16xi32>
      %add3A_678 = arith.constant 46 : i32
      %add3A_679 = vector.broadcast %add3A_678 : i32 to vector<16xi32>
      %add3A_680 = arith.addi %mul3A_677, %add3A_679 : vector<16xi32>
      %gather3A_681 = tpu.vector_load_idx %arg7[%add3A_680] : memref<32768xf32, #tpu.memory_space<vmem>>[vector<16xi32>], vector<16xf32>,
      %swap3A_682 = arith.constant 46 : i32
      %swap3A_683 = arith.index_cast %swap3A_682 : i32 to index
      %swap3A_684 = arith.index_cast %mul3A_30 : i32 to index
      %swap3A_685 = tpu.vector_load %arg8[%swap3A_683, %swap3A_684] {strides = array<i32>} : memref<64x512xf32, #tpu.memory_space<vmem>>, vector<16xf32>,
      tpu.vector_store %arg8[%swap3A_683, %swap3A_684], %gather3A_681 {strides = array<i32>} : memref<64x512xf32, #tpu.memory_space<vmem>>, vector<16xf32>,
      %iota3A_686 = tpu.iota {dimensions = array<i32: 0>} : vector<16xi32>
      %add3A_687 = vector.broadcast %mul3A_30 : i32 to vector<16xi32>
      %add3A_688 = arith.addi %iota3A_686, %add3A_687 : vector<16xi32>
      %mul3A_689 = arith.constant 64 : i32
      %mul3A_690 = vector.broadcast %mul3A_689 : i32 to vector<16xi32>
      %mul3A_691 = arith.muli %add3A_688, %mul3A_690 : vector<16xi32>
      %add3A_692 = arith.constant 47 : i32
      %add3A_693 = vector.broadcast %add3A_692 : i32 to vector<16xi32>
      %add3A_694 = arith.addi %mul3A_691, %add3A_693 : vector<16xi32>
      %gather3A_695 = tpu.vector_load_idx %arg7[%add3A_694] : memref<32768xf32, #tpu.memory_space<vmem>>[vector<16xi32>], vector<16xf32>,
      %swap3A_696 = arith.constant 47 : i32
      %swap3A_697 = arith.index_cast %swap3A_696 : i32 to index
      %swap3A_698 = arith.index_cast %mul3A_30 : i32 to index
      %swap3A_699 = tpu.vector_load %arg8[%swap3A_697, %swap3A_698] {strides = array<i32>} : memref<64x512xf32, #tpu.memory_space<vmem>>, vector<16xf32>,
      tpu.vector_store %arg8[%swap3A_697, %swap3A_698], %gather3A_695 {strides = array<i32>} : memref<64x512xf32, #tpu.memory_space<vmem>>, vector<16xf32>,
      %iota3A_700 = tpu.iota {dimensions = array<i32: 0>} : vector<16xi32>
      %add3A_701 = vector.broadcast %mul3A_30 : i32 to vector<16xi32>
      %add3A_702 = arith.addi %iota3A_700, %add3A_701 : vector<16xi32>
      %mul3A_703 = arith.constant 64 : i32
      %mul3A_704 = vector.broadcast %mul3A_703 : i32 to vector<16xi32>
      %mul3A_705 = arith.muli %add3A_702, %mul3A_704 : vector<16xi32>
      %add3A_706 = arith.constant 48 : i32
      %add3A_707 = vector.broadcast %add3A_706 : i32 to vector<16xi32>
      %add3A_708 = arith.addi %mul3A_705, %add3A_707 : vector<16xi32>
      %gather3A_709 = tpu.vector_load_idx %arg7[%add3A_708] : memref<32768xf32, #tpu.memory_space<vmem>>[vector<16xi32>], vector<16xf32>,
      %swap3A_710 = arith.constant 48 : i32
      %swap3A_711 = arith.index_cast %swap3A_710 : i32 to index
      %swap3A_712 = arith.index_cast %mul3A_30 : i32 to index
      %swap3A_713 = tpu.vector_load %arg8[%swap3A_711, %swap3A_712] {strides = array<i32>} : memref<64x512xf32, #tpu.memory_space<vmem>>, vector<16xf32>,
      tpu.vector_store %arg8[%swap3A_711, %swap3A_712], %gather3A_709 {strides = array<i32>} : memref<64x512xf32, #tpu.memory_space<vmem>>, vector<16xf32>,
      %iota3A_714 = tpu.iota {dimensions = array<i32: 0>} : vector<16xi32>
      %add3A_715 = vector.broadcast %mul3A_30 : i32 to vector<16xi32>
      %add3A_716 = arith.addi %iota3A_714, %add3A_715 : vector<16xi32>
      %mul3A_717 = arith.constant 64 : i32
      %mul3A_718 = vector.broadcast %mul3A_717 : i32 to vector<16xi32>
      %mul3A_719 = arith.muli %add3A_716, %mul3A_718 : vector<16xi32>
      %add3A_720 = arith.constant 49 : i32
      %add3A_721 = vector.broadcast %add3A_720 : i32 to vector<16xi32>
      %add3A_722 = arith.addi %mul3A_719, %add3A_721 : vector<16xi32>
      %gather3A_723 = tpu.vector_load_idx %arg7[%add3A_722] : memref<32768xf32, #tpu.memory_space<vmem>>[vector<16xi32>], vector<16xf32>,
      %swap3A_724 = arith.constant 49 : i32
      %swap3A_725 = arith.index_cast %swap3A_724 : i32 to index
      %swap3A_726 = arith.index_cast %mul3A_30 : i32 to index
      %swap3A_727 = tpu.vector_load %arg8[%swap3A_725, %swap3A_726] {strides = array<i32>} : memref<64x512xf32, #tpu.memory_space<vmem>>, vector<16xf32>,
      tpu.vector_store %arg8[%swap3A_725, %swap3A_726], %gather3A_723 {strides = array<i32>} : memref<64x512xf32, #tpu.memory_space<vmem>>, vector<16xf32>,
      %iota3A_728 = tpu.iota {dimensions = array<i32: 0>} : vector<16xi32>
      %add3A_729 = vector.broadcast %mul3A_30 : i32 to vector<16xi32>
      %add3A_730 = arith.addi %iota3A_728, %add3A_729 : vector<16xi32>
      %mul3A_731 = arith.constant 64 : i32
      %mul3A_732 = vector.broadcast %mul3A_731 : i32 to vector<16xi32>
      %mul3A_733 = arith.muli %add3A_730, %mul3A_732 : vector<16xi32>
      %add3A_734 = arith.constant 50 : i32
      %add3A_735 = vector.broadcast %add3A_734 : i32 to vector<16xi32>
      %add3A_736 = arith.addi %mul3A_733, %add3A_735 : vector<16xi32>
      %gather3A_737 = tpu.vector_load_idx %arg7[%add3A_736] : memref<32768xf32, #tpu.memory_space<vmem>>[vector<16xi32>], vector<16xf32>,
      %swap3A_738 = arith.constant 50 : i32
      %swap3A_739 = arith.index_cast %swap3A_738 : i32 to index
      %swap3A_740 = arith.index_cast %mul3A_30 : i32 to index
      %swap3A_741 = tpu.vector_load %arg8[%swap3A_739, %swap3A_740] {strides = array<i32>} : memref<64x512xf32, #tpu.memory_space<vmem>>, vector<16xf32>,
      tpu.vector_store %arg8[%swap3A_739, %swap3A_740], %gather3A_737 {strides = array<i32>} : memref<64x512xf32, #tpu.memory_space<vmem>>, vector<16xf32>,
      %iota3A_742 = tpu.iota {dimensions = array<i32: 0>} : vector<16xi32>
      %add3A_743 = vector.broadcast %mul3A_30 : i32 to vector<16xi32>
      %add3A_744 = arith.addi %iota3A_742, %add3A_743 : vector<16xi32>
      %mul3A_745 = arith.constant 64 : i32
      %mul3A_746 = vector.broadcast %mul3A_745 : i32 to vector<16xi32>
      %mul3A_747 = arith.muli %add3A_744, %mul3A_746 : vector<16xi32>
      %add3A_748 = arith.constant 51 : i32
      %add3A_749 = vector.broadcast %add3A_748 : i32 to vector<16xi32>
      %add3A_750 = arith.addi %mul3A_747, %add3A_749 : vector<16xi32>
      %gather3A_751 = tpu.vector_load_idx %arg7[%add3A_750] : memref<32768xf32, #tpu.memory_space<vmem>>[vector<16xi32>], vector<16xf32>,
      %swap3A_752 = arith.constant 51 : i32
      %swap3A_753 = arith.index_cast %swap3A_752 : i32 to index
      %swap3A_754 = arith.index_cast %mul3A_30 : i32 to index
      %swap3A_755 = tpu.vector_load %arg8[%swap3A_753, %swap3A_754] {strides = array<i32>} : memref<64x512xf32, #tpu.memory_space<vmem>>, vector<16xf32>,
      tpu.vector_store %arg8[%swap3A_753, %swap3A_754], %gather3A_751 {strides = array<i32>} : memref<64x512xf32, #tpu.memory_space<vmem>>, vector<16xf32>,
      %iota3A_756 = tpu.iota {dimensions = array<i32: 0>} : vector<16xi32>
      %add3A_757 = vector.broadcast %mul3A_30 : i32 to vector<16xi32>
      %add3A_758 = arith.addi %iota3A_756, %add3A_757 : vector<16xi32>
      %mul3A_759 = arith.constant 64 : i32
      %mul3A_760 = vector.broadcast %mul3A_759 : i32 to vector<16xi32>
      %mul3A_761 = arith.muli %add3A_758, %mul3A_760 : vector<16xi32>
      %add3A_762 = arith.constant 52 : i32
      %add3A_763 = vector.broadcast %add3A_762 : i32 to vector<16xi32>
      %add3A_764 = arith.addi %mul3A_761, %add3A_763 : vector<16xi32>
      %gather3A_765 = tpu.vector_load_idx %arg7[%add3A_764] : memref<32768xf32, #tpu.memory_space<vmem>>[vector<16xi32>], vector<16xf32>,
      %swap3A_766 = arith.constant 52 : i32
      %swap3A_767 = arith.index_cast %swap3A_766 : i32 to index
      %swap3A_768 = arith.index_cast %mul3A_30 : i32 to index
      %swap3A_769 = tpu.vector_load %arg8[%swap3A_767, %swap3A_768] {strides = array<i32>} : memref<64x512xf32, #tpu.memory_space<vmem>>, vector<16xf32>,
      tpu.vector_store %arg8[%swap3A_767, %swap3A_768], %gather3A_765 {strides = array<i32>} : memref<64x512xf32, #tpu.memory_space<vmem>>, vector<16xf32>,
      %iota3A_770 = tpu.iota {dimensions = array<i32: 0>} : vector<16xi32>
      %add3A_771 = vector.broadcast %mul3A_30 : i32 to vector<16xi32>
      %add3A_772 = arith.addi %iota3A_770, %add3A_771 : vector<16xi32>
      %mul3A_773 = arith.constant 64 : i32
      %mul3A_774 = vector.broadcast %mul3A_773 : i32 to vector<16xi32>
      %mul3A_775 = arith.muli %add3A_772, %mul3A_774 : vector<16xi32>
      %add3A_776 = arith.constant 53 : i32
      %add3A_777 = vector.broadcast %add3A_776 : i32 to vector<16xi32>
      %add3A_778 = arith.addi %mul3A_775, %add3A_777 : vector<16xi32>
      %gather3A_779 = tpu.vector_load_idx %arg7[%add3A_778] : memref<32768xf32, #tpu.memory_space<vmem>>[vector<16xi32>], vector<16xf32>,
      %swap3A_780 = arith.constant 53 : i32
      %swap3A_781 = arith.index_cast %swap3A_780 : i32 to index
      %swap3A_782 = arith.index_cast %mul3A_30 : i32 to index
      %swap3A_783 = tpu.vector_load %arg8[%swap3A_781, %swap3A_782] {strides = array<i32>} : memref<64x512xf32, #tpu.memory_space<vmem>>, vector<16xf32>,
      tpu.vector_store %arg8[%swap3A_781, %swap3A_782], %gather3A_779 {strides = array<i32>} : memref<64x512xf32, #tpu.memory_space<vmem>>, vector<16xf32>,
      %iota3A_784 = tpu.iota {dimensions = array<i32: 0>} : vector<16xi32>
      %add3A_785 = vector.broadcast %mul3A_30 : i32 to vector<16xi32>
      %add3A_786 = arith.addi %iota3A_784, %add3A_785 : vector<16xi32>
      %mul3A_787 = arith.constant 64 : i32
      %mul3A_788 = vector.broadcast %mul3A_787 : i32 to vector<16xi32>
      %mul3A_789 = arith.muli %add3A_786, %mul3A_788 : vector<16xi32>
      %add3A_790 = arith.constant 54 : i32
      %add3A_791 = vector.broadcast %add3A_790 : i32 to vector<16xi32>
      %add3A_792 = arith.addi %mul3A_789, %add3A_791 : vector<16xi32>
      %gather3A_793 = tpu.vector_load_idx %arg7[%add3A_792] : memref<32768xf32, #tpu.memory_space<vmem>>[vector<16xi32>], vector<16xf32>,
      %swap3A_794 = arith.constant 54 : i32
      %swap3A_795 = arith.index_cast %swap3A_794 : i32 to index
      %swap3A_796 = arith.index_cast %mul3A_30 : i32 to index
      %swap3A_797 = tpu.vector_load %arg8[%swap3A_795, %swap3A_796] {strides = array<i32>} : memref<64x512xf32, #tpu.memory_space<vmem>>, vector<16xf32>,
      tpu.vector_store %arg8[%swap3A_795, %swap3A_796], %gather3A_793 {strides = array<i32>} : memref<64x512xf32, #tpu.memory_space<vmem>>, vector<16xf32>,
      %iota3A_798 = tpu.iota {dimensions = array<i32: 0>} : vector<16xi32>
      %add3A_799 = vector.broadcast %mul3A_30 : i32 to vector<16xi32>
      %add3A_800 = arith.addi %iota3A_798, %add3A_799 : vector<16xi32>
      %mul3A_801 = arith.constant 64 : i32
      %mul3A_802 = vector.broadcast %mul3A_801 : i32 to vector<16xi32>
      %mul3A_803 = arith.muli %add3A_800, %mul3A_802 : vector<16xi32>
      %add3A_804 = arith.constant 55 : i32
      %add3A_805 = vector.broadcast %add3A_804 : i32 to vector<16xi32>
      %add3A_806 = arith.addi %mul3A_803, %add3A_805 : vector<16xi32>
      %gather3A_807 = tpu.vector_load_idx %arg7[%add3A_806] : memref<32768xf32, #tpu.memory_space<vmem>>[vector<16xi32>], vector<16xf32>,
      %swap3A_808 = arith.constant 55 : i32
      %swap3A_809 = arith.index_cast %swap3A_808 : i32 to index
      %swap3A_810 = arith.index_cast %mul3A_30 : i32 to index
      %swap3A_811 = tpu.vector_load %arg8[%swap3A_809, %swap3A_810] {strides = array<i32>} : memref<64x512xf32, #tpu.memory_space<vmem>>, vector<16xf32>,
      tpu.vector_store %arg8[%swap3A_809, %swap3A_810], %gather3A_807 {strides = array<i32>} : memref<64x512xf32, #tpu.memory_space<vmem>>, vector<16xf32>,
      %iota3A_812 = tpu.iota {dimensions = array<i32: 0>} : vector<16xi32>
      %add3A_813 = vector.broadcast %mul3A_30 : i32 to vector<16xi32>
      %add3A_814 = arith.addi %iota3A_812, %add3A_813 : vector<16xi32>
      %mul3A_815 = arith.constant 64 : i32
      %mul3A_816 = vector.broadcast %mul3A_815 : i32 to vector<16xi32>
      %mul3A_817 = arith.muli %add3A_814, %mul3A_816 : vector<16xi32>
      %add3A_818 = arith.constant 56 : i32
      %add3A_819 = vector.broadcast %add3A_818 : i32 to vector<16xi32>
      %add3A_820 = arith.addi %mul3A_817, %add3A_819 : vector<16xi32>
      %gather3A_821 = tpu.vector_load_idx %arg7[%add3A_820] : memref<32768xf32, #tpu.memory_space<vmem>>[vector<16xi32>], vector<16xf32>,
      %swap3A_822 = arith.constant 56 : i32
      %swap3A_823 = arith.index_cast %swap3A_822 : i32 to index
      %swap3A_824 = arith.index_cast %mul3A_30 : i32 to index
      %swap3A_825 = tpu.vector_load %arg8[%swap3A_823, %swap3A_824] {strides = array<i32>} : memref<64x512xf32, #tpu.memory_space<vmem>>, vector<16xf32>,
      tpu.vector_store %arg8[%swap3A_823, %swap3A_824], %gather3A_821 {strides = array<i32>} : memref<64x512xf32, #tpu.memory_space<vmem>>, vector<16xf32>,
      %iota3A_826 = tpu.iota {dimensions = array<i32: 0>} : vector<16xi32>
      %add3A_827 = vector.broadcast %mul3A_30 : i32 to vector<16xi32>
      %add3A_828 = arith.addi %iota3A_826, %add3A_827 : vector<16xi32>
      %mul3A_829 = arith.constant 64 : i32
      %mul3A_830 = vector.broadcast %mul3A_829 : i32 to vector<16xi32>
      %mul3A_831 = arith.muli %add3A_828, %mul3A_830 : vector<16xi32>
      %add3A_832 = arith.constant 57 : i32
      %add3A_833 = vector.broadcast %add3A_832 : i32 to vector<16xi32>
      %add3A_834 = arith.addi %mul3A_831, %add3A_833 : vector<16xi32>
      %gather3A_835 = tpu.vector_load_idx %arg7[%add3A_834] : memref<32768xf32, #tpu.memory_space<vmem>>[vector<16xi32>], vector<16xf32>,
      %swap3A_836 = arith.constant 57 : i32
      %swap3A_837 = arith.index_cast %swap3A_836 : i32 to index
      %swap3A_838 = arith.index_cast %mul3A_30 : i32 to index
      %swap3A_839 = tpu.vector_load %arg8[%swap3A_837, %swap3A_838] {strides = array<i32>} : memref<64x512xf32, #tpu.memory_space<vmem>>, vector<16xf32>,
      tpu.vector_store %arg8[%swap3A_837, %swap3A_838], %gather3A_835 {strides = array<i32>} : memref<64x512xf32, #tpu.memory_space<vmem>>, vector<16xf32>,
      %iota3A_840 = tpu.iota {dimensions = array<i32: 0>} : vector<16xi32>
      %add3A_841 = vector.broadcast %mul3A_30 : i32 to vector<16xi32>
      %add3A_842 = arith.addi %iota3A_840, %add3A_841 : vector<16xi32>
      %mul3A_843 = arith.constant 64 : i32
      %mul3A_844 = vector.broadcast %mul3A_843 : i32 to vector<16xi32>
      %mul3A_845 = arith.muli %add3A_842, %mul3A_844 : vector<16xi32>
      %add3A_846 = arith.constant 58 : i32
      %add3A_847 = vector.broadcast %add3A_846 : i32 to vector<16xi32>
      %add3A_848 = arith.addi %mul3A_845, %add3A_847 : vector<16xi32>
      %gather3A_849 = tpu.vector_load_idx %arg7[%add3A_848] : memref<32768xf32, #tpu.memory_space<vmem>>[vector<16xi32>], vector<16xf32>,
      %swap3A_850 = arith.constant 58 : i32
      %swap3A_851 = arith.index_cast %swap3A_850 : i32 to index
      %swap3A_852 = arith.index_cast %mul3A_30 : i32 to index
      %swap3A_853 = tpu.vector_load %arg8[%swap3A_851, %swap3A_852] {strides = array<i32>} : memref<64x512xf32, #tpu.memory_space<vmem>>, vector<16xf32>,
      tpu.vector_store %arg8[%swap3A_851, %swap3A_852], %gather3A_849 {strides = array<i32>} : memref<64x512xf32, #tpu.memory_space<vmem>>, vector<16xf32>,
      %iota3A_854 = tpu.iota {dimensions = array<i32: 0>} : vector<16xi32>
      %add3A_855 = vector.broadcast %mul3A_30 : i32 to vector<16xi32>
      %add3A_856 = arith.addi %iota3A_854, %add3A_855 : vector<16xi32>
      %mul3A_857 = arith.constant 64 : i32
      %mul3A_858 = vector.broadcast %mul3A_857 : i32 to vector<16xi32>
      %mul3A_859 = arith.muli %add3A_856, %mul3A_858 : vector<16xi32>
      %add3A_860 = arith.constant 59 : i32
      %add3A_861 = vector.broadcast %add3A_860 : i32 to vector<16xi32>
      %add3A_862 = arith.addi %mul3A_859, %add3A_861 : vector<16xi32>
      %gather3A_863 = tpu.vector_load_idx %arg7[%add3A_862] : memref<32768xf32, #tpu.memory_space<vmem>>[vector<16xi32>], vector<16xf32>,
      %swap3A_864 = arith.constant 59 : i32
      %swap3A_865 = arith.index_cast %swap3A_864 : i32 to index
      %swap3A_866 = arith.index_cast %mul3A_30 : i32 to index
      %swap3A_867 = tpu.vector_load %arg8[%swap3A_865, %swap3A_866] {strides = array<i32>} : memref<64x512xf32, #tpu.memory_space<vmem>>, vector<16xf32>,
      tpu.vector_store %arg8[%swap3A_865, %swap3A_866], %gather3A_863 {strides = array<i32>} : memref<64x512xf32, #tpu.memory_space<vmem>>, vector<16xf32>,
      %iota3A_868 = tpu.iota {dimensions = array<i32: 0>} : vector<16xi32>
      %add3A_869 = vector.broadcast %mul3A_30 : i32 to vector<16xi32>
      %add3A_870 = arith.addi %iota3A_868, %add3A_869 : vector<16xi32>
      %mul3A_871 = arith.constant 64 : i32
      %mul3A_872 = vector.broadcast %mul3A_871 : i32 to vector<16xi32>
      %mul3A_873 = arith.muli %add3A_870, %mul3A_872 : vector<16xi32>
      %add3A_874 = arith.constant 60 : i32
      %add3A_875 = vector.broadcast %add3A_874 : i32 to vector<16xi32>
      %add3A_876 = arith.addi %mul3A_873, %add3A_875 : vector<16xi32>
      %gather3A_877 = tpu.vector_load_idx %arg7[%add3A_876] : memref<32768xf32, #tpu.memory_space<vmem>>[vector<16xi32>], vector<16xf32>,
      %swap3A_878 = arith.constant 60 : i32
      %swap3A_879 = arith.index_cast %swap3A_878 : i32 to index
      %swap3A_880 = arith.index_cast %mul3A_30 : i32 to index
      %swap3A_881 = tpu.vector_load %arg8[%swap3A_879, %swap3A_880] {strides = array<i32>} : memref<64x512xf32, #tpu.memory_space<vmem>>, vector<16xf32>,
      tpu.vector_store %arg8[%swap3A_879, %swap3A_880], %gather3A_877 {strides = array<i32>} : memref<64x512xf32, #tpu.memory_space<vmem>>, vector<16xf32>,
      %iota3A_882 = tpu.iota {dimensions = array<i32: 0>} : vector<16xi32>
      %add3A_883 = vector.broadcast %mul3A_30 : i32 to vector<16xi32>
      %add3A_884 = arith.addi %iota3A_882, %add3A_883 : vector<16xi32>
      %mul3A_885 = arith.constant 64 : i32
      %mul3A_886 = vector.broadcast %mul3A_885 : i32 to vector<16xi32>
      %mul3A_887 = arith.muli %add3A_884, %mul3A_886 : vector<16xi32>
      %add3A_888 = arith.constant 61 : i32
      %add3A_889 = vector.broadcast %add3A_888 : i32 to vector<16xi32>
      %add3A_890 = arith.addi %mul3A_887, %add3A_889 : vector<16xi32>
      %gather3A_891 = tpu.vector_load_idx %arg7[%add3A_890] : memref<32768xf32, #tpu.memory_space<vmem>>[vector<16xi32>], vector<16xf32>,
      %swap3A_892 = arith.constant 61 : i32
      %swap3A_893 = arith.index_cast %swap3A_892 : i32 to index
      %swap3A_894 = arith.index_cast %mul3A_30 : i32 to index
      %swap3A_895 = tpu.vector_load %arg8[%swap3A_893, %swap3A_894] {strides = array<i32>} : memref<64x512xf32, #tpu.memory_space<vmem>>, vector<16xf32>,
      tpu.vector_store %arg8[%swap3A_893, %swap3A_894], %gather3A_891 {strides = array<i32>} : memref<64x512xf32, #tpu.memory_space<vmem>>, vector<16xf32>,
      %iota3A_896 = tpu.iota {dimensions = array<i32: 0>} : vector<16xi32>
      %add3A_897 = vector.broadcast %mul3A_30 : i32 to vector<16xi32>
      %add3A_898 = arith.addi %iota3A_896, %add3A_897 : vector<16xi32>
      %mul3A_899 = arith.constant 64 : i32
      %mul3A_900 = vector.broadcast %mul3A_899 : i32 to vector<16xi32>
      %mul3A_901 = arith.muli %add3A_898, %mul3A_900 : vector<16xi32>
      %add3A_902 = arith.constant 62 : i32
      %add3A_903 = vector.broadcast %add3A_902 : i32 to vector<16xi32>
      %add3A_904 = arith.addi %mul3A_901, %add3A_903 : vector<16xi32>
      %gather3A_905 = tpu.vector_load_idx %arg7[%add3A_904] : memref<32768xf32, #tpu.memory_space<vmem>>[vector<16xi32>], vector<16xf32>,
      %swap3A_906 = arith.constant 62 : i32
      %swap3A_907 = arith.index_cast %swap3A_906 : i32 to index
      %swap3A_908 = arith.index_cast %mul3A_30 : i32 to index
      %swap3A_909 = tpu.vector_load %arg8[%swap3A_907, %swap3A_908] {strides = array<i32>} : memref<64x512xf32, #tpu.memory_space<vmem>>, vector<16xf32>,
      tpu.vector_store %arg8[%swap3A_907, %swap3A_908], %gather3A_905 {strides = array<i32>} : memref<64x512xf32, #tpu.memory_space<vmem>>, vector<16xf32>,
      %iota3A_910 = tpu.iota {dimensions = array<i32: 0>} : vector<16xi32>
      %add3A_911 = vector.broadcast %mul3A_30 : i32 to vector<16xi32>
      %add3A_912 = arith.addi %iota3A_910, %add3A_911 : vector<16xi32>
      %mul3A_913 = arith.constant 64 : i32
      %mul3A_914 = vector.broadcast %mul3A_913 : i32 to vector<16xi32>
      %mul3A_915 = arith.muli %add3A_912, %mul3A_914 : vector<16xi32>
      %add3A_916 = arith.constant 63 : i32
      %add3A_917 = vector.broadcast %add3A_916 : i32 to vector<16xi32>
      %add3A_918 = arith.addi %mul3A_915, %add3A_917 : vector<16xi32>
      %gather3A_919 = tpu.vector_load_idx %arg7[%add3A_918] : memref<32768xf32, #tpu.memory_space<vmem>>[vector<16xi32>], vector<16xf32>,
      %swap3A_920 = arith.constant 63 : i32
      %swap3A_921 = arith.index_cast %swap3A_920 : i32 to index
      %swap3A_922 = arith.index_cast %mul3A_30 : i32 to index
      %swap3A_923 = tpu.vector_load %arg8[%swap3A_921, %swap3A_922] {strides = array<i32>} : memref<64x512xf32, #tpu.memory_space<vmem>>, vector<16xf32>,
      tpu.vector_store %arg8[%swap3A_921, %swap3A_922], %gather3A_919 {strides = array<i32>} : memref<64x512xf32, #tpu.memory_space<vmem>>, vector<16xf32>,
    }
    %scan3A_27 = arith.constant 32 : i32
    "tpu.region"() ({
      %run_scoped3A = tpu.sem_alloc : memref<!tpu.dma_semaphore, #tpu.memory_space<semaphore_mem>>
      %dma_start3A_28 = arith.constant 0 : i32
      %dma_start3A_29 = tpu.memref_slice %arg5[%dma_start3A_28, %mul3A_2] : memref<64x16384xf32, #tpu.memory_space<hbm>> -> memref<64x512xf32, #tpu.memory_space<hbm>>
      %dma_start3A_30 = arith.constant 0 : i32
      %dma_start3A_31 = tpu.memref_slice %arg5[%dma_start3A_30, %mul3A_2] : memref<64x16384xf32, #tpu.memory_space<hbm>> -> memref<64x512xf32, #tpu.memory_space<hbm>>
      tpu.enqueue_dma source(%arg8 : memref<64x512xf32, #tpu.memory_space<vmem>>) target(%dma_start3A_31 : memref<64x512xf32, #tpu.memory_space<hbm>>) target_semaphore(%run_scoped3A : memref<!tpu.dma_semaphore, #tpu.memory_space<semaphore_mem>>)
      %dma_wait3A_32 = arith.constant 0 : i32
      %dma_wait3A_33 = tpu.memref_slice %arg5[%dma_wait3A_32, %mul3A_2] : memref<64x16384xf32, #tpu.memory_space<hbm>> -> memref<64x512xf32, #tpu.memory_space<hbm>>
      %dma_wait3A_34 = arith.constant 0 : i32
      %dma_wait3A_35 = tpu.memref_slice %arg5[%dma_wait3A_34, %mul3A_2] : memref<64x16384xf32, #tpu.memory_space<hbm>> -> memref<64x512xf32, #tpu.memory_space<hbm>>
      tpu.wait_dma2 semaphore(%run_scoped3A : memref<!tpu.dma_semaphore, #tpu.memory_space<semaphore_mem>>) src(%arg8 : memref<64x512xf32, #tpu.memory_space<vmem>>) dst(%dma_wait3A_35 : memref<64x512xf32, #tpu.memory_space<hbm>>)
      tpu.yield
    }) : () -> ()
    return
  }
}

</mosaic_0001>

<sc_bundles>
// kernel: kernel.4.cloned.1.call-start
scs
__scs_entry_jumppad:
0x0: {  	(pc) =	sbr.rel $0x88, $3  }
0x1: {  	(tag) =	ssettag $0x0;
	lr =	simm.s32 $0x1  }
0x2: {  	[smem:$0x3F9E] =	sst lr;
	_ =	strace $0xD0000000  }
0x3: {  	_ = 	snop  }
0x4: {  	_ = 	snop  }
0x5: {  	_ = 	snop  }
0x6: {  	_ = 	snop  }
0x7: {  	_ = 	snop  }
__scs_overlays_trampoline_lowered:
0x8: {  	[smem:$0x3FAD] =	sst s0  }
0x9: {  	[smem:$0x3FAE] =	sst s1  }
0xa: {  	[smem:$0x3FAF] =	sst s2  }
0xb: {  	[smem:$0x3FB0] =	sst s3  }
0xc: {  	[smem:$0x3FB1] =	sst s4  }
0xd: {  	[smem:$0x3FB2] =	sst s5  }
0xe: {  	[smem:$0x3FB3] =	sst s6  }
0xf: {  	[smem:$0x3FB4] =	sst s7  }
0x10: {  	[smem:$0x3FB5] =	sst s8  }
0x11: {  	[smem:$0x3FB6] =	sst s9;
	s0 =	simm.s32 @!p0 $0x0  }
0x12: {  	s1 =	sld [smem:$0x3F9C];
	s0 =	simm.s32 @p0 $0x1  }
0x13: {  	[smem:$0x3FB7] =	sst s0;
	s0 =	simm.s32 @!p1 $0x0  }
0x14: {  	s2 =	sld [smem:$0x3F9B];
	s0 =	simm.s32 @p1 $0x1  }
0x15: {  	[smem:$0x3FB8] =	sst s0;
	s0 =	simm.s32 @!p2 $0x0  }
0x16: {  	s3 =	sld [smem:$0x3FDB];
	s0 =	simm.s32 @p2 $0x1  }
0x17: {  	s4 =	simm.s32 $0x1BF5;
	[smem:$0x3FBA] =	sst s0  }
0x18: {  	s0 =	sld [smem:$0x3F9D];
	_ =	swait.ge [sflag:s4], $0x0  }
0x19: {  	s7 =	sld [smem:$0x3F9E]  }
0x1a: {  	s8 =	sadd.s32 $0xFFFFE003, lr  }
0x1b: {  	s9 =	sadd.s32 $0xFFFFFEF7, lr;
	s5 =	simm.s32 $0xFFFFFFFF;
	p2 =	slt.u32 s8, $0xFFFFF086  }
0x1c: {  	p1 =	slt.u32 s9, $0xF7A;
	s5 =	simm.s32 @!p2 $0x0  }
0x1d: {  	s5 =	simm.s32 @p1 $0x1;
	p0 =	seq.s32 s7, s2  }
0x1e: {  	s7 =	smul.u32 @!p0 $0xF7A, s2;
	p2 =	seq.s32 @!p0 s5, $0x0  }
0x1f: {  	s9 =	smul.u32 $0xF7A, s1;
	s8 =	simm.s32 @!p0 $0x1BF5;
	p2 =	por !p2, p0  }
0x20: {  	[sflag:s8] =	ssyncset.s32 @!p0 $0xFFFFF086;
	s6 =	sadd.s32 @!p0 s3, s7;
	s7 =	simm.s32 @!p0 $0x108  }
0x21: {  	s3 =	sadd.s32 s3, s9;
	s6 =	sadd.s32 @!p0 $0x88, s6;
	s7 =	simm.s32 @p2 $0x1082  }
0x22: {  	[simem:s7], [sflag:s8] =	dma.local @!p0 [hbm:s6], $0xF7A  }
0x23: {  	s9 =	sor.u32 $0xD0000000, s2;
	s6 =	simm.s32 $0x108;
	_ =	swait.ge @!p0 [sflag:s8], $0x0  }
0x24: {  	s3 =	sadd.s32 $0x88, s3;
	s6 =	simm.s32 @!p1 $0x1082;
	[sflag:s4] =	ssyncset.s32 $0xFFFFF086  }
0x25: {  	[simem:s6], [sflag:s4] =	dma.local [hbm:s3], $0xF7A  }
0x26: {  	[smem:$0x3F9E] =	sst s1;
	(tag) =	ssettag s2;
	_ =	strace s9  }
0x27: {  	s1 =	sld [smem:$0x3FAE]  }
0x28: {  	s2 =	sld [smem:$0x3FAF]  }
0x29: {  	s4 =	sld [smem:$0x3FB1]  }
0x2a: {  	p0 =	seq.s32 s5, $0x0;
	s5 =	sld [smem:$0x3FB2]  }
0x2b: {  	s6 =	sld [smem:$0x3FB3]  }
0x2c: {  	s7 =	sld [smem:$0x3FB4]  }
0x2d: {  	s3 =	simm.s32 $0x108;
	s8 =	sld [smem:$0x3FB5]  }
0x2e: {  	s3 =	simm.s32 @!p0 $0x1082;
	s9 =	sld [smem:$0x3FB6]  }
0x2f: {  	lr =	sadd.s32 s0, s3;
	s0 =	sld [smem:$0x3FAD]  }
0x30: {  	s3 =	sld [smem:$0x3FB0]  }
0x31: {  	[smem:$0x3FB9] =	sst s10  }
0x32: {  	s10 =	sld [smem:$0x3FB7];
	_ =	sdelay $0x3  }
0x33: {  	p0 =	seq.s32 s10, $0x1;
	s10 =	sld [smem:$0x3FB9];
	_ =	sdelay $0x3  }
0x34: {  	[smem:$0x3FB9] =	sst s10  }
0x35: {  	s10 =	sld [smem:$0x3FB8];
	_ =	sdelay $0x3  }
0x36: {  	p1 =	seq.s32 s10, $0x1;
	s10 =	sld [smem:$0x3FB9];
	_ =	sdelay $0x3  }
0x37: {  	[smem:$0x3FB9] =	sst s10  }
0x38: {  	s10 =	sld [smem:$0x3FBA]  }
0x39: {  	_ = 	snop;
	(pc) =	sbr.ind lr, $3  }
0x3a: {  	_ = 	snop  }
0x3b: {  	_ = 	snop  }
0x3c: {  	p2 =	seq.s32 s10, $0x1;
	s10 =	sld [smem:$0x3FB9]  }
0x3d: {  	_ =	shalt  }
0x3e: {  	_ =	shalt  }
0x3f: {  	_ =	shalt  }
0x40: {  	_ =	shalt  }
0x41: {  	_ =	shalt  }
0x42: {  	_ =	shalt  }
0x43: {  	_ =	shalt  }
0x44: {  	_ =	shalt  }
0x45: {  	_ =	shalt  }
0x46: {  	_ =	shalt  }
0x47: {  	_ =	shalt  }
0x48: {  	_ =	shalt  }
0x49: {  	_ =	shalt  }
0x4a: {  	_ =	shalt  }
0x4b: {  	_ =	shalt  }
0x4c: {  	_ =	shalt  }
0x4d: {  	_ =	shalt  }
0x4e: {  	_ =	shalt  }
0x4f: {  	_ =	shalt  }
0x50: {  	_ =	shalt  }
0x51: {  	_ =	shalt  }
0x52: {  	_ =	shalt  }
0x53: {  	_ =	shalt  }
0x54: {  	_ =	shalt  }
0x55: {  	_ =	shalt  }
0x56: {  	_ =	shalt  }
0x57: {  	_ =	shalt  }
0x58: {  	_ =	shalt  }
0x59: {  	_ =	shalt  }
0x5a: {  	_ =	shalt  }
0x5b: {  	_ =	shalt  }
0x5c: {  	_ =	shalt  }
0x5d: {  	_ =	shalt  }
0x5e: {  	_ =	shalt  }
0x5f: {  	_ =	shalt  }
0x60: {  	_ =	shalt  }
0x61: {  	_ =	shalt  }
0x62: {  	_ =	shalt  }
0x63: {  	_ =	shalt  }
0x64: {  	_ =	shalt  }
0x65: {  	_ =	shalt  }
0x66: {  	_ =	shalt  }
0x67: {  	_ =	shalt  }
0x68: {  	_ =	shalt  }
0x69: {  	_ =	shalt  }
0x6a: {  	_ =	shalt  }
0x6b: {  	_ =	shalt  }
0x6c: {  	_ =	shalt  }
0x6d: {  	_ =	shalt  }
0x6e: {  	_ =	shalt  }
0x6f: {  	_ =	shalt  }
0x70: {  	_ =	shalt  }
0x71: {  	_ =	shalt  }
0x72: {  	_ =	shalt  }
0x73: {  	_ =	shalt  }
0x74: {  	_ =	shalt  }
0x75: {  	_ =	shalt  }
0x76: {  	_ =	shalt  }
0x77: {  	_ =	shalt  }
0x78: {  	_ =	shalt  }
0x79: {  	_ =	shalt  }
0x7a: {  	_ =	shalt  }
0x7b: {  	_ =	shalt  }
0x7c: {  	_ =	shalt  }
0x7d: {  	_ =	shalt  }
0x7e: {  	_ =	shalt  }
0x7f: {  	_ =	shalt  }
0x80: {  	_ =	shalt  }
0x81: {  	_ =	shalt  }
0x82: {  	_ =	shalt  }
0x83: {  	_ =	shalt  }
0x84: {  	_ =	shalt  }
0x85: {  	_ =	shalt  }
0x86: {  	_ =	shalt  }
0x87: {  	_ =	shalt  }
.Lfunc_end0:
.L_simem_size_0:
called_computation_lowered:
.L_overlay_start_0:
0x88: {  	s2 =	sld [smem:$0x3FD9]  }
0x89: {  	s3 =	sld [smem:$0x3FFE];
	_ =	sdelay $0x1  }
0x8a: {  	s1 =	srdreg.scid  }
0x8b: {  	s0 =	sand.u32 $0x1, s1  }
0x8c: {  	s14 =	sshll.u32 s0, $0xA;
	s2 =	sadd.s32 s3, s2  }
0x8d: {  	s2 =	sadd.s32 s2, s14  }
0x8e: {  	[smem:$0x3FC5] =	sst s2  }
0x8f: {  	_ = 	snop  }
0x90: {  	s2 =	sld [smem:$0x3FD0];
	_ =	sdelay $0x1  }
0x91: {  	s15 =	sld [smem:$0x3FC8]  }
0x92: {  	s5 =	simm.s32 $0xA;
	s6 =	simm.s32 $0x10;
	s4 =	sld [smem:$0x3FC7]  }
0x93: {  	[smem:s6], [sflag:s5] =	dma.local [hbm:s2], $0x1  }
0x94: {  	_ =	swait.eq [sflag:s5], $0x1  }
0x95: {  	[sflag:s5] =	ssyncset.done $0x0  }
0x96: {  	s16 =	sld [smem:$0x10];
	[sflag:s5] =	ssyncadd.s32 $0xFFFFFFFF  }
0x97: {  	s17 =	sld [smem:$0x11];
	(tm) =	ssettm $0x1  }
0x98: {  	s18 =	sld [smem:$0x3FFB];
	_ =	sdelay $0x3  }
0x99: {  	_ =	strace s18  }
0x9a: {  	s6 =	sld [smem:$0x3FFC];
	_ =	sdelay $0x3  }
0x9b: {  	_ =	strace s6  }
0x9c: {  	s6 =	sld [smem:$0x3FFD];
	_ =	sdelay $0x3  }
0x9d: {  	_ =	strace s6  }
0x9e: {  	_ =	strace $0x8FFFFFFF  }
0x9f: {  	s19 =	sld [smem:$0x3FDB];
	_ =	sdelay $0x1  }
0xa0: {  	s7 =	simm.s32 $_scs_section_size  }
0xa1: {  	s8 =	simm.s32 $_size__tile_overlayer_lowered;
	s9 =	simm.s32 $_tile_overlayer_lowered  }
0xa2: {  	s22 =	simm.s32 $0x1BFF;
	s21 =	sshll.u32 s9, $0x1;
	s6 =	sadd.s32 s7, s19  }
0xa3: {  	s10 =	simm.s32 $0x0;
	s20 =	sshll.u32 s8, $0x1;
	s8 =	sadd.s32 s21, s6  }
0xa4: {  	[timem:s10], [sflag:s22] =	dma.local [hbm:s8], s20  }
0xa5: {  	_ =	swait.ge [sflag:s22], s20  }
0xa6: {  	s7 =	ssub.s32 $0x0, s20;
	[sflag:s22] =	ssyncset.done $0x0  }
0xa7: {  	[sflag:s22] =	ssyncadd.s32 s7;
	_ =	sdelay $0x1  }
0xa8: {  	s23 =	simm.s32 $0x1B8B  }
0xa9: {  	_ =	swait.ge [sflag:s23], $0x1  }
0xaa: {  	[sflag:s23] =	ssyncset.done $0x0  }
0xab: {  	s25 =	simm.s32 $0x1B8E;
	s24 =	sld [smem:$0x3FFE];
	[sflag:s23] =	ssyncadd.s32 $0xFFFFFFFF  }
0xac: {  	s26 =	simm.s32 $execute0_lowered;
	[smem:$0x3FD2] =	sst s25  }
0xad: {  	s8 =	sshll.u32 s26, $0x1;
	_ =	strace $0x80000046;
	[dreg:$0x1] =	wrdreg $0xFFFFFFFF  }
0xae: {  	s28 =	simm.s32 $_size_execute0_lowered;
	s6 =	sadd.s32 s6, s8;
	[dreg:$0x0] =	wrdreg $0x0  }
0xaf: {  	s8 =	sshll.u32 s28, $0x1;
	[dreg:$0x2] =	wrdreg s6  }
0xb0: {  	[dreg:$0x3] =	wrdreg s8  }
0xb1: {  	[dreg:$0x4] =	wrdreg $0xC0  }
0xb2: {  	_ =	task [dreg:s10], $0x5FFFF  }
0xb3: {  	[dreg:$0x1] =	wrdreg $0xFFFFFFFF  }
0xb4: {  	[dreg:$0x0] =	wrdreg $0x60  }
0xb5: {  	[dreg:$0x2] =	wrdreg s17  }
0xb6: {  	[dreg:$0x3] =	wrdreg s16  }
0xb7: {  	[dreg:$0x4] =	wrdreg s15  }
0xb8: {  	[dreg:$0x5] =	wrdreg s4  }
0xb9: {  	[dreg:$0x6] =	wrdreg s24  }
0xba: {  	[dreg:$0x7] =	wrdreg $0x9  }
0xbb: {  	_ =	task.clear_ibuf [dreg:s10], $0x8FFFF;
	_ =	strace $0x90000046  }
0xbc: {  	s29 =	simm.s32 $0x9;
	_ =	strace $0x80000048  }
0xbd: {  	_ =	swait.ge [sflag:s29], $0x1  }
0xbe: {  	[sflag:s29] =	ssyncadd.s32 $0xFFFFFFFF  }
0xbf: {  	_ =	strace $0x90000048  }
0xc0: {  	_ =	sfence  }
0xc1: {  	s30 =	sld [smem:$0x0];
	_ =	sdelay $0x2  }
0xc2: {  	s31 =	sshll.u32 s1, $0xD;
	s1 =	sshrl.u32 s1, $0x2  }
0xc3: {  	s3 =	sand.u32 $0x4000, s31;
	s1 =	sadd.s32 s1, s30  }
0xc4: {  	s0 =	sor.u32 s3, s0;
	s1 =	sshll.u32 s1, $0x11  }
0xc5: {  	s0 =	sor.u32 s1, s0  }
0xc6: {  	s0 =	sadd.s32 $0x8F2B, s0  }
0xc7: {  	[sflag:s0] =	ssyncadd.remote.s32 $0x1  }
0xc8: {  	_ =	sfence.sel $0xFFFF  }
0xc9: {  	[dreg:$0x0] =	wrdreg $0xFFFFFFFF;
	(pc) =	sbr.abs _section_cstart, $3  }
0xca: {  	[dreg:$0x1] =	wrdreg $0xFFFFFFFF  }
0xcb: {  	_ =	task.clear_ibuf [dreg:s10], $0x2FFFF;
	_ =	strace $0x9FFFFFFF  }
0xcc: {  	(tm) =	ssettm $0x7FFFFFFF  }
0xcd: {  	_ =	shalt  }
tec
execute0_lowered:
.L_overlay_start_1:
0x0: {  	(tag) =	ssettag $0x1  }
0x1: {  	s7 =	rddreg [dreg:$0x0]  }
0x2: {  	s8 =	rddreg [dreg:$0x1]  }
0x3: {  	s1 =	rddreg [dreg:$0x2]  }
0x4: {  	s2 =	rddreg [dreg:$0x3]  }
0x5: {  	s6 =	rddreg [dreg:$0x4]  }
0x6: {  	s3 =	simm.s32 $0x0;
	s4 =	srdreg.scid;
	s13 =	simm.s32 $0x4  }
0x7: {  	s14 =	simm.s32 $0x7A1400;
	s15 =	simm.s32 $0x900;
	s16 =	simm.s32 $0x4900  }
0x8: {  	s17 =	simm.s32 $0x3;
	s18 =	simm.s32 $0x0;
	[smem:$0x7FF] =	sst s3  }
0x9: {  	v0 =	vlaneseq.u32;
	s9 =	sand.u32 $0x1, s4;
	s5 =	sadd.s32 $0x200, s6;
	s4 =	stileid.u32  }
.Ltmp0:
0xa: {  	s6 =	sadd.s32 $0x20200, s6;
	v0 =	vmul.u32 $0x80, v0;
	_ =	strace $0x80000047;
	(pc) =	sbr.rel .LBB2_1-.Ltmp0, $4  }
0xb: {  	s10 =	ssub.s32 $0x2, s9;
	s12 =	sshll.u32 s4, $0x7;
	s9 =	sshll.u32 s9, $0x6  }
0xc: {  	v1 =	vimm.s32 $0xFFFFFFFF;
	v2 =	vimm.s32 $0x200;
	s11 =	sshrl.u32 s10, $0x1;
	s9 =	sor.u32 s9, s12;
	s12 =	simm.s32 $0x680;
	v3 =	vor.u32 $0x800, v0  }
0xd: {  	v4 =	vor.u32 $0x1000, v0;
	v5 =	vor.u32 $0x1800, v0;
	v6 =	vor.u32 $0x2000, v0;
	s10 =	ssub.s32 s10, s11;
	s7 =	sadd.s32 s7, s9;
	s8 =	sadd.s32 s8, s9  }
0xe: {  	v7 =	vor.u32 $0x2800, v0;
	v8 =	vor.u32 $0x3000, v0;
	v9 =	vor.u32 $0x3800, v0;
	s11 =	simm.s32 $0x400;
	s9 =	smax.u32 s10, $0x1;
	s10 =	simm.s32 $0x200  }
.LBB2_21:
0xf: {  	s18 =	sadd.s32 $0x1, s18  }
0x10: {  	_ =	swait.ge [sflag:s17], $0x800;
	p0 =	sne.s32 s18, s9  }
.Ltmp1:
0x11: {  	[sflag:s17] =	ssyncset.done $0x0;
	(pc) =	sbr.rel @!p0 .LBB2_22-.Ltmp1, $4  }
0x12: {  	[sflag:s17] =	ssyncadd.s32 $0xFFFFF800  }
0x13: {  	_ =	swait.ge [sflag:s17], $0x800  }
0x14: {  	[sflag:s17] =	ssyncset.done $0x0  }
0x15: {  	[sflag:s17] =	ssyncadd.s32 $0xFFFFF800  }
.LBB2_1:
0x16: {  	[tilespmem:s3], [sflag:$0x4] =	stream.linear.gather [hbm4b:s7+s3], $0x200, $0x38;
	[tilespmem:$0x9900] =	vst v63  }
0x17: {  	_ =	swait.ge [sflag:s13], $0x200  }
0x18: {  	[sflag:s13] =	ssyncset.done $0x0  }
0x19: {  	[sflag:s13] =	ssyncadd.s32 $0xFFFFFE00  }
0x1a: {  	[tilespmem:s10], [sflag:$0x4] =	stream.linear.gather [hbm4b:s8+s3], $0x200, $0x38;
	[tilespmem:$0x9900] =	vst v63  }
0x1b: {  	_ =	swait.ge [sflag:s13], $0x200  }
0x1c: {  	[sflag:s13] =	ssyncset.done $0x0  }
0x1d: {  	[sflag:s13] =	ssyncadd.s32 $0xFFFFFE00  }
0x1e: {  	s21 =	simm.s32 $0x0;
	[tilespmem:$0x400] =	vst v1  }
0x1f: {  	s19 =	simm.s32 $0x40;
	v11 =	vld [tilespmem:s21+$0x0]  }
.LBB2_2:
0x20: {  	p0 =	sne.s32 s19, $0x7C0  }
.Ltmp2:
0x21: {  	_ = 	snop;
	(pc) =	sbr.rel @p0 .LBB2_2-.Ltmp2, $3  }
0x22: {  	_ =	sdelay $0x1  }
0x23: {  	s20 =	sshra.s32 s19, $0x2;
	s19 =	sadd.s32 $0x40, s19;
	v10 =	vshrl.u32 v11, $0x7  }
0x24: {  	v11 =	vld [tilespmem:s20+$0x0];
	[tilespmem:s21+$0x401] =	vst v10;
	s21 =	smov.u32 s20  }
0x25: {  	s20 =	simm.s32 $0x0  }
0x26: {  	s19 =	simm.s32 $0x1;
	v10 =	vmov s20  }
0x27: {  	v12 =	vmov s19;
	_ =	sdelay $0x1  }
0x28: {  	v11 =	vshrl.u32 v11, $0x7  }
0x29: {  	[tilespmem:s21+$0x401] =	vst v11  }
0x2a: {  	v11 =	vld.idx.msk [tilespmem:v10+s11+$0x0], $0xffff  }
0x2b: {  	v12 =	vld.idx.msk [tilespmem:v12+s11+$0x0], $0xffff;
	_ =	sdelay $0x3  }
0x2c: {  	(v2sf) =	vpush v11, $0x0  }
0x2d: {  	(v2sf) =	vpush v12, $0x0  }
.LBB2_4:
0x2e: {  	_ =	sdelay $0xa  }
0x2f: {  	s21 =	smov.u32 s20  }
0x30: {  	v11 =	vmov s19;
	s19 =	sadd.s32 $0x1, s19  }
0x31: {  	v12 =	vmov s19;
	p0 =	sne.s32 s19, $0x200;
	s20 =	spop (v2sf)  }
0x32: {  	s22 =	spop (v2sf)  }
0x33: {  	p1 =	seq.s32 s22, s20  }
0x34: {  	[tilespmem:s21+$0x680] =	vst @!p1 v10;
	s20 =	sadd.s32 @!p1 $0x1, s21;
	v10 =	vmov v11  }
0x35: {  	v11 =	vld.idx.msk [tilespmem:v11+s11+$0x0], $0xffff;
	s20 =	smov.u32 @p1 s21  }
0x36: {  	v12 =	vld.idx.msk [tilespmem:v12+s11+$0x0], $0xffff;
	_ =	sdelay $0x1  }
.Ltmp3:
0x37: {  	(pc) =	sbr.rel @p0 .LBB2_4-.Ltmp3, $3  }
0x38: {  	_ =	sdelay $0x1  }
0x39: {  	(v2sf) =	vpush v11, $0x0  }
0x3a: {  	(v2sf) =	vpush v12, $0x0  }
0x3b: {  	_ =	sdelay $0xc  }
0x3c: {  	s19 =	spop (v2sf)  }
0x3d: {  	s21 =	spop (v2sf)  }
0x3e: {  	p0 =	seq.s32 s21, s19  }
0x3f: {  	s19 =	sadd.s32 @!p0 $0x1, s20  }
0x40: {  	[tilespmem:s20+$0x680] =	vst @!p0 v10;
	s19 =	smov.u32 @p0 s20  }
0x41: {  	[tilespmem:s19+$0x680] =	vst v2  }
0x42: {  	v10 =	vld.msk [tilespmem:s12+$0x0], $0xffff;
	_ =	sdelay $0x4  }
0x43: {  	v10 =	vbroadcast v10, $0x0;
	_ =	sdelay $0x4  }
0x44: {  	s21 =	simm.s32 $0x0  }
0x45: {  	v10 =	vld.idx.msk [tilespmem:v10+s21+$0x0], $0xffff;
	_ =	sdelay $0x4  }
0x46: {  	(v2sf) =	vpush v10, $0x0;
	_ =	sdelay $0xe  }
0x47: {  	s31 =	spop (v2sf)  }
0x48: {  	s20 =	sand.u32 $0xFFFFF80, s31  }
.Ltmp4:
0x49: {  	s22 =	sadd.s32 s1, s20;
	(pc) =	sbr.rel .LBB2_6-.Ltmp4, $4  }
0x4a: {  	[tilespmem:s15], [sflag:$0x1] =	stream.strided.gather [hbm4b:s22+s11], $0x2000, s14, s11, $0x38;
	[tilespmem:$0x9900] =	vst v63  }
0x4b: {  	s20 =	sadd.s32 s2, s20  }
0x4c: {  	[tilespmem:s16], [sflag:$0x1] =	stream.strided.gather [hbm4b:s20+s11], $0x2000, s14, s11, $0x38;
	[tilespmem:$0x9900] =	vst v63  }
0x4d: {  	s20 =	simm.s32 $0x0  }
.LBB2_14:
0x4e: {  	s22 =	smov.u32 @p0 s22  }
0x4f: {  	s21 =	smov.u32 s22  }
.LBB2_20:
0x50: {  	s20 =	sadd.s32 $0x1, s20  }
0x51: {  	p0 =	sne.s32 s20, $0x100  }
.Ltmp5:
0x52: {  	_ = 	snop;
	(pc) =	sbr.rel @!p0 .LBB2_21-.Ltmp5, $1  }
0x53: {  	_ =	sdelay $0x3  }
.LBB2_6:
0x54: {  	s22 =	sshllo.u32 s20, $0x1  }
0x55: {  	p0 =	sge.s32 s22, s19  }
0x56: {  	v10 =	vmov @!p0 s22;
	_ =	sdelay $0x3  }
0x57: {  	s23 =	simm.s32 @!p0 $0x680  }
0x58: {  	v11 =	vld.idx.msk @!p0 [tilespmem:v10+s23+$0x0], $0xffff;
	_ =	sdelay $0x4  }
0x59: {  	v11 =	vbroadcast @!p0 v11, $0x0;
	_ =	sdelay $0x4  }
0x5a: {  	s24 =	simm.s32 @!p0 $0x0  }
0x5b: {  	v11 =	vld.idx.msk @!p0 [tilespmem:v11+s24+$0x0], $0xffff;
	_ =	sdelay $0x4  }
0x5c: {  	(v2sf) =	vpush @!p0 v11, $0x0;
	_ =	sdelay $0xe  }
0x5d: {  	s28 =	simm.s32 @!p0 $0x400;
	s24 =	spop @!p0 (v2sf)  }
0x5e: {  	s29 =	simm.s32 @!p0 $0x7A1400;
	s25 =	sand.u32 @!p0 $0xFFFFF80, s24  }
0x5f: {  	s30 =	simm.s32 @!p0 $0x2900;
	s24 =	sshll.u32 s20, $0x1;
	s26 =	sadd.s32 @!p0 s1, s25  }
0x60: {  	[tilespmem:s30], [sflag:$0x2] =	stream.strided.gather @!p0 [hbm4b:s26+s28], $0x2000, s29, s28, $0x38;
	[tilespmem:$0x9900] =	vst v63  }
0x61: {  	s25 =	sadd.s32 @!p0 s2, s25;
	p1 =	sge.s32 s24, s19;
	s26 =	simm.s32 @!p0 $0x6900  }
0x62: {  	v11 =	vmov @!p1 s24;
	[tilespmem:s26], [sflag:$0x2] =	stream.strided.gather @!p0 [hbm4b:s25+s28], $0x2000, s29, s28, $0x38;
	[tilespmem:$0x9900] =	vst v63  }
0x63: {  	v11 =	vand.u32 @!p1 $0xFFFFFFFE, v11;
	s25 =	simm.s32 @!p1 $0x1  }
0x64: {  	v11 =	vbroadcast @!p1 v11, $0x0;
	_ =	swait.ge @!p1 [sflag:s25], $0x2000  }
0x65: {  	[sflag:s25] =	ssyncset.done @!p1 $0x0  }
0x66: {  	v12 =	vmov @!p1 s22;
	[sflag:s25] =	ssyncadd.s32 @!p1 $0xFFFFE000  }
0x67: {  	_ =	swait.ge @!p1 [sflag:s25], $0x2000  }
0x68: {  	[sflag:s25] =	ssyncset.done @!p1 $0x0  }
0x69: {  	s22 =	simm.s32 @!p1 $0x680;
	[sflag:s25] =	ssyncadd.s32 @!p1 $0xFFFFE000  }
0x6a: {  	v11 =	vld.idx.msk @!p1 [tilespmem:v11+s22+$0x0], $0xffff  }
0x6b: {  	v12 =	vld.idx.msk @!p1 [tilespmem:v12+s22+$0x0], $0xffff;
	_ =	sdelay $0x3  }
0x6c: {  	(v2sf) =	vpush @!p1 v11, $0x0  }
0x6d: {  	(v2sf) =	vpush @!p1 v12, $0x0;
	_ =	sdelay $0xd  }
0x6e: {  	s28 =	spop @!p1 (v2sf)  }
0x6f: {  	s26 =	spop @!p1 (v2sf)  }
0x70: {  	p2 =	sge.s32 @!p1 s28, s26  }
0x71: {  	p2 =	por p1, p2  }
.Ltmp6:
0x72: {  	_ = 	snop;
	(pc) =	sbr.rel @p2 .LBB2_7-.Ltmp6, $1  }
0x73: {  	_ =	sdelay $0x3  }
0x74: {  	s29 =	sadd.s32 $0x1, s28  }
0x75: {  	p2 =	sne.s32 s26, s29  }
.Ltmp7:
0x76: {  	_ = 	snop;
	(pc) =	sbr.rel @!p2 .LBB2_9-.Ltmp7, $3  }
0x77: {  	_ =	sdelay $0x1  }
0x78: {  	s22 =	sadd.s32 s21, s26  }
0x79: {  	s25 =	sshll.u32 s21, $0x6;
	v11 =	vmov s28;
	p1 =	por $0x0, $0x0;
	s22 =	ssub.s32 s22, s28  }
0x7a: {  	_ =	sdelay $0x3  }
0x7b: {  	v12 =	vld.idx.msk [tilespmem:v11+s3+$0x0], $0xffff;
	_ =	sdelay $0x4  }
0x7c: {  	(v2sf) =	vpush v12, $0x0;
	_ =	sdelay $0xe  }
0x7d: {  	s28 =	spop (v2sf)  }
0x7e: {  	s28 =	sand.u32 $0x7F, s28  }
0x7f: {  	v60 =	vor.u32 s28, v0;
	_ =	sdelay $0x4  }
0x80: {  	v13 =	vld.idx.msk [tilespmem:v60+s15+$0x0], $0xffff;
	_ =	sdelay $0x3  }
0x81: {  	s30 =	sand.u32 $0x7C0, s25  }
0x82: {  	v11 =	vld.idx.msk [tilespmem:v11+s10+$0x0], $0xffff;
	[tilespmem:s30+$0x8900] =	vst v13  }
0x83: {  	v12 =	vld.idx.msk [tilespmem:v60+s16+$0x0], $0xffff  }
0x84: {  	v61 =	vor.u32 s28, v3;
	_ =	sdelay $0x3  }
0x85: {  	[tilespmem:s30+$0x9100] =	vst v12  }
0x86: {  	v12 =	vld.idx.msk [tilespmem:v61+s15+$0x0], $0xffff;
	_ =	sdelay $0x4  }
0x87: {  	[tilespmem:s30+$0x8910] =	vst v12  }
0x88: {  	v12 =	vld.idx.msk [tilespmem:v61+s16+$0x0], $0xffff  }
0x89: {  	v62 =	vor.u32 s28, v4;
	_ =	sdelay $0x3  }
0x8a: {  	[tilespmem:s30+$0x9110] =	vst v12  }
0x8b: {  	v12 =	vld.idx.msk [tilespmem:v62+s15+$0x0], $0xffff;
	_ =	sdelay $0x4  }
0x8c: {  	[tilespmem:s30+$0x8920] =	vst v12  }
0x8d: {  	v12 =	vld.idx.msk [tilespmem:v62+s16+$0x0], $0xffff  }
0x8e: {  	v63 =	vor.u32 s28, v5  }
0x8f: {  	(v2sf) =	vpush v11, $0x0;
	_ =	sdelay $0x2  }
0x90: {  	[tilespmem:s30+$0x9120] =	vst v12  }
0x91: {  	v11 =	vld.idx.msk [tilespmem:v63+s15+$0x0], $0xffff;
	_ =	sdelay $0x4  }
0x92: {  	[tilespmem:s30+$0x8930] =	vst v11  }
0x93: {  	v11 =	vld.idx.msk [tilespmem:v63+s16+$0x0], $0xffff;
	_ =	sdelay $0x3  }
0x94: {  	p1 =	slt.s32 s21, $0x20  }
0x95: {  	s31 =	simm.s32 @!p1 $0x3;
	s28 =	spop (v2sf);
	[tilespmem:s30+$0x9130] =	vst v11  }
0x96: {  	_ =	swait.ge @!p1 [sflag:s31], $0x40  }
0x97: {  	[sflag:s31] =	ssyncset.done @!p1 $0x0  }
0x98: {  	[sflag:s31] =	ssyncadd.s32 @!p1 $0xFFFFFFC0  }
0x99: {  	s28 =	sshll.u32 s28, $0x3;
	_ =	swait.ge @!p1 [sflag:s31], $0x40  }
0x9a: {  	s0 =	sand.u32 $0x1FFFFFF8, s28;
	[sflag:s31] =	ssyncset.done @!p1 $0x0  }
0x9b: {  	s28 =	sadd.s32 $0x8900, s30;
	[sflag:s31] =	ssyncadd.s32 @!p1 $0xFFFFFFC0;
	s31 =	sadd.s32 s5, s0  }
0x9c: {  	[hbm4b:s31+s3] =	stream.linear.scatter [tilespmem:s28], [sflag:$0x3], $0x40, $0x38;
	[tilespmem:$0x9900] =	vst v63  }
0x9d: {  	s28 =	sadd.s32 $0x1, s29  }
0x9e: {  	p2 =	sne.s32 s26, s28  }
.Ltmp8:
0x9f: {  	_ = 	snop;
	(pc) =	sbr.rel @!p2 .LBB2_12-.Ltmp8, $3  }
0xa0: {  	v11 =	vmov s29;
	_ =	sdelay $0x1  }
0xa1: {  	s25 =	sadd.s32 $0x40, s25;
	s21 =	sadd.s32 $0x1, s21  }
0xa2: {  	s30 =	sadd.s32 $0x9100, s30;
	p1 =	por $0x1, $0x1;
	s29 =	sadd.s32 s6, s0  }
.LBB2_11:
0xa3: {  	[hbm4b:s29+s3] =	stream.linear.scatter [tilespmem:s30], [sflag:$0x3], $0x40, $0x38;
	[tilespmem:$0x9900] =	vst v63  }
0xa4: {  	s29 =	smov.u32 s28;
	s28 =	sadd.s32 $0x1, s28;
	v12 =	vld.idx.msk [tilespmem:v11+s3+$0x0], $0xffff  }
0xa5: {  	p2 =	sne.s32 s26, s28;
	_ =	sdelay $0x4  }
0xa6: {  	(v2sf) =	vpush v12, $0x0;
	_ =	sdelay $0xe  }
0xa7: {  	s0 =	spop (v2sf)  }
0xa8: {  	s31 =	sand.u32 $0x7F, s0  }
0xa9: {  	v12 =	vor.u32 s31, v0;
	_ =	sdelay $0x4  }
0xaa: {  	v13 =	vld.idx.msk [tilespmem:v12+s15+$0x0], $0xffff;
	_ =	sdelay $0x4  }
0xab: {  	s30 =	sand.u32 $0x7C0, s25;
	v11 =	vld.idx.msk [tilespmem:v11+s10+$0x0], $0xffff  }
0xac: {  	[tilespmem:s30+$0x8900] =	vst v13  }
0xad: {  	v12 =	vld.idx.msk [tilespmem:v12+s16+$0x0], $0xffff;
	_ =	sdelay $0x1  }
0xae: {  	v13 =	vor.u32 s31, v3;
	_ =	sdelay $0x1  }
0xaf: {  	(v2sf) =	vpush v11, $0x0;
	_ =	sdelay $0x1  }
0xb0: {  	[tilespmem:s30+$0x9100] =	vst v12  }
0xb1: {  	v11 =	vld.idx.msk [tilespmem:v13+s15+$0x0], $0xffff;
	_ =	sdelay $0x5  }
0xb2: {  	[tilespmem:s30+$0x8910] =	vst v11  }
0xb3: {  	v11 =	vld.idx.msk [tilespmem:v13+s16+$0x0], $0xffff;
	_ =	sdelay $0x1  }
0xb4: {  	v12 =	vor.u32 s31, v4;
	_ =	sdelay $0x2  }
0xb5: {  	s0 =	spop (v2sf)  }
0xb6: {  	[tilespmem:s30+$0x9110] =	vst v11;
	s0 =	sshll.u32 s0, $0x3  }
0xb7: {  	v11 =	vld.idx.msk [tilespmem:v12+s15+$0x0], $0xffff;
	s0 =	sand.u32 $0x1FFFFFF8, s0;
	_ =	sdelay $0x5  }
0xb8: {  	[tilespmem:s30+$0x8920] =	vst v11  }
0xb9: {  	v11 =	vld.idx.msk [tilespmem:v12+s16+$0x0], $0xffff;
	_ =	sdelay $0x1  }
0xba: {  	v12 =	vor.u32 s31, v5;
	_ =	sdelay $0x3  }
0xbb: {  	[tilespmem:s30+$0x9120] =	vst v11  }
0xbc: {  	v11 =	vld.idx.msk [tilespmem:v12+s15+$0x0], $0xffff;
	_ =	sdelay $0x5  }
0xbd: {  	[tilespmem:s30+$0x8930] =	vst v11  }
0xbe: {  	v11 =	vld.idx.msk [tilespmem:v12+s16+$0x0], $0xffff;
	_ =	sdelay $0x4  }
0xbf: {  	p3 =	slt.s32 s21, $0x20  }
0xc0: {  	s31 =	simm.s32 @!p3 $0x3;
	[tilespmem:s30+$0x9130] =	vst v11  }
0xc1: {  	_ =	swait.ge @!p3 [sflag:s31], $0x40  }
0xc2: {  	[sflag:s31] =	ssyncset.done @!p3 $0x0  }
0xc3: {  	[sflag:s31] =	ssyncadd.s32 @!p3 $0xFFFFFFC0  }
.Ltmp9:
0xc4: {  	_ =	swait.ge @!p3 [sflag:s31], $0x40;
	(pc) =	sbr.rel @p2 .LBB2_11-.Ltmp9, $4  }
0xc5: {  	s25 =	sadd.s32 $0x40, s25;
	v11 =	vmov s29;
	[sflag:s31] =	ssyncset.done @!p3 $0x0  }
0xc6: {  	s29 =	sadd.s32 $0x8900, s30;
	[sflag:s31] =	ssyncadd.s32 @!p3 $0xFFFFFFC0;
	s31 =	sadd.s32 s5, s0  }
0xc7: {  	[hbm4b:s31+s3] =	stream.linear.scatter [tilespmem:s29], [sflag:$0x3], $0x40, $0x38;
	[tilespmem:$0x9900] =	vst v63  }
0xc8: {  	s21 =	sadd.s32 $0x1, s21;
	s30 =	sadd.s32 $0x9100, s30;
	s29 =	sadd.s32 s6, s0  }
.LBB2_12:
0xc9: {  	_ =	sdelay $0x2  }
0xca: {  	[hbm4b:s29+s3] =	stream.linear.scatter @p1 [tilespmem:s30], [sflag:$0x3], $0x40, $0x38;
	[tilespmem:$0x9900] =	vst v63  }
0xcb: {  	v12 =	vld.idx.msk [tilespmem:v11+s3+$0x0], $0xffff;
	_ =	sdelay $0x4  }
0xcc: {  	(v2sf) =	vpush v12, $0x0;
	_ =	sdelay $0xe  }
0xcd: {  	s0 =	spop (v2sf)  }
0xce: {  	s0 =	sand.u32 $0x7F, s0  }
0xcf: {  	v60 =	vor.u32 s0, v0;
	_ =	sdelay $0x4  }
0xd0: {  	v13 =	vld.idx.msk [tilespmem:v60+s15+$0x0], $0xffff;
	_ =	sdelay $0x3  }
0xd1: {  	s25 =	sand.u32 $0x7C0, s25  }
0xd2: {  	v11 =	vld.idx.msk [tilespmem:v11+s10+$0x0], $0xffff;
	[tilespmem:s25+$0x8900] =	vst v13  }
0xd3: {  	v12 =	vld.idx.msk [tilespmem:v60+s16+$0x0], $0xffff  }
0xd4: {  	v61 =	vor.u32 s0, v3;
	_ =	sdelay $0x3  }
0xd5: {  	[tilespmem:s25+$0x9100] =	vst v12  }
0xd6: {  	v12 =	vld.idx.msk [tilespmem:v61+s15+$0x0], $0xffff;
	_ =	sdelay $0x4  }
0xd7: {  	[tilespmem:s25+$0x8910] =	vst v12  }
0xd8: {  	v12 =	vld.idx.msk [tilespmem:v61+s16+$0x0], $0xffff  }
0xd9: {  	v62 =	vor.u32 s0, v4;
	_ =	sdelay $0x3  }
0xda: {  	[tilespmem:s25+$0x9110] =	vst v12  }
0xdb: {  	v12 =	vld.idx.msk [tilespmem:v62+s15+$0x0], $0xffff;
	_ =	sdelay $0x4  }
0xdc: {  	[tilespmem:s25+$0x8920] =	vst v12  }
0xdd: {  	v12 =	vld.idx.msk [tilespmem:v62+s16+$0x0], $0xffff  }
0xde: {  	v63 =	vor.u32 s0, v5  }
0xdf: {  	(v2sf) =	vpush v11, $0x0;
	_ =	sdelay $0x2  }
0xe0: {  	[tilespmem:s25+$0x9120] =	vst v12  }
0xe1: {  	v11 =	vld.idx.msk [tilespmem:v63+s15+$0x0], $0xffff;
	_ =	sdelay $0x4  }
0xe2: {  	[tilespmem:s25+$0x8930] =	vst v11  }
0xe3: {  	v11 =	vld.idx.msk [tilespmem:v63+s16+$0x0], $0xffff;
	_ =	sdelay $0x3  }
0xe4: {  	p1 =	slt.s32 s21, $0x20  }
0xe5: {  	s21 =	simm.s32 @!p1 $0x3;
	s29 =	spop (v2sf);
	[tilespmem:s25+$0x9130] =	vst v11  }
0xe6: {  	_ =	swait.ge @!p1 [sflag:s21], $0x40  }
0xe7: {  	[sflag:s21] =	ssyncset.done @!p1 $0x0  }
0xe8: {  	[sflag:s21] =	ssyncadd.s32 @!p1 $0xFFFFFFC0  }
0xe9: {  	s0 =	sshll.u32 s29, $0x3;
	_ =	swait.ge @!p1 [sflag:s21], $0x40  }
.Ltmp10:
0xea: {  	s0 =	sand.u32 $0x1FFFFFF8, s0;
	[sflag:s21] =	ssyncset.done @!p1 $0x0;
	(pc) =	sbr.rel .LBB2_13-.Ltmp10, $4  }
0xeb: {  	s26 =	sadd.s32 $0x8900, s25;
	s30 =	sadd.s32 s5, s0;
	[sflag:s21] =	ssyncadd.s32 @!p1 $0xFFFFFFC0  }
0xec: {  	[hbm4b:s30+s3] =	stream.linear.scatter [tilespmem:s26], [sflag:$0x3], $0x40, $0x38;
	[tilespmem:$0x9900] =	vst v63  }
0xed: {  	s31 =	sadd.s32 $0x9100, s25;
	s0 =	sadd.s32 s6, s0  }
0xee: {  	[hbm4b:s0+s3] =	stream.linear.scatter [tilespmem:s31], [sflag:$0x3], $0x40, $0x38;
	[tilespmem:$0x9900] =	vst v63  }
.LBB2_7:
0xef: {  	s21 =	smov.u32 @p1 s21  }
0xf0: {  	s22 =	smov.u32 s21  }
.LBB2_13:
0xf1: {  	s0 =	sadd.s32 $0x2, s24  }
0xf2: {  	p1 =	sge.s32 s0, s19  }
0xf3: {  	v11 =	vmov @!p1 s0  }
0xf4: {  	v11 =	vand.u32 @!p1 $0xFFFFFFFE, v11  }
0xf5: {  	v11 =	vbroadcast @!p1 v11, $0x0;
	_ =	sdelay $0x4  }
0xf6: {  	s21 =	simm.s32 @!p1 $0x680  }
0xf7: {  	v11 =	vld.idx.msk @!p1 [tilespmem:v11+s21+$0x0], $0xffff;
	_ =	sdelay $0x4  }
0xf8: {  	v11 =	vbroadcast @!p1 v11, $0x0;
	_ =	sdelay $0x4  }
0xf9: {  	s21 =	simm.s32 @!p1 $0x0  }
0xfa: {  	v11 =	vld.idx.msk @!p1 [tilespmem:v11+s21+$0x0], $0xffff;
	_ =	sdelay $0x4  }
0xfb: {  	(v2sf) =	vpush @!p1 v11, $0x0;
	_ =	sdelay $0xe  }
0xfc: {  	s21 =	spop @!p1 (v2sf)  }
0xfd: {  	s25 =	simm.s32 @!p1 $0x400;
	s21 =	sand.u32 @!p1 $0xFFFFF80, s21  }
0xfe: {  	s26 =	simm.s32 @!p1 $0x7A1400;
	s28 =	simm.s32 @!p1 $0x900;
	s24 =	sadd.s32 @!p1 s1, s21  }
0xff: {  	[tilespmem:s28], [sflag:$0x1] =	stream.strided.gather @!p1 [hbm4b:s24+s25], $0x2000, s26, s25, $0x38;
	[tilespmem:$0x9900] =	vst v63  }
0x100: {  	s21 =	sadd.s32 @!p1 s2, s21;
	s24 =	simm.s32 @!p1 $0x4900  }
0x101: {  	[tilespmem:s24], [sflag:$0x1] =	stream.strided.gather @!p1 [hbm4b:s21+s25], $0x2000, s26, s25, $0x38;
	[tilespmem:$0x9900] =	vst v63  }
0x102: {  	v11 =	vmov @!p0 s0;
	s21 =	simm.s32 @!p0 $0x2  }
0x103: {  	v11 =	vand.u32 @!p0 $0xFFFFFFFE, v11;
	_ =	swait.ge @!p0 [sflag:s21], $0x2000  }
0x104: {  	v11 =	vbroadcast @!p0 v11, $0x0;
	[sflag:s21] =	ssyncset.done @!p0 $0x0  }
0x105: {  	[sflag:s21] =	ssyncadd.s32 @!p0 $0xFFFFE000  }
0x106: {  	_ =	swait.ge @!p0 [sflag:s21], $0x2000  }
0x107: {  	[sflag:s21] =	ssyncset.done @!p0 $0x0  }
0x108: {  	[sflag:s21] =	ssyncadd.s32 @!p0 $0xFFFFE000  }
0x109: {  	v10 =	vld.idx.msk @!p0 [tilespmem:v10+s23+$0x0], $0xffff  }
0x10a: {  	v11 =	vld.idx.msk @!p0 [tilespmem:v11+s23+$0x0], $0xffff;
	_ =	sdelay $0x3  }
0x10b: {  	(v2sf) =	vpush @!p0 v10, $0x0  }
0x10c: {  	(v2sf) =	vpush @!p0 v11, $0x0;
	_ =	sdelay $0xd  }
0x10d: {  	s25 =	spop @!p0 (v2sf)  }
0x10e: {  	s24 =	spop @!p0 (v2sf)  }
0x10f: {  	p1 =	sge.s32 @!p0 s25, s24  }
0x110: {  	p1 =	por p0, p1  }
.Ltmp11:
0x111: {  	_ = 	snop;
	(pc) =	sbr.rel @p1 .LBB2_14-.Ltmp11, $1  }
0x112: {  	_ =	sdelay $0x3  }
0x113: {  	s26 =	sadd.s32 $0x1, s25  }
0x114: {  	p1 =	sne.s32 s24, s26  }
.Ltmp12:
0x115: {  	_ = 	snop;
	(pc) =	sbr.rel @!p1 .LBB2_16-.Ltmp12, $3  }
0x116: {  	_ =	sdelay $0x1  }
0x117: {  	s0 =	sadd.s32 s22, s24  }
0x118: {  	s23 =	sshll.u32 s22, $0x6;
	v10 =	vmov s25;
	p0 =	por $0x0, $0x0;
	s21 =	ssub.s32 s0, s25  }
0x119: {  	_ =	sdelay $0x3  }
0x11a: {  	v11 =	vld.idx.msk [tilespmem:v10+s3+$0x0], $0xffff;
	_ =	sdelay $0x4  }
0x11b: {  	(v2sf) =	vpush v11, $0x0;
	_ =	sdelay $0xe  }
0x11c: {  	s0 =	spop (v2sf)  }
0x11d: {  	s0 =	sand.u32 $0x7F, s0  }
0x11e: {  	v11 =	vor.u32 s0, v6;
	_ =	sdelay $0x4  }
0x11f: {  	v12 =	vld.idx.msk [tilespmem:v11+s15+$0x0], $0xffff;
	_ =	sdelay $0x3  }
0x120: {  	s28 =	sand.u32 $0x7C0, s23  }
0x121: {  	v10 =	vld.idx.msk [tilespmem:v10+s10+$0x0], $0xffff;
	[tilespmem:s28+$0x8900] =	vst v12  }
0x122: {  	v11 =	vld.idx.msk [tilespmem:v11+s16+$0x0], $0xffff  }
0x123: {  	v61 =	vor.u32 s0, v7;
	_ =	sdelay $0x3  }
0x124: {  	[tilespmem:s28+$0x9100] =	vst v11  }
0x125: {  	v11 =	vld.idx.msk [tilespmem:v61+s15+$0x0], $0xffff;
	_ =	sdelay $0x4  }
0x126: {  	[tilespmem:s28+$0x8910] =	vst v11  }
0x127: {  	v11 =	vld.idx.msk [tilespmem:v61+s16+$0x0], $0xffff  }
0x128: {  	v62 =	vor.u32 s0, v8;
	_ =	sdelay $0x3  }
0x129: {  	[tilespmem:s28+$0x9110] =	vst v11  }
0x12a: {  	v11 =	vld.idx.msk [tilespmem:v62+s15+$0x0], $0xffff;
	_ =	sdelay $0x4  }
0x12b: {  	[tilespmem:s28+$0x8920] =	vst v11  }
0x12c: {  	v11 =	vld.idx.msk [tilespmem:v62+s16+$0x0], $0xffff  }
0x12d: {  	v63 =	vor.u32 s0, v9  }
0x12e: {  	(v2sf) =	vpush v10, $0x0;
	_ =	sdelay $0x2  }
0x12f: {  	[tilespmem:s28+$0x9120] =	vst v11  }
0x130: {  	v10 =	vld.idx.msk [tilespmem:v63+s15+$0x0], $0xffff;
	_ =	sdelay $0x4  }
0x131: {  	[tilespmem:s28+$0x8930] =	vst v10  }
0x132: {  	v10 =	vld.idx.msk [tilespmem:v63+s16+$0x0], $0xffff;
	_ =	sdelay $0x3  }
0x133: {  	p0 =	slt.s32 s22, $0x20  }
0x134: {  	s25 =	simm.s32 @!p0 $0x3;
	s30 =	spop (v2sf);
	[tilespmem:s28+$0x9130] =	vst v10  }
0x135: {  	_ =	swait.ge @!p0 [sflag:s25], $0x40  }
0x136: {  	[sflag:s25] =	ssyncset.done @!p0 $0x0  }
0x137: {  	[sflag:s25] =	ssyncadd.s32 @!p0 $0xFFFFFFC0  }
0x138: {  	_ =	swait.ge @!p0 [sflag:s25], $0x40  }
0x139: {  	[sflag:s25] =	ssyncset.done @!p0 $0x0  }
0x13a: {  	[sflag:s25] =	ssyncadd.s32 @!p0 $0xFFFFFFC0;
	s25 =	sadd.s32 $0x1, s26  }
0x13b: {  	p1 =	sne.s32 s24, s25  }
.Ltmp13:
0x13c: {  	s0 =	sshll.u32 s30, $0x3;
	(pc) =	sbr.rel @!p1 .LBB2_19-.Ltmp13, $4  }
0x13d: {  	s23 =	sadd.s32 $0x40, s23;
	s0 =	sand.u32 $0x1FFFFFF8, s0;
	v10 =	vmov s26  }
0x13e: {  	s22 =	sadd.s32 $0x1, s22;
	s29 =	sadd.s32 $0x8900, s28;
	s31 =	sadd.s32 s5, s0  }
0x13f: {  	s28 =	sadd.s32 $0x9100, s28;
	s26 =	sadd.s32 s6, s0;
	p0 =	por $0x1, $0x1  }
0x140: {  	[hbm4b:s31+s3] =	stream.linear.scatter [tilespmem:s29], [sflag:$0x3], $0x40, $0x38;
	[tilespmem:$0x9900] =	vst v63  }
.LBB2_18:
0x141: {  	[hbm4b:s26+s3] =	stream.linear.scatter [tilespmem:s28], [sflag:$0x3], $0x40, $0x38;
	[tilespmem:$0x9900] =	vst v63  }
0x142: {  	s26 =	smov.u32 s25;
	s25 =	sadd.s32 $0x1, s25;
	v11 =	vld.idx.msk [tilespmem:v10+s3+$0x0], $0xffff  }
0x143: {  	p1 =	sne.s32 s24, s25;
	_ =	sdelay $0x4  }
0x144: {  	(v2sf) =	vpush v11, $0x0;
	_ =	sdelay $0xe  }
0x145: {  	s0 =	spop (v2sf)  }
0x146: {  	s29 =	sand.u32 $0x7F, s0  }
0x147: {  	v11 =	vor.u32 s29, v6;
	_ =	sdelay $0x4  }
0x148: {  	v12 =	vld.idx.msk [tilespmem:v11+s15+$0x0], $0xffff;
	_ =	sdelay $0x4  }
0x149: {  	s28 =	sand.u32 $0x7C0, s23;
	v10 =	vld.idx.msk [tilespmem:v10+s10+$0x0], $0xffff  }
0x14a: {  	[tilespmem:s28+$0x8900] =	vst v12  }
0x14b: {  	v11 =	vld.idx.msk [tilespmem:v11+s16+$0x0], $0xffff;
	_ =	sdelay $0x1  }
0x14c: {  	v12 =	vor.u32 s29, v7;
	_ =	sdelay $0x1  }
0x14d: {  	(v2sf) =	vpush v10, $0x0;
	_ =	sdelay $0x1  }
0x14e: {  	[tilespmem:s28+$0x9100] =	vst v11  }
0x14f: {  	v10 =	vld.idx.msk [tilespmem:v12+s15+$0x0], $0xffff;
	_ =	sdelay $0x5  }
0x150: {  	[tilespmem:s28+$0x8910] =	vst v10  }
0x151: {  	v10 =	vld.idx.msk [tilespmem:v12+s16+$0x0], $0xffff;
	_ =	sdelay $0x1  }
0x152: {  	v11 =	vor.u32 s29, v8;
	_ =	sdelay $0x2  }
0x153: {  	s0 =	spop (v2sf)  }
0x154: {  	[tilespmem:s28+$0x9110] =	vst v10;
	s0 =	sshll.u32 s0, $0x3  }
0x155: {  	v10 =	vld.idx.msk [tilespmem:v11+s15+$0x0], $0xffff;
	s0 =	sand.u32 $0x1FFFFFF8, s0;
	_ =	sdelay $0x5  }
0x156: {  	[tilespmem:s28+$0x8920] =	vst v10  }
0x157: {  	v10 =	vld.idx.msk [tilespmem:v11+s16+$0x0], $0xffff;
	_ =	sdelay $0x1  }
0x158: {  	v11 =	vor.u32 s29, v9;
	_ =	sdelay $0x3  }
0x159: {  	[tilespmem:s28+$0x9120] =	vst v10  }
0x15a: {  	v10 =	vld.idx.msk [tilespmem:v11+s15+$0x0], $0xffff;
	_ =	sdelay $0x5  }
0x15b: {  	[tilespmem:s28+$0x8930] =	vst v10  }
0x15c: {  	v10 =	vld.idx.msk [tilespmem:v11+s16+$0x0], $0xffff;
	_ =	sdelay $0x4  }
0x15d: {  	p2 =	slt.s32 s22, $0x20  }
0x15e: {  	s29 =	simm.s32 @!p2 $0x3;
	[tilespmem:s28+$0x9130] =	vst v10  }
0x15f: {  	_ =	swait.ge @!p2 [sflag:s29], $0x40  }
0x160: {  	[sflag:s29] =	ssyncset.done @!p2 $0x0  }
0x161: {  	[sflag:s29] =	ssyncadd.s32 @!p2 $0xFFFFFFC0  }
.Ltmp14:
0x162: {  	_ =	swait.ge @!p2 [sflag:s29], $0x40;
	(pc) =	sbr.rel @p1 .LBB2_18-.Ltmp14, $4  }
0x163: {  	s23 =	sadd.s32 $0x40, s23;
	v10 =	vmov s26;
	[sflag:s29] =	ssyncset.done @!p2 $0x0  }
0x164: {  	s26 =	sadd.s32 $0x8900, s28;
	[sflag:s29] =	ssyncadd.s32 @!p2 $0xFFFFFFC0;
	s29 =	sadd.s32 s5, s0  }
0x165: {  	[hbm4b:s29+s3] =	stream.linear.scatter [tilespmem:s26], [sflag:$0x3], $0x40, $0x38;
	[tilespmem:$0x9900] =	vst v63  }
0x166: {  	s22 =	sadd.s32 $0x1, s22;
	s28 =	sadd.s32 $0x9100, s28;
	s26 =	sadd.s32 s6, s0  }
.LBB2_19:
0x167: {  	_ =	sdelay $0x2  }
0x168: {  	[hbm4b:s26+s3] =	stream.linear.scatter @p0 [tilespmem:s28], [sflag:$0x3], $0x40, $0x38;
	[tilespmem:$0x9900] =	vst v63  }
0x169: {  	v11 =	vld.idx.msk [tilespmem:v10+s3+$0x0], $0xffff;
	_ =	sdelay $0x4  }
0x16a: {  	(v2sf) =	vpush v11, $0x0;
	_ =	sdelay $0xe  }
0x16b: {  	s0 =	spop (v2sf)  }
0x16c: {  	s0 =	sand.u32 $0x7F, s0  }
0x16d: {  	v11 =	vor.u32 s0, v6;
	_ =	sdelay $0x4  }
0x16e: {  	v12 =	vld.idx.msk [tilespmem:v11+s15+$0x0], $0xffff;
	_ =	sdelay $0x3  }
0x16f: {  	s23 =	sand.u32 $0x7C0, s23  }
0x170: {  	v10 =	vld.idx.msk [tilespmem:v10+s10+$0x0], $0xffff;
	[tilespmem:s23+$0x8900] =	vst v12  }
0x171: {  	v11 =	vld.idx.msk [tilespmem:v11+s16+$0x0], $0xffff  }
0x172: {  	v61 =	vor.u32 s0, v7;
	_ =	sdelay $0x3  }
0x173: {  	[tilespmem:s23+$0x9100] =	vst v11  }
0x174: {  	v11 =	vld.idx.msk [tilespmem:v61+s15+$0x0], $0xffff;
	_ =	sdelay $0x4  }
0x175: {  	[tilespmem:s23+$0x8910] =	vst v11  }
0x176: {  	v11 =	vld.idx.msk [tilespmem:v61+s16+$0x0], $0xffff  }
0x177: {  	v62 =	vor.u32 s0, v8;
	_ =	sdelay $0x3  }
0x178: {  	[tilespmem:s23+$0x9110] =	vst v11  }
0x179: {  	v11 =	vld.idx.msk [tilespmem:v62+s15+$0x0], $0xffff;
	_ =	sdelay $0x4  }
0x17a: {  	[tilespmem:s23+$0x8920] =	vst v11  }
0x17b: {  	v11 =	vld.idx.msk [tilespmem:v62+s16+$0x0], $0xffff  }
0x17c: {  	v63 =	vor.u32 s0, v9  }
0x17d: {  	(v2sf) =	vpush v10, $0x0;
	_ =	sdelay $0x2  }
0x17e: {  	[tilespmem:s23+$0x9120] =	vst v11  }
0x17f: {  	v10 =	vld.idx.msk [tilespmem:v63+s15+$0x0], $0xffff;
	_ =	sdelay $0x4  }
0x180: {  	[tilespmem:s23+$0x8930] =	vst v10  }
0x181: {  	v10 =	vld.idx.msk [tilespmem:v63+s16+$0x0], $0xffff;
	_ =	sdelay $0x3  }
0x182: {  	p0 =	slt.s32 s22, $0x20  }
0x183: {  	s22 =	simm.s32 @!p0 $0x3;
	s29 =	spop (v2sf);
	[tilespmem:s23+$0x9130] =	vst v10  }
0x184: {  	_ =	swait.ge @!p0 [sflag:s22], $0x40  }
0x185: {  	[sflag:s22] =	ssyncset.done @!p0 $0x0  }
0x186: {  	[sflag:s22] =	ssyncadd.s32 @!p0 $0xFFFFFFC0  }
0x187: {  	s0 =	sshll.u32 s29, $0x3;
	_ =	swait.ge @!p0 [sflag:s22], $0x40  }
.Ltmp15:
0x188: {  	s0 =	sand.u32 $0x1FFFFFF8, s0;
	[sflag:s22] =	ssyncset.done @!p0 $0x0;
	(pc) =	sbr.rel .LBB2_20-.Ltmp15, $4  }
0x189: {  	s24 =	sadd.s32 $0x8900, s23;
	s30 =	sadd.s32 s5, s0;
	[sflag:s22] =	ssyncadd.s32 @!p0 $0xFFFFFFC0  }
0x18a: {  	[hbm4b:s30+s3] =	stream.linear.scatter [tilespmem:s24], [sflag:$0x3], $0x40, $0x38;
	[tilespmem:$0x9900] =	vst v63  }
0x18b: {  	s31 =	sadd.s32 $0x9100, s23;
	s0 =	sadd.s32 s6, s0  }
0x18c: {  	[hbm4b:s0+s3] =	stream.linear.scatter [tilespmem:s31], [sflag:$0x3], $0x40, $0x38;
	[tilespmem:$0x9900] =	vst v63  }
.LBB2_9:
.Ltmp16:
0x18d: {  	(pc) =	sbr.rel .LBB2_12-.Ltmp16, $2  }
0x18e: {  	_ =	sdelay $0x2  }
0x18f: {  	_ = 	snop  }
.LBB2_16:
.Ltmp17:
0x190: {  	(pc) =	sbr.rel .LBB2_19-.Ltmp17, $2  }
0x191: {  	_ =	sdelay $0x2  }
0x192: {  	_ = 	snop  }
.LBB2_22:
0x193: {  	_ =	sfence.sel $0x180000  }
0x194: {  	[bflag:$0x0] =	sbarrier.arrive $0xFFFF  }
0x195: {  	_ =	strace $0x90000047  }
0x196: {  	[bflag:$0x2] =	sbarrier.arrive $0xFFFF  }
0x197: {  	p0 =	sne.s32 s4, $0x0;
	s0 =	rddreg [dreg:$0x5]  }
0x198: {  	s0 =	sadd.s32 @!p0 $0x100000, s0  }
0x199: {  	[sflag:s0] =	ssyncadd.tile.s32 @!p0 $0x1;
	_ =	shalt  }
.Lfunc_end2:
_tile_overlayer_lowered:
.L_overlay_start_2:
0x19a: {  	(tag) =	ssettag $0x2  }
0x19b: {  	s0 =	rddreg [dreg:$0x0];
	s2 =	stileid.u32  }
0x19c: {  	s1 =	rddreg [dreg:$0x1];
	p0 =	sne.s32 s2, $0x0  }
0x19d: {  	s3 =	rddreg [dreg:$0x2];
	[bflag:$0x3] =	sbarrier.arrive $0xFFFF;
	s2 =	simm.s32 @!p0 $0x1C04  }
0x19e: {  	[timem:s3], [sflag:s2] =	dma.local @!p0 [hbm:s0], s1  }
0x19f: {  	s0 =	simm.s32 @!p0 $0x4  }
0x1a0: {  	_ =	swait.ge @!p0 [sflag:s0], s1  }
0x1a1: {  	s1 =	ssub.s32 @!p0 $0x0, s1;
	[sflag:s0] =	ssyncset.done @!p0 $0x0  }
0x1a2: {  	[sflag:s0] =	ssyncadd.s32 @!p0 s1  }
0x1a3: {  	[bflag:$0x3] =	sbarrier.arrive $0xFFFF  }
0x1a4: {  	_ =	shalt  }

// kernel: kernel.7.cloned.1.call-start
scs
__scs_entry_jumppad:
0x0: {  	(pc) =	sbr.rel $0x88, $3  }
0x1: {  	(tag) =	ssettag $0x0;
	lr =	simm.s32 $0x1  }
0x2: {  	[smem:$0x3F9E] =	sst lr;
	_ =	strace $0xD0000000  }
0x3: {  	_ = 	snop  }
0x4: {  	_ = 	snop  }
0x5: {  	_ = 	snop  }
0x6: {  	_ = 	snop  }
0x7: {  	_ = 	snop  }
__scs_overlays_trampoline_lowered:
0x8: {  	[smem:$0x3FAD] =	sst s0  }
0x9: {  	[smem:$0x3FAE] =	sst s1  }
0xa: {  	[smem:$0x3FAF] =	sst s2  }
0xb: {  	[smem:$0x3FB0] =	sst s3  }
0xc: {  	[smem:$0x3FB1] =	sst s4  }
0xd: {  	[smem:$0x3FB2] =	sst s5  }
0xe: {  	[smem:$0x3FB3] =	sst s6  }
0xf: {  	[smem:$0x3FB4] =	sst s7  }
0x10: {  	[smem:$0x3FB5] =	sst s8  }
0x11: {  	[smem:$0x3FB6] =	sst s9;
	s0 =	simm.s32 @!p0 $0x0  }
0x12: {  	s1 =	sld [smem:$0x3F9C];
	s0 =	simm.s32 @p0 $0x1  }
0x13: {  	[smem:$0x3FB7] =	sst s0;
	s0 =	simm.s32 @!p1 $0x0  }
0x14: {  	s2 =	sld [smem:$0x3F9B];
	s0 =	simm.s32 @p1 $0x1  }
0x15: {  	[smem:$0x3FB8] =	sst s0;
	s0 =	simm.s32 @!p2 $0x0  }
0x16: {  	s3 =	sld [smem:$0x3FDB];
	s0 =	simm.s32 @p2 $0x1  }
0x17: {  	s4 =	simm.s32 $0x1BF5;
	[smem:$0x3FBA] =	sst s0  }
0x18: {  	s0 =	sld [smem:$0x3F9D];
	_ =	swait.ge [sflag:s4], $0x0  }
0x19: {  	s7 =	sld [smem:$0x3F9E]  }
0x1a: {  	s8 =	sadd.s32 $0xFFFFE003, lr  }
0x1b: {  	s9 =	sadd.s32 $0xFFFFFEF7, lr;
	s5 =	simm.s32 $0xFFFFFFFF;
	p2 =	slt.u32 s8, $0xFFFFF086  }
0x1c: {  	p1 =	slt.u32 s9, $0xF7A;
	s5 =	simm.s32 @!p2 $0x0  }
0x1d: {  	s5 =	simm.s32 @p1 $0x1;
	p0 =	seq.s32 s7, s2  }
0x1e: {  	s7 =	smul.u32 @!p0 $0xF7A, s2;
	p2 =	seq.s32 @!p0 s5, $0x0  }
0x1f: {  	s9 =	smul.u32 $0xF7A, s1;
	s8 =	simm.s32 @!p0 $0x1BF5;
	p2 =	por !p2, p0  }
0x20: {  	[sflag:s8] =	ssyncset.s32 @!p0 $0xFFFFF086;
	s6 =	sadd.s32 @!p0 s3, s7;
	s7 =	simm.s32 @!p0 $0x108  }
0x21: {  	s3 =	sadd.s32 s3, s9;
	s6 =	sadd.s32 @!p0 $0x88, s6;
	s7 =	simm.s32 @p2 $0x1082  }
0x22: {  	[simem:s7], [sflag:s8] =	dma.local @!p0 [hbm:s6], $0xF7A  }
0x23: {  	s9 =	sor.u32 $0xD0000000, s2;
	s6 =	simm.s32 $0x108;
	_ =	swait.ge @!p0 [sflag:s8], $0x0  }
0x24: {  	s3 =	sadd.s32 $0x88, s3;
	s6 =	simm.s32 @!p1 $0x1082;
	[sflag:s4] =	ssyncset.s32 $0xFFFFF086  }
0x25: {  	[simem:s6], [sflag:s4] =	dma.local [hbm:s3], $0xF7A  }
0x26: {  	[smem:$0x3F9E] =	sst s1;
	(tag) =	ssettag s2;
	_ =	strace s9  }
0x27: {  	s1 =	sld [smem:$0x3FAE]  }
0x28: {  	s2 =	sld [smem:$0x3FAF]  }
0x29: {  	s4 =	sld [smem:$0x3FB1]  }
0x2a: {  	p0 =	seq.s32 s5, $0x0;
	s5 =	sld [smem:$0x3FB2]  }
0x2b: {  	s6 =	sld [smem:$0x3FB3]  }
0x2c: {  	s7 =	sld [smem:$0x3FB4]  }
0x2d: {  	s3 =	simm.s32 $0x108;
	s8 =	sld [smem:$0x3FB5]  }
0x2e: {  	s3 =	simm.s32 @!p0 $0x1082;
	s9 =	sld [smem:$0x3FB6]  }
0x2f: {  	lr =	sadd.s32 s0, s3;
	s0 =	sld [smem:$0x3FAD]  }
0x30: {  	s3 =	sld [smem:$0x3FB0]  }
0x31: {  	[smem:$0x3FB9] =	sst s10  }
0x32: {  	s10 =	sld [smem:$0x3FB7];
	_ =	sdelay $0x3  }
0x33: {  	p0 =	seq.s32 s10, $0x1;
	s10 =	sld [smem:$0x3FB9];
	_ =	sdelay $0x3  }
0x34: {  	[smem:$0x3FB9] =	sst s10  }
0x35: {  	s10 =	sld [smem:$0x3FB8];
	_ =	sdelay $0x3  }
0x36: {  	p1 =	seq.s32 s10, $0x1;
	s10 =	sld [smem:$0x3FB9];
	_ =	sdelay $0x3  }
0x37: {  	[smem:$0x3FB9] =	sst s10  }
0x38: {  	s10 =	sld [smem:$0x3FBA]  }
0x39: {  	_ = 	snop;
	(pc) =	sbr.ind lr, $3  }
0x3a: {  	_ = 	snop  }
0x3b: {  	_ = 	snop  }
0x3c: {  	p2 =	seq.s32 s10, $0x1;
	s10 =	sld [smem:$0x3FB9]  }
0x3d: {  	_ =	shalt  }
0x3e: {  	_ =	shalt  }
0x3f: {  	_ =	shalt  }
0x40: {  	_ =	shalt  }
0x41: {  	_ =	shalt  }
0x42: {  	_ =	shalt  }
0x43: {  	_ =	shalt  }
0x44: {  	_ =	shalt  }
0x45: {  	_ =	shalt  }
0x46: {  	_ =	shalt  }
0x47: {  	_ =	shalt  }
0x48: {  	_ =	shalt  }
0x49: {  	_ =	shalt  }
0x4a: {  	_ =	shalt  }
0x4b: {  	_ =	shalt  }
0x4c: {  	_ =	shalt  }
0x4d: {  	_ =	shalt  }
0x4e: {  	_ =	shalt  }
0x4f: {  	_ =	shalt  }
0x50: {  	_ =	shalt  }
0x51: {  	_ =	shalt  }
0x52: {  	_ =	shalt  }
0x53: {  	_ =	shalt  }
0x54: {  	_ =	shalt  }
0x55: {  	_ =	shalt  }
0x56: {  	_ =	shalt  }
0x57: {  	_ =	shalt  }
0x58: {  	_ =	shalt  }
0x59: {  	_ =	shalt  }
0x5a: {  	_ =	shalt  }
0x5b: {  	_ =	shalt  }
0x5c: {  	_ =	shalt  }
0x5d: {  	_ =	shalt  }
0x5e: {  	_ =	shalt  }
0x5f: {  	_ =	shalt  }
0x60: {  	_ =	shalt  }
0x61: {  	_ =	shalt  }
0x62: {  	_ =	shalt  }
0x63: {  	_ =	shalt  }
0x64: {  	_ =	shalt  }
0x65: {  	_ =	shalt  }
0x66: {  	_ =	shalt  }
0x67: {  	_ =	shalt  }
0x68: {  	_ =	shalt  }
0x69: {  	_ =	shalt  }
0x6a: {  	_ =	shalt  }
0x6b: {  	_ =	shalt  }
0x6c: {  	_ =	shalt  }
0x6d: {  	_ =	shalt  }
0x6e: {  	_ =	shalt  }
0x6f: {  	_ =	shalt  }
0x70: {  	_ =	shalt  }
0x71: {  	_ =	shalt  }
0x72: {  	_ =	shalt  }
0x73: {  	_ =	shalt  }
0x74: {  	_ =	shalt  }
0x75: {  	_ =	shalt  }
0x76: {  	_ =	shalt  }
0x77: {  	_ =	shalt  }
0x78: {  	_ =	shalt  }
0x79: {  	_ =	shalt  }
0x7a: {  	_ =	shalt  }
0x7b: {  	_ =	shalt  }
0x7c: {  	_ =	shalt  }
0x7d: {  	_ =	shalt  }
0x7e: {  	_ =	shalt  }
0x7f: {  	_ =	shalt  }
0x80: {  	_ =	shalt  }
0x81: {  	_ =	shalt  }
0x82: {  	_ =	shalt  }
0x83: {  	_ =	shalt  }
0x84: {  	_ =	shalt  }
0x85: {  	_ =	shalt  }
0x86: {  	_ =	shalt  }
0x87: {  	_ =	shalt  }
.Lfunc_end0:
.L_simem_size_0:
called_computation.1_lowered:
.L_overlay_start_0:
0x88: {  	s2 =	sld [smem:$0x3FD9]  }
0x89: {  	s3 =	sld [smem:$0x3FFE];
	_ =	sdelay $0x1  }
0x8a: {  	s1 =	srdreg.scid  }
0x8b: {  	s0 =	sand.u32 $0x1, s1  }
0x8c: {  	s14 =	sshll.u32 s0, $0xA;
	s2 =	sadd.s32 s3, s2  }
0x8d: {  	s2 =	sadd.s32 s2, s14  }
0x8e: {  	[smem:$0x3FC5] =	sst s2  }
0x8f: {  	_ = 	snop  }
0x90: {  	s2 =	sld [smem:$0x3FD0];
	_ =	sdelay $0x2  }
0x91: {  	s15 =	simm.s32 $0xA;
	s4 =	simm.s32 $0x10  }
0x92: {  	[smem:s4], [sflag:s15] =	dma.local [hbm:s2], $0x1  }
0x93: {  	_ =	swait.eq [sflag:s15], $0x1  }
0x94: {  	[sflag:s15] =	ssyncset.done $0x0  }
0x95: {  	s16 =	sld [smem:$0x10];
	[sflag:s15] =	ssyncadd.s32 $0xFFFFFFFF  }
0x96: {  	s17 =	sld [smem:$0x11];
	(tm) =	ssettm $0x1  }
0x97: {  	s18 =	sld [smem:$0x3FFB];
	_ =	sdelay $0x3  }
0x98: {  	_ =	strace s18  }
0x99: {  	s4 =	sld [smem:$0x3FFC];
	_ =	sdelay $0x3  }
0x9a: {  	_ =	strace s4  }
0x9b: {  	s4 =	sld [smem:$0x3FFD];
	_ =	sdelay $0x3  }
0x9c: {  	_ =	strace s4  }
0x9d: {  	_ =	strace $0x8FFFFFFF  }
0x9e: {  	s19 =	sld [smem:$0x3FDB];
	_ =	sdelay $0x1  }
0x9f: {  	s5 =	simm.s32 $_scs_section_size  }
0xa0: {  	s6 =	simm.s32 $_size__tile_overlayer_lowered;
	s7 =	simm.s32 $_tile_overlayer_lowered  }
0xa1: {  	s22 =	simm.s32 $0x1BFF;
	s21 =	sshll.u32 s7, $0x1;
	s4 =	sadd.s32 s5, s19  }
0xa2: {  	s8 =	simm.s32 $0x0;
	s20 =	sshll.u32 s6, $0x1;
	s6 =	sadd.s32 s21, s4  }
0xa3: {  	[timem:s8], [sflag:s22] =	dma.local [hbm:s6], s20  }
0xa4: {  	_ =	swait.ge [sflag:s22], s20  }
0xa5: {  	s5 =	ssub.s32 $0x0, s20;
	[sflag:s22] =	ssyncset.done $0x0  }
0xa6: {  	[sflag:s22] =	ssyncadd.s32 s5;
	_ =	sdelay $0x1  }
0xa7: {  	s23 =	simm.s32 $0x1B8B  }
0xa8: {  	_ =	swait.ge [sflag:s23], $0x1  }
0xa9: {  	[sflag:s23] =	ssyncset.done $0x0  }
0xaa: {  	s25 =	simm.s32 $0x1B8E;
	s24 =	sld [smem:$0x3FFE];
	[sflag:s23] =	ssyncadd.s32 $0xFFFFFFFF  }
0xab: {  	s26 =	simm.s32 $execute0_lowered;
	[smem:$0x3FD2] =	sst s25  }
0xac: {  	s6 =	sshll.u32 s26, $0x1;
	_ =	strace $0x80000049;
	[dreg:$0x1] =	wrdreg $0xFFFFFFFF  }
0xad: {  	s28 =	simm.s32 $_size_execute0_lowered;
	s4 =	sadd.s32 s4, s6;
	[dreg:$0x0] =	wrdreg $0x0  }
0xae: {  	s6 =	sshll.u32 s28, $0x1;
	[dreg:$0x2] =	wrdreg s4  }
0xaf: {  	[dreg:$0x3] =	wrdreg s6  }
0xb0: {  	[dreg:$0x4] =	wrdreg $0xC0  }
0xb1: {  	_ =	task [dreg:s8], $0x5FFFF  }
0xb2: {  	[dreg:$0x1] =	wrdreg $0xFFFFFFFF  }
0xb3: {  	[dreg:$0x0] =	wrdreg $0x60  }
0xb4: {  	[dreg:$0x2] =	wrdreg s24  }
0xb5: {  	[dreg:$0x3] =	wrdreg s16  }
0xb6: {  	[dreg:$0x4] =	wrdreg s17  }
0xb7: {  	[dreg:$0x5] =	wrdreg $0x9  }
0xb8: {  	_ =	task.clear_ibuf [dreg:s8], $0x6FFFF;
	_ =	strace $0x90000049  }
0xb9: {  	s29 =	simm.s32 $0x9;
	_ =	strace $0x8000004B  }
0xba: {  	_ =	swait.ge [sflag:s29], $0x1  }
0xbb: {  	[sflag:s29] =	ssyncadd.s32 $0xFFFFFFFF  }
0xbc: {  	_ =	strace $0x9000004B  }
0xbd: {  	_ =	sfence  }
0xbe: {  	s30 =	sld [smem:$0x0];
	_ =	sdelay $0x2  }
0xbf: {  	s31 =	sshll.u32 s1, $0xD;
	s1 =	sshrl.u32 s1, $0x2  }
0xc0: {  	s3 =	sand.u32 $0x4000, s31;
	s1 =	sadd.s32 s1, s30  }
0xc1: {  	s0 =	sor.u32 s3, s0;
	s1 =	sshll.u32 s1, $0x11  }
0xc2: {  	s0 =	sor.u32 s1, s0  }
0xc3: {  	s0 =	sadd.s32 $0x8F2B, s0  }
0xc4: {  	[sflag:s0] =	ssyncadd.remote.s32 $0x1  }
0xc5: {  	_ =	sfence.sel $0xFFFF  }
0xc6: {  	[dreg:$0x0] =	wrdreg $0xFFFFFFFF;
	(pc) =	sbr.abs _section_cstart, $3  }
0xc7: {  	[dreg:$0x1] =	wrdreg $0xFFFFFFFF  }
0xc8: {  	_ =	task.clear_ibuf [dreg:s8], $0x2FFFF;
	_ =	strace $0x9FFFFFFF  }
0xc9: {  	(tm) =	ssettm $0x7FFFFFFF  }
tec
execute0_lowered:
.L_overlay_start_1:
0x0: {  	(tag) =	ssettag $0x1  }
0x1: {  	s3 =	rddreg [dreg:$0x0]  }
0x2: {  	s5 =	rddreg [dreg:$0x1]  }
0x3: {  	s1 =	srdreg.scid;
	s0 =	stileid.u32  }
0x4: {  	s6 =	rddreg [dreg:$0x2];
	s2 =	simm.s32 $0x0;
	s10 =	simm.s32 $0x1000  }
0x5: {  	s11 =	simm.s32 $0x20000;
	s12 =	simm.s32 $0x10000;
	s13 =	simm.s32 $0x3  }
0x6: {  	s14 =	simm.s32 $0x2;
	s4 =	sand.u32 $0x1, s1;
	s1 =	rddreg [dreg:$0x3]  }
0x7: {  	s15 =	simm.s32 $0x0;
	s7 =	sshll.u32 s0, $0x1;
	[smem:$0x7FF] =	sst s2  }
0x8: {  	s7 =	sor.u32 s4, s7;
	s4 =	ssub.s32 $0x2, s4;
	_ =	strace $0x8000004A  }
0x9: {  	s8 =	sshll.u32 s7, $0xC;
	s31 =	sshrl.u32 s4, $0x1;
	s7 =	sshll.u32 s7, $0x9  }
0xa: {  	s8 =	sadd.s32 s8, s3;
	s9 =	ssub.s32 s4, s31;
	s5 =	sadd.s32 s5, s7  }
0xb: {  	v0 =	vlaneseq.u32;
	s6 =	sadd.s32 s6, s7;
	s3 =	sadd.s32 $0x200, s8;
	s4 =	sadd.s32 $0x20200, s8  }
0xc: {  	v0 =	vmul.u32 $0x40, v0;
	s7 =	smax.u32 s9, $0x1;
	s8 =	simm.s32 $0x8000;
	s9 =	simm.s32 $0x1  }
.LBB2_1:
0xd: {  	v1 =	vmov s2  }
0xe: {  	[tilespmem:s2], [sflag:$0x1] =	stream.linear.gather [hbm4b:s3+s2], $0x8000, $0x38;
	v1 =	vshll.u32 v1, $0x6;
	[tilespmem:$0x18000] =	vst v63  }
0xf: {  	v1 =	vor.u32 v0, v1  }
0x10: {  	[tilespmem:s8], [sflag:$0x2] =	stream.linear.gather [hbm4b:s4+s2], $0x8000, $0x38;
	[tilespmem:$0x18000] =	vst v63  }
0x11: {  	_ =	swait.ge [sflag:s9], $0x8000  }
0x12: {  	[sflag:s9] =	ssyncset.done $0x0  }
0x13: {  	[sflag:s9] =	ssyncadd.s32 $0xFFFF8000  }
0x14: {  	v2 =	vld.idx.msk [tilespmem:v1+s2+$0x0], $0xffff  }
0x15: {  	v3 =	vor.u32 $0x1, v1;
	_ =	sdelay $0x1  }
0x16: {  	s16 =	sand.u32 $0x70, s2;
	s17 =	sand.u32 $0xC00, s2  }
0x17: {  	s16 =	sor.u32 s16, s17  }
0x18: {  	[tilespmem:s16+$0x10000] =	vst v2  }
0x19: {  	v2 =	vld.idx.msk [tilespmem:v3+s2+$0x0], $0xffff  }
0x1a: {  	v3 =	vor.u32 $0x2, v1;
	_ =	sdelay $0x3  }
0x1b: {  	[tilespmem:s16+$0x10080] =	vst v2  }
0x1c: {  	v2 =	vld.idx.msk [tilespmem:v3+s2+$0x0], $0xffff  }
0x1d: {  	v3 =	vor.u32 $0x3, v1;
	_ =	sdelay $0x3  }
0x1e: {  	[tilespmem:s16+$0x10100] =	vst v2  }
0x1f: {  	v2 =	vld.idx.msk [tilespmem:v3+s2+$0x0], $0xffff  }
0x20: {  	v3 =	vor.u32 $0x4, v1;
	_ =	sdelay $0x3  }
0x21: {  	[tilespmem:s16+$0x10180] =	vst v2  }
0x22: {  	v2 =	vld.idx.msk [tilespmem:v3+s2+$0x0], $0xffff  }
0x23: {  	v3 =	vor.u32 $0x5, v1;
	_ =	sdelay $0x3  }
0x24: {  	[tilespmem:s16+$0x10200] =	vst v2  }
0x25: {  	v2 =	vld.idx.msk [tilespmem:v3+s2+$0x0], $0xffff  }
0x26: {  	v3 =	vor.u32 $0x6, v1;
	_ =	sdelay $0x3  }
0x27: {  	[tilespmem:s16+$0x10280] =	vst v2  }
0x28: {  	v2 =	vld.idx.msk [tilespmem:v3+s2+$0x0], $0xffff  }
0x29: {  	v3 =	vor.u32 $0x7, v1;
	_ =	sdelay $0x3  }
0x2a: {  	[tilespmem:s16+$0x10300] =	vst v2  }
0x2b: {  	v2 =	vld.idx.msk [tilespmem:v3+s2+$0x0], $0xffff  }
0x2c: {  	v3 =	vor.u32 $0x8, v1;
	_ =	sdelay $0x1  }
0x2d: {  	s31 =	sor.u32 s2, s2  }
0x2e: {  	s17 =	sor.u32 $0x380, s31  }
0x2f: {  	[tilespmem:s17+$0x10000] =	vst v2  }
0x30: {  	v2 =	vld.idx.msk [tilespmem:v3+s2+$0x0], $0xffff  }
0x31: {  	v3 =	vor.u32 $0x9, v1;
	_ =	sdelay $0x3  }
0x32: {  	[tilespmem:s16+$0x11000] =	vst v2  }
0x33: {  	v2 =	vld.idx.msk [tilespmem:v3+s2+$0x0], $0xffff  }
0x34: {  	v3 =	vor.u32 $0xA, v1;
	_ =	sdelay $0x3  }
0x35: {  	[tilespmem:s16+$0x11080] =	vst v2  }
0x36: {  	v2 =	vld.idx.msk [tilespmem:v3+s2+$0x0], $0xffff  }
0x37: {  	v3 =	vor.u32 $0xB, v1;
	_ =	sdelay $0x3  }
0x38: {  	[tilespmem:s16+$0x11100] =	vst v2  }
0x39: {  	v2 =	vld.idx.msk [tilespmem:v3+s2+$0x0], $0xffff  }
0x3a: {  	v3 =	vor.u32 $0xC, v1;
	_ =	sdelay $0x3  }
0x3b: {  	[tilespmem:s16+$0x11180] =	vst v2  }
0x3c: {  	v2 =	vld.idx.msk [tilespmem:v3+s2+$0x0], $0xffff  }
0x3d: {  	v3 =	vor.u32 $0xD, v1;
	_ =	sdelay $0x3  }
0x3e: {  	[tilespmem:s16+$0x11200] =	vst v2  }
0x3f: {  	v2 =	vld.idx.msk [tilespmem:v3+s2+$0x0], $0xffff  }
0x40: {  	v3 =	vor.u32 $0xE, v1;
	_ =	sdelay $0x3  }
0x41: {  	[tilespmem:s16+$0x11280] =	vst v2  }
0x42: {  	v2 =	vld.idx.msk [tilespmem:v3+s2+$0x0], $0xffff  }
0x43: {  	v3 =	vor.u32 $0xF, v1;
	_ =	sdelay $0x3  }
0x44: {  	[tilespmem:s16+$0x11300] =	vst v2  }
0x45: {  	v2 =	vld.idx.msk [tilespmem:v3+s2+$0x0], $0xffff  }
0x46: {  	v3 =	vor.u32 $0x10, v1;
	_ =	sdelay $0x3  }
0x47: {  	[tilespmem:s16+$0x11380] =	vst v2  }
0x48: {  	v2 =	vld.idx.msk [tilespmem:v3+s2+$0x0], $0xffff  }
0x49: {  	v3 =	vor.u32 $0x11, v1;
	_ =	sdelay $0x3  }
0x4a: {  	[tilespmem:s16+$0x12000] =	vst v2  }
0x4b: {  	v2 =	vld.idx.msk [tilespmem:v3+s2+$0x0], $0xffff  }
0x4c: {  	v3 =	vor.u32 $0x12, v1;
	_ =	sdelay $0x3  }
0x4d: {  	[tilespmem:s16+$0x12080] =	vst v2  }
0x4e: {  	v2 =	vld.idx.msk [tilespmem:v3+s2+$0x0], $0xffff  }
0x4f: {  	v3 =	vor.u32 $0x13, v1;
	_ =	sdelay $0x3  }
0x50: {  	[tilespmem:s16+$0x12100] =	vst v2  }
0x51: {  	v2 =	vld.idx.msk [tilespmem:v3+s2+$0x0], $0xffff  }
0x52: {  	v3 =	vor.u32 $0x14, v1;
	_ =	sdelay $0x3  }
0x53: {  	[tilespmem:s16+$0x12180] =	vst v2  }
0x54: {  	v2 =	vld.idx.msk [tilespmem:v3+s2+$0x0], $0xffff  }
0x55: {  	v3 =	vor.u32 $0x15, v1;
	_ =	sdelay $0x3  }
0x56: {  	[tilespmem:s16+$0x12200] =	vst v2  }
0x57: {  	v2 =	vld.idx.msk [tilespmem:v3+s2+$0x0], $0xffff  }
0x58: {  	v3 =	vor.u32 $0x16, v1;
	_ =	sdelay $0x3  }
0x59: {  	[tilespmem:s16+$0x12280] =	vst v2  }
0x5a: {  	v2 =	vld.idx.msk [tilespmem:v3+s2+$0x0], $0xffff  }
0x5b: {  	v3 =	vor.u32 $0x17, v1;
	_ =	sdelay $0x3  }
0x5c: {  	[tilespmem:s16+$0x12300] =	vst v2  }
0x5d: {  	v2 =	vld.idx.msk [tilespmem:v3+s2+$0x0], $0xffff  }
0x5e: {  	v3 =	vor.u32 $0x18, v1;
	_ =	sdelay $0x3  }
0x5f: {  	[tilespmem:s16+$0x12380] =	vst v2  }
0x60: {  	v2 =	vld.idx.msk [tilespmem:v3+s2+$0x0], $0xffff  }
0x61: {  	v3 =	vor.u32 $0x19, v1;
	_ =	sdelay $0x3  }
0x62: {  	[tilespmem:s16+$0x13000] =	vst v2  }
0x63: {  	v2 =	vld.idx.msk [tilespmem:v3+s2+$0x0], $0xffff  }
0x64: {  	v3 =	vor.u32 $0x1A, v1;
	_ =	sdelay $0x3  }
0x65: {  	[tilespmem:s16+$0x13080] =	vst v2  }
0x66: {  	v2 =	vld.idx.msk [tilespmem:v3+s2+$0x0], $0xffff  }
0x67: {  	v3 =	vor.u32 $0x1B, v1;
	_ =	sdelay $0x3  }
0x68: {  	[tilespmem:s16+$0x13100] =	vst v2  }
0x69: {  	v2 =	vld.idx.msk [tilespmem:v3+s2+$0x0], $0xffff  }
0x6a: {  	v3 =	vor.u32 $0x1C, v1;
	_ =	sdelay $0x3  }
0x6b: {  	[tilespmem:s16+$0x13180] =	vst v2  }
0x6c: {  	v2 =	vld.idx.msk [tilespmem:v3+s2+$0x0], $0xffff  }
0x6d: {  	v3 =	vor.u32 $0x1D, v1;
	_ =	sdelay $0x3  }
0x6e: {  	[tilespmem:s16+$0x13200] =	vst v2  }
0x6f: {  	v2 =	vld.idx.msk [tilespmem:v3+s2+$0x0], $0xffff  }
0x70: {  	v3 =	vor.u32 $0x1E, v1;
	_ =	sdelay $0x3  }
0x71: {  	[tilespmem:s16+$0x13280] =	vst v2  }
0x72: {  	v2 =	vld.idx.msk [tilespmem:v3+s2+$0x0], $0xffff  }
0x73: {  	v3 =	vor.u32 $0x1F, v1;
	_ =	sdelay $0x3  }
0x74: {  	[tilespmem:s16+$0x13300] =	vst v2  }
0x75: {  	v2 =	vld.idx.msk [tilespmem:v3+s2+$0x0], $0xffff  }
0x76: {  	v3 =	vor.u32 $0x20, v1;
	_ =	sdelay $0x3  }
0x77: {  	[tilespmem:s16+$0x13380] =	vst v2  }
0x78: {  	v2 =	vld.idx.msk [tilespmem:v3+s2+$0x0], $0xffff  }
0x79: {  	v3 =	vor.u32 $0x21, v1;
	_ =	sdelay $0x3  }
0x7a: {  	[tilespmem:s16+$0x14000] =	vst v2  }
0x7b: {  	v2 =	vld.idx.msk [tilespmem:v3+s2+$0x0], $0xffff  }
0x7c: {  	v3 =	vor.u32 $0x22, v1;
	_ =	sdelay $0x3  }
0x7d: {  	[tilespmem:s16+$0x14080] =	vst v2  }
0x7e: {  	v2 =	vld.idx.msk [tilespmem:v3+s2+$0x0], $0xffff  }
0x7f: {  	v3 =	vor.u32 $0x23, v1;
	_ =	sdelay $0x3  }
0x80: {  	[tilespmem:s16+$0x14100] =	vst v2  }
0x81: {  	v2 =	vld.idx.msk [tilespmem:v3+s2+$0x0], $0xffff  }
0x82: {  	v3 =	vor.u32 $0x24, v1;
	_ =	sdelay $0x3  }
0x83: {  	[tilespmem:s16+$0x14180] =	vst v2  }
0x84: {  	v2 =	vld.idx.msk [tilespmem:v3+s2+$0x0], $0xffff  }
0x85: {  	v3 =	vor.u32 $0x25, v1;
	_ =	sdelay $0x3  }
0x86: {  	[tilespmem:s16+$0x14200] =	vst v2  }
0x87: {  	v2 =	vld.idx.msk [tilespmem:v3+s2+$0x0], $0xffff  }
0x88: {  	v3 =	vor.u32 $0x26, v1;
	_ =	sdelay $0x3  }
0x89: {  	[tilespmem:s16+$0x14280] =	vst v2  }
0x8a: {  	v2 =	vld.idx.msk [tilespmem:v3+s2+$0x0], $0xffff  }
0x8b: {  	v3 =	vor.u32 $0x27, v1;
	_ =	sdelay $0x3  }
0x8c: {  	[tilespmem:s16+$0x14300] =	vst v2  }
0x8d: {  	v2 =	vld.idx.msk [tilespmem:v3+s2+$0x0], $0xffff  }
0x8e: {  	v3 =	vor.u32 $0x28, v1;
	_ =	sdelay $0x3  }
0x8f: {  	[tilespmem:s16+$0x14380] =	vst v2  }
0x90: {  	v2 =	vld.idx.msk [tilespmem:v3+s2+$0x0], $0xffff  }
0x91: {  	v3 =	vor.u32 $0x29, v1;
	_ =	sdelay $0x3  }
0x92: {  	[tilespmem:s16+$0x15000] =	vst v2  }
0x93: {  	v2 =	vld.idx.msk [tilespmem:v3+s2+$0x0], $0xffff  }
0x94: {  	v3 =	vor.u32 $0x2A, v1;
	_ =	sdelay $0x3  }
0x95: {  	[tilespmem:s16+$0x15080] =	vst v2  }
0x96: {  	v2 =	vld.idx.msk [tilespmem:v3+s2+$0x0], $0xffff  }
0x97: {  	v3 =	vor.u32 $0x2B, v1;
	_ =	sdelay $0x3  }
0x98: {  	[tilespmem:s16+$0x15100] =	vst v2  }
0x99: {  	v2 =	vld.idx.msk [tilespmem:v3+s2+$0x0], $0xffff  }
0x9a: {  	v3 =	vor.u32 $0x2C, v1;
	_ =	sdelay $0x3  }
0x9b: {  	[tilespmem:s16+$0x15180] =	vst v2  }
0x9c: {  	v2 =	vld.idx.msk [tilespmem:v3+s2+$0x0], $0xffff  }
0x9d: {  	v3 =	vor.u32 $0x2D, v1;
	_ =	sdelay $0x3  }
0x9e: {  	[tilespmem:s16+$0x15200] =	vst v2  }
0x9f: {  	v2 =	vld.idx.msk [tilespmem:v3+s2+$0x0], $0xffff  }
0xa0: {  	v3 =	vor.u32 $0x2E, v1;
	_ =	sdelay $0x3  }
0xa1: {  	[tilespmem:s16+$0x15280] =	vst v2  }
0xa2: {  	v2 =	vld.idx.msk [tilespmem:v3+s2+$0x0], $0xffff  }
0xa3: {  	v3 =	vor.u32 $0x2F, v1;
	_ =	sdelay $0x3  }
0xa4: {  	[tilespmem:s16+$0x15300] =	vst v2  }
0xa5: {  	v2 =	vld.idx.msk [tilespmem:v3+s2+$0x0], $0xffff  }
0xa6: {  	v3 =	vor.u32 $0x30, v1;
	_ =	sdelay $0x3  }
0xa7: {  	[tilespmem:s16+$0x15380] =	vst v2  }
0xa8: {  	v2 =	vld.idx.msk [tilespmem:v3+s2+$0x0], $0xffff  }
0xa9: {  	v3 =	vor.u32 $0x31, v1;
	_ =	sdelay $0x3  }
0xaa: {  	[tilespmem:s16+$0x16000] =	vst v2  }
0xab: {  	v2 =	vld.idx.msk [tilespmem:v3+s2+$0x0], $0xffff  }
0xac: {  	v3 =	vor.u32 $0x32, v1;
	_ =	sdelay $0x3  }
0xad: {  	[tilespmem:s16+$0x16080] =	vst v2  }
0xae: {  	v2 =	vld.idx.msk [tilespmem:v3+s2+$0x0], $0xffff  }
0xaf: {  	v3 =	vor.u32 $0x33, v1;
	_ =	sdelay $0x3  }
0xb0: {  	[tilespmem:s16+$0x16100] =	vst v2  }
0xb1: {  	v2 =	vld.idx.msk [tilespmem:v3+s2+$0x0], $0xffff  }
0xb2: {  	v3 =	vor.u32 $0x34, v1;
	_ =	sdelay $0x3  }
0xb3: {  	[tilespmem:s16+$0x16180] =	vst v2  }
0xb4: {  	v2 =	vld.idx.msk [tilespmem:v3+s2+$0x0], $0xffff  }
0xb5: {  	v3 =	vor.u32 $0x35, v1;
	_ =	sdelay $0x3  }
0xb6: {  	[tilespmem:s16+$0x16200] =	vst v2  }
0xb7: {  	v2 =	vld.idx.msk [tilespmem:v3+s2+$0x0], $0xffff  }
0xb8: {  	v3 =	vor.u32 $0x36, v1;
	_ =	sdelay $0x3  }
0xb9: {  	[tilespmem:s16+$0x16280] =	vst v2  }
0xba: {  	v2 =	vld.idx.msk [tilespmem:v3+s2+$0x0], $0xffff  }
0xbb: {  	v3 =	vor.u32 $0x37, v1;
	_ =	sdelay $0x3  }
0xbc: {  	[tilespmem:s16+$0x16300] =	vst v2  }
0xbd: {  	v2 =	vld.idx.msk [tilespmem:v3+s2+$0x0], $0xffff  }
0xbe: {  	v3 =	vor.u32 $0x38, v1;
	_ =	sdelay $0x3  }
0xbf: {  	[tilespmem:s16+$0x16380] =	vst v2  }
0xc0: {  	v2 =	vld.idx.msk [tilespmem:v3+s2+$0x0], $0xffff  }
0xc1: {  	v3 =	vor.u32 $0x39, v1;
	_ =	sdelay $0x3  }
0xc2: {  	[tilespmem:s16+$0x17000] =	vst v2  }
0xc3: {  	v2 =	vld.idx.msk [tilespmem:v3+s2+$0x0], $0xffff  }
0xc4: {  	v3 =	vor.u32 $0x3A, v1;
	_ =	sdelay $0x3  }
0xc5: {  	[tilespmem:s16+$0x17080] =	vst v2  }
0xc6: {  	v2 =	vld.idx.msk [tilespmem:v3+s2+$0x0], $0xffff  }
0xc7: {  	v3 =	vor.u32 $0x3B, v1;
	_ =	sdelay $0x3  }
0xc8: {  	[tilespmem:s16+$0x17100] =	vst v2  }
0xc9: {  	v2 =	vld.idx.msk [tilespmem:v3+s2+$0x0], $0xffff  }
0xca: {  	v3 =	vor.u32 $0x3C, v1;
	_ =	sdelay $0x3  }
0xcb: {  	[tilespmem:s16+$0x17180] =	vst v2  }
0xcc: {  	v2 =	vld.idx.msk [tilespmem:v3+s2+$0x0], $0xffff  }
0xcd: {  	v3 =	vor.u32 $0x3D, v1;
	_ =	sdelay $0x3  }
0xce: {  	[tilespmem:s16+$0x17200] =	vst v2  }
0xcf: {  	v2 =	vld.idx.msk [tilespmem:v3+s2+$0x0], $0xffff  }
0xd0: {  	v3 =	vor.u32 $0x3E, v1;
	_ =	sdelay $0x3  }
0xd1: {  	[tilespmem:s16+$0x17280] =	vst v2  }
0xd2: {  	v2 =	vld.idx.msk [tilespmem:v3+s2+$0x0], $0xffff  }
0xd3: {  	v3 =	vor.u32 $0x3F, v1;
	_ =	sdelay $0x3  }
0xd4: {  	s17 =	simm.s32 $0x10;
	[tilespmem:s16+$0x17300] =	vst v2  }
0xd5: {  	s19 =	simm.s32 $0x20;
	s18 =	simm.s32 $0x0;
	v1 =	vmov s17;
	v2 =	vld.idx.msk [tilespmem:v3+s2+$0x0], $0xffff  }
.LBB2_2:
0xd6: {  	p0 =	sne.s32 s19, $0x1F0;
	v1 =	vshll.u32 v1, $0x6  }
0xd7: {  	v1 =	vor.u32 v0, v1;
	_ =	sdelay $0x3  }
0xd8: {  	[tilespmem:s16+$0x17380] =	vst v2  }
0xd9: {  	v2 =	vld.idx.msk [tilespmem:v1+s2+$0x0], $0xffff;
	_ =	sdelay $0x1  }
0xda: {  	v3 =	vor.u32 $0x1, v1  }
0xdb: {  	s18 =	sadd.s32 $0x80, s18  }
0xdc: {  	s20 =	sand.u32 $0xC00, s18;
	s16 =	sand.u32 $0x70, s17  }
0xdd: {  	s16 =	sor.u32 s16, s20  }
0xde: {  	[tilespmem:s16+$0x10000] =	vst v2  }
0xdf: {  	v2 =	vld.idx.msk [tilespmem:v3+s2+$0x0], $0xffff;
	_ =	sdelay $0x1  }
0xe0: {  	v3 =	vor.u32 $0x2, v1;
	_ =	sdelay $0x3  }
0xe1: {  	[tilespmem:s16+$0x10080] =	vst v2  }
0xe2: {  	v2 =	vld.idx.msk [tilespmem:v3+s2+$0x0], $0xffff;
	_ =	sdelay $0x1  }
0xe3: {  	v3 =	vor.u32 $0x3, v1;
	_ =	sdelay $0x3  }
0xe4: {  	[tilespmem:s16+$0x10100] =	vst v2  }
0xe5: {  	v2 =	vld.idx.msk [tilespmem:v3+s2+$0x0], $0xffff;
	_ =	sdelay $0x1  }
0xe6: {  	v3 =	vor.u32 $0x4, v1;
	_ =	sdelay $0x3  }
0xe7: {  	[tilespmem:s16+$0x10180] =	vst v2  }
0xe8: {  	v2 =	vld.idx.msk [tilespmem:v3+s2+$0x0], $0xffff;
	_ =	sdelay $0x1  }
0xe9: {  	v3 =	vor.u32 $0x5, v1;
	_ =	sdelay $0x3  }
0xea: {  	[tilespmem:s16+$0x10200] =	vst v2  }
0xeb: {  	v2 =	vld.idx.msk [tilespmem:v3+s2+$0x0], $0xffff;
	_ =	sdelay $0x1  }
0xec: {  	v3 =	vor.u32 $0x6, v1;
	_ =	sdelay $0x3  }
0xed: {  	[tilespmem:s16+$0x10280] =	vst v2  }
0xee: {  	v2 =	vld.idx.msk [tilespmem:v3+s2+$0x0], $0xffff;
	_ =	sdelay $0x1  }
0xef: {  	v3 =	vor.u32 $0x7, v1;
	_ =	sdelay $0x3  }
0xf0: {  	[tilespmem:s16+$0x10300] =	vst v2  }
0xf1: {  	v2 =	vld.idx.msk [tilespmem:v3+s2+$0x0], $0xffff;
	_ =	sdelay $0x1  }
0xf2: {  	v3 =	vor.u32 $0x8, v1;
	_ =	sdelay $0x1  }
0xf3: {  	s20 =	sor.u32 s18, s17;
	s17 =	smov.u32 s19  }
0xf4: {  	s20 =	sor.u32 $0x380, s20  }
0xf5: {  	[tilespmem:s20+$0x10000] =	vst v2  }
0xf6: {  	v2 =	vld.idx.msk [tilespmem:v3+s2+$0x0], $0xffff;
	_ =	sdelay $0x1  }
0xf7: {  	v3 =	vor.u32 $0x9, v1;
	_ =	sdelay $0x3  }
0xf8: {  	[tilespmem:s16+$0x11000] =	vst v2  }
0xf9: {  	v2 =	vld.idx.msk [tilespmem:v3+s2+$0x0], $0xffff;
	_ =	sdelay $0x1  }
0xfa: {  	v3 =	vor.u32 $0xA, v1;
	_ =	sdelay $0x3  }
0xfb: {  	[tilespmem:s16+$0x11080] =	vst v2  }
0xfc: {  	v2 =	vld.idx.msk [tilespmem:v3+s2+$0x0], $0xffff;
	_ =	sdelay $0x1  }
0xfd: {  	v3 =	vor.u32 $0xB, v1;
	_ =	sdelay $0x3  }
0xfe: {  	[tilespmem:s16+$0x11100] =	vst v2  }
0xff: {  	v2 =	vld.idx.msk [tilespmem:v3+s2+$0x0], $0xffff;
	_ =	sdelay $0x1  }
0x100: {  	v3 =	vor.u32 $0xC, v1;
	_ =	sdelay $0x3  }
0x101: {  	[tilespmem:s16+$0x11180] =	vst v2  }
0x102: {  	v2 =	vld.idx.msk [tilespmem:v3+s2+$0x0], $0xffff;
	_ =	sdelay $0x1  }
0x103: {  	v3 =	vor.u32 $0xD, v1;
	_ =	sdelay $0x3  }
0x104: {  	[tilespmem:s16+$0x11200] =	vst v2  }
0x105: {  	v2 =	vld.idx.msk [tilespmem:v3+s2+$0x0], $0xffff;
	_ =	sdelay $0x1  }
0x106: {  	v3 =	vor.u32 $0xE, v1;
	_ =	sdelay $0x3  }
0x107: {  	[tilespmem:s16+$0x11280] =	vst v2  }
0x108: {  	v2 =	vld.idx.msk [tilespmem:v3+s2+$0x0], $0xffff;
	_ =	sdelay $0x1  }
0x109: {  	v3 =	vor.u32 $0xF, v1;
	_ =	sdelay $0x3  }
0x10a: {  	[tilespmem:s16+$0x11300] =	vst v2  }
0x10b: {  	v2 =	vld.idx.msk [tilespmem:v3+s2+$0x0], $0xffff;
	_ =	sdelay $0x1  }
0x10c: {  	v3 =	vor.u32 $0x10, v1;
	_ =	sdelay $0x3  }
0x10d: {  	[tilespmem:s16+$0x11380] =	vst v2  }
0x10e: {  	v2 =	vld.idx.msk [tilespmem:v3+s2+$0x0], $0xffff;
	_ =	sdelay $0x1  }
0x10f: {  	v3 =	vor.u32 $0x11, v1;
	_ =	sdelay $0x3  }
0x110: {  	[tilespmem:s16+$0x12000] =	vst v2  }
0x111: {  	v2 =	vld.idx.msk [tilespmem:v3+s2+$0x0], $0xffff;
	_ =	sdelay $0x1  }
0x112: {  	v3 =	vor.u32 $0x12, v1;
	_ =	sdelay $0x3  }
0x113: {  	[tilespmem:s16+$0x12080] =	vst v2  }
0x114: {  	v2 =	vld.idx.msk [tilespmem:v3+s2+$0x0], $0xffff;
	_ =	sdelay $0x1  }
0x115: {  	v3 =	vor.u32 $0x13, v1;
	_ =	sdelay $0x3  }
0x116: {  	[tilespmem:s16+$0x12100] =	vst v2  }
0x117: {  	v2 =	vld.idx.msk [tilespmem:v3+s2+$0x0], $0xffff;
	_ =	sdelay $0x1  }
0x118: {  	v3 =	vor.u32 $0x14, v1;
	_ =	sdelay $0x3  }
0x119: {  	[tilespmem:s16+$0x12180] =	vst v2  }
0x11a: {  	v2 =	vld.idx.msk [tilespmem:v3+s2+$0x0], $0xffff;
	_ =	sdelay $0x1  }
0x11b: {  	v3 =	vor.u32 $0x15, v1;
	_ =	sdelay $0x3  }
0x11c: {  	[tilespmem:s16+$0x12200] =	vst v2  }
0x11d: {  	v2 =	vld.idx.msk [tilespmem:v3+s2+$0x0], $0xffff;
	_ =	sdelay $0x1  }
0x11e: {  	v3 =	vor.u32 $0x16, v1;
	_ =	sdelay $0x3  }
0x11f: {  	[tilespmem:s16+$0x12280] =	vst v2  }
0x120: {  	v2 =	vld.idx.msk [tilespmem:v3+s2+$0x0], $0xffff;
	_ =	sdelay $0x1  }
0x121: {  	v3 =	vor.u32 $0x17, v1;
	_ =	sdelay $0x3  }
0x122: {  	[tilespmem:s16+$0x12300] =	vst v2  }
0x123: {  	v2 =	vld.idx.msk [tilespmem:v3+s2+$0x0], $0xffff;
	_ =	sdelay $0x1  }
0x124: {  	v3 =	vor.u32 $0x18, v1;
	_ =	sdelay $0x3  }
0x125: {  	[tilespmem:s16+$0x12380] =	vst v2  }
0x126: {  	v2 =	vld.idx.msk [tilespmem:v3+s2+$0x0], $0xffff;
	_ =	sdelay $0x1  }
0x127: {  	v3 =	vor.u32 $0x19, v1;
	_ =	sdelay $0x3  }
0x128: {  	[tilespmem:s16+$0x13000] =	vst v2  }
0x129: {  	v2 =	vld.idx.msk [tilespmem:v3+s2+$0x0], $0xffff;
	_ =	sdelay $0x1  }
0x12a: {  	v3 =	vor.u32 $0x1A, v1;
	_ =	sdelay $0x3  }
0x12b: {  	[tilespmem:s16+$0x13080] =	vst v2  }
0x12c: {  	v2 =	vld.idx.msk [tilespmem:v3+s2+$0x0], $0xffff;
	_ =	sdelay $0x1  }
0x12d: {  	v3 =	vor.u32 $0x1B, v1;
	_ =	sdelay $0x3  }
0x12e: {  	[tilespmem:s16+$0x13100] =	vst v2  }
0x12f: {  	v2 =	vld.idx.msk [tilespmem:v3+s2+$0x0], $0xffff;
	_ =	sdelay $0x1  }
0x130: {  	v3 =	vor.u32 $0x1C, v1;
	_ =	sdelay $0x3  }
0x131: {  	[tilespmem:s16+$0x13180] =	vst v2  }
0x132: {  	v2 =	vld.idx.msk [tilespmem:v3+s2+$0x0], $0xffff;
	_ =	sdelay $0x1  }
0x133: {  	v3 =	vor.u32 $0x1D, v1;
	_ =	sdelay $0x3  }
0x134: {  	[tilespmem:s16+$0x13200] =	vst v2  }
0x135: {  	v2 =	vld.idx.msk [tilespmem:v3+s2+$0x0], $0xffff;
	_ =	sdelay $0x1  }
0x136: {  	v3 =	vor.u32 $0x1E, v1;
	_ =	sdelay $0x3  }
0x137: {  	[tilespmem:s16+$0x13280] =	vst v2  }
0x138: {  	v2 =	vld.idx.msk [tilespmem:v3+s2+$0x0], $0xffff;
	_ =	sdelay $0x1  }
0x139: {  	v3 =	vor.u32 $0x1F, v1;
	_ =	sdelay $0x3  }
0x13a: {  	[tilespmem:s16+$0x13300] =	vst v2  }
0x13b: {  	v2 =	vld.idx.msk [tilespmem:v3+s2+$0x0], $0xffff;
	_ =	sdelay $0x1  }
0x13c: {  	v3 =	vor.u32 $0x20, v1;
	_ =	sdelay $0x3  }
0x13d: {  	[tilespmem:s16+$0x13380] =	vst v2  }
0x13e: {  	v2 =	vld.idx.msk [tilespmem:v3+s2+$0x0], $0xffff;
	_ =	sdelay $0x1  }
0x13f: {  	v3 =	vor.u32 $0x21, v1;
	_ =	sdelay $0x3  }
0x140: {  	[tilespmem:s16+$0x14000] =	vst v2  }
0x141: {  	v2 =	vld.idx.msk [tilespmem:v3+s2+$0x0], $0xffff;
	_ =	sdelay $0x1  }
0x142: {  	v3 =	vor.u32 $0x22, v1;
	_ =	sdelay $0x3  }
0x143: {  	[tilespmem:s16+$0x14080] =	vst v2  }
0x144: {  	v2 =	vld.idx.msk [tilespmem:v3+s2+$0x0], $0xffff;
	_ =	sdelay $0x1  }
0x145: {  	v3 =	vor.u32 $0x23, v1;
	_ =	sdelay $0x3  }
0x146: {  	[tilespmem:s16+$0x14100] =	vst v2  }
0x147: {  	v2 =	vld.idx.msk [tilespmem:v3+s2+$0x0], $0xffff;
	_ =	sdelay $0x1  }
0x148: {  	v3 =	vor.u32 $0x24, v1;
	_ =	sdelay $0x3  }
0x149: {  	[tilespmem:s16+$0x14180] =	vst v2  }
0x14a: {  	v2 =	vld.idx.msk [tilespmem:v3+s2+$0x0], $0xffff;
	_ =	sdelay $0x1  }
0x14b: {  	v3 =	vor.u32 $0x25, v1;
	_ =	sdelay $0x3  }
0x14c: {  	[tilespmem:s16+$0x14200] =	vst v2  }
0x14d: {  	v2 =	vld.idx.msk [tilespmem:v3+s2+$0x0], $0xffff;
	_ =	sdelay $0x1  }
0x14e: {  	v3 =	vor.u32 $0x26, v1;
	_ =	sdelay $0x3  }
0x14f: {  	[tilespmem:s16+$0x14280] =	vst v2  }
0x150: {  	v2 =	vld.idx.msk [tilespmem:v3+s2+$0x0], $0xffff;
	_ =	sdelay $0x1  }
0x151: {  	v3 =	vor.u32 $0x27, v1;
	_ =	sdelay $0x3  }
0x152: {  	[tilespmem:s16+$0x14300] =	vst v2  }
0x153: {  	v2 =	vld.idx.msk [tilespmem:v3+s2+$0x0], $0xffff;
	_ =	sdelay $0x1  }
0x154: {  	v3 =	vor.u32 $0x28, v1;
	_ =	sdelay $0x3  }
0x155: {  	[tilespmem:s16+$0x14380] =	vst v2  }
0x156: {  	v2 =	vld.idx.msk [tilespmem:v3+s2+$0x0], $0xffff;
	_ =	sdelay $0x1  }
0x157: {  	v3 =	vor.u32 $0x29, v1;
	_ =	sdelay $0x3  }
0x158: {  	[tilespmem:s16+$0x15000] =	vst v2  }
0x159: {  	v2 =	vld.idx.msk [tilespmem:v3+s2+$0x0], $0xffff;
	_ =	sdelay $0x1  }
0x15a: {  	v3 =	vor.u32 $0x2A, v1;
	_ =	sdelay $0x3  }
0x15b: {  	[tilespmem:s16+$0x15080] =	vst v2  }
0x15c: {  	v2 =	vld.idx.msk [tilespmem:v3+s2+$0x0], $0xffff;
	_ =	sdelay $0x1  }
0x15d: {  	v3 =	vor.u32 $0x2B, v1;
	_ =	sdelay $0x3  }
0x15e: {  	[tilespmem:s16+$0x15100] =	vst v2  }
0x15f: {  	v2 =	vld.idx.msk [tilespmem:v3+s2+$0x0], $0xffff;
	_ =	sdelay $0x1  }
0x160: {  	v3 =	vor.u32 $0x2C, v1;
	_ =	sdelay $0x3  }
0x161: {  	[tilespmem:s16+$0x15180] =	vst v2  }
0x162: {  	v2 =	vld.idx.msk [tilespmem:v3+s2+$0x0], $0xffff;
	_ =	sdelay $0x1  }
0x163: {  	v3 =	vor.u32 $0x2D, v1;
	_ =	sdelay $0x3  }
0x164: {  	[tilespmem:s16+$0x15200] =	vst v2  }
0x165: {  	v2 =	vld.idx.msk [tilespmem:v3+s2+$0x0], $0xffff;
	_ =	sdelay $0x1  }
0x166: {  	v3 =	vor.u32 $0x2E, v1;
	_ =	sdelay $0x3  }
0x167: {  	[tilespmem:s16+$0x15280] =	vst v2  }
0x168: {  	v2 =	vld.idx.msk [tilespmem:v3+s2+$0x0], $0xffff;
	_ =	sdelay $0x1  }
0x169: {  	v3 =	vor.u32 $0x2F, v1;
	_ =	sdelay $0x3  }
0x16a: {  	[tilespmem:s16+$0x15300] =	vst v2  }
0x16b: {  	v2 =	vld.idx.msk [tilespmem:v3+s2+$0x0], $0xffff;
	_ =	sdelay $0x1  }
0x16c: {  	v3 =	vor.u32 $0x30, v1;
	_ =	sdelay $0x3  }
0x16d: {  	[tilespmem:s16+$0x15380] =	vst v2  }
0x16e: {  	v2 =	vld.idx.msk [tilespmem:v3+s2+$0x0], $0xffff;
	_ =	sdelay $0x1  }
0x16f: {  	v3 =	vor.u32 $0x31, v1;
	_ =	sdelay $0x3  }
0x170: {  	[tilespmem:s16+$0x16000] =	vst v2  }
0x171: {  	v2 =	vld.idx.msk [tilespmem:v3+s2+$0x0], $0xffff;
	_ =	sdelay $0x1  }
0x172: {  	v3 =	vor.u32 $0x32, v1;
	_ =	sdelay $0x3  }
0x173: {  	[tilespmem:s16+$0x16080] =	vst v2  }
0x174: {  	v2 =	vld.idx.msk [tilespmem:v3+s2+$0x0], $0xffff;
	_ =	sdelay $0x1  }
0x175: {  	v3 =	vor.u32 $0x33, v1;
	_ =	sdelay $0x3  }
0x176: {  	[tilespmem:s16+$0x16100] =	vst v2  }
0x177: {  	v2 =	vld.idx.msk [tilespmem:v3+s2+$0x0], $0xffff;
	_ =	sdelay $0x1  }
0x178: {  	v3 =	vor.u32 $0x34, v1;
	_ =	sdelay $0x3  }
0x179: {  	[tilespmem:s16+$0x16180] =	vst v2  }
0x17a: {  	v2 =	vld.idx.msk [tilespmem:v3+s2+$0x0], $0xffff;
	_ =	sdelay $0x1  }
0x17b: {  	v3 =	vor.u32 $0x35, v1;
	_ =	sdelay $0x3  }
0x17c: {  	[tilespmem:s16+$0x16200] =	vst v2  }
0x17d: {  	v2 =	vld.idx.msk [tilespmem:v3+s2+$0x0], $0xffff;
	_ =	sdelay $0x1  }
0x17e: {  	v3 =	vor.u32 $0x36, v1;
	_ =	sdelay $0x3  }
0x17f: {  	[tilespmem:s16+$0x16280] =	vst v2  }
0x180: {  	v2 =	vld.idx.msk [tilespmem:v3+s2+$0x0], $0xffff;
	_ =	sdelay $0x1  }
0x181: {  	v3 =	vor.u32 $0x37, v1;
	_ =	sdelay $0x3  }
0x182: {  	[tilespmem:s16+$0x16300] =	vst v2  }
0x183: {  	v2 =	vld.idx.msk [tilespmem:v3+s2+$0x0], $0xffff;
	_ =	sdelay $0x1  }
0x184: {  	v3 =	vor.u32 $0x38, v1;
	_ =	sdelay $0x3  }
0x185: {  	[tilespmem:s16+$0x16380] =	vst v2  }
0x186: {  	v2 =	vld.idx.msk [tilespmem:v3+s2+$0x0], $0xffff;
	_ =	sdelay $0x1  }
0x187: {  	v3 =	vor.u32 $0x39, v1;
	_ =	sdelay $0x3  }
0x188: {  	[tilespmem:s16+$0x17000] =	vst v2  }
0x189: {  	v2 =	vld.idx.msk [tilespmem:v3+s2+$0x0], $0xffff;
	_ =	sdelay $0x1  }
0x18a: {  	v3 =	vor.u32 $0x3A, v1;
	_ =	sdelay $0x3  }
0x18b: {  	[tilespmem:s16+$0x17080] =	vst v2  }
0x18c: {  	v2 =	vld.idx.msk [tilespmem:v3+s2+$0x0], $0xffff;
	_ =	sdelay $0x1  }
0x18d: {  	v3 =	vor.u32 $0x3B, v1;
	_ =	sdelay $0x3  }
0x18e: {  	[tilespmem:s16+$0x17100] =	vst v2  }
0x18f: {  	v2 =	vld.idx.msk [tilespmem:v3+s2+$0x0], $0xffff;
	_ =	sdelay $0x1  }
0x190: {  	v3 =	vor.u32 $0x3C, v1;
	_ =	sdelay $0x3  }
0x191: {  	[tilespmem:s16+$0x17180] =	vst v2  }
0x192: {  	v2 =	vld.idx.msk [tilespmem:v3+s2+$0x0], $0xffff;
	_ =	sdelay $0x1  }
0x193: {  	v3 =	vor.u32 $0x3D, v1;
	_ =	sdelay $0x3  }
0x194: {  	[tilespmem:s16+$0x17200] =	vst v2  }
0x195: {  	v2 =	vld.idx.msk [tilespmem:v3+s2+$0x0], $0xffff;
	_ =	sdelay $0x1  }
0x196: {  	v3 =	vor.u32 $0x3E, v1;
	_ =	sdelay $0x3  }
0x197: {  	[tilespmem:s16+$0x17280] =	vst v2  }
0x198: {  	v2 =	vld.idx.msk [tilespmem:v3+s2+$0x0], $0xffff;
	_ =	sdelay $0x1  }
0x199: {  	v3 =	vor.u32 $0x3F, v1  }
.Ltmp0:
0x19a: {  	(pc) =	sbr.rel @p0 .LBB2_2-.Ltmp0, $3  }
0x19b: {  	_ =	sdelay $0x1  }
0x19c: {  	[tilespmem:s16+$0x17300] =	vst v2  }
0x19d: {  	s19 =	sadd.s32 $0x10, s19;
	v1 =	vmov s17;
	v2 =	vld.idx.msk [tilespmem:v3+s2+$0x0], $0xffff  }
0x19e: {  	v1 =	vshll.u32 v1, $0x6  }
0x19f: {  	v1 =	vor.u32 v0, v1;
	_ =	sdelay $0x3  }
0x1a0: {  	[tilespmem:s16+$0x17380] =	vst v2  }
0x1a1: {  	v2 =	vld.idx.msk [tilespmem:v1+s2+$0x0], $0xffff  }
0x1a2: {  	v3 =	vor.u32 $0x1, v1  }
0x1a3: {  	s18 =	sadd.s32 $0x80, s18  }
0x1a4: {  	s26 =	sand.u32 $0x70, s17;
	s19 =	sand.u32 $0xC00, s18  }
0x1a5: {  	s16 =	sor.u32 s26, s19  }
0x1a6: {  	[tilespmem:s16+$0x10000] =	vst v2  }
0x1a7: {  	v2 =	vld.idx.msk [tilespmem:v3+s2+$0x0], $0xffff  }
0x1a8: {  	v3 =	vor.u32 $0x2, v1;
	_ =	sdelay $0x3  }
0x1a9: {  	[tilespmem:s16+$0x10080] =	vst v2  }
0x1aa: {  	v2 =	vld.idx.msk [tilespmem:v3+s2+$0x0], $0xffff  }
0x1ab: {  	v3 =	vor.u32 $0x3, v1;
	_ =	sdelay $0x3  }
0x1ac: {  	[tilespmem:s16+$0x10100] =	vst v2  }
0x1ad: {  	v2 =	vld.idx.msk [tilespmem:v3+s2+$0x0], $0xffff  }
0x1ae: {  	v3 =	vor.u32 $0x4, v1;
	_ =	sdelay $0x3  }
0x1af: {  	[tilespmem:s16+$0x10180] =	vst v2  }
0x1b0: {  	v2 =	vld.idx.msk [tilespmem:v3+s2+$0x0], $0xffff  }
0x1b1: {  	v3 =	vor.u32 $0x5, v1;
	_ =	sdelay $0x3  }
0x1b2: {  	[tilespmem:s16+$0x10200] =	vst v2  }
0x1b3: {  	v2 =	vld.idx.msk [tilespmem:v3+s2+$0x0], $0xffff  }
0x1b4: {  	v3 =	vor.u32 $0x6, v1;
	_ =	sdelay $0x3  }
0x1b5: {  	[tilespmem:s16+$0x10280] =	vst v2  }
0x1b6: {  	v2 =	vld.idx.msk [tilespmem:v3+s2+$0x0], $0xffff  }
0x1b7: {  	v3 =	vor.u32 $0x7, v1;
	_ =	sdelay $0x3  }
0x1b8: {  	[tilespmem:s16+$0x10300] =	vst v2  }
0x1b9: {  	v2 =	vld.idx.msk [tilespmem:v3+s2+$0x0], $0xffff  }
0x1ba: {  	v3 =	vor.u32 $0x8, v1;
	_ =	sdelay $0x1  }
0x1bb: {  	s28 =	sor.u32 s18, s17  }
0x1bc: {  	s17 =	sor.u32 $0x380, s28  }
0x1bd: {  	[tilespmem:s17+$0x10000] =	vst v2  }
0x1be: {  	v2 =	vld.idx.msk [tilespmem:v3+s2+$0x0], $0xffff  }
0x1bf: {  	v3 =	vor.u32 $0x9, v1;
	_ =	sdelay $0x3  }
0x1c0: {  	[tilespmem:s16+$0x11000] =	vst v2  }
0x1c1: {  	v2 =	vld.idx.msk [tilespmem:v3+s2+$0x0], $0xffff  }
0x1c2: {  	v3 =	vor.u32 $0xA, v1;
	_ =	sdelay $0x3  }
0x1c3: {  	[tilespmem:s16+$0x11080] =	vst v2  }
0x1c4: {  	v2 =	vld.idx.msk [tilespmem:v3+s2+$0x0], $0xffff  }
0x1c5: {  	v3 =	vor.u32 $0xB, v1;
	_ =	sdelay $0x3  }
0x1c6: {  	[tilespmem:s16+$0x11100] =	vst v2  }
0x1c7: {  	v2 =	vld.idx.msk [tilespmem:v3+s2+$0x0], $0xffff  }
0x1c8: {  	v3 =	vor.u32 $0xC, v1;
	_ =	sdelay $0x3  }
0x1c9: {  	[tilespmem:s16+$0x11180] =	vst v2  }
0x1ca: {  	v2 =	vld.idx.msk [tilespmem:v3+s2+$0x0], $0xffff  }
0x1cb: {  	v3 =	vor.u32 $0xD, v1;
	_ =	sdelay $0x3  }
0x1cc: {  	[tilespmem:s16+$0x11200] =	vst v2  }
0x1cd: {  	v2 =	vld.idx.msk [tilespmem:v3+s2+$0x0], $0xffff  }
0x1ce: {  	v3 =	vor.u32 $0xE, v1;
	_ =	sdelay $0x3  }
0x1cf: {  	[tilespmem:s16+$0x11280] =	vst v2  }
0x1d0: {  	v2 =	vld.idx.msk [tilespmem:v3+s2+$0x0], $0xffff  }
0x1d1: {  	v3 =	vor.u32 $0xF, v1;
	_ =	sdelay $0x3  }
0x1d2: {  	[tilespmem:s16+$0x11300] =	vst v2  }
0x1d3: {  	v2 =	vld.idx.msk [tilespmem:v3+s2+$0x0], $0xffff  }
0x1d4: {  	v3 =	vor.u32 $0x10, v1;
	_ =	sdelay $0x3  }
0x1d5: {  	[tilespmem:s16+$0x11380] =	vst v2  }
0x1d6: {  	v2 =	vld.idx.msk [tilespmem:v3+s2+$0x0], $0xffff  }
0x1d7: {  	v3 =	vor.u32 $0x11, v1;
	_ =	sdelay $0x3  }
0x1d8: {  	[tilespmem:s16+$0x12000] =	vst v2  }
0x1d9: {  	v2 =	vld.idx.msk [tilespmem:v3+s2+$0x0], $0xffff  }
0x1da: {  	v3 =	vor.u32 $0x12, v1;
	_ =	sdelay $0x3  }
0x1db: {  	[tilespmem:s16+$0x12080] =	vst v2  }
0x1dc: {  	v2 =	vld.idx.msk [tilespmem:v3+s2+$0x0], $0xffff  }
0x1dd: {  	v3 =	vor.u32 $0x13, v1;
	_ =	sdelay $0x3  }
0x1de: {  	[tilespmem:s16+$0x12100] =	vst v2  }
0x1df: {  	v2 =	vld.idx.msk [tilespmem:v3+s2+$0x0], $0xffff  }
0x1e0: {  	v3 =	vor.u32 $0x14, v1;
	_ =	sdelay $0x3  }
0x1e1: {  	[tilespmem:s16+$0x12180] =	vst v2  }
0x1e2: {  	v2 =	vld.idx.msk [tilespmem:v3+s2+$0x0], $0xffff  }
0x1e3: {  	v3 =	vor.u32 $0x15, v1;
	_ =	sdelay $0x3  }
0x1e4: {  	[tilespmem:s16+$0x12200] =	vst v2  }
0x1e5: {  	v2 =	vld.idx.msk [tilespmem:v3+s2+$0x0], $0xffff  }
0x1e6: {  	v3 =	vor.u32 $0x16, v1;
	_ =	sdelay $0x3  }
0x1e7: {  	[tilespmem:s16+$0x12280] =	vst v2  }
0x1e8: {  	v2 =	vld.idx.msk [tilespmem:v3+s2+$0x0], $0xffff  }
0x1e9: {  	v3 =	vor.u32 $0x17, v1;
	_ =	sdelay $0x3  }
0x1ea: {  	[tilespmem:s16+$0x12300] =	vst v2  }
0x1eb: {  	v2 =	vld.idx.msk [tilespmem:v3+s2+$0x0], $0xffff  }
0x1ec: {  	v3 =	vor.u32 $0x18, v1;
	_ =	sdelay $0x3  }
0x1ed: {  	[tilespmem:s16+$0x12380] =	vst v2  }
0x1ee: {  	v2 =	vld.idx.msk [tilespmem:v3+s2+$0x0], $0xffff  }
0x1ef: {  	v3 =	vor.u32 $0x19, v1;
	_ =	sdelay $0x3  }
0x1f0: {  	[tilespmem:s16+$0x13000] =	vst v2  }
0x1f1: {  	v2 =	vld.idx.msk [tilespmem:v3+s2+$0x0], $0xffff  }
0x1f2: {  	v3 =	vor.u32 $0x1A, v1;
	_ =	sdelay $0x3  }
0x1f3: {  	[tilespmem:s16+$0x13080] =	vst v2  }
0x1f4: {  	v2 =	vld.idx.msk [tilespmem:v3+s2+$0x0], $0xffff  }
0x1f5: {  	v3 =	vor.u32 $0x1B, v1;
	_ =	sdelay $0x3  }
0x1f6: {  	[tilespmem:s16+$0x13100] =	vst v2  }
0x1f7: {  	v2 =	vld.idx.msk [tilespmem:v3+s2+$0x0], $0xffff  }
0x1f8: {  	v3 =	vor.u32 $0x1C, v1;
	_ =	sdelay $0x3  }
0x1f9: {  	[tilespmem:s16+$0x13180] =	vst v2  }
0x1fa: {  	v2 =	vld.idx.msk [tilespmem:v3+s2+$0x0], $0xffff  }
0x1fb: {  	v3 =	vor.u32 $0x1D, v1;
	_ =	sdelay $0x3  }
0x1fc: {  	[tilespmem:s16+$0x13200] =	vst v2  }
0x1fd: {  	v2 =	vld.idx.msk [tilespmem:v3+s2+$0x0], $0xffff  }
0x1fe: {  	v3 =	vor.u32 $0x1E, v1;
	_ =	sdelay $0x3  }
0x1ff: {  	[tilespmem:s16+$0x13280] =	vst v2  }
0x200: {  	v2 =	vld.idx.msk [tilespmem:v3+s2+$0x0], $0xffff  }
0x201: {  	v3 =	vor.u32 $0x1F, v1;
	_ =	sdelay $0x3  }
0x202: {  	[tilespmem:s16+$0x13300] =	vst v2  }
0x203: {  	v2 =	vld.idx.msk [tilespmem:v3+s2+$0x0], $0xffff  }
0x204: {  	v3 =	vor.u32 $0x20, v1;
	_ =	sdelay $0x3  }
0x205: {  	[tilespmem:s16+$0x13380] =	vst v2  }
0x206: {  	v2 =	vld.idx.msk [tilespmem:v3+s2+$0x0], $0xffff  }
0x207: {  	v3 =	vor.u32 $0x21, v1;
	_ =	sdelay $0x3  }
0x208: {  	[tilespmem:s16+$0x14000] =	vst v2  }
0x209: {  	v2 =	vld.idx.msk [tilespmem:v3+s2+$0x0], $0xffff  }
0x20a: {  	v3 =	vor.u32 $0x22, v1;
	_ =	sdelay $0x3  }
0x20b: {  	[tilespmem:s16+$0x14080] =	vst v2  }
0x20c: {  	v2 =	vld.idx.msk [tilespmem:v3+s2+$0x0], $0xffff  }
0x20d: {  	v3 =	vor.u32 $0x23, v1;
	_ =	sdelay $0x3  }
0x20e: {  	[tilespmem:s16+$0x14100] =	vst v2  }
0x20f: {  	v2 =	vld.idx.msk [tilespmem:v3+s2+$0x0], $0xffff  }
0x210: {  	v3 =	vor.u32 $0x24, v1;
	_ =	sdelay $0x3  }
0x211: {  	[tilespmem:s16+$0x14180] =	vst v2  }
0x212: {  	v2 =	vld.idx.msk [tilespmem:v3+s2+$0x0], $0xffff  }
0x213: {  	v3 =	vor.u32 $0x25, v1;
	_ =	sdelay $0x3  }
0x214: {  	[tilespmem:s16+$0x14200] =	vst v2  }
0x215: {  	v2 =	vld.idx.msk [tilespmem:v3+s2+$0x0], $0xffff  }
0x216: {  	v3 =	vor.u32 $0x26, v1;
	_ =	sdelay $0x3  }
0x217: {  	[tilespmem:s16+$0x14280] =	vst v2  }
0x218: {  	v2 =	vld.idx.msk [tilespmem:v3+s2+$0x0], $0xffff  }
0x219: {  	v3 =	vor.u32 $0x27, v1;
	_ =	sdelay $0x3  }
0x21a: {  	[tilespmem:s16+$0x14300] =	vst v2  }
0x21b: {  	v2 =	vld.idx.msk [tilespmem:v3+s2+$0x0], $0xffff  }
0x21c: {  	v3 =	vor.u32 $0x28, v1;
	_ =	sdelay $0x3  }
0x21d: {  	[tilespmem:s16+$0x14380] =	vst v2  }
0x21e: {  	v2 =	vld.idx.msk [tilespmem:v3+s2+$0x0], $0xffff  }
0x21f: {  	v3 =	vor.u32 $0x29, v1;
	_ =	sdelay $0x3  }
0x220: {  	[tilespmem:s16+$0x15000] =	vst v2  }
0x221: {  	v2 =	vld.idx.msk [tilespmem:v3+s2+$0x0], $0xffff  }
0x222: {  	v3 =	vor.u32 $0x2A, v1;
	_ =	sdelay $0x3  }
0x223: {  	[tilespmem:s16+$0x15080] =	vst v2  }
0x224: {  	v2 =	vld.idx.msk [tilespmem:v3+s2+$0x0], $0xffff  }
0x225: {  	v3 =	vor.u32 $0x2B, v1;
	_ =	sdelay $0x3  }
0x226: {  	[tilespmem:s16+$0x15100] =	vst v2  }
0x227: {  	v2 =	vld.idx.msk [tilespmem:v3+s2+$0x0], $0xffff  }
0x228: {  	v3 =	vor.u32 $0x2C, v1;
	_ =	sdelay $0x3  }
0x229: {  	[tilespmem:s16+$0x15180] =	vst v2  }
0x22a: {  	v2 =	vld.idx.msk [tilespmem:v3+s2+$0x0], $0xffff  }
0x22b: {  	v3 =	vor.u32 $0x2D, v1;
	_ =	sdelay $0x3  }
0x22c: {  	[tilespmem:s16+$0x15200] =	vst v2  }
0x22d: {  	v2 =	vld.idx.msk [tilespmem:v3+s2+$0x0], $0xffff  }
0x22e: {  	v3 =	vor.u32 $0x2E, v1;
	_ =	sdelay $0x3  }
0x22f: {  	[tilespmem:s16+$0x15280] =	vst v2  }
0x230: {  	v2 =	vld.idx.msk [tilespmem:v3+s2+$0x0], $0xffff  }
0x231: {  	v3 =	vor.u32 $0x2F, v1;
	_ =	sdelay $0x3  }
0x232: {  	[tilespmem:s16+$0x15300] =	vst v2  }
0x233: {  	v2 =	vld.idx.msk [tilespmem:v3+s2+$0x0], $0xffff  }
0x234: {  	v3 =	vor.u32 $0x30, v1;
	_ =	sdelay $0x3  }
0x235: {  	[tilespmem:s16+$0x15380] =	vst v2  }
0x236: {  	v2 =	vld.idx.msk [tilespmem:v3+s2+$0x0], $0xffff  }
0x237: {  	v3 =	vor.u32 $0x31, v1;
	_ =	sdelay $0x3  }
0x238: {  	[tilespmem:s16+$0x16000] =	vst v2  }
0x239: {  	v2 =	vld.idx.msk [tilespmem:v3+s2+$0x0], $0xffff  }
0x23a: {  	v3 =	vor.u32 $0x32, v1;
	_ =	sdelay $0x3  }
0x23b: {  	[tilespmem:s16+$0x16080] =	vst v2  }
0x23c: {  	v2 =	vld.idx.msk [tilespmem:v3+s2+$0x0], $0xffff  }
0x23d: {  	v3 =	vor.u32 $0x33, v1;
	_ =	sdelay $0x3  }
0x23e: {  	[tilespmem:s16+$0x16100] =	vst v2  }
0x23f: {  	v2 =	vld.idx.msk [tilespmem:v3+s2+$0x0], $0xffff  }
0x240: {  	v3 =	vor.u32 $0x34, v1;
	_ =	sdelay $0x3  }
0x241: {  	[tilespmem:s16+$0x16180] =	vst v2  }
0x242: {  	v2 =	vld.idx.msk [tilespmem:v3+s2+$0x0], $0xffff  }
0x243: {  	v3 =	vor.u32 $0x35, v1;
	_ =	sdelay $0x3  }
0x244: {  	[tilespmem:s16+$0x16200] =	vst v2  }
0x245: {  	v2 =	vld.idx.msk [tilespmem:v3+s2+$0x0], $0xffff  }
0x246: {  	v3 =	vor.u32 $0x36, v1;
	_ =	sdelay $0x3  }
0x247: {  	[tilespmem:s16+$0x16280] =	vst v2  }
0x248: {  	v2 =	vld.idx.msk [tilespmem:v3+s2+$0x0], $0xffff  }
0x249: {  	v3 =	vor.u32 $0x37, v1;
	_ =	sdelay $0x3  }
0x24a: {  	[tilespmem:s16+$0x16300] =	vst v2  }
0x24b: {  	v2 =	vld.idx.msk [tilespmem:v3+s2+$0x0], $0xffff  }
0x24c: {  	v3 =	vor.u32 $0x38, v1;
	_ =	sdelay $0x3  }
0x24d: {  	[tilespmem:s16+$0x16380] =	vst v2  }
0x24e: {  	v2 =	vld.idx.msk [tilespmem:v3+s2+$0x0], $0xffff  }
0x24f: {  	v3 =	vor.u32 $0x39, v1;
	_ =	sdelay $0x3  }
0x250: {  	[tilespmem:s16+$0x17000] =	vst v2  }
0x251: {  	v2 =	vld.idx.msk [tilespmem:v3+s2+$0x0], $0xffff  }
0x252: {  	v3 =	vor.u32 $0x3A, v1;
	_ =	sdelay $0x3  }
0x253: {  	[tilespmem:s16+$0x17080] =	vst v2  }
0x254: {  	v2 =	vld.idx.msk [tilespmem:v3+s2+$0x0], $0xffff  }
0x255: {  	v3 =	vor.u32 $0x3B, v1;
	_ =	sdelay $0x3  }
0x256: {  	[tilespmem:s16+$0x17100] =	vst v2  }
0x257: {  	v2 =	vld.idx.msk [tilespmem:v3+s2+$0x0], $0xffff  }
0x258: {  	v3 =	vor.u32 $0x3C, v1;
	_ =	sdelay $0x3  }
0x259: {  	[tilespmem:s16+$0x17180] =	vst v2  }
0x25a: {  	v2 =	vld.idx.msk [tilespmem:v3+s2+$0x0], $0xffff  }
0x25b: {  	v3 =	vor.u32 $0x3D, v1;
	_ =	sdelay $0x3  }
0x25c: {  	[tilespmem:s16+$0x17200] =	vst v2  }
0x25d: {  	v2 =	vld.idx.msk [tilespmem:v3+s2+$0x0], $0xffff  }
0x25e: {  	v3 =	vor.u32 $0x3E, v1;
	_ =	sdelay $0x3  }
0x25f: {  	[tilespmem:s16+$0x17280] =	vst v2  }
0x260: {  	v2 =	vld.idx.msk [tilespmem:v3+s2+$0x0], $0xffff  }
0x261: {  	v1 =	vor.u32 $0x3F, v1;
	_ =	sdelay $0x3  }
0x262: {  	[tilespmem:s16+$0x17300] =	vst v2  }
0x263: {  	v1 =	vld.idx.msk [tilespmem:v1+s2+$0x0], $0xffff;
	_ =	sdelay $0x4  }
0x264: {  	[tilespmem:s16+$0x17380] =	vst v1;
	s16 =	simm.s32 $0x0  }
0x265: {  	[hbm4b:s5+s10] =	stream.strided.scatter [tilespmem:s12], [sflag:$0x3], $0x8000, s11, s10, $0x38;
	v1 =	vmov s16;
	[tilespmem:$0x18000] =	vst v63  }
0x266: {  	_ =	swait.ge [sflag:s13], $0x8000;
	v1 =	vshll.u32 v1, $0x6  }
0x267: {  	[sflag:s13] =	ssyncset.done $0x0;
	v1 =	vor.u32 v0, v1  }
0x268: {  	[sflag:s13] =	ssyncadd.s32 $0xFFFF8000  }
0x269: {  	_ =	swait.ge [sflag:s14], $0x8000  }
0x26a: {  	[sflag:s14] =	ssyncset.done $0x0  }
0x26b: {  	[sflag:s14] =	ssyncadd.s32 $0xFFFF8000  }
0x26c: {  	v2 =	vld.idx.msk [tilespmem:v1+s8+$0x0], $0xffff  }
0x26d: {  	v3 =	vor.u32 $0x1, v1;
	_ =	sdelay $0x1  }
0x26e: {  	s29 =	sand.u32 $0x70, s16;
	s30 =	sand.u32 $0xC00, s16  }
0x26f: {  	s17 =	sor.u32 s29, s30  }
0x270: {  	[tilespmem:s17+$0x10000] =	vst v2  }
0x271: {  	v2 =	vld.idx.msk [tilespmem:v3+s8+$0x0], $0xffff  }
0x272: {  	v3 =	vor.u32 $0x2, v1;
	_ =	sdelay $0x3  }
0x273: {  	[tilespmem:s17+$0x10080] =	vst v2  }
0x274: {  	v2 =	vld.idx.msk [tilespmem:v3+s8+$0x0], $0xffff  }
0x275: {  	v3 =	vor.u32 $0x3, v1;
	_ =	sdelay $0x3  }
0x276: {  	[tilespmem:s17+$0x10100] =	vst v2  }
0x277: {  	v2 =	vld.idx.msk [tilespmem:v3+s8+$0x0], $0xffff  }
0x278: {  	v3 =	vor.u32 $0x4, v1;
	_ =	sdelay $0x3  }
0x279: {  	[tilespmem:s17+$0x10180] =	vst v2  }
0x27a: {  	v2 =	vld.idx.msk [tilespmem:v3+s8+$0x0], $0xffff  }
0x27b: {  	v3 =	vor.u32 $0x5, v1;
	_ =	sdelay $0x3  }
0x27c: {  	[tilespmem:s17+$0x10200] =	vst v2  }
0x27d: {  	v2 =	vld.idx.msk [tilespmem:v3+s8+$0x0], $0xffff  }
0x27e: {  	v3 =	vor.u32 $0x6, v1;
	_ =	sdelay $0x3  }
0x27f: {  	[tilespmem:s17+$0x10280] =	vst v2  }
0x280: {  	v2 =	vld.idx.msk [tilespmem:v3+s8+$0x0], $0xffff  }
0x281: {  	v3 =	vor.u32 $0x7, v1;
	_ =	sdelay $0x3  }
0x282: {  	[tilespmem:s17+$0x10300] =	vst v2  }
0x283: {  	v2 =	vld.idx.msk [tilespmem:v3+s8+$0x0], $0xffff  }
0x284: {  	v3 =	vor.u32 $0x8, v1;
	_ =	sdelay $0x1  }
0x285: {  	s31 =	sor.u32 s16, s16  }
0x286: {  	s18 =	sor.u32 $0x380, s31  }
0x287: {  	[tilespmem:s18+$0x10000] =	vst v2  }
0x288: {  	v2 =	vld.idx.msk [tilespmem:v3+s8+$0x0], $0xffff  }
0x289: {  	v3 =	vor.u32 $0x9, v1;
	_ =	sdelay $0x3  }
0x28a: {  	[tilespmem:s17+$0x11000] =	vst v2  }
0x28b: {  	v2 =	vld.idx.msk [tilespmem:v3+s8+$0x0], $0xffff  }
0x28c: {  	v3 =	vor.u32 $0xA, v1;
	_ =	sdelay $0x3  }
0x28d: {  	[tilespmem:s17+$0x11080] =	vst v2  }
0x28e: {  	v2 =	vld.idx.msk [tilespmem:v3+s8+$0x0], $0xffff  }
0x28f: {  	v3 =	vor.u32 $0xB, v1;
	_ =	sdelay $0x3  }
0x290: {  	[tilespmem:s17+$0x11100] =	vst v2  }
0x291: {  	v2 =	vld.idx.msk [tilespmem:v3+s8+$0x0], $0xffff  }
0x292: {  	v3 =	vor.u32 $0xC, v1;
	_ =	sdelay $0x3  }
0x293: {  	[tilespmem:s17+$0x11180] =	vst v2  }
0x294: {  	v2 =	vld.idx.msk [tilespmem:v3+s8+$0x0], $0xffff  }
0x295: {  	v3 =	vor.u32 $0xD, v1;
	_ =	sdelay $0x3  }
0x296: {  	[tilespmem:s17+$0x11200] =	vst v2  }
0x297: {  	v2 =	vld.idx.msk [tilespmem:v3+s8+$0x0], $0xffff  }
0x298: {  	v3 =	vor.u32 $0xE, v1;
	_ =	sdelay $0x3  }
0x299: {  	[tilespmem:s17+$0x11280] =	vst v2  }
0x29a: {  	v2 =	vld.idx.msk [tilespmem:v3+s8+$0x0], $0xffff  }
0x29b: {  	v3 =	vor.u32 $0xF, v1;
	_ =	sdelay $0x3  }
0x29c: {  	[tilespmem:s17+$0x11300] =	vst v2  }
0x29d: {  	v2 =	vld.idx.msk [tilespmem:v3+s8+$0x0], $0xffff  }
0x29e: {  	v3 =	vor.u32 $0x10, v1;
	_ =	sdelay $0x3  }
0x29f: {  	[tilespmem:s17+$0x11380] =	vst v2  }
0x2a0: {  	v2 =	vld.idx.msk [tilespmem:v3+s8+$0x0], $0xffff  }
0x2a1: {  	v3 =	vor.u32 $0x11, v1;
	_ =	sdelay $0x3  }
0x2a2: {  	[tilespmem:s17+$0x12000] =	vst v2  }
0x2a3: {  	v2 =	vld.idx.msk [tilespmem:v3+s8+$0x0], $0xffff  }
0x2a4: {  	v3 =	vor.u32 $0x12, v1;
	_ =	sdelay $0x3  }
0x2a5: {  	[tilespmem:s17+$0x12080] =	vst v2  }
0x2a6: {  	v2 =	vld.idx.msk [tilespmem:v3+s8+$0x0], $0xffff  }
0x2a7: {  	v3 =	vor.u32 $0x13, v1;
	_ =	sdelay $0x3  }
0x2a8: {  	[tilespmem:s17+$0x12100] =	vst v2  }
0x2a9: {  	v2 =	vld.idx.msk [tilespmem:v3+s8+$0x0], $0xffff  }
0x2aa: {  	v3 =	vor.u32 $0x14, v1;
	_ =	sdelay $0x3  }
0x2ab: {  	[tilespmem:s17+$0x12180] =	vst v2  }
0x2ac: {  	v2 =	vld.idx.msk [tilespmem:v3+s8+$0x0], $0xffff  }
0x2ad: {  	v3 =	vor.u32 $0x15, v1;
	_ =	sdelay $0x3  }
0x2ae: {  	[tilespmem:s17+$0x12200] =	vst v2  }
0x2af: {  	v2 =	vld.idx.msk [tilespmem:v3+s8+$0x0], $0xffff  }
0x2b0: {  	v3 =	vor.u32 $0x16, v1;
	_ =	sdelay $0x3  }
0x2b1: {  	[tilespmem:s17+$0x12280] =	vst v2  }
0x2b2: {  	v2 =	vld.idx.msk [tilespmem:v3+s8+$0x0], $0xffff  }
0x2b3: {  	v3 =	vor.u32 $0x17, v1;
	_ =	sdelay $0x3  }
0x2b4: {  	[tilespmem:s17+$0x12300] =	vst v2  }
0x2b5: {  	v2 =	vld.idx.msk [tilespmem:v3+s8+$0x0], $0xffff  }
0x2b6: {  	v3 =	vor.u32 $0x18, v1;
	_ =	sdelay $0x3  }
0x2b7: {  	[tilespmem:s17+$0x12380] =	vst v2  }
0x2b8: {  	v2 =	vld.idx.msk [tilespmem:v3+s8+$0x0], $0xffff  }
0x2b9: {  	v3 =	vor.u32 $0x19, v1;
	_ =	sdelay $0x3  }
0x2ba: {  	[tilespmem:s17+$0x13000] =	vst v2  }
0x2bb: {  	v2 =	vld.idx.msk [tilespmem:v3+s8+$0x0], $0xffff  }
0x2bc: {  	v3 =	vor.u32 $0x1A, v1;
	_ =	sdelay $0x3  }
0x2bd: {  	[tilespmem:s17+$0x13080] =	vst v2  }
0x2be: {  	v2 =	vld.idx.msk [tilespmem:v3+s8+$0x0], $0xffff  }
0x2bf: {  	v3 =	vor.u32 $0x1B, v1;
	_ =	sdelay $0x3  }
0x2c0: {  	[tilespmem:s17+$0x13100] =	vst v2  }
0x2c1: {  	v2 =	vld.idx.msk [tilespmem:v3+s8+$0x0], $0xffff  }
0x2c2: {  	v3 =	vor.u32 $0x1C, v1;
	_ =	sdelay $0x3  }
0x2c3: {  	[tilespmem:s17+$0x13180] =	vst v2  }
0x2c4: {  	v2 =	vld.idx.msk [tilespmem:v3+s8+$0x0], $0xffff  }
0x2c5: {  	v3 =	vor.u32 $0x1D, v1;
	_ =	sdelay $0x3  }
0x2c6: {  	[tilespmem:s17+$0x13200] =	vst v2  }
0x2c7: {  	v2 =	vld.idx.msk [tilespmem:v3+s8+$0x0], $0xffff  }
0x2c8: {  	v3 =	vor.u32 $0x1E, v1;
	_ =	sdelay $0x3  }
0x2c9: {  	[tilespmem:s17+$0x13280] =	vst v2  }
0x2ca: {  	v2 =	vld.idx.msk [tilespmem:v3+s8+$0x0], $0xffff  }
0x2cb: {  	v3 =	vor.u32 $0x1F, v1;
	_ =	sdelay $0x3  }
0x2cc: {  	[tilespmem:s17+$0x13300] =	vst v2  }
0x2cd: {  	v2 =	vld.idx.msk [tilespmem:v3+s8+$0x0], $0xffff  }
0x2ce: {  	v3 =	vor.u32 $0x20, v1;
	_ =	sdelay $0x3  }
0x2cf: {  	[tilespmem:s17+$0x13380] =	vst v2  }
0x2d0: {  	v2 =	vld.idx.msk [tilespmem:v3+s8+$0x0], $0xffff  }
0x2d1: {  	v3 =	vor.u32 $0x21, v1;
	_ =	sdelay $0x3  }
0x2d2: {  	[tilespmem:s17+$0x14000] =	vst v2  }
0x2d3: {  	v2 =	vld.idx.msk [tilespmem:v3+s8+$0x0], $0xffff  }
0x2d4: {  	v3 =	vor.u32 $0x22, v1;
	_ =	sdelay $0x3  }
0x2d5: {  	[tilespmem:s17+$0x14080] =	vst v2  }
0x2d6: {  	v2 =	vld.idx.msk [tilespmem:v3+s8+$0x0], $0xffff  }
0x2d7: {  	v3 =	vor.u32 $0x23, v1;
	_ =	sdelay $0x3  }
0x2d8: {  	[tilespmem:s17+$0x14100] =	vst v2  }
0x2d9: {  	v2 =	vld.idx.msk [tilespmem:v3+s8+$0x0], $0xffff  }
0x2da: {  	v3 =	vor.u32 $0x24, v1;
	_ =	sdelay $0x3  }
0x2db: {  	[tilespmem:s17+$0x14180] =	vst v2  }
0x2dc: {  	v2 =	vld.idx.msk [tilespmem:v3+s8+$0x0], $0xffff  }
0x2dd: {  	v3 =	vor.u32 $0x25, v1;
	_ =	sdelay $0x3  }
0x2de: {  	[tilespmem:s17+$0x14200] =	vst v2  }
0x2df: {  	v2 =	vld.idx.msk [tilespmem:v3+s8+$0x0], $0xffff  }
0x2e0: {  	v3 =	vor.u32 $0x26, v1;
	_ =	sdelay $0x3  }
0x2e1: {  	[tilespmem:s17+$0x14280] =	vst v2  }
0x2e2: {  	v2 =	vld.idx.msk [tilespmem:v3+s8+$0x0], $0xffff  }
0x2e3: {  	v3 =	vor.u32 $0x27, v1;
	_ =	sdelay $0x3  }
0x2e4: {  	[tilespmem:s17+$0x14300] =	vst v2  }
0x2e5: {  	v2 =	vld.idx.msk [tilespmem:v3+s8+$0x0], $0xffff  }
0x2e6: {  	v3 =	vor.u32 $0x28, v1;
	_ =	sdelay $0x3  }
0x2e7: {  	[tilespmem:s17+$0x14380] =	vst v2  }
0x2e8: {  	v2 =	vld.idx.msk [tilespmem:v3+s8+$0x0], $0xffff  }
0x2e9: {  	v3 =	vor.u32 $0x29, v1;
	_ =	sdelay $0x3  }
0x2ea: {  	[tilespmem:s17+$0x15000] =	vst v2  }
0x2eb: {  	v2 =	vld.idx.msk [tilespmem:v3+s8+$0x0], $0xffff  }
0x2ec: {  	v3 =	vor.u32 $0x2A, v1;
	_ =	sdelay $0x3  }
0x2ed: {  	[tilespmem:s17+$0x15080] =	vst v2  }
0x2ee: {  	v2 =	vld.idx.msk [tilespmem:v3+s8+$0x0], $0xffff  }
0x2ef: {  	v3 =	vor.u32 $0x2B, v1;
	_ =	sdelay $0x3  }
0x2f0: {  	[tilespmem:s17+$0x15100] =	vst v2  }
0x2f1: {  	v2 =	vld.idx.msk [tilespmem:v3+s8+$0x0], $0xffff  }
0x2f2: {  	v3 =	vor.u32 $0x2C, v1;
	_ =	sdelay $0x3  }
0x2f3: {  	[tilespmem:s17+$0x15180] =	vst v2  }
0x2f4: {  	v2 =	vld.idx.msk [tilespmem:v3+s8+$0x0], $0xffff  }
0x2f5: {  	v3 =	vor.u32 $0x2D, v1;
	_ =	sdelay $0x3  }
0x2f6: {  	[tilespmem:s17+$0x15200] =	vst v2  }
0x2f7: {  	v2 =	vld.idx.msk [tilespmem:v3+s8+$0x0], $0xffff  }
0x2f8: {  	v3 =	vor.u32 $0x2E, v1;
	_ =	sdelay $0x3  }
0x2f9: {  	[tilespmem:s17+$0x15280] =	vst v2  }
0x2fa: {  	v2 =	vld.idx.msk [tilespmem:v3+s8+$0x0], $0xffff  }
0x2fb: {  	v3 =	vor.u32 $0x2F, v1;
	_ =	sdelay $0x3  }
0x2fc: {  	[tilespmem:s17+$0x15300] =	vst v2  }
0x2fd: {  	v2 =	vld.idx.msk [tilespmem:v3+s8+$0x0], $0xffff  }
0x2fe: {  	v3 =	vor.u32 $0x30, v1;
	_ =	sdelay $0x3  }
0x2ff: {  	[tilespmem:s17+$0x15380] =	vst v2  }
0x300: {  	v2 =	vld.idx.msk [tilespmem:v3+s8+$0x0], $0xffff  }
0x301: {  	v3 =	vor.u32 $0x31, v1;
	_ =	sdelay $0x3  }
0x302: {  	[tilespmem:s17+$0x16000] =	vst v2  }
0x303: {  	v2 =	vld.idx.msk [tilespmem:v3+s8+$0x0], $0xffff  }
0x304: {  	v3 =	vor.u32 $0x32, v1;
	_ =	sdelay $0x3  }
0x305: {  	[tilespmem:s17+$0x16080] =	vst v2  }
0x306: {  	v2 =	vld.idx.msk [tilespmem:v3+s8+$0x0], $0xffff  }
0x307: {  	v3 =	vor.u32 $0x33, v1;
	_ =	sdelay $0x3  }
0x308: {  	[tilespmem:s17+$0x16100] =	vst v2  }
0x309: {  	v2 =	vld.idx.msk [tilespmem:v3+s8+$0x0], $0xffff  }
0x30a: {  	v3 =	vor.u32 $0x34, v1;
	_ =	sdelay $0x3  }
0x30b: {  	[tilespmem:s17+$0x16180] =	vst v2  }
0x30c: {  	v2 =	vld.idx.msk [tilespmem:v3+s8+$0x0], $0xffff  }
0x30d: {  	v3 =	vor.u32 $0x35, v1;
	_ =	sdelay $0x3  }
0x30e: {  	[tilespmem:s17+$0x16200] =	vst v2  }
0x30f: {  	v2 =	vld.idx.msk [tilespmem:v3+s8+$0x0], $0xffff  }
0x310: {  	v3 =	vor.u32 $0x36, v1;
	_ =	sdelay $0x3  }
0x311: {  	[tilespmem:s17+$0x16280] =	vst v2  }
0x312: {  	v2 =	vld.idx.msk [tilespmem:v3+s8+$0x0], $0xffff  }
0x313: {  	v3 =	vor.u32 $0x37, v1;
	_ =	sdelay $0x3  }
0x314: {  	[tilespmem:s17+$0x16300] =	vst v2  }
0x315: {  	v2 =	vld.idx.msk [tilespmem:v3+s8+$0x0], $0xffff  }
0x316: {  	v3 =	vor.u32 $0x38, v1;
	_ =	sdelay $0x3  }
0x317: {  	[tilespmem:s17+$0x16380] =	vst v2  }
0x318: {  	v2 =	vld.idx.msk [tilespmem:v3+s8+$0x0], $0xffff  }
0x319: {  	v3 =	vor.u32 $0x39, v1;
	_ =	sdelay $0x3  }
0x31a: {  	[tilespmem:s17+$0x17000] =	vst v2  }
0x31b: {  	v2 =	vld.idx.msk [tilespmem:v3+s8+$0x0], $0xffff  }
0x31c: {  	v3 =	vor.u32 $0x3A, v1;
	_ =	sdelay $0x3  }
0x31d: {  	[tilespmem:s17+$0x17080] =	vst v2  }
0x31e: {  	v2 =	vld.idx.msk [tilespmem:v3+s8+$0x0], $0xffff  }
0x31f: {  	v3 =	vor.u32 $0x3B, v1;
	_ =	sdelay $0x3  }
0x320: {  	[tilespmem:s17+$0x17100] =	vst v2  }
0x321: {  	v2 =	vld.idx.msk [tilespmem:v3+s8+$0x0], $0xffff  }
0x322: {  	v3 =	vor.u32 $0x3C, v1;
	_ =	sdelay $0x3  }
0x323: {  	[tilespmem:s17+$0x17180] =	vst v2  }
0x324: {  	v2 =	vld.idx.msk [tilespmem:v3+s8+$0x0], $0xffff  }
0x325: {  	v3 =	vor.u32 $0x3D, v1;
	_ =	sdelay $0x3  }
0x326: {  	[tilespmem:s17+$0x17200] =	vst v2  }
0x327: {  	v2 =	vld.idx.msk [tilespmem:v3+s8+$0x0], $0xffff  }
0x328: {  	v3 =	vor.u32 $0x3E, v1;
	_ =	sdelay $0x3  }
0x329: {  	[tilespmem:s17+$0x17280] =	vst v2  }
0x32a: {  	v2 =	vld.idx.msk [tilespmem:v3+s8+$0x0], $0xffff  }
0x32b: {  	v3 =	vor.u32 $0x3F, v1;
	_ =	sdelay $0x3  }
0x32c: {  	s18 =	simm.s32 $0x10;
	[tilespmem:s17+$0x17300] =	vst v2  }
0x32d: {  	s19 =	simm.s32 $0x20;
	v1 =	vmov s18;
	v2 =	vld.idx.msk [tilespmem:v3+s8+$0x0], $0xffff  }
.LBB2_4:
0x32e: {  	p0 =	sne.s32 s19, $0x1F0;
	v1 =	vshll.u32 v1, $0x6  }
0x32f: {  	v1 =	vor.u32 v0, v1;
	_ =	sdelay $0x3  }
0x330: {  	[tilespmem:s17+$0x17380] =	vst v2  }
0x331: {  	v2 =	vld.idx.msk [tilespmem:v1+s8+$0x0], $0xffff;
	_ =	sdelay $0x1  }
0x332: {  	v3 =	vor.u32 $0x1, v1  }
0x333: {  	s16 =	sadd.s32 $0x80, s16  }
0x334: {  	s20 =	sand.u32 $0xC00, s16;
	s17 =	sand.u32 $0x70, s18  }
0x335: {  	s17 =	sor.u32 s17, s20  }
0x336: {  	[tilespmem:s17+$0x10000] =	vst v2  }
0x337: {  	v2 =	vld.idx.msk [tilespmem:v3+s8+$0x0], $0xffff;
	_ =	sdelay $0x1  }
0x338: {  	v3 =	vor.u32 $0x2, v1;
	_ =	sdelay $0x3  }
0x339: {  	[tilespmem:s17+$0x10080] =	vst v2  }
0x33a: {  	v2 =	vld.idx.msk [tilespmem:v3+s8+$0x0], $0xffff;
	_ =	sdelay $0x1  }
0x33b: {  	v3 =	vor.u32 $0x3, v1;
	_ =	sdelay $0x3  }
0x33c: {  	[tilespmem:s17+$0x10100] =	vst v2  }
0x33d: {  	v2 =	vld.idx.msk [tilespmem:v3+s8+$0x0], $0xffff;
	_ =	sdelay $0x1  }
0x33e: {  	v3 =	vor.u32 $0x4, v1;
	_ =	sdelay $0x3  }
0x33f: {  	[tilespmem:s17+$0x10180] =	vst v2  }
0x340: {  	v2 =	vld.idx.msk [tilespmem:v3+s8+$0x0], $0xffff;
	_ =	sdelay $0x1  }
0x341: {  	v3 =	vor.u32 $0x5, v1;
	_ =	sdelay $0x3  }
0x342: {  	[tilespmem:s17+$0x10200] =	vst v2  }
0x343: {  	v2 =	vld.idx.msk [tilespmem:v3+s8+$0x0], $0xffff;
	_ =	sdelay $0x1  }
0x344: {  	v3 =	vor.u32 $0x6, v1;
	_ =	sdelay $0x3  }
0x345: {  	[tilespmem:s17+$0x10280] =	vst v2  }
0x346: {  	v2 =	vld.idx.msk [tilespmem:v3+s8+$0x0], $0xffff;
	_ =	sdelay $0x1  }
0x347: {  	v3 =	vor.u32 $0x7, v1;
	_ =	sdelay $0x3  }
0x348: {  	[tilespmem:s17+$0x10300] =	vst v2  }
0x349: {  	v2 =	vld.idx.msk [tilespmem:v3+s8+$0x0], $0xffff;
	_ =	sdelay $0x1  }
0x34a: {  	v3 =	vor.u32 $0x8, v1;
	_ =	sdelay $0x1  }
0x34b: {  	s20 =	sor.u32 s16, s18;
	s18 =	smov.u32 s19  }
0x34c: {  	s20 =	sor.u32 $0x380, s20  }
0x34d: {  	[tilespmem:s20+$0x10000] =	vst v2  }
0x34e: {  	v2 =	vld.idx.msk [tilespmem:v3+s8+$0x0], $0xffff;
	_ =	sdelay $0x1  }
0x34f: {  	v3 =	vor.u32 $0x9, v1;
	_ =	sdelay $0x3  }
0x350: {  	[tilespmem:s17+$0x11000] =	vst v2  }
0x351: {  	v2 =	vld.idx.msk [tilespmem:v3+s8+$0x0], $0xffff;
	_ =	sdelay $0x1  }
0x352: {  	v3 =	vor.u32 $0xA, v1;
	_ =	sdelay $0x3  }
0x353: {  	[tilespmem:s17+$0x11080] =	vst v2  }
0x354: {  	v2 =	vld.idx.msk [tilespmem:v3+s8+$0x0], $0xffff;
	_ =	sdelay $0x1  }
0x355: {  	v3 =	vor.u32 $0xB, v1;
	_ =	sdelay $0x3  }
0x356: {  	[tilespmem:s17+$0x11100] =	vst v2  }
0x357: {  	v2 =	vld.idx.msk [tilespmem:v3+s8+$0x0], $0xffff;
	_ =	sdelay $0x1  }
0x358: {  	v3 =	vor.u32 $0xC, v1;
	_ =	sdelay $0x3  }
0x359: {  	[tilespmem:s17+$0x11180] =	vst v2  }
0x35a: {  	v2 =	vld.idx.msk [tilespmem:v3+s8+$0x0], $0xffff;
	_ =	sdelay $0x1  }
0x35b: {  	v3 =	vor.u32 $0xD, v1;
	_ =	sdelay $0x3  }
0x35c: {  	[tilespmem:s17+$0x11200] =	vst v2  }
0x35d: {  	v2 =	vld.idx.msk [tilespmem:v3+s8+$0x0], $0xffff;
	_ =	sdelay $0x1  }
0x35e: {  	v3 =	vor.u32 $0xE, v1;
	_ =	sdelay $0x3  }
0x35f: {  	[tilespmem:s17+$0x11280] =	vst v2  }
0x360: {  	v2 =	vld.idx.msk [tilespmem:v3+s8+$0x0], $0xffff;
	_ =	sdelay $0x1  }
0x361: {  	v3 =	vor.u32 $0xF, v1;
	_ =	sdelay $0x3  }
0x362: {  	[tilespmem:s17+$0x11300] =	vst v2  }
0x363: {  	v2 =	vld.idx.msk [tilespmem:v3+s8+$0x0], $0xffff;
	_ =	sdelay $0x1  }
0x364: {  	v3 =	vor.u32 $0x10, v1;
	_ =	sdelay $0x3  }
0x365: {  	[tilespmem:s17+$0x11380] =	vst v2  }
0x366: {  	v2 =	vld.idx.msk [tilespmem:v3+s8+$0x0], $0xffff;
	_ =	sdelay $0x1  }
0x367: {  	v3 =	vor.u32 $0x11, v1;
	_ =	sdelay $0x3  }
0x368: {  	[tilespmem:s17+$0x12000] =	vst v2  }
0x369: {  	v2 =	vld.idx.msk [tilespmem:v3+s8+$0x0], $0xffff;
	_ =	sdelay $0x1  }
0x36a: {  	v3 =	vor.u32 $0x12, v1;
	_ =	sdelay $0x3  }
0x36b: {  	[tilespmem:s17+$0x12080] =	vst v2  }
0x36c: {  	v2 =	vld.idx.msk [tilespmem:v3+s8+$0x0], $0xffff;
	_ =	sdelay $0x1  }
0x36d: {  	v3 =	vor.u32 $0x13, v1;
	_ =	sdelay $0x3  }
0x36e: {  	[tilespmem:s17+$0x12100] =	vst v2  }
0x36f: {  	v2 =	vld.idx.msk [tilespmem:v3+s8+$0x0], $0xffff;
	_ =	sdelay $0x1  }
0x370: {  	v3 =	vor.u32 $0x14, v1;
	_ =	sdelay $0x3  }
0x371: {  	[tilespmem:s17+$0x12180] =	vst v2  }
0x372: {  	v2 =	vld.idx.msk [tilespmem:v3+s8+$0x0], $0xffff;
	_ =	sdelay $0x1  }
0x373: {  	v3 =	vor.u32 $0x15, v1;
	_ =	sdelay $0x3  }
0x374: {  	[tilespmem:s17+$0x12200] =	vst v2  }
0x375: {  	v2 =	vld.idx.msk [tilespmem:v3+s8+$0x0], $0xffff;
	_ =	sdelay $0x1  }
0x376: {  	v3 =	vor.u32 $0x16, v1;
	_ =	sdelay $0x3  }
0x377: {  	[tilespmem:s17+$0x12280] =	vst v2  }
0x378: {  	v2 =	vld.idx.msk [tilespmem:v3+s8+$0x0], $0xffff;
	_ =	sdelay $0x1  }
0x379: {  	v3 =	vor.u32 $0x17, v1;
	_ =	sdelay $0x3  }
0x37a: {  	[tilespmem:s17+$0x12300] =	vst v2  }
0x37b: {  	v2 =	vld.idx.msk [tilespmem:v3+s8+$0x0], $0xffff;
	_ =	sdelay $0x1  }
0x37c: {  	v3 =	vor.u32 $0x18, v1;
	_ =	sdelay $0x3  }
0x37d: {  	[tilespmem:s17+$0x12380] =	vst v2  }
0x37e: {  	v2 =	vld.idx.msk [tilespmem:v3+s8+$0x0], $0xffff;
	_ =	sdelay $0x1  }
0x37f: {  	v3 =	vor.u32 $0x19, v1;
	_ =	sdelay $0x3  }
0x380: {  	[tilespmem:s17+$0x13000] =	vst v2  }
0x381: {  	v2 =	vld.idx.msk [tilespmem:v3+s8+$0x0], $0xffff;
	_ =	sdelay $0x1  }
0x382: {  	v3 =	vor.u32 $0x1A, v1;
	_ =	sdelay $0x3  }
0x383: {  	[tilespmem:s17+$0x13080] =	vst v2  }
0x384: {  	v2 =	vld.idx.msk [tilespmem:v3+s8+$0x0], $0xffff;
	_ =	sdelay $0x1  }
0x385: {  	v3 =	vor.u32 $0x1B, v1;
	_ =	sdelay $0x3  }
0x386: {  	[tilespmem:s17+$0x13100] =	vst v2  }
0x387: {  	v2 =	vld.idx.msk [tilespmem:v3+s8+$0x0], $0xffff;
	_ =	sdelay $0x1  }
0x388: {  	v3 =	vor.u32 $0x1C, v1;
	_ =	sdelay $0x3  }
0x389: {  	[tilespmem:s17+$0x13180] =	vst v2  }
0x38a: {  	v2 =	vld.idx.msk [tilespmem:v3+s8+$0x0], $0xffff;
	_ =	sdelay $0x1  }
0x38b: {  	v3 =	vor.u32 $0x1D, v1;
	_ =	sdelay $0x3  }
0x38c: {  	[tilespmem:s17+$0x13200] =	vst v2  }
0x38d: {  	v2 =	vld.idx.msk [tilespmem:v3+s8+$0x0], $0xffff;
	_ =	sdelay $0x1  }
0x38e: {  	v3 =	vor.u32 $0x1E, v1;
	_ =	sdelay $0x3  }
0x38f: {  	[tilespmem:s17+$0x13280] =	vst v2  }
0x390: {  	v2 =	vld.idx.msk [tilespmem:v3+s8+$0x0], $0xffff;
	_ =	sdelay $0x1  }
0x391: {  	v3 =	vor.u32 $0x1F, v1;
	_ =	sdelay $0x3  }
0x392: {  	[tilespmem:s17+$0x13300] =	vst v2  }
0x393: {  	v2 =	vld.idx.msk [tilespmem:v3+s8+$0x0], $0xffff;
	_ =	sdelay $0x1  }
0x394: {  	v3 =	vor.u32 $0x20, v1;
	_ =	sdelay $0x3  }
0x395: {  	[tilespmem:s17+$0x13380] =	vst v2  }
0x396: {  	v2 =	vld.idx.msk [tilespmem:v3+s8+$0x0], $0xffff;
	_ =	sdelay $0x1  }
0x397: {  	v3 =	vor.u32 $0x21, v1;
	_ =	sdelay $0x3  }
0x398: {  	[tilespmem:s17+$0x14000] =	vst v2  }
0x399: {  	v2 =	vld.idx.msk [tilespmem:v3+s8+$0x0], $0xffff;
	_ =	sdelay $0x1  }
0x39a: {  	v3 =	vor.u32 $0x22, v1;
	_ =	sdelay $0x3  }
0x39b: {  	[tilespmem:s17+$0x14080] =	vst v2  }
0x39c: {  	v2 =	vld.idx.msk [tilespmem:v3+s8+$0x0], $0xffff;
	_ =	sdelay $0x1  }
0x39d: {  	v3 =	vor.u32 $0x23, v1;
	_ =	sdelay $0x3  }
0x39e: {  	[tilespmem:s17+$0x14100] =	vst v2  }
0x39f: {  	v2 =	vld.idx.msk [tilespmem:v3+s8+$0x0], $0xffff;
	_ =	sdelay $0x1  }
0x3a0: {  	v3 =	vor.u32 $0x24, v1;
	_ =	sdelay $0x3  }
0x3a1: {  	[tilespmem:s17+$0x14180] =	vst v2  }
0x3a2: {  	v2 =	vld.idx.msk [tilespmem:v3+s8+$0x0], $0xffff;
	_ =	sdelay $0x1  }
0x3a3: {  	v3 =	vor.u32 $0x25, v1;
	_ =	sdelay $0x3  }
0x3a4: {  	[tilespmem:s17+$0x14200] =	vst v2  }
0x3a5: {  	v2 =	vld.idx.msk [tilespmem:v3+s8+$0x0], $0xffff;
	_ =	sdelay $0x1  }
0x3a6: {  	v3 =	vor.u32 $0x26, v1;
	_ =	sdelay $0x3  }
0x3a7: {  	[tilespmem:s17+$0x14280] =	vst v2  }
0x3a8: {  	v2 =	vld.idx.msk [tilespmem:v3+s8+$0x0], $0xffff;
	_ =	sdelay $0x1  }
0x3a9: {  	v3 =	vor.u32 $0x27, v1;
	_ =	sdelay $0x3  }
0x3aa: {  	[tilespmem:s17+$0x14300] =	vst v2  }
0x3ab: {  	v2 =	vld.idx.msk [tilespmem:v3+s8+$0x0], $0xffff;
	_ =	sdelay $0x1  }
0x3ac: {  	v3 =	vor.u32 $0x28, v1;
	_ =	sdelay $0x3  }
0x3ad: {  	[tilespmem:s17+$0x14380] =	vst v2  }
0x3ae: {  	v2 =	vld.idx.msk [tilespmem:v3+s8+$0x0], $0xffff;
	_ =	sdelay $0x1  }
0x3af: {  	v3 =	vor.u32 $0x29, v1;
	_ =	sdelay $0x3  }
0x3b0: {  	[tilespmem:s17+$0x15000] =	vst v2  }
0x3b1: {  	v2 =	vld.idx.msk [tilespmem:v3+s8+$0x0], $0xffff;
	_ =	sdelay $0x1  }
0x3b2: {  	v3 =	vor.u32 $0x2A, v1;
	_ =	sdelay $0x3  }
0x3b3: {  	[tilespmem:s17+$0x15080] =	vst v2  }
0x3b4: {  	v2 =	vld.idx.msk [tilespmem:v3+s8+$0x0], $0xffff;
	_ =	sdelay $0x1  }
0x3b5: {  	v3 =	vor.u32 $0x2B, v1;
	_ =	sdelay $0x3  }
0x3b6: {  	[tilespmem:s17+$0x15100] =	vst v2  }
0x3b7: {  	v2 =	vld.idx.msk [tilespmem:v3+s8+$0x0], $0xffff;
	_ =	sdelay $0x1  }
0x3b8: {  	v3 =	vor.u32 $0x2C, v1;
	_ =	sdelay $0x3  }
0x3b9: {  	[tilespmem:s17+$0x15180] =	vst v2  }
0x3ba: {  	v2 =	vld.idx.msk [tilespmem:v3+s8+$0x0], $0xffff;
	_ =	sdelay $0x1  }
0x3bb: {  	v3 =	vor.u32 $0x2D, v1;
	_ =	sdelay $0x3  }
0x3bc: {  	[tilespmem:s17+$0x15200] =	vst v2  }
0x3bd: {  	v2 =	vld.idx.msk [tilespmem:v3+s8+$0x0], $0xffff;
	_ =	sdelay $0x1  }
0x3be: {  	v3 =	vor.u32 $0x2E, v1;
	_ =	sdelay $0x3  }
0x3bf: {  	[tilespmem:s17+$0x15280] =	vst v2  }
0x3c0: {  	v2 =	vld.idx.msk [tilespmem:v3+s8+$0x0], $0xffff;
	_ =	sdelay $0x1  }
0x3c1: {  	v3 =	vor.u32 $0x2F, v1;
	_ =	sdelay $0x3  }
0x3c2: {  	[tilespmem:s17+$0x15300] =	vst v2  }
0x3c3: {  	v2 =	vld.idx.msk [tilespmem:v3+s8+$0x0], $0xffff;
	_ =	sdelay $0x1  }
0x3c4: {  	v3 =	vor.u32 $0x30, v1;
	_ =	sdelay $0x3  }
0x3c5: {  	[tilespmem:s17+$0x15380] =	vst v2  }
0x3c6: {  	v2 =	vld.idx.msk [tilespmem:v3+s8+$0x0], $0xffff;
	_ =	sdelay $0x1  }
0x3c7: {  	v3 =	vor.u32 $0x31, v1;
	_ =	sdelay $0x3  }
0x3c8: {  	[tilespmem:s17+$0x16000] =	vst v2  }
0x3c9: {  	v2 =	vld.idx.msk [tilespmem:v3+s8+$0x0], $0xffff;
	_ =	sdelay $0x1  }
0x3ca: {  	v3 =	vor.u32 $0x32, v1;
	_ =	sdelay $0x3  }
0x3cb: {  	[tilespmem:s17+$0x16080] =	vst v2  }
0x3cc: {  	v2 =	vld.idx.msk [tilespmem:v3+s8+$0x0], $0xffff;
	_ =	sdelay $0x1  }
0x3cd: {  	v3 =	vor.u32 $0x33, v1;
	_ =	sdelay $0x3  }
0x3ce: {  	[tilespmem:s17+$0x16100] =	vst v2  }
0x3cf: {  	v2 =	vld.idx.msk [tilespmem:v3+s8+$0x0], $0xffff;
	_ =	sdelay $0x1  }
0x3d0: {  	v3 =	vor.u32 $0x34, v1;
	_ =	sdelay $0x3  }
0x3d1: {  	[tilespmem:s17+$0x16180] =	vst v2  }
0x3d2: {  	v2 =	vld.idx.msk [tilespmem:v3+s8+$0x0], $0xffff;
	_ =	sdelay $0x1  }
0x3d3: {  	v3 =	vor.u32 $0x35, v1;
	_ =	sdelay $0x3  }
0x3d4: {  	[tilespmem:s17+$0x16200] =	vst v2  }
0x3d5: {  	v2 =	vld.idx.msk [tilespmem:v3+s8+$0x0], $0xffff;
	_ =	sdelay $0x1  }
0x3d6: {  	v3 =	vor.u32 $0x36, v1;
	_ =	sdelay $0x3  }
0x3d7: {  	[tilespmem:s17+$0x16280] =	vst v2  }
0x3d8: {  	v2 =	vld.idx.msk [tilespmem:v3+s8+$0x0], $0xffff;
	_ =	sdelay $0x1  }
0x3d9: {  	v3 =	vor.u32 $0x37, v1;
	_ =	sdelay $0x3  }
0x3da: {  	[tilespmem:s17+$0x16300] =	vst v2  }
0x3db: {  	v2 =	vld.idx.msk [tilespmem:v3+s8+$0x0], $0xffff;
	_ =	sdelay $0x1  }
0x3dc: {  	v3 =	vor.u32 $0x38, v1;
	_ =	sdelay $0x3  }
0x3dd: {  	[tilespmem:s17+$0x16380] =	vst v2  }
0x3de: {  	v2 =	vld.idx.msk [tilespmem:v3+s8+$0x0], $0xffff;
	_ =	sdelay $0x1  }
0x3df: {  	v3 =	vor.u32 $0x39, v1;
	_ =	sdelay $0x3  }
0x3e0: {  	[tilespmem:s17+$0x17000] =	vst v2  }
0x3e1: {  	v2 =	vld.idx.msk [tilespmem:v3+s8+$0x0], $0xffff;
	_ =	sdelay $0x1  }
0x3e2: {  	v3 =	vor.u32 $0x3A, v1;
	_ =	sdelay $0x3  }
0x3e3: {  	[tilespmem:s17+$0x17080] =	vst v2  }
0x3e4: {  	v2 =	vld.idx.msk [tilespmem:v3+s8+$0x0], $0xffff;
	_ =	sdelay $0x1  }
0x3e5: {  	v3 =	vor.u32 $0x3B, v1;
	_ =	sdelay $0x3  }
0x3e6: {  	[tilespmem:s17+$0x17100] =	vst v2  }
0x3e7: {  	v2 =	vld.idx.msk [tilespmem:v3+s8+$0x0], $0xffff;
	_ =	sdelay $0x1  }
0x3e8: {  	v3 =	vor.u32 $0x3C, v1;
	_ =	sdelay $0x3  }
0x3e9: {  	[tilespmem:s17+$0x17180] =	vst v2  }
0x3ea: {  	v2 =	vld.idx.msk [tilespmem:v3+s8+$0x0], $0xffff;
	_ =	sdelay $0x1  }
0x3eb: {  	v3 =	vor.u32 $0x3D, v1;
	_ =	sdelay $0x3  }
0x3ec: {  	[tilespmem:s17+$0x17200] =	vst v2  }
0x3ed: {  	v2 =	vld.idx.msk [tilespmem:v3+s8+$0x0], $0xffff;
	_ =	sdelay $0x1  }
0x3ee: {  	v3 =	vor.u32 $0x3E, v1;
	_ =	sdelay $0x3  }
0x3ef: {  	[tilespmem:s17+$0x17280] =	vst v2  }
0x3f0: {  	v2 =	vld.idx.msk [tilespmem:v3+s8+$0x0], $0xffff;
	_ =	sdelay $0x1  }
0x3f1: {  	v3 =	vor.u32 $0x3F, v1  }
.Ltmp1:
0x3f2: {  	(pc) =	sbr.rel @p0 .LBB2_4-.Ltmp1, $3  }
0x3f3: {  	_ =	sdelay $0x1  }
0x3f4: {  	[tilespmem:s17+$0x17300] =	vst v2  }
0x3f5: {  	s19 =	sadd.s32 $0x10, s19;
	v1 =	vmov s18;
	v2 =	vld.idx.msk [tilespmem:v3+s8+$0x0], $0xffff  }
0x3f6: {  	v1 =	vshll.u32 v1, $0x6  }
0x3f7: {  	v1 =	vor.u32 v0, v1;
	_ =	sdelay $0x3  }
0x3f8: {  	[tilespmem:s17+$0x17380] =	vst v2  }
0x3f9: {  	v2 =	vld.idx.msk [tilespmem:v1+s8+$0x0], $0xffff  }
0x3fa: {  	v3 =	vor.u32 $0x1, v1  }
0x3fb: {  	s30 =	sadd.s32 $0x80, s16  }
0x3fc: {  	s31 =	sand.u32 $0x70, s18;
	s19 =	sand.u32 $0xC00, s30  }
0x3fd: {  	s16 =	sor.u32 s31, s19  }
0x3fe: {  	[tilespmem:s16+$0x10000] =	vst v2  }
0x3ff: {  	v2 =	vld.idx.msk [tilespmem:v3+s8+$0x0], $0xffff  }
0x400: {  	v3 =	vor.u32 $0x2, v1;
	_ =	sdelay $0x3  }
0x401: {  	[tilespmem:s16+$0x10080] =	vst v2  }
0x402: {  	v2 =	vld.idx.msk [tilespmem:v3+s8+$0x0], $0xffff  }
0x403: {  	v3 =	vor.u32 $0x3, v1;
	_ =	sdelay $0x3  }
0x404: {  	[tilespmem:s16+$0x10100] =	vst v2  }
0x405: {  	v2 =	vld.idx.msk [tilespmem:v3+s8+$0x0], $0xffff  }
0x406: {  	v3 =	vor.u32 $0x4, v1;
	_ =	sdelay $0x3  }
0x407: {  	[tilespmem:s16+$0x10180] =	vst v2  }
0x408: {  	v2 =	vld.idx.msk [tilespmem:v3+s8+$0x0], $0xffff  }
0x409: {  	v3 =	vor.u32 $0x5, v1;
	_ =	sdelay $0x3  }
0x40a: {  	[tilespmem:s16+$0x10200] =	vst v2  }
0x40b: {  	v2 =	vld.idx.msk [tilespmem:v3+s8+$0x0], $0xffff  }
0x40c: {  	v3 =	vor.u32 $0x6, v1;
	_ =	sdelay $0x3  }
0x40d: {  	[tilespmem:s16+$0x10280] =	vst v2  }
0x40e: {  	v2 =	vld.idx.msk [tilespmem:v3+s8+$0x0], $0xffff  }
0x40f: {  	v3 =	vor.u32 $0x7, v1;
	_ =	sdelay $0x3  }
0x410: {  	[tilespmem:s16+$0x10300] =	vst v2  }
0x411: {  	v2 =	vld.idx.msk [tilespmem:v3+s8+$0x0], $0xffff  }
0x412: {  	v3 =	vor.u32 $0x8, v1;
	_ =	sdelay $0x1  }
0x413: {  	s17 =	sor.u32 s30, s18  }
0x414: {  	s17 =	sor.u32 $0x380, s17  }
0x415: {  	[tilespmem:s17+$0x10000] =	vst v2  }
0x416: {  	v2 =	vld.idx.msk [tilespmem:v3+s8+$0x0], $0xffff  }
0x417: {  	v3 =	vor.u32 $0x9, v1;
	_ =	sdelay $0x3  }
0x418: {  	[tilespmem:s16+$0x11000] =	vst v2  }
0x419: {  	v2 =	vld.idx.msk [tilespmem:v3+s8+$0x0], $0xffff  }
0x41a: {  	v3 =	vor.u32 $0xA, v1;
	_ =	sdelay $0x3  }
0x41b: {  	[tilespmem:s16+$0x11080] =	vst v2  }
0x41c: {  	v2 =	vld.idx.msk [tilespmem:v3+s8+$0x0], $0xffff  }
0x41d: {  	v3 =	vor.u32 $0xB, v1;
	_ =	sdelay $0x3  }
0x41e: {  	[tilespmem:s16+$0x11100] =	vst v2  }
0x41f: {  	v2 =	vld.idx.msk [tilespmem:v3+s8+$0x0], $0xffff  }
0x420: {  	v3 =	vor.u32 $0xC, v1;
	_ =	sdelay $0x3  }
0x421: {  	[tilespmem:s16+$0x11180] =	vst v2  }
0x422: {  	v2 =	vld.idx.msk [tilespmem:v3+s8+$0x0], $0xffff  }
0x423: {  	v3 =	vor.u32 $0xD, v1;
	_ =	sdelay $0x3  }
0x424: {  	[tilespmem:s16+$0x11200] =	vst v2  }
0x425: {  	v2 =	vld.idx.msk [tilespmem:v3+s8+$0x0], $0xffff  }
0x426: {  	v3 =	vor.u32 $0xE, v1;
	_ =	sdelay $0x3  }
0x427: {  	[tilespmem:s16+$0x11280] =	vst v2  }
0x428: {  	v2 =	vld.idx.msk [tilespmem:v3+s8+$0x0], $0xffff  }
0x429: {  	v3 =	vor.u32 $0xF, v1;
	_ =	sdelay $0x3  }
0x42a: {  	[tilespmem:s16+$0x11300] =	vst v2  }
0x42b: {  	v2 =	vld.idx.msk [tilespmem:v3+s8+$0x0], $0xffff  }
0x42c: {  	v3 =	vor.u32 $0x10, v1;
	_ =	sdelay $0x3  }
0x42d: {  	[tilespmem:s16+$0x11380] =	vst v2  }
0x42e: {  	v2 =	vld.idx.msk [tilespmem:v3+s8+$0x0], $0xffff  }
0x42f: {  	v3 =	vor.u32 $0x11, v1;
	_ =	sdelay $0x3  }
0x430: {  	[tilespmem:s16+$0x12000] =	vst v2  }
0x431: {  	v2 =	vld.idx.msk [tilespmem:v3+s8+$0x0], $0xffff  }
0x432: {  	v3 =	vor.u32 $0x12, v1;
	_ =	sdelay $0x3  }
0x433: {  	[tilespmem:s16+$0x12080] =	vst v2  }
0x434: {  	v2 =	vld.idx.msk [tilespmem:v3+s8+$0x0], $0xffff  }
0x435: {  	v3 =	vor.u32 $0x13, v1;
	_ =	sdelay $0x3  }
0x436: {  	[tilespmem:s16+$0x12100] =	vst v2  }
0x437: {  	v2 =	vld.idx.msk [tilespmem:v3+s8+$0x0], $0xffff  }
0x438: {  	v3 =	vor.u32 $0x14, v1;
	_ =	sdelay $0x3  }
0x439: {  	[tilespmem:s16+$0x12180] =	vst v2  }
0x43a: {  	v2 =	vld.idx.msk [tilespmem:v3+s8+$0x0], $0xffff  }
0x43b: {  	v3 =	vor.u32 $0x15, v1;
	_ =	sdelay $0x3  }
0x43c: {  	[tilespmem:s16+$0x12200] =	vst v2  }
0x43d: {  	v2 =	vld.idx.msk [tilespmem:v3+s8+$0x0], $0xffff  }
0x43e: {  	v3 =	vor.u32 $0x16, v1;
	_ =	sdelay $0x3  }
0x43f: {  	[tilespmem:s16+$0x12280] =	vst v2  }
0x440: {  	v2 =	vld.idx.msk [tilespmem:v3+s8+$0x0], $0xffff  }
0x441: {  	v3 =	vor.u32 $0x17, v1;
	_ =	sdelay $0x3  }
0x442: {  	[tilespmem:s16+$0x12300] =	vst v2  }
0x443: {  	v2 =	vld.idx.msk [tilespmem:v3+s8+$0x0], $0xffff  }
0x444: {  	v3 =	vor.u32 $0x18, v1;
	_ =	sdelay $0x3  }
0x445: {  	[tilespmem:s16+$0x12380] =	vst v2  }
0x446: {  	v2 =	vld.idx.msk [tilespmem:v3+s8+$0x0], $0xffff  }
0x447: {  	v3 =	vor.u32 $0x19, v1;
	_ =	sdelay $0x3  }
0x448: {  	[tilespmem:s16+$0x13000] =	vst v2  }
0x449: {  	v2 =	vld.idx.msk [tilespmem:v3+s8+$0x0], $0xffff  }
0x44a: {  	v3 =	vor.u32 $0x1A, v1;
	_ =	sdelay $0x3  }
0x44b: {  	[tilespmem:s16+$0x13080] =	vst v2  }
0x44c: {  	v2 =	vld.idx.msk [tilespmem:v3+s8+$0x0], $0xffff  }
0x44d: {  	v3 =	vor.u32 $0x1B, v1;
	_ =	sdelay $0x3  }
0x44e: {  	[tilespmem:s16+$0x13100] =	vst v2  }
0x44f: {  	v2 =	vld.idx.msk [tilespmem:v3+s8+$0x0], $0xffff  }
0x450: {  	v3 =	vor.u32 $0x1C, v1;
	_ =	sdelay $0x3  }
0x451: {  	[tilespmem:s16+$0x13180] =	vst v2  }
0x452: {  	v2 =	vld.idx.msk [tilespmem:v3+s8+$0x0], $0xffff  }
0x453: {  	v3 =	vor.u32 $0x1D, v1;
	_ =	sdelay $0x3  }
0x454: {  	[tilespmem:s16+$0x13200] =	vst v2  }
0x455: {  	v2 =	vld.idx.msk [tilespmem:v3+s8+$0x0], $0xffff  }
0x456: {  	v3 =	vor.u32 $0x1E, v1;
	_ =	sdelay $0x3  }
0x457: {  	[tilespmem:s16+$0x13280] =	vst v2  }
0x458: {  	v2 =	vld.idx.msk [tilespmem:v3+s8+$0x0], $0xffff  }
0x459: {  	v3 =	vor.u32 $0x1F, v1;
	_ =	sdelay $0x3  }
0x45a: {  	[tilespmem:s16+$0x13300] =	vst v2  }
0x45b: {  	v2 =	vld.idx.msk [tilespmem:v3+s8+$0x0], $0xffff  }
0x45c: {  	v3 =	vor.u32 $0x20, v1;
	_ =	sdelay $0x3  }
0x45d: {  	[tilespmem:s16+$0x13380] =	vst v2  }
0x45e: {  	v2 =	vld.idx.msk [tilespmem:v3+s8+$0x0], $0xffff  }
0x45f: {  	v3 =	vor.u32 $0x21, v1;
	_ =	sdelay $0x3  }
0x460: {  	[tilespmem:s16+$0x14000] =	vst v2  }
0x461: {  	v2 =	vld.idx.msk [tilespmem:v3+s8+$0x0], $0xffff  }
0x462: {  	v3 =	vor.u32 $0x22, v1;
	_ =	sdelay $0x3  }
0x463: {  	[tilespmem:s16+$0x14080] =	vst v2  }
0x464: {  	v2 =	vld.idx.msk [tilespmem:v3+s8+$0x0], $0xffff  }
0x465: {  	v3 =	vor.u32 $0x23, v1;
	_ =	sdelay $0x3  }
0x466: {  	[tilespmem:s16+$0x14100] =	vst v2  }
0x467: {  	v2 =	vld.idx.msk [tilespmem:v3+s8+$0x0], $0xffff  }
0x468: {  	v3 =	vor.u32 $0x24, v1;
	_ =	sdelay $0x3  }
0x469: {  	[tilespmem:s16+$0x14180] =	vst v2  }
0x46a: {  	v2 =	vld.idx.msk [tilespmem:v3+s8+$0x0], $0xffff  }
0x46b: {  	v3 =	vor.u32 $0x25, v1;
	_ =	sdelay $0x3  }
0x46c: {  	[tilespmem:s16+$0x14200] =	vst v2  }
0x46d: {  	v2 =	vld.idx.msk [tilespmem:v3+s8+$0x0], $0xffff  }
0x46e: {  	v3 =	vor.u32 $0x26, v1;
	_ =	sdelay $0x3  }
0x46f: {  	[tilespmem:s16+$0x14280] =	vst v2  }
0x470: {  	v2 =	vld.idx.msk [tilespmem:v3+s8+$0x0], $0xffff  }
0x471: {  	v3 =	vor.u32 $0x27, v1;
	_ =	sdelay $0x3  }
0x472: {  	[tilespmem:s16+$0x14300] =	vst v2  }
0x473: {  	v2 =	vld.idx.msk [tilespmem:v3+s8+$0x0], $0xffff  }
0x474: {  	v3 =	vor.u32 $0x28, v1;
	_ =	sdelay $0x3  }
0x475: {  	[tilespmem:s16+$0x14380] =	vst v2  }
0x476: {  	v2 =	vld.idx.msk [tilespmem:v3+s8+$0x0], $0xffff  }
0x477: {  	v3 =	vor.u32 $0x29, v1;
	_ =	sdelay $0x3  }
0x478: {  	[tilespmem:s16+$0x15000] =	vst v2  }
0x479: {  	v2 =	vld.idx.msk [tilespmem:v3+s8+$0x0], $0xffff  }
0x47a: {  	v3 =	vor.u32 $0x2A, v1;
	_ =	sdelay $0x3  }
0x47b: {  	[tilespmem:s16+$0x15080] =	vst v2  }
0x47c: {  	v2 =	vld.idx.msk [tilespmem:v3+s8+$0x0], $0xffff  }
0x47d: {  	v3 =	vor.u32 $0x2B, v1;
	_ =	sdelay $0x3  }
0x47e: {  	[tilespmem:s16+$0x15100] =	vst v2  }
0x47f: {  	v2 =	vld.idx.msk [tilespmem:v3+s8+$0x0], $0xffff  }
0x480: {  	v3 =	vor.u32 $0x2C, v1;
	_ =	sdelay $0x3  }
0x481: {  	[tilespmem:s16+$0x15180] =	vst v2  }
0x482: {  	v2 =	vld.idx.msk [tilespmem:v3+s8+$0x0], $0xffff  }
0x483: {  	v3 =	vor.u32 $0x2D, v1;
	_ =	sdelay $0x3  }
0x484: {  	[tilespmem:s16+$0x15200] =	vst v2  }
0x485: {  	v2 =	vld.idx.msk [tilespmem:v3+s8+$0x0], $0xffff  }
0x486: {  	v3 =	vor.u32 $0x2E, v1;
	_ =	sdelay $0x3  }
0x487: {  	[tilespmem:s16+$0x15280] =	vst v2  }
0x488: {  	v2 =	vld.idx.msk [tilespmem:v3+s8+$0x0], $0xffff  }
0x489: {  	v3 =	vor.u32 $0x2F, v1;
	_ =	sdelay $0x3  }
0x48a: {  	[tilespmem:s16+$0x15300] =	vst v2  }
0x48b: {  	v2 =	vld.idx.msk [tilespmem:v3+s8+$0x0], $0xffff  }
0x48c: {  	v3 =	vor.u32 $0x30, v1;
	_ =	sdelay $0x3  }
0x48d: {  	[tilespmem:s16+$0x15380] =	vst v2  }
0x48e: {  	v2 =	vld.idx.msk [tilespmem:v3+s8+$0x0], $0xffff  }
0x48f: {  	v3 =	vor.u32 $0x31, v1;
	_ =	sdelay $0x3  }
0x490: {  	[tilespmem:s16+$0x16000] =	vst v2  }
0x491: {  	v2 =	vld.idx.msk [tilespmem:v3+s8+$0x0], $0xffff  }
0x492: {  	v3 =	vor.u32 $0x32, v1;
	_ =	sdelay $0x3  }
0x493: {  	[tilespmem:s16+$0x16080] =	vst v2  }
0x494: {  	v2 =	vld.idx.msk [tilespmem:v3+s8+$0x0], $0xffff  }
0x495: {  	v3 =	vor.u32 $0x33, v1;
	_ =	sdelay $0x3  }
0x496: {  	[tilespmem:s16+$0x16100] =	vst v2  }
0x497: {  	v2 =	vld.idx.msk [tilespmem:v3+s8+$0x0], $0xffff  }
0x498: {  	v3 =	vor.u32 $0x34, v1;
	_ =	sdelay $0x3  }
0x499: {  	[tilespmem:s16+$0x16180] =	vst v2  }
0x49a: {  	v2 =	vld.idx.msk [tilespmem:v3+s8+$0x0], $0xffff  }
0x49b: {  	v3 =	vor.u32 $0x35, v1;
	_ =	sdelay $0x3  }
0x49c: {  	[tilespmem:s16+$0x16200] =	vst v2  }
0x49d: {  	v2 =	vld.idx.msk [tilespmem:v3+s8+$0x0], $0xffff  }
0x49e: {  	v3 =	vor.u32 $0x36, v1;
	_ =	sdelay $0x3  }
0x49f: {  	[tilespmem:s16+$0x16280] =	vst v2  }
0x4a0: {  	v2 =	vld.idx.msk [tilespmem:v3+s8+$0x0], $0xffff  }
0x4a1: {  	v3 =	vor.u32 $0x37, v1;
	_ =	sdelay $0x3  }
0x4a2: {  	[tilespmem:s16+$0x16300] =	vst v2  }
0x4a3: {  	v2 =	vld.idx.msk [tilespmem:v3+s8+$0x0], $0xffff  }
0x4a4: {  	v3 =	vor.u32 $0x38, v1;
	_ =	sdelay $0x3  }
0x4a5: {  	[tilespmem:s16+$0x16380] =	vst v2  }
0x4a6: {  	v2 =	vld.idx.msk [tilespmem:v3+s8+$0x0], $0xffff  }
0x4a7: {  	v3 =	vor.u32 $0x39, v1;
	_ =	sdelay $0x3  }
0x4a8: {  	[tilespmem:s16+$0x17000] =	vst v2  }
0x4a9: {  	v2 =	vld.idx.msk [tilespmem:v3+s8+$0x0], $0xffff  }
0x4aa: {  	v3 =	vor.u32 $0x3A, v1;
	_ =	sdelay $0x3  }
0x4ab: {  	[tilespmem:s16+$0x17080] =	vst v2  }
0x4ac: {  	v2 =	vld.idx.msk [tilespmem:v3+s8+$0x0], $0xffff  }
0x4ad: {  	v3 =	vor.u32 $0x3B, v1;
	_ =	sdelay $0x3  }
0x4ae: {  	[tilespmem:s16+$0x17100] =	vst v2  }
0x4af: {  	v2 =	vld.idx.msk [tilespmem:v3+s8+$0x0], $0xffff  }
0x4b0: {  	v3 =	vor.u32 $0x3C, v1;
	_ =	sdelay $0x3  }
0x4b1: {  	[tilespmem:s16+$0x17180] =	vst v2  }
0x4b2: {  	v2 =	vld.idx.msk [tilespmem:v3+s8+$0x0], $0xffff  }
0x4b3: {  	v3 =	vor.u32 $0x3D, v1;
	_ =	sdelay $0x3  }
0x4b4: {  	[tilespmem:s16+$0x17200] =	vst v2  }
0x4b5: {  	v2 =	vld.idx.msk [tilespmem:v3+s8+$0x0], $0xffff  }
0x4b6: {  	v3 =	vor.u32 $0x3E, v1;
	_ =	sdelay $0x3  }
0x4b7: {  	[tilespmem:s16+$0x17280] =	vst v2  }
0x4b8: {  	v2 =	vld.idx.msk [tilespmem:v3+s8+$0x0], $0xffff  }
0x4b9: {  	v1 =	vor.u32 $0x3F, v1;
	_ =	sdelay $0x3  }
0x4ba: {  	[tilespmem:s16+$0x17300] =	vst v2  }
0x4bb: {  	v1 =	vld.idx.msk [tilespmem:v1+s8+$0x0], $0xffff;
	_ =	sdelay $0x2  }
0x4bc: {  	s15 =	sadd.s32 $0x1, s15  }
0x4bd: {  	p0 =	sne.s32 s15, s7  }
.Ltmp2:
0x4be: {  	[tilespmem:s16+$0x17380] =	vst v1;
	(pc) =	sbr.rel @p0 .LBB2_1-.Ltmp2, $4  }
0x4bf: {  	[hbm4b:s6+s10] =	stream.strided.scatter [tilespmem:s12], [sflag:$0x3], $0x8000, s11, s10, $0x38;
	[tilespmem:$0x18000] =	vst v63  }
0x4c0: {  	_ =	swait.ge [sflag:s13], $0x8000  }
0x4c1: {  	[sflag:s13] =	ssyncset.done $0x0  }
0x4c2: {  	[sflag:s13] =	ssyncadd.s32 $0xFFFF8000  }
0x4c3: {  	_ =	sfence.sel $0x180000  }
0x4c4: {  	[bflag:$0x0] =	sbarrier.arrive $0xFFFF  }
0x4c5: {  	p0 =	sne.s32 s0, $0x0;
	_ =	strace $0x9000004A  }
0x4c6: {  	s0 =	sadd.s32 @!p0 $0x100000, s1;
	[bflag:$0x2] =	sbarrier.arrive $0xFFFF  }
0x4c7: {  	[sflag:s0] =	ssyncadd.tile.s32 @!p0 $0x1;
	_ =	shalt  }
.Lfunc_end2:
_tile_overlayer_lowered:
.L_overlay_start_2:
0x4c8: {  	(tag) =	ssettag $0x2  }
0x4c9: {  	s0 =	rddreg [dreg:$0x0];
	s2 =	stileid.u32  }
0x4ca: {  	s1 =	rddreg [dreg:$0x1];
	p0 =	sne.s32 s2, $0x0  }
0x4cb: {  	s3 =	rddreg [dreg:$0x2];
	[bflag:$0x3] =	sbarrier.arrive $0xFFFF;
	s2 =	simm.s32 @!p0 $0x1C03  }
0x4cc: {  	[timem:s3], [sflag:s2] =	dma.local @!p0 [hbm:s0], s1  }
0x4cd: {  	s0 =	simm.s32 @!p0 $0x3  }
0x4ce: {  	_ =	swait.ge @!p0 [sflag:s0], s1  }
0x4cf: {  	s1 =	ssub.s32 @!p0 $0x0, s1;
	[sflag:s0] =	ssyncset.done @!p0 $0x0  }
0x4d0: {  	[sflag:s0] =	ssyncadd.s32 @!p0 s1  }
0x4d1: {  	[bflag:$0x3] =	sbarrier.arrive $0xFFFF  }
0x4d2: {  	_ =	shalt  }

</sc_bundles>
